<compile_context>
chip_gen: v7x
topology: tpu7x:2x2x1
jax: 0.10.2.dev20260603
libtpu: 0.0.44.dev20260713+nightly
codegen_flags: <defaults>
</compile_context>

<pallas_src>
import functools

import jax
import jax.numpy as jnp
from jax import lax
from jax.experimental import pallas as pl
from jax.experimental.pallas import tpu as pltpu
from jax.experimental.pallas import tpu_sc as plsc

BATCH = 16384
EMBED = 32

_info = plsc.get_sparse_core_info()
_NC, _NS = _info.num_cores, _info.num_subcores
_NW = _NC * _NS
_BPW = BATCH // _NW
_FK = 32


def _sc_gather(user, item, t_mlp_u, t_mlp_i, t_gmf_u, t_gmf_i):
    out_sd = jax.ShapeDtypeStruct((BATCH, 4 * EMBED), jnp.float32)
    mesh = plsc.VectorSubcoreMesh(core_axis_name="c", subcore_axis_name="s")

    @functools.partial(
        pl.kernel,
        mesh=mesh,
        out_type=out_sd,
        scratch_types=[
            pltpu.VMEM((_BPW,), jnp.int32),
            pltpu.VMEM((_BPW,), jnp.int32),
            pltpu.VMEM((_BPW, 4 * EMBED), jnp.float32),
            pltpu.SemaphoreType.DMA,
        ],
    )
    def k(u_hbm, i_hbm, tmu, tmi, tgu, tgi, o_hbm, uidx, iidx, buf, sem):
        wid = lax.axis_index("s") * _NC + lax.axis_index("c")
        base = wid * _BPW
        pltpu.sync_copy(u_hbm.at[pl.ds(base, _BPW)], uidx)
        pltpu.sync_copy(i_hbm.at[pl.ds(base, _BPW)], iidx)

        def chunk(c, carry):
            b0 = c * _FK
            for v in range(_FK // 16):
                uvec = uidx[pl.ds(b0 + v * 16, 16)]
                ivec = iidx[pl.ds(b0 + v * 16, 16)]
                for j in range(16):
                    i = b0 + v * 16 + j
                    ru = uvec[j]
                    ri = ivec[j]
                    pltpu.async_copy(tmu.at[ru], buf.at[i, pl.ds(0, EMBED)], sem)
                    pltpu.async_copy(tmi.at[ri], buf.at[i, pl.ds(EMBED, EMBED)], sem)
                    pltpu.async_copy(tgu.at[ru], buf.at[i, pl.ds(2 * EMBED, EMBED)], sem)
                    pltpu.async_copy(tgi.at[ri], buf.at[i, pl.ds(3 * EMBED, EMBED)], sem)
            for j in range(_FK):
                i = b0 + j
                pltpu.make_async_copy(tmu.at[0], buf.at[i], sem).wait()
            return carry

        lax.fori_loop(0, _BPW // _FK, chunk, 0)
        pltpu.sync_copy(buf, o_hbm.at[pl.ds(base, _BPW)])

    return k(user, item, t_mlp_u, t_mlp_i, t_gmf_u, t_gmf_i)


_BM = 4096


def _tc_body(x, w1, b1, w2, b2, w3, b3, w4, b4, wog, wom, bo, out):
    xb = x[...]
    h = jnp.maximum(
        jnp.dot(xb[:, : 2 * EMBED], w1[...],
                preferred_element_type=jnp.float32) + b1[...], 0.0)
    h = jnp.maximum(
        jnp.dot(h, w2[...], preferred_element_type=jnp.float32) + b2[...], 0.0)
    h = jnp.maximum(
        jnp.dot(h, w3[...], preferred_element_type=jnp.float32) + b3[...], 0.0)
    mlp = jnp.dot(h, w4[...], preferred_element_type=jnp.float32) + b4[...]
    gmf = jnp.dot(xb[:, 2 * EMBED: 3 * EMBED] * xb[:, 3 * EMBED:], wog[...],
                  preferred_element_type=jnp.float32)
    out[...] = mlp * wom[...] + gmf + bo[...]


def _tc_mlp(x, w1, b1, w2, b2, w3, b3, w4, b4, wog, wom, bo):
    grid = (BATCH // _BM,)
    row = lambda i: (i, 0)
    rep = lambda i: (0, 0)

    def full(a):
        return pl.BlockSpec(a.shape, rep)

    return pl.pallas_call(
        _tc_body,
        grid=grid,
        in_specs=[
            pl.BlockSpec((_BM, 4 * EMBED), row),
            full(w1), full(b1), full(w2), full(b2),
            full(w3), full(b3), full(w4), full(b4),
            full(wog), full(wom), full(bo),
        ],
        out_specs=pl.BlockSpec((_BM, 1), row),
        out_shape=jax.ShapeDtypeStruct((BATCH, 1), jnp.float32),
    )(x, w1, b1, w2, b2, w3, b3, w4, b4, wog, wom, bo)


def kernel(user, item, user_embed_gmf, item_embed_gmf, user_embed_mlp,
           item_embed_mlp, W1, b1, W2, b2, W3, b3, W4, b4, Wo, bo):
    packed = _sc_gather(
        user.astype(jnp.int32), item.astype(jnp.int32),
        user_embed_mlp, item_embed_mlp, user_embed_gmf, item_embed_gmf)
    return _tc_mlp(
        packed,
        W1, b1.reshape(1, -1),
        W2, b2.reshape(1, -1), W3, b3.reshape(1, -1),
        W4, b4.reshape(1, 1),
        Wo[:EMBED], Wo[EMBED:], bo.reshape(1, 1))

# --- scband reference (transcript-rebuilt; emitter-appended) ---
"""Pipeline reference for scband-ncf-71777493451379 (READ-ONLY COPY).

The authoritative reference and input builder live on the scoring server;
editing this copy changes nothing except your own understanding.
"""

import jax, jax.numpy as jnp
import numpy as np

NUM_USERS = 1000000
NUM_ITEMS = 1000000
EMBED_DIM = 32
BATCH = 16384


def setup_inputs(seed: int = 0) -> dict:
    key = jax.random.key(seed)
    ks = jax.random.split(key, 16)
    user = jax.random.randint(ks[0], (BATCH,), 0, NUM_USERS, dtype=jnp.int64 if jax.config.jax_enable_x64 else jnp.int32)
    item = jax.random.randint(ks[1], (BATCH,), 0, NUM_ITEMS, dtype=jnp.int64 if jax.config.jax_enable_x64 else jnp.int32)
    user_embed_gmf = jax.random.normal(ks[2], (NUM_USERS, EMBED_DIM), dtype=jnp.float32) * 0.02
    item_embed_gmf = jax.random.normal(ks[3], (NUM_ITEMS, EMBED_DIM), dtype=jnp.float32) * 0.02
    user_embed_mlp = jax.random.normal(ks[4], (NUM_USERS, EMBED_DIM), dtype=jnp.float32) * 0.02
    item_embed_mlp = jax.random.normal(ks[5], (NUM_ITEMS, EMBED_DIM), dtype=jnp.float32) * 0.02
    W1 = jax.random.normal(ks[6], (EMBED_DIM * 2, 128), dtype=jnp.float32) * (1.0 / np.sqrt(EMBED_DIM * 2))
    b1 = jnp.zeros((128,), dtype=jnp.float32)
    W2 = jax.random.normal(ks[7], (128, 64), dtype=jnp.float32) * (1.0 / np.sqrt(128))
    b2 = jnp.zeros((64,), dtype=jnp.float32)
    W3 = jax.random.normal(ks[8], (64, 32), dtype=jnp.float32) * (1.0 / np.sqrt(64))
    b3 = jnp.zeros((32,), dtype=jnp.float32)
    W4 = jax.random.normal(ks[9], (32, 1), dtype=jnp.float32) * (1.0 / np.sqrt(32))
    b4 = jnp.zeros((1,), dtype=jnp.float32)
    Wo = jax.random.normal(ks[10], (EMBED_DIM + 1, 1), dtype=jnp.float32) * (1.0 / np.sqrt(EMBED_DIM + 1))
    bo = jnp.zeros((1,), dtype=jnp.float32)
    return {
        "user": user, "item": item,
        "user_embed_gmf": user_embed_gmf, "item_embed_gmf": item_embed_gmf,
        "user_embed_mlp": user_embed_mlp, "item_embed_mlp": item_embed_mlp,
        "W1": W1, "b1": b1, "W2": W2, "b2": b2, "W3": W3, "b3": b3, "W4": W4, "b4": b4,
        "Wo": Wo, "bo": bo,
    }


def reference(user, item, user_embed_gmf, item_embed_gmf, user_embed_mlp, item_embed_mlp,
              W1, b1, W2, b2, W3, b3, W4, b4, Wo, bo):
    # GMF branch: embedding gather + elementwise product
    gmf_user = jnp.take(user_embed_gmf, user, axis=0)
    gmf_item = jnp.take(item_embed_gmf, item, axis=0)
    gmf_out = gmf_user * gmf_item
    # MLP branch: embedding gather + concat + MLP (dropout is inference no-op)
    mlp_user = jnp.take(user_embed_mlp, user, axis=0)
    mlp_item = jnp.take(item_embed_mlp, item, axis=0)
    mlp_input = jnp.concatenate([mlp_user, mlp_item], axis=-1)
    h = jax.nn.relu(mlp_input @ W1 + b1)
    h = jax.nn.relu(h @ W2 + b2)
    h = jax.nn.relu(h @ W3 + b3)
    mlp_out = h @ W4 + b4
    # Fusion head (output_layer on concat of GMF and MLP outputs)
    fused = jnp.concatenate([gmf_out, mlp_out], axis=-1)
    out = fused @ Wo + bo
    return out

if __name__ == "__main__":
    import jax
    _d = setup_inputs()
    print(jax.jit(kernel)(*tuple(_d.values())))

</pallas_src>

<mosaic_0001>
#map = affine_map<(d0, d1) -> (0)>
#map1 = affine_map<(d0, d1) -> (0, 0)>
module attributes {stable_mosaic.version = 14 : i64} {
  func.func @k(%arg0: i32, %arg1: i32, %arg2: memref<16384xi32, #tpu.memory_space<hbm>>, %arg3: memref<16384xi32, #tpu.memory_space<hbm>>, %arg4: memref<1000000x32xf32, #tpu.memory_space<hbm>>, %arg5: memref<1000000x32xf32, #tpu.memory_space<hbm>>, %arg6: memref<1000000x32xf32, #tpu.memory_space<hbm>>, %arg7: memref<1000000x32xf32, #tpu.memory_space<hbm>>, %arg8: memref<16384x128xf32, #tpu.memory_space<hbm>>, %arg9: memref<512xi32, #tpu.memory_space<vmem>>, %arg10: memref<512xi32, #tpu.memory_space<vmem>>, %arg11: memref<512x128xf32, #tpu.memory_space<vmem>>, %arg12: memref<!tpu.dma_semaphore, #tpu.memory_space<semaphore_mem>>) attributes {dimension_semantics = [#tpu.dimension_semantics<core_parallel>, #tpu.dimension_semantics<subcore_parallel>], iteration_bounds = array<i64: 2, 16>, scalar_prefetch = 0 : i64, scratch_operands = 4 : i64, tpu.core_type = #tpu.core_type<sc_vector_subcore>, window_params = [{transform_indices = #map}, {transform_indices = #map}, {transform_indices = #map1}, {transform_indices = #map1}, {transform_indices = #map1}, {transform_indices = #map1}, {transform_indices = #map1}]} {
    %mul3A = arith.constant 2 : i32
    %mul3A_0 = arith.muli %arg1, %mul3A : i32
    %add3A = arith.addi %mul3A_0, %arg0 : i32
    %mul3A_1 = arith.constant 512 : i32
    %mul3A_2 = arith.muli %add3A, %mul3A_1 : i32
    "tpu.region"() ({
      %run_scoped3A = tpu.sem_alloc : memref<!tpu.dma_semaphore, #tpu.memory_space<semaphore_mem>>
      %dma_start3A = tpu.memref_slice %arg2[%mul3A_2] : memref<16384xi32, #tpu.memory_space<hbm>> -> memref<512xi32, #tpu.memory_space<hbm>>
      %dma_start3A_8 = tpu.memref_slice %arg2[%mul3A_2] : memref<16384xi32, #tpu.memory_space<hbm>> -> memref<512xi32, #tpu.memory_space<hbm>>
      tpu.enqueue_dma source(%dma_start3A_8 : memref<512xi32, #tpu.memory_space<hbm>>) target(%arg9 : memref<512xi32, #tpu.memory_space<vmem>>) target_semaphore(%run_scoped3A : memref<!tpu.dma_semaphore, #tpu.memory_space<semaphore_mem>>)
      %dma_wait3A = tpu.memref_slice %arg2[%mul3A_2] : memref<16384xi32, #tpu.memory_space<hbm>> -> memref<512xi32, #tpu.memory_space<hbm>>
      %dma_wait3A_9 = tpu.memref_slice %arg2[%mul3A_2] : memref<16384xi32, #tpu.memory_space<hbm>> -> memref<512xi32, #tpu.memory_space<hbm>>
      tpu.wait_dma2 semaphore(%run_scoped3A : memref<!tpu.dma_semaphore, #tpu.memory_space<semaphore_mem>>) src(%dma_wait3A_9 : memref<512xi32, #tpu.memory_space<hbm>>) dst(%arg9 : memref<512xi32, #tpu.memory_space<vmem>>)
      tpu.yield
    }) : () -> ()
    "tpu.region"() ({
      %run_scoped3A = tpu.sem_alloc : memref<!tpu.dma_semaphore, #tpu.memory_space<semaphore_mem>>
      %dma_start3A = tpu.memref_slice %arg3[%mul3A_2] : memref<16384xi32, #tpu.memory_space<hbm>> -> memref<512xi32, #tpu.memory_space<hbm>>
      %dma_start3A_8 = tpu.memref_slice %arg3[%mul3A_2] : memref<16384xi32, #tpu.memory_space<hbm>> -> memref<512xi32, #tpu.memory_space<hbm>>
      tpu.enqueue_dma source(%dma_start3A_8 : memref<512xi32, #tpu.memory_space<hbm>>) target(%arg10 : memref<512xi32, #tpu.memory_space<vmem>>) target_semaphore(%run_scoped3A : memref<!tpu.dma_semaphore, #tpu.memory_space<semaphore_mem>>)
      %dma_wait3A = tpu.memref_slice %arg3[%mul3A_2] : memref<16384xi32, #tpu.memory_space<hbm>> -> memref<512xi32, #tpu.memory_space<hbm>>
      %dma_wait3A_9 = tpu.memref_slice %arg3[%mul3A_2] : memref<16384xi32, #tpu.memory_space<hbm>> -> memref<512xi32, #tpu.memory_space<hbm>>
      tpu.wait_dma2 semaphore(%run_scoped3A : memref<!tpu.dma_semaphore, #tpu.memory_space<semaphore_mem>>) src(%dma_wait3A_9 : memref<512xi32, #tpu.memory_space<hbm>>) dst(%arg10 : memref<512xi32, #tpu.memory_space<vmem>>)
      tpu.yield
    }) : () -> ()
    %scan3A = arith.constant 0 : i32
    %scan3A_3 = arith.constant 0 : i32
    %scan3A_4 = arith.constant 16 : i32
    %scan3A_5 = arith.addi %scan3A_3, %scan3A_4 : i32
    %scan3A_6 = arith.constant 1 : i32
    scf.for %scan3A_8 = %scan3A_3 to %scan3A_5 step %scan3A_6  : i32 {
      %mul3A_9 = arith.constant 32 : i32
      %mul3A_10 = arith.muli %scan3A_8, %mul3A_9 : i32
      %add3A_11 = arith.constant 0 : i32
      %add3A_12 = arith.addi %mul3A_10, %add3A_11 : i32
      %get3A = arith.index_cast %add3A_12 : i32 to index
      %get3A_13 = tpu.vector_load %arg9[%get3A] {strides = array<i32>} : memref<512xi32, #tpu.memory_space<vmem>>, vector<16xi32>,
      %get3A_14 = vector.shape_cast %get3A_13 : vector<16xi32> to vector<16xi32>
      %add3A_15 = arith.constant 0 : i32
      %add3A_16 = arith.addi %mul3A_10, %add3A_15 : i32
      %get3A_17 = arith.index_cast %add3A_16 : i32 to index
      %get3A_18 = tpu.vector_load %arg10[%get3A_17] {strides = array<i32>} : memref<512xi32, #tpu.memory_space<vmem>>, vector<16xi32>,
      %get3A_19 = vector.shape_cast %get3A_18 : vector<16xi32> to vector<16xi32>
      %add3A_20 = arith.constant 0 : i32
      %add3A_21 = arith.addi %mul3A_10, %add3A_20 : i32
      %add3A_22 = arith.constant 0 : i32
      %add3A_23 = arith.addi %add3A_21, %add3A_22 : i32
      %slice3A = vector.extract_strided_slice %get3A_14 {offsets = [0], sizes = [1], strides = [1]} : vector<16xi32> to vector<1xi32>
      %squeeze3A = vector.extract %slice3A[0] : i32 from vector<1xi32>
      %slice3A_24 = vector.extract_strided_slice %get3A_19 {offsets = [0], sizes = [1], strides = [1]} : vector<16xi32> to vector<1xi32>
      %squeeze3A_25 = vector.extract %slice3A_24[0] : i32 from vector<1xi32>
      %dma_start3A = arith.constant 0 : i32
      %dma_start3A_26 = tpu.memref_slice %arg11[%add3A_23, %dma_start3A] : memref<512x128xf32, #tpu.memory_space<vmem>> -> memref<1x32xf32, #tpu.memory_space<vmem>>
      %dma_start3A_27 = tpu.memref_squeeze %dma_start3A_26 : memref<1x32xf32, #tpu.memory_space<vmem>> -> memref<32xf32, #tpu.memory_space<vmem>>
      %dma_start3A_28 = arith.constant 0 : i32
      %dma_start3A_29 = tpu.memref_slice %arg4[%squeeze3A, %dma_start3A_28] : memref<1000000x32xf32, #tpu.memory_space<hbm>> -> memref<1x32xf32, #tpu.memory_space<hbm>>
      %dma_start3A_30 = tpu.memref_squeeze %dma_start3A_29 : memref<1x32xf32, #tpu.memory_space<hbm>> -> memref<32xf32, #tpu.memory_space<hbm>>
      %dma_start3A_31 = arith.constant 0 : i32
      %dma_start3A_32 = tpu.memref_slice %arg11[%add3A_23, %dma_start3A_31] : memref<512x128xf32, #tpu.memory_space<vmem>> -> memref<1x32xf32, #tpu.memory_space<vmem>>
      %dma_start3A_33 = tpu.memref_squeeze %dma_start3A_32 : memref<1x32xf32, #tpu.memory_space<vmem>> -> memref<32xf32, #tpu.memory_space<vmem>>
      %dma_start3A_34 = arith.constant 0 : i32
      %dma_start3A_35 = tpu.memref_slice %arg4[%squeeze3A, %dma_start3A_34] : memref<1000000x32xf32, #tpu.memory_space<hbm>> -> memref<1x32xf32, #tpu.memory_space<hbm>>
      %dma_start3A_36 = tpu.memref_squeeze %dma_start3A_35 : memref<1x32xf32, #tpu.memory_space<hbm>> -> memref<32xf32, #tpu.memory_space<hbm>>
      tpu.enqueue_dma source(%dma_start3A_36 : memref<32xf32, #tpu.memory_space<hbm>>) target(%dma_start3A_33 : memref<32xf32, #tpu.memory_space<vmem>>) target_semaphore(%arg12 : memref<!tpu.dma_semaphore, #tpu.memory_space<semaphore_mem>>)
      %dma_start3A_37 = arith.constant 32 : i32
      %dma_start3A_38 = tpu.memref_slice %arg11[%add3A_23, %dma_start3A_37] : memref<512x128xf32, #tpu.memory_space<vmem>> -> memref<1x32xf32, #tpu.memory_space<vmem>>
      %dma_start3A_39 = tpu.memref_squeeze %dma_start3A_38 : memref<1x32xf32, #tpu.memory_space<vmem>> -> memref<32xf32, #tpu.memory_space<vmem>>
      %dma_start3A_40 = arith.constant 0 : i32
      %dma_start3A_41 = tpu.memref_slice %arg5[%squeeze3A_25, %dma_start3A_40] : memref<1000000x32xf32, #tpu.memory_space<hbm>> -> memref<1x32xf32, #tpu.memory_space<hbm>>
      %dma_start3A_42 = tpu.memref_squeeze %dma_start3A_41 : memref<1x32xf32, #tpu.memory_space<hbm>> -> memref<32xf32, #tpu.memory_space<hbm>>
      %dma_start3A_43 = arith.constant 32 : i32
      %dma_start3A_44 = tpu.memref_slice %arg11[%add3A_23, %dma_start3A_43] : memref<512x128xf32, #tpu.memory_space<vmem>> -> memref<1x32xf32, #tpu.memory_space<vmem>>
      %dma_start3A_45 = tpu.memref_squeeze %dma_start3A_44 : memref<1x32xf32, #tpu.memory_space<vmem>> -> memref<32xf32, #tpu.memory_space<vmem>>
      %dma_start3A_46 = arith.constant 0 : i32
      %dma_start3A_47 = tpu.memref_slice %arg5[%squeeze3A_25, %dma_start3A_46] : memref<1000000x32xf32, #tpu.memory_space<hbm>> -> memref<1x32xf32, #tpu.memory_space<hbm>>
      %dma_start3A_48 = tpu.memref_squeeze %dma_start3A_47 : memref<1x32xf32, #tpu.memory_space<hbm>> -> memref<32xf32, #tpu.memory_space<hbm>>
      tpu.enqueue_dma source(%dma_start3A_48 : memref<32xf32, #tpu.memory_space<hbm>>) target(%dma_start3A_45 : memref<32xf32, #tpu.memory_space<vmem>>) target_semaphore(%arg12 : memref<!tpu.dma_semaphore, #tpu.memory_space<semaphore_mem>>)
      %dma_start3A_49 = arith.constant 64 : i32
      %dma_start3A_50 = tpu.memref_slice %arg11[%add3A_23, %dma_start3A_49] : memref<512x128xf32, #tpu.memory_space<vmem>> -> memref<1x32xf32, #tpu.memory_space<vmem>>
      %dma_start3A_51 = tpu.memref_squeeze %dma_start3A_50 : memref<1x32xf32, #tpu.memory_space<vmem>> -> memref<32xf32, #tpu.memory_space<vmem>>
      %dma_start3A_52 = arith.constant 0 : i32
      %dma_start3A_53 = tpu.memref_slice %arg6[%squeeze3A, %dma_start3A_52] : memref<1000000x32xf32, #tpu.memory_space<hbm>> -> memref<1x32xf32, #tpu.memory_space<hbm>>
      %dma_start3A_54 = tpu.memref_squeeze %dma_start3A_53 : memref<1x32xf32, #tpu.memory_space<hbm>> -> memref<32xf32, #tpu.memory_space<hbm>>
      %dma_start3A_55 = arith.constant 64 : i32
      %dma_start3A_56 = tpu.memref_slice %arg11[%add3A_23, %dma_start3A_55] : memref<512x128xf32, #tpu.memory_space<vmem>> -> memref<1x32xf32, #tpu.memory_space<vmem>>
      %dma_start3A_57 = tpu.memref_squeeze %dma_start3A_56 : memref<1x32xf32, #tpu.memory_space<vmem>> -> memref<32xf32, #tpu.memory_space<vmem>>
      %dma_start3A_58 = arith.constant 0 : i32
      %dma_start3A_59 = tpu.memref_slice %arg6[%squeeze3A, %dma_start3A_58] : memref<1000000x32xf32, #tpu.memory_space<hbm>> -> memref<1x32xf32, #tpu.memory_space<hbm>>
      %dma_start3A_60 = tpu.memref_squeeze %dma_start3A_59 : memref<1x32xf32, #tpu.memory_space<hbm>> -> memref<32xf32, #tpu.memory_space<hbm>>
      tpu.enqueue_dma source(%dma_start3A_60 : memref<32xf32, #tpu.memory_space<hbm>>) target(%dma_start3A_57 : memref<32xf32, #tpu.memory_space<vmem>>) target_semaphore(%arg12 : memref<!tpu.dma_semaphore, #tpu.memory_space<semaphore_mem>>)
      %dma_start3A_61 = arith.constant 96 : i32
      %dma_start3A_62 = tpu.memref_slice %arg11[%add3A_23, %dma_start3A_61] : memref<512x128xf32, #tpu.memory_space<vmem>> -> memref<1x32xf32, #tpu.memory_space<vmem>>
      %dma_start3A_63 = tpu.memref_squeeze %dma_start3A_62 : memref<1x32xf32, #tpu.memory_space<vmem>> -> memref<32xf32, #tpu.memory_space<vmem>>
      %dma_start3A_64 = arith.constant 0 : i32
      %dma_start3A_65 = tpu.memref_slice %arg7[%squeeze3A_25, %dma_start3A_64] : memref<1000000x32xf32, #tpu.memory_space<hbm>> -> memref<1x32xf32, #tpu.memory_space<hbm>>
      %dma_start3A_66 = tpu.memref_squeeze %dma_start3A_65 : memref<1x32xf32, #tpu.memory_space<hbm>> -> memref<32xf32, #tpu.memory_space<hbm>>
      %dma_start3A_67 = arith.constant 96 : i32
      %dma_start3A_68 = tpu.memref_slice %arg11[%add3A_23, %dma_start3A_67] : memref<512x128xf32, #tpu.memory_space<vmem>> -> memref<1x32xf32, #tpu.memory_space<vmem>>
      %dma_start3A_69 = tpu.memref_squeeze %dma_start3A_68 : memref<1x32xf32, #tpu.memory_space<vmem>> -> memref<32xf32, #tpu.memory_space<vmem>>
      %dma_start3A_70 = arith.constant 0 : i32
      %dma_start3A_71 = tpu.memref_slice %arg7[%squeeze3A_25, %dma_start3A_70] : memref<1000000x32xf32, #tpu.memory_space<hbm>> -> memref<1x32xf32, #tpu.memory_space<hbm>>
      %dma_start3A_72 = tpu.memref_squeeze %dma_start3A_71 : memref<1x32xf32, #tpu.memory_space<hbm>> -> memref<32xf32, #tpu.memory_space<hbm>>
      tpu.enqueue_dma source(%dma_start3A_72 : memref<32xf32, #tpu.memory_space<hbm>>) target(%dma_start3A_69 : memref<32xf32, #tpu.memory_space<vmem>>) target_semaphore(%arg12 : memref<!tpu.dma_semaphore, #tpu.memory_space<semaphore_mem>>)
      %add3A_73 = arith.constant 0 : i32
      %add3A_74 = arith.addi %mul3A_10, %add3A_73 : i32
      %add3A_75 = arith.constant 1 : i32
      %add3A_76 = arith.addi %add3A_74, %add3A_75 : i32
      %slice3A_77 = vector.extract_strided_slice %get3A_14 {offsets = [1], sizes = [1], strides = [1]} : vector<16xi32> to vector<1xi32>
      %squeeze3A_78 = vector.extract %slice3A_77[0] : i32 from vector<1xi32>
      %slice3A_79 = vector.extract_strided_slice %get3A_19 {offsets = [1], sizes = [1], strides = [1]} : vector<16xi32> to vector<1xi32>
      %squeeze3A_80 = vector.extract %slice3A_79[0] : i32 from vector<1xi32>
      %dma_start3A_81 = arith.constant 0 : i32
      %dma_start3A_82 = tpu.memref_slice %arg11[%add3A_76, %dma_start3A_81] : memref<512x128xf32, #tpu.memory_space<vmem>> -> memref<1x32xf32, #tpu.memory_space<vmem>>
      %dma_start3A_83 = tpu.memref_squeeze %dma_start3A_82 : memref<1x32xf32, #tpu.memory_space<vmem>> -> memref<32xf32, #tpu.memory_space<vmem>>
      %dma_start3A_84 = arith.constant 0 : i32
      %dma_start3A_85 = tpu.memref_slice %arg4[%squeeze3A_78, %dma_start3A_84] : memref<1000000x32xf32, #tpu.memory_space<hbm>> -> memref<1x32xf32, #tpu.memory_space<hbm>>
      %dma_start3A_86 = tpu.memref_squeeze %dma_start3A_85 : memref<1x32xf32, #tpu.memory_space<hbm>> -> memref<32xf32, #tpu.memory_space<hbm>>
      %dma_start3A_87 = arith.constant 0 : i32
      %dma_start3A_88 = tpu.memref_slice %arg11[%add3A_76, %dma_start3A_87] : memref<512x128xf32, #tpu.memory_space<vmem>> -> memref<1x32xf32, #tpu.memory_space<vmem>>
      %dma_start3A_89 = tpu.memref_squeeze %dma_start3A_88 : memref<1x32xf32, #tpu.memory_space<vmem>> -> memref<32xf32, #tpu.memory_space<vmem>>
      %dma_start3A_90 = arith.constant 0 : i32
      %dma_start3A_91 = tpu.memref_slice %arg4[%squeeze3A_78, %dma_start3A_90] : memref<1000000x32xf32, #tpu.memory_space<hbm>> -> memref<1x32xf32, #tpu.memory_space<hbm>>
      %dma_start3A_92 = tpu.memref_squeeze %dma_start3A_91 : memref<1x32xf32, #tpu.memory_space<hbm>> -> memref<32xf32, #tpu.memory_space<hbm>>
      tpu.enqueue_dma source(%dma_start3A_92 : memref<32xf32, #tpu.memory_space<hbm>>) target(%dma_start3A_89 : memref<32xf32, #tpu.memory_space<vmem>>) target_semaphore(%arg12 : memref<!tpu.dma_semaphore, #tpu.memory_space<semaphore_mem>>)
      %dma_start3A_93 = arith.constant 32 : i32
      %dma_start3A_94 = tpu.memref_slice %arg11[%add3A_76, %dma_start3A_93] : memref<512x128xf32, #tpu.memory_space<vmem>> -> memref<1x32xf32, #tpu.memory_space<vmem>>
      %dma_start3A_95 = tpu.memref_squeeze %dma_start3A_94 : memref<1x32xf32, #tpu.memory_space<vmem>> -> memref<32xf32, #tpu.memory_space<vmem>>
      %dma_start3A_96 = arith.constant 0 : i32
      %dma_start3A_97 = tpu.memref_slice %arg5[%squeeze3A_80, %dma_start3A_96] : memref<1000000x32xf32, #tpu.memory_space<hbm>> -> memref<1x32xf32, #tpu.memory_space<hbm>>
      %dma_start3A_98 = tpu.memref_squeeze %dma_start3A_97 : memref<1x32xf32, #tpu.memory_space<hbm>> -> memref<32xf32, #tpu.memory_space<hbm>>
      %dma_start3A_99 = arith.constant 32 : i32
      %dma_start3A_100 = tpu.memref_slice %arg11[%add3A_76, %dma_start3A_99] : memref<512x128xf32, #tpu.memory_space<vmem>> -> memref<1x32xf32, #tpu.memory_space<vmem>>
      %dma_start3A_101 = tpu.memref_squeeze %dma_start3A_100 : memref<1x32xf32, #tpu.memory_space<vmem>> -> memref<32xf32, #tpu.memory_space<vmem>>
      %dma_start3A_102 = arith.constant 0 : i32
      %dma_start3A_103 = tpu.memref_slice %arg5[%squeeze3A_80, %dma_start3A_102] : memref<1000000x32xf32, #tpu.memory_space<hbm>> -> memref<1x32xf32, #tpu.memory_space<hbm>>
      %dma_start3A_104 = tpu.memref_squeeze %dma_start3A_103 : memref<1x32xf32, #tpu.memory_space<hbm>> -> memref<32xf32, #tpu.memory_space<hbm>>
      tpu.enqueue_dma source(%dma_start3A_104 : memref<32xf32, #tpu.memory_space<hbm>>) target(%dma_start3A_101 : memref<32xf32, #tpu.memory_space<vmem>>) target_semaphore(%arg12 : memref<!tpu.dma_semaphore, #tpu.memory_space<semaphore_mem>>)
      %dma_start3A_105 = arith.constant 64 : i32
      %dma_start3A_106 = tpu.memref_slice %arg11[%add3A_76, %dma_start3A_105] : memref<512x128xf32, #tpu.memory_space<vmem>> -> memref<1x32xf32, #tpu.memory_space<vmem>>
      %dma_start3A_107 = tpu.memref_squeeze %dma_start3A_106 : memref<1x32xf32, #tpu.memory_space<vmem>> -> memref<32xf32, #tpu.memory_space<vmem>>
      %dma_start3A_108 = arith.constant 0 : i32
      %dma_start3A_109 = tpu.memref_slice %arg6[%squeeze3A_78, %dma_start3A_108] : memref<1000000x32xf32, #tpu.memory_space<hbm>> -> memref<1x32xf32, #tpu.memory_space<hbm>>
      %dma_start3A_110 = tpu.memref_squeeze %dma_start3A_109 : memref<1x32xf32, #tpu.memory_space<hbm>> -> memref<32xf32, #tpu.memory_space<hbm>>
      %dma_start3A_111 = arith.constant 64 : i32
      %dma_start3A_112 = tpu.memref_slice %arg11[%add3A_76, %dma_start3A_111] : memref<512x128xf32, #tpu.memory_space<vmem>> -> memref<1x32xf32, #tpu.memory_space<vmem>>
      %dma_start3A_113 = tpu.memref_squeeze %dma_start3A_112 : memref<1x32xf32, #tpu.memory_space<vmem>> -> memref<32xf32, #tpu.memory_space<vmem>>
      %dma_start3A_114 = arith.constant 0 : i32
      %dma_start3A_115 = tpu.memref_slice %arg6[%squeeze3A_78, %dma_start3A_114] : memref<1000000x32xf32, #tpu.memory_space<hbm>> -> memref<1x32xf32, #tpu.memory_space<hbm>>
      %dma_start3A_116 = tpu.memref_squeeze %dma_start3A_115 : memref<1x32xf32, #tpu.memory_space<hbm>> -> memref<32xf32, #tpu.memory_space<hbm>>
      tpu.enqueue_dma source(%dma_start3A_116 : memref<32xf32, #tpu.memory_space<hbm>>) target(%dma_start3A_113 : memref<32xf32, #tpu.memory_space<vmem>>) target_semaphore(%arg12 : memref<!tpu.dma_semaphore, #tpu.memory_space<semaphore_mem>>)
      %dma_start3A_117 = arith.constant 96 : i32
      %dma_start3A_118 = tpu.memref_slice %arg11[%add3A_76, %dma_start3A_117] : memref<512x128xf32, #tpu.memory_space<vmem>> -> memref<1x32xf32, #tpu.memory_space<vmem>>
      %dma_start3A_119 = tpu.memref_squeeze %dma_start3A_118 : memref<1x32xf32, #tpu.memory_space<vmem>> -> memref<32xf32, #tpu.memory_space<vmem>>
      %dma_start3A_120 = arith.constant 0 : i32
      %dma_start3A_121 = tpu.memref_slice %arg7[%squeeze3A_80, %dma_start3A_120] : memref<1000000x32xf32, #tpu.memory_space<hbm>> -> memref<1x32xf32, #tpu.memory_space<hbm>>
      %dma_start3A_122 = tpu.memref_squeeze %dma_start3A_121 : memref<1x32xf32, #tpu.memory_space<hbm>> -> memref<32xf32, #tpu.memory_space<hbm>>
      %dma_start3A_123 = arith.constant 96 : i32
      %dma_start3A_124 = tpu.memref_slice %arg11[%add3A_76, %dma_start3A_123] : memref<512x128xf32, #tpu.memory_space<vmem>> -> memref<1x32xf32, #tpu.memory_space<vmem>>
      %dma_start3A_125 = tpu.memref_squeeze %dma_start3A_124 : memref<1x32xf32, #tpu.memory_space<vmem>> -> memref<32xf32, #tpu.memory_space<vmem>>
      %dma_start3A_126 = arith.constant 0 : i32
      %dma_start3A_127 = tpu.memref_slice %arg7[%squeeze3A_80, %dma_start3A_126] : memref<1000000x32xf32, #tpu.memory_space<hbm>> -> memref<1x32xf32, #tpu.memory_space<hbm>>
      %dma_start3A_128 = tpu.memref_squeeze %dma_start3A_127 : memref<1x32xf32, #tpu.memory_space<hbm>> -> memref<32xf32, #tpu.memory_space<hbm>>
      tpu.enqueue_dma source(%dma_start3A_128 : memref<32xf32, #tpu.memory_space<hbm>>) target(%dma_start3A_125 : memref<32xf32, #tpu.memory_space<vmem>>) target_semaphore(%arg12 : memref<!tpu.dma_semaphore, #tpu.memory_space<semaphore_mem>>)
      %add3A_129 = arith.constant 0 : i32
      %add3A_130 = arith.addi %mul3A_10, %add3A_129 : i32
      %add3A_131 = arith.constant 2 : i32
      %add3A_132 = arith.addi %add3A_130, %add3A_131 : i32
      %slice3A_133 = vector.extract_strided_slice %get3A_14 {offsets = [2], sizes = [1], strides = [1]} : vector<16xi32> to vector<1xi32>
      %squeeze3A_134 = vector.extract %slice3A_133[0] : i32 from vector<1xi32>
      %slice3A_135 = vector.extract_strided_slice %get3A_19 {offsets = [2], sizes = [1], strides = [1]} : vector<16xi32> to vector<1xi32>
      %squeeze3A_136 = vector.extract %slice3A_135[0] : i32 from vector<1xi32>
      %dma_start3A_137 = arith.constant 0 : i32
      %dma_start3A_138 = tpu.memref_slice %arg11[%add3A_132, %dma_start3A_137] : memref<512x128xf32, #tpu.memory_space<vmem>> -> memref<1x32xf32, #tpu.memory_space<vmem>>
      %dma_start3A_139 = tpu.memref_squeeze %dma_start3A_138 : memref<1x32xf32, #tpu.memory_space<vmem>> -> memref<32xf32, #tpu.memory_space<vmem>>
      %dma_start3A_140 = arith.constant 0 : i32
      %dma_start3A_141 = tpu.memref_slice %arg4[%squeeze3A_134, %dma_start3A_140] : memref<1000000x32xf32, #tpu.memory_space<hbm>> -> memref<1x32xf32, #tpu.memory_space<hbm>>
      %dma_start3A_142 = tpu.memref_squeeze %dma_start3A_141 : memref<1x32xf32, #tpu.memory_space<hbm>> -> memref<32xf32, #tpu.memory_space<hbm>>
      %dma_start3A_143 = arith.constant 0 : i32
      %dma_start3A_144 = tpu.memref_slice %arg11[%add3A_132, %dma_start3A_143] : memref<512x128xf32, #tpu.memory_space<vmem>> -> memref<1x32xf32, #tpu.memory_space<vmem>>
      %dma_start3A_145 = tpu.memref_squeeze %dma_start3A_144 : memref<1x32xf32, #tpu.memory_space<vmem>> -> memref<32xf32, #tpu.memory_space<vmem>>
      %dma_start3A_146 = arith.constant 0 : i32
      %dma_start3A_147 = tpu.memref_slice %arg4[%squeeze3A_134, %dma_start3A_146] : memref<1000000x32xf32, #tpu.memory_space<hbm>> -> memref<1x32xf32, #tpu.memory_space<hbm>>
      %dma_start3A_148 = tpu.memref_squeeze %dma_start3A_147 : memref<1x32xf32, #tpu.memory_space<hbm>> -> memref<32xf32, #tpu.memory_space<hbm>>
      tpu.enqueue_dma source(%dma_start3A_148 : memref<32xf32, #tpu.memory_space<hbm>>) target(%dma_start3A_145 : memref<32xf32, #tpu.memory_space<vmem>>) target_semaphore(%arg12 : memref<!tpu.dma_semaphore, #tpu.memory_space<semaphore_mem>>)
      %dma_start3A_149 = arith.constant 32 : i32
      %dma_start3A_150 = tpu.memref_slice %arg11[%add3A_132, %dma_start3A_149] : memref<512x128xf32, #tpu.memory_space<vmem>> -> memref<1x32xf32, #tpu.memory_space<vmem>>
      %dma_start3A_151 = tpu.memref_squeeze %dma_start3A_150 : memref<1x32xf32, #tpu.memory_space<vmem>> -> memref<32xf32, #tpu.memory_space<vmem>>
      %dma_start3A_152 = arith.constant 0 : i32
      %dma_start3A_153 = tpu.memref_slice %arg5[%squeeze3A_136, %dma_start3A_152] : memref<1000000x32xf32, #tpu.memory_space<hbm>> -> memref<1x32xf32, #tpu.memory_space<hbm>>
      %dma_start3A_154 = tpu.memref_squeeze %dma_start3A_153 : memref<1x32xf32, #tpu.memory_space<hbm>> -> memref<32xf32, #tpu.memory_space<hbm>>
      %dma_start3A_155 = arith.constant 32 : i32
      %dma_start3A_156 = tpu.memref_slice %arg11[%add3A_132, %dma_start3A_155] : memref<512x128xf32, #tpu.memory_space<vmem>> -> memref<1x32xf32, #tpu.memory_space<vmem>>
      %dma_start3A_157 = tpu.memref_squeeze %dma_start3A_156 : memref<1x32xf32, #tpu.memory_space<vmem>> -> memref<32xf32, #tpu.memory_space<vmem>>
      %dma_start3A_158 = arith.constant 0 : i32
      %dma_start3A_159 = tpu.memref_slice %arg5[%squeeze3A_136, %dma_start3A_158] : memref<1000000x32xf32, #tpu.memory_space<hbm>> -> memref<1x32xf32, #tpu.memory_space<hbm>>
      %dma_start3A_160 = tpu.memref_squeeze %dma_start3A_159 : memref<1x32xf32, #tpu.memory_space<hbm>> -> memref<32xf32, #tpu.memory_space<hbm>>
      tpu.enqueue_dma source(%dma_start3A_160 : memref<32xf32, #tpu.memory_space<hbm>>) target(%dma_start3A_157 : memref<32xf32, #tpu.memory_space<vmem>>) target_semaphore(%arg12 : memref<!tpu.dma_semaphore, #tpu.memory_space<semaphore_mem>>)
      %dma_start3A_161 = arith.constant 64 : i32
      %dma_start3A_162 = tpu.memref_slice %arg11[%add3A_132, %dma_start3A_161] : memref<512x128xf32, #tpu.memory_space<vmem>> -> memref<1x32xf32, #tpu.memory_space<vmem>>
      %dma_start3A_163 = tpu.memref_squeeze %dma_start3A_162 : memref<1x32xf32, #tpu.memory_space<vmem>> -> memref<32xf32, #tpu.memory_space<vmem>>
      %dma_start3A_164 = arith.constant 0 : i32
      %dma_start3A_165 = tpu.memref_slice %arg6[%squeeze3A_134, %dma_start3A_164] : memref<1000000x32xf32, #tpu.memory_space<hbm>> -> memref<1x32xf32, #tpu.memory_space<hbm>>
      %dma_start3A_166 = tpu.memref_squeeze %dma_start3A_165 : memref<1x32xf32, #tpu.memory_space<hbm>> -> memref<32xf32, #tpu.memory_space<hbm>>
      %dma_start3A_167 = arith.constant 64 : i32
      %dma_start3A_168 = tpu.memref_slice %arg11[%add3A_132, %dma_start3A_167] : memref<512x128xf32, #tpu.memory_space<vmem>> -> memref<1x32xf32, #tpu.memory_space<vmem>>
      %dma_start3A_169 = tpu.memref_squeeze %dma_start3A_168 : memref<1x32xf32, #tpu.memory_space<vmem>> -> memref<32xf32, #tpu.memory_space<vmem>>
      %dma_start3A_170 = arith.constant 0 : i32
      %dma_start3A_171 = tpu.memref_slice %arg6[%squeeze3A_134, %dma_start3A_170] : memref<1000000x32xf32, #tpu.memory_space<hbm>> -> memref<1x32xf32, #tpu.memory_space<hbm>>
      %dma_start3A_172 = tpu.memref_squeeze %dma_start3A_171 : memref<1x32xf32, #tpu.memory_space<hbm>> -> memref<32xf32, #tpu.memory_space<hbm>>
      tpu.enqueue_dma source(%dma_start3A_172 : memref<32xf32, #tpu.memory_space<hbm>>) target(%dma_start3A_169 : memref<32xf32, #tpu.memory_space<vmem>>) target_semaphore(%arg12 : memref<!tpu.dma_semaphore, #tpu.memory_space<semaphore_mem>>)
      %dma_start3A_173 = arith.constant 96 : i32
      %dma_start3A_174 = tpu.memref_slice %arg11[%add3A_132, %dma_start3A_173] : memref<512x128xf32, #tpu.memory_space<vmem>> -> memref<1x32xf32, #tpu.memory_space<vmem>>
      %dma_start3A_175 = tpu.memref_squeeze %dma_start3A_174 : memref<1x32xf32, #tpu.memory_space<vmem>> -> memref<32xf32, #tpu.memory_space<vmem>>
      %dma_start3A_176 = arith.constant 0 : i32
      %dma_start3A_177 = tpu.memref_slice %arg7[%squeeze3A_136, %dma_start3A_176] : memref<1000000x32xf32, #tpu.memory_space<hbm>> -> memref<1x32xf32, #tpu.memory_space<hbm>>
      %dma_start3A_178 = tpu.memref_squeeze %dma_start3A_177 : memref<1x32xf32, #tpu.memory_space<hbm>> -> memref<32xf32, #tpu.memory_space<hbm>>
      %dma_start3A_179 = arith.constant 96 : i32
      %dma_start3A_180 = tpu.memref_slice %arg11[%add3A_132, %dma_start3A_179] : memref<512x128xf32, #tpu.memory_space<vmem>> -> memref<1x32xf32, #tpu.memory_space<vmem>>
      %dma_start3A_181 = tpu.memref_squeeze %dma_start3A_180 : memref<1x32xf32, #tpu.memory_space<vmem>> -> memref<32xf32, #tpu.memory_space<vmem>>
      %dma_start3A_182 = arith.constant 0 : i32
      %dma_start3A_183 = tpu.memref_slice %arg7[%squeeze3A_136, %dma_start3A_182] : memref<1000000x32xf32, #tpu.memory_space<hbm>> -> memref<1x32xf32, #tpu.memory_space<hbm>>
      %dma_start3A_184 = tpu.memref_squeeze %dma_start3A_183 : memref<1x32xf32, #tpu.memory_space<hbm>> -> memref<32xf32, #tpu.memory_space<hbm>>
      tpu.enqueue_dma source(%dma_start3A_184 : memref<32xf32, #tpu.memory_space<hbm>>) target(%dma_start3A_181 : memref<32xf32, #tpu.memory_space<vmem>>) target_semaphore(%arg12 : memref<!tpu.dma_semaphore, #tpu.memory_space<semaphore_mem>>)
      %add3A_185 = arith.constant 0 : i32
      %add3A_186 = arith.addi %mul3A_10, %add3A_185 : i32
      %add3A_187 = arith.constant 3 : i32
      %add3A_188 = arith.addi %add3A_186, %add3A_187 : i32
      %slice3A_189 = vector.extract_strided_slice %get3A_14 {offsets = [3], sizes = [1], strides = [1]} : vector<16xi32> to vector<1xi32>
      %squeeze3A_190 = vector.extract %slice3A_189[0] : i32 from vector<1xi32>
      %slice3A_191 = vector.extract_strided_slice %get3A_19 {offsets = [3], sizes = [1], strides = [1]} : vector<16xi32> to vector<1xi32>
      %squeeze3A_192 = vector.extract %slice3A_191[0] : i32 from vector<1xi32>
      %dma_start3A_193 = arith.constant 0 : i32
      %dma_start3A_194 = tpu.memref_slice %arg11[%add3A_188, %dma_start3A_193] : memref<512x128xf32, #tpu.memory_space<vmem>> -> memref<1x32xf32, #tpu.memory_space<vmem>>
      %dma_start3A_195 = tpu.memref_squeeze %dma_start3A_194 : memref<1x32xf32, #tpu.memory_space<vmem>> -> memref<32xf32, #tpu.memory_space<vmem>>
      %dma_start3A_196 = arith.constant 0 : i32
      %dma_start3A_197 = tpu.memref_slice %arg4[%squeeze3A_190, %dma_start3A_196] : memref<1000000x32xf32, #tpu.memory_space<hbm>> -> memref<1x32xf32, #tpu.memory_space<hbm>>
      %dma_start3A_198 = tpu.memref_squeeze %dma_start3A_197 : memref<1x32xf32, #tpu.memory_space<hbm>> -> memref<32xf32, #tpu.memory_space<hbm>>
      %dma_start3A_199 = arith.constant 0 : i32
      %dma_start3A_200 = tpu.memref_slice %arg11[%add3A_188, %dma_start3A_199] : memref<512x128xf32, #tpu.memory_space<vmem>> -> memref<1x32xf32, #tpu.memory_space<vmem>>
      %dma_start3A_201 = tpu.memref_squeeze %dma_start3A_200 : memref<1x32xf32, #tpu.memory_space<vmem>> -> memref<32xf32, #tpu.memory_space<vmem>>
      %dma_start3A_202 = arith.constant 0 : i32
      %dma_start3A_203 = tpu.memref_slice %arg4[%squeeze3A_190, %dma_start3A_202] : memref<1000000x32xf32, #tpu.memory_space<hbm>> -> memref<1x32xf32, #tpu.memory_space<hbm>>
      %dma_start3A_204 = tpu.memref_squeeze %dma_start3A_203 : memref<1x32xf32, #tpu.memory_space<hbm>> -> memref<32xf32, #tpu.memory_space<hbm>>
      tpu.enqueue_dma source(%dma_start3A_204 : memref<32xf32, #tpu.memory_space<hbm>>) target(%dma_start3A_201 : memref<32xf32, #tpu.memory_space<vmem>>) target_semaphore(%arg12 : memref<!tpu.dma_semaphore, #tpu.memory_space<semaphore_mem>>)
      %dma_start3A_205 = arith.constant 32 : i32
      %dma_start3A_206 = tpu.memref_slice %arg11[%add3A_188, %dma_start3A_205] : memref<512x128xf32, #tpu.memory_space<vmem>> -> memref<1x32xf32, #tpu.memory_space<vmem>>
      %dma_start3A_207 = tpu.memref_squeeze %dma_start3A_206 : memref<1x32xf32, #tpu.memory_space<vmem>> -> memref<32xf32, #tpu.memory_space<vmem>>
      %dma_start3A_208 = arith.constant 0 : i32
      %dma_start3A_209 = tpu.memref_slice %arg5[%squeeze3A_192, %dma_start3A_208] : memref<1000000x32xf32, #tpu.memory_space<hbm>> -> memref<1x32xf32, #tpu.memory_space<hbm>>
      %dma_start3A_210 = tpu.memref_squeeze %dma_start3A_209 : memref<1x32xf32, #tpu.memory_space<hbm>> -> memref<32xf32, #tpu.memory_space<hbm>>
      %dma_start3A_211 = arith.constant 32 : i32
      %dma_start3A_212 = tpu.memref_slice %arg11[%add3A_188, %dma_start3A_211] : memref<512x128xf32, #tpu.memory_space<vmem>> -> memref<1x32xf32, #tpu.memory_space<vmem>>
      %dma_start3A_213 = tpu.memref_squeeze %dma_start3A_212 : memref<1x32xf32, #tpu.memory_space<vmem>> -> memref<32xf32, #tpu.memory_space<vmem>>
      %dma_start3A_214 = arith.constant 0 : i32
      %dma_start3A_215 = tpu.memref_slice %arg5[%squeeze3A_192, %dma_start3A_214] : memref<1000000x32xf32, #tpu.memory_space<hbm>> -> memref<1x32xf32, #tpu.memory_space<hbm>>
      %dma_start3A_216 = tpu.memref_squeeze %dma_start3A_215 : memref<1x32xf32, #tpu.memory_space<hbm>> -> memref<32xf32, #tpu.memory_space<hbm>>
      tpu.enqueue_dma source(%dma_start3A_216 : memref<32xf32, #tpu.memory_space<hbm>>) target(%dma_start3A_213 : memref<32xf32, #tpu.memory_space<vmem>>) target_semaphore(%arg12 : memref<!tpu.dma_semaphore, #tpu.memory_space<semaphore_mem>>)
      %dma_start3A_217 = arith.constant 64 : i32
      %dma_start3A_218 = tpu.memref_slice %arg11[%add3A_188, %dma_start3A_217] : memref<512x128xf32, #tpu.memory_space<vmem>> -> memref<1x32xf32, #tpu.memory_space<vmem>>
      %dma_start3A_219 = tpu.memref_squeeze %dma_start3A_218 : memref<1x32xf32, #tpu.memory_space<vmem>> -> memref<32xf32, #tpu.memory_space<vmem>>
      %dma_start3A_220 = arith.constant 0 : i32
      %dma_start3A_221 = tpu.memref_slice %arg6[%squeeze3A_190, %dma_start3A_220] : memref<1000000x32xf32, #tpu.memory_space<hbm>> -> memref<1x32xf32, #tpu.memory_space<hbm>>
      %dma_start3A_222 = tpu.memref_squeeze %dma_start3A_221 : memref<1x32xf32, #tpu.memory_space<hbm>> -> memref<32xf32, #tpu.memory_space<hbm>>
      %dma_start3A_223 = arith.constant 64 : i32
      %dma_start3A_224 = tpu.memref_slice %arg11[%add3A_188, %dma_start3A_223] : memref<512x128xf32, #tpu.memory_space<vmem>> -> memref<1x32xf32, #tpu.memory_space<vmem>>
      %dma_start3A_225 = tpu.memref_squeeze %dma_start3A_224 : memref<1x32xf32, #tpu.memory_space<vmem>> -> memref<32xf32, #tpu.memory_space<vmem>>
      %dma_start3A_226 = arith.constant 0 : i32
      %dma_start3A_227 = tpu.memref_slice %arg6[%squeeze3A_190, %dma_start3A_226] : memref<1000000x32xf32, #tpu.memory_space<hbm>> -> memref<1x32xf32, #tpu.memory_space<hbm>>
      %dma_start3A_228 = tpu.memref_squeeze %dma_start3A_227 : memref<1x32xf32, #tpu.memory_space<hbm>> -> memref<32xf32, #tpu.memory_space<hbm>>
      tpu.enqueue_dma source(%dma_start3A_228 : memref<32xf32, #tpu.memory_space<hbm>>) target(%dma_start3A_225 : memref<32xf32, #tpu.memory_space<vmem>>) target_semaphore(%arg12 : memref<!tpu.dma_semaphore, #tpu.memory_space<semaphore_mem>>)
      %dma_start3A_229 = arith.constant 96 : i32
      %dma_start3A_230 = tpu.memref_slice %arg11[%add3A_188, %dma_start3A_229] : memref<512x128xf32, #tpu.memory_space<vmem>> -> memref<1x32xf32, #tpu.memory_space<vmem>>
      %dma_start3A_231 = tpu.memref_squeeze %dma_start3A_230 : memref<1x32xf32, #tpu.memory_space<vmem>> -> memref<32xf32, #tpu.memory_space<vmem>>
      %dma_start3A_232 = arith.constant 0 : i32
      %dma_start3A_233 = tpu.memref_slice %arg7[%squeeze3A_192, %dma_start3A_232] : memref<1000000x32xf32, #tpu.memory_space<hbm>> -> memref<1x32xf32, #tpu.memory_space<hbm>>
      %dma_start3A_234 = tpu.memref_squeeze %dma_start3A_233 : memref<1x32xf32, #tpu.memory_space<hbm>> -> memref<32xf32, #tpu.memory_space<hbm>>
      %dma_start3A_235 = arith.constant 96 : i32
      %dma_start3A_236 = tpu.memref_slice %arg11[%add3A_188, %dma_start3A_235] : memref<512x128xf32, #tpu.memory_space<vmem>> -> memref<1x32xf32, #tpu.memory_space<vmem>>
      %dma_start3A_237 = tpu.memref_squeeze %dma_start3A_236 : memref<1x32xf32, #tpu.memory_space<vmem>> -> memref<32xf32, #tpu.memory_space<vmem>>
      %dma_start3A_238 = arith.constant 0 : i32
      %dma_start3A_239 = tpu.memref_slice %arg7[%squeeze3A_192, %dma_start3A_238] : memref<1000000x32xf32, #tpu.memory_space<hbm>> -> memref<1x32xf32, #tpu.memory_space<hbm>>
      %dma_start3A_240 = tpu.memref_squeeze %dma_start3A_239 : memref<1x32xf32, #tpu.memory_space<hbm>> -> memref<32xf32, #tpu.memory_space<hbm>>
      tpu.enqueue_dma source(%dma_start3A_240 : memref<32xf32, #tpu.memory_space<hbm>>) target(%dma_start3A_237 : memref<32xf32, #tpu.memory_space<vmem>>) target_semaphore(%arg12 : memref<!tpu.dma_semaphore, #tpu.memory_space<semaphore_mem>>)
      %add3A_241 = arith.constant 0 : i32
      %add3A_242 = arith.addi %mul3A_10, %add3A_241 : i32
      %add3A_243 = arith.constant 4 : i32
      %add3A_244 = arith.addi %add3A_242, %add3A_243 : i32
      %slice3A_245 = vector.extract_strided_slice %get3A_14 {offsets = [4], sizes = [1], strides = [1]} : vector<16xi32> to vector<1xi32>
      %squeeze3A_246 = vector.extract %slice3A_245[0] : i32 from vector<1xi32>
      %slice3A_247 = vector.extract_strided_slice %get3A_19 {offsets = [4], sizes = [1], strides = [1]} : vector<16xi32> to vector<1xi32>
      %squeeze3A_248 = vector.extract %slice3A_247[0] : i32 from vector<1xi32>
      %dma_start3A_249 = arith.constant 0 : i32
      %dma_start3A_250 = tpu.memref_slice %arg11[%add3A_244, %dma_start3A_249] : memref<512x128xf32, #tpu.memory_space<vmem>> -> memref<1x32xf32, #tpu.memory_space<vmem>>
      %dma_start3A_251 = tpu.memref_squeeze %dma_start3A_250 : memref<1x32xf32, #tpu.memory_space<vmem>> -> memref<32xf32, #tpu.memory_space<vmem>>
      %dma_start3A_252 = arith.constant 0 : i32
      %dma_start3A_253 = tpu.memref_slice %arg4[%squeeze3A_246, %dma_start3A_252] : memref<1000000x32xf32, #tpu.memory_space<hbm>> -> memref<1x32xf32, #tpu.memory_space<hbm>>
      %dma_start3A_254 = tpu.memref_squeeze %dma_start3A_253 : memref<1x32xf32, #tpu.memory_space<hbm>> -> memref<32xf32, #tpu.memory_space<hbm>>
      %dma_start3A_255 = arith.constant 0 : i32
      %dma_start3A_256 = tpu.memref_slice %arg11[%add3A_244, %dma_start3A_255] : memref<512x128xf32, #tpu.memory_space<vmem>> -> memref<1x32xf32, #tpu.memory_space<vmem>>
      %dma_start3A_257 = tpu.memref_squeeze %dma_start3A_256 : memref<1x32xf32, #tpu.memory_space<vmem>> -> memref<32xf32, #tpu.memory_space<vmem>>
      %dma_start3A_258 = arith.constant 0 : i32
      %dma_start3A_259 = tpu.memref_slice %arg4[%squeeze3A_246, %dma_start3A_258] : memref<1000000x32xf32, #tpu.memory_space<hbm>> -> memref<1x32xf32, #tpu.memory_space<hbm>>
      %dma_start3A_260 = tpu.memref_squeeze %dma_start3A_259 : memref<1x32xf32, #tpu.memory_space<hbm>> -> memref<32xf32, #tpu.memory_space<hbm>>
      tpu.enqueue_dma source(%dma_start3A_260 : memref<32xf32, #tpu.memory_space<hbm>>) target(%dma_start3A_257 : memref<32xf32, #tpu.memory_space<vmem>>) target_semaphore(%arg12 : memref<!tpu.dma_semaphore, #tpu.memory_space<semaphore_mem>>)
      %dma_start3A_261 = arith.constant 32 : i32
      %dma_start3A_262 = tpu.memref_slice %arg11[%add3A_244, %dma_start3A_261] : memref<512x128xf32, #tpu.memory_space<vmem>> -> memref<1x32xf32, #tpu.memory_space<vmem>>
      %dma_start3A_263 = tpu.memref_squeeze %dma_start3A_262 : memref<1x32xf32, #tpu.memory_space<vmem>> -> memref<32xf32, #tpu.memory_space<vmem>>
      %dma_start3A_264 = arith.constant 0 : i32
      %dma_start3A_265 = tpu.memref_slice %arg5[%squeeze3A_248, %dma_start3A_264] : memref<1000000x32xf32, #tpu.memory_space<hbm>> -> memref<1x32xf32, #tpu.memory_space<hbm>>
      %dma_start3A_266 = tpu.memref_squeeze %dma_start3A_265 : memref<1x32xf32, #tpu.memory_space<hbm>> -> memref<32xf32, #tpu.memory_space<hbm>>
      %dma_start3A_267 = arith.constant 32 : i32
      %dma_start3A_268 = tpu.memref_slice %arg11[%add3A_244, %dma_start3A_267] : memref<512x128xf32, #tpu.memory_space<vmem>> -> memref<1x32xf32, #tpu.memory_space<vmem>>
      %dma_start3A_269 = tpu.memref_squeeze %dma_start3A_268 : memref<1x32xf32, #tpu.memory_space<vmem>> -> memref<32xf32, #tpu.memory_space<vmem>>
      %dma_start3A_270 = arith.constant 0 : i32
      %dma_start3A_271 = tpu.memref_slice %arg5[%squeeze3A_248, %dma_start3A_270] : memref<1000000x32xf32, #tpu.memory_space<hbm>> -> memref<1x32xf32, #tpu.memory_space<hbm>>
      %dma_start3A_272 = tpu.memref_squeeze %dma_start3A_271 : memref<1x32xf32, #tpu.memory_space<hbm>> -> memref<32xf32, #tpu.memory_space<hbm>>
      tpu.enqueue_dma source(%dma_start3A_272 : memref<32xf32, #tpu.memory_space<hbm>>) target(%dma_start3A_269 : memref<32xf32, #tpu.memory_space<vmem>>) target_semaphore(%arg12 : memref<!tpu.dma_semaphore, #tpu.memory_space<semaphore_mem>>)
      %dma_start3A_273 = arith.constant 64 : i32
      %dma_start3A_274 = tpu.memref_slice %arg11[%add3A_244, %dma_start3A_273] : memref<512x128xf32, #tpu.memory_space<vmem>> -> memref<1x32xf32, #tpu.memory_space<vmem>>
      %dma_start3A_275 = tpu.memref_squeeze %dma_start3A_274 : memref<1x32xf32, #tpu.memory_space<vmem>> -> memref<32xf32, #tpu.memory_space<vmem>>
      %dma_start3A_276 = arith.constant 0 : i32
      %dma_start3A_277 = tpu.memref_slice %arg6[%squeeze3A_246, %dma_start3A_276] : memref<1000000x32xf32, #tpu.memory_space<hbm>> -> memref<1x32xf32, #tpu.memory_space<hbm>>
      %dma_start3A_278 = tpu.memref_squeeze %dma_start3A_277 : memref<1x32xf32, #tpu.memory_space<hbm>> -> memref<32xf32, #tpu.memory_space<hbm>>
      %dma_start3A_279 = arith.constant 64 : i32
      %dma_start3A_280 = tpu.memref_slice %arg11[%add3A_244, %dma_start3A_279] : memref<512x128xf32, #tpu.memory_space<vmem>> -> memref<1x32xf32, #tpu.memory_space<vmem>>
      %dma_start3A_281 = tpu.memref_squeeze %dma_start3A_280 : memref<1x32xf32, #tpu.memory_space<vmem>> -> memref<32xf32, #tpu.memory_space<vmem>>
      %dma_start3A_282 = arith.constant 0 : i32
      %dma_start3A_283 = tpu.memref_slice %arg6[%squeeze3A_246, %dma_start3A_282] : memref<1000000x32xf32, #tpu.memory_space<hbm>> -> memref<1x32xf32, #tpu.memory_space<hbm>>
      %dma_start3A_284 = tpu.memref_squeeze %dma_start3A_283 : memref<1x32xf32, #tpu.memory_space<hbm>> -> memref<32xf32, #tpu.memory_space<hbm>>
      tpu.enqueue_dma source(%dma_start3A_284 : memref<32xf32, #tpu.memory_space<hbm>>) target(%dma_start3A_281 : memref<32xf32, #tpu.memory_space<vmem>>) target_semaphore(%arg12 : memref<!tpu.dma_semaphore, #tpu.memory_space<semaphore_mem>>)
      %dma_start3A_285 = arith.constant 96 : i32
      %dma_start3A_286 = tpu.memref_slice %arg11[%add3A_244, %dma_start3A_285] : memref<512x128xf32, #tpu.memory_space<vmem>> -> memref<1x32xf32, #tpu.memory_space<vmem>>
      %dma_start3A_287 = tpu.memref_squeeze %dma_start3A_286 : memref<1x32xf32, #tpu.memory_space<vmem>> -> memref<32xf32, #tpu.memory_space<vmem>>
      %dma_start3A_288 = arith.constant 0 : i32
      %dma_start3A_289 = tpu.memref_slice %arg7[%squeeze3A_248, %dma_start3A_288] : memref<1000000x32xf32, #tpu.memory_space<hbm>> -> memref<1x32xf32, #tpu.memory_space<hbm>>
      %dma_start3A_290 = tpu.memref_squeeze %dma_start3A_289 : memref<1x32xf32, #tpu.memory_space<hbm>> -> memref<32xf32, #tpu.memory_space<hbm>>
      %dma_start3A_291 = arith.constant 96 : i32
      %dma_start3A_292 = tpu.memref_slice %arg11[%add3A_244, %dma_start3A_291] : memref<512x128xf32, #tpu.memory_space<vmem>> -> memref<1x32xf32, #tpu.memory_space<vmem>>
      %dma_start3A_293 = tpu.memref_squeeze %dma_start3A_292 : memref<1x32xf32, #tpu.memory_space<vmem>> -> memref<32xf32, #tpu.memory_space<vmem>>
      %dma_start3A_294 = arith.constant 0 : i32
      %dma_start3A_295 = tpu.memref_slice %arg7[%squeeze3A_248, %dma_start3A_294] : memref<1000000x32xf32, #tpu.memory_space<hbm>> -> memref<1x32xf32, #tpu.memory_space<hbm>>
      %dma_start3A_296 = tpu.memref_squeeze %dma_start3A_295 : memref<1x32xf32, #tpu.memory_space<hbm>> -> memref<32xf32, #tpu.memory_space<hbm>>
      tpu.enqueue_dma source(%dma_start3A_296 : memref<32xf32, #tpu.memory_space<hbm>>) target(%dma_start3A_293 : memref<32xf32, #tpu.memory_space<vmem>>) target_semaphore(%arg12 : memref<!tpu.dma_semaphore, #tpu.memory_space<semaphore_mem>>)
      %add3A_297 = arith.constant 0 : i32
      %add3A_298 = arith.addi %mul3A_10, %add3A_297 : i32
      %add3A_299 = arith.constant 5 : i32
      %add3A_300 = arith.addi %add3A_298, %add3A_299 : i32
      %slice3A_301 = vector.extract_strided_slice %get3A_14 {offsets = [5], sizes = [1], strides = [1]} : vector<16xi32> to vector<1xi32>
      %squeeze3A_302 = vector.extract %slice3A_301[0] : i32 from vector<1xi32>
      %slice3A_303 = vector.extract_strided_slice %get3A_19 {offsets = [5], sizes = [1], strides = [1]} : vector<16xi32> to vector<1xi32>
      %squeeze3A_304 = vector.extract %slice3A_303[0] : i32 from vector<1xi32>
      %dma_start3A_305 = arith.constant 0 : i32
      %dma_start3A_306 = tpu.memref_slice %arg11[%add3A_300, %dma_start3A_305] : memref<512x128xf32, #tpu.memory_space<vmem>> -> memref<1x32xf32, #tpu.memory_space<vmem>>
      %dma_start3A_307 = tpu.memref_squeeze %dma_start3A_306 : memref<1x32xf32, #tpu.memory_space<vmem>> -> memref<32xf32, #tpu.memory_space<vmem>>
      %dma_start3A_308 = arith.constant 0 : i32
      %dma_start3A_309 = tpu.memref_slice %arg4[%squeeze3A_302, %dma_start3A_308] : memref<1000000x32xf32, #tpu.memory_space<hbm>> -> memref<1x32xf32, #tpu.memory_space<hbm>>
      %dma_start3A_310 = tpu.memref_squeeze %dma_start3A_309 : memref<1x32xf32, #tpu.memory_space<hbm>> -> memref<32xf32, #tpu.memory_space<hbm>>
      %dma_start3A_311 = arith.constant 0 : i32
      %dma_start3A_312 = tpu.memref_slice %arg11[%add3A_300, %dma_start3A_311] : memref<512x128xf32, #tpu.memory_space<vmem>> -> memref<1x32xf32, #tpu.memory_space<vmem>>
      %dma_start3A_313 = tpu.memref_squeeze %dma_start3A_312 : memref<1x32xf32, #tpu.memory_space<vmem>> -> memref<32xf32, #tpu.memory_space<vmem>>
      %dma_start3A_314 = arith.constant 0 : i32
      %dma_start3A_315 = tpu.memref_slice %arg4[%squeeze3A_302, %dma_start3A_314] : memref<1000000x32xf32, #tpu.memory_space<hbm>> -> memref<1x32xf32, #tpu.memory_space<hbm>>
      %dma_start3A_316 = tpu.memref_squeeze %dma_start3A_315 : memref<1x32xf32, #tpu.memory_space<hbm>> -> memref<32xf32, #tpu.memory_space<hbm>>
      tpu.enqueue_dma source(%dma_start3A_316 : memref<32xf32, #tpu.memory_space<hbm>>) target(%dma_start3A_313 : memref<32xf32, #tpu.memory_space<vmem>>) target_semaphore(%arg12 : memref<!tpu.dma_semaphore, #tpu.memory_space<semaphore_mem>>)
      %dma_start3A_317 = arith.constant 32 : i32
      %dma_start3A_318 = tpu.memref_slice %arg11[%add3A_300, %dma_start3A_317] : memref<512x128xf32, #tpu.memory_space<vmem>> -> memref<1x32xf32, #tpu.memory_space<vmem>>
      %dma_start3A_319 = tpu.memref_squeeze %dma_start3A_318 : memref<1x32xf32, #tpu.memory_space<vmem>> -> memref<32xf32, #tpu.memory_space<vmem>>
      %dma_start3A_320 = arith.constant 0 : i32
      %dma_start3A_321 = tpu.memref_slice %arg5[%squeeze3A_304, %dma_start3A_320] : memref<1000000x32xf32, #tpu.memory_space<hbm>> -> memref<1x32xf32, #tpu.memory_space<hbm>>
      %dma_start3A_322 = tpu.memref_squeeze %dma_start3A_321 : memref<1x32xf32, #tpu.memory_space<hbm>> -> memref<32xf32, #tpu.memory_space<hbm>>
      %dma_start3A_323 = arith.constant 32 : i32
      %dma_start3A_324 = tpu.memref_slice %arg11[%add3A_300, %dma_start3A_323] : memref<512x128xf32, #tpu.memory_space<vmem>> -> memref<1x32xf32, #tpu.memory_space<vmem>>
      %dma_start3A_325 = tpu.memref_squeeze %dma_start3A_324 : memref<1x32xf32, #tpu.memory_space<vmem>> -> memref<32xf32, #tpu.memory_space<vmem>>
      %dma_start3A_326 = arith.constant 0 : i32
      %dma_start3A_327 = tpu.memref_slice %arg5[%squeeze3A_304, %dma_start3A_326] : memref<1000000x32xf32, #tpu.memory_space<hbm>> -> memref<1x32xf32, #tpu.memory_space<hbm>>
      %dma_start3A_328 = tpu.memref_squeeze %dma_start3A_327 : memref<1x32xf32, #tpu.memory_space<hbm>> -> memref<32xf32, #tpu.memory_space<hbm>>
      tpu.enqueue_dma source(%dma_start3A_328 : memref<32xf32, #tpu.memory_space<hbm>>) target(%dma_start3A_325 : memref<32xf32, #tpu.memory_space<vmem>>) target_semaphore(%arg12 : memref<!tpu.dma_semaphore, #tpu.memory_space<semaphore_mem>>)
      %dma_start3A_329 = arith.constant 64 : i32
      %dma_start3A_330 = tpu.memref_slice %arg11[%add3A_300, %dma_start3A_329] : memref<512x128xf32, #tpu.memory_space<vmem>> -> memref<1x32xf32, #tpu.memory_space<vmem>>
      %dma_start3A_331 = tpu.memref_squeeze %dma_start3A_330 : memref<1x32xf32, #tpu.memory_space<vmem>> -> memref<32xf32, #tpu.memory_space<vmem>>
      %dma_start3A_332 = arith.constant 0 : i32
      %dma_start3A_333 = tpu.memref_slice %arg6[%squeeze3A_302, %dma_start3A_332] : memref<1000000x32xf32, #tpu.memory_space<hbm>> -> memref<1x32xf32, #tpu.memory_space<hbm>>
      %dma_start3A_334 = tpu.memref_squeeze %dma_start3A_333 : memref<1x32xf32, #tpu.memory_space<hbm>> -> memref<32xf32, #tpu.memory_space<hbm>>
      %dma_start3A_335 = arith.constant 64 : i32
      %dma_start3A_336 = tpu.memref_slice %arg11[%add3A_300, %dma_start3A_335] : memref<512x128xf32, #tpu.memory_space<vmem>> -> memref<1x32xf32, #tpu.memory_space<vmem>>
      %dma_start3A_337 = tpu.memref_squeeze %dma_start3A_336 : memref<1x32xf32, #tpu.memory_space<vmem>> -> memref<32xf32, #tpu.memory_space<vmem>>
      %dma_start3A_338 = arith.constant 0 : i32
      %dma_start3A_339 = tpu.memref_slice %arg6[%squeeze3A_302, %dma_start3A_338] : memref<1000000x32xf32, #tpu.memory_space<hbm>> -> memref<1x32xf32, #tpu.memory_space<hbm>>
      %dma_start3A_340 = tpu.memref_squeeze %dma_start3A_339 : memref<1x32xf32, #tpu.memory_space<hbm>> -> memref<32xf32, #tpu.memory_space<hbm>>
      tpu.enqueue_dma source(%dma_start3A_340 : memref<32xf32, #tpu.memory_space<hbm>>) target(%dma_start3A_337 : memref<32xf32, #tpu.memory_space<vmem>>) target_semaphore(%arg12 : memref<!tpu.dma_semaphore, #tpu.memory_space<semaphore_mem>>)
      %dma_start3A_341 = arith.constant 96 : i32
      %dma_start3A_342 = tpu.memref_slice %arg11[%add3A_300, %dma_start3A_341] : memref<512x128xf32, #tpu.memory_space<vmem>> -> memref<1x32xf32, #tpu.memory_space<vmem>>
      %dma_start3A_343 = tpu.memref_squeeze %dma_start3A_342 : memref<1x32xf32, #tpu.memory_space<vmem>> -> memref<32xf32, #tpu.memory_space<vmem>>
      %dma_start3A_344 = arith.constant 0 : i32
      %dma_start3A_345 = tpu.memref_slice %arg7[%squeeze3A_304, %dma_start3A_344] : memref<1000000x32xf32, #tpu.memory_space<hbm>> -> memref<1x32xf32, #tpu.memory_space<hbm>>
      %dma_start3A_346 = tpu.memref_squeeze %dma_start3A_345 : memref<1x32xf32, #tpu.memory_space<hbm>> -> memref<32xf32, #tpu.memory_space<hbm>>
      %dma_start3A_347 = arith.constant 96 : i32
      %dma_start3A_348 = tpu.memref_slice %arg11[%add3A_300, %dma_start3A_347] : memref<512x128xf32, #tpu.memory_space<vmem>> -> memref<1x32xf32, #tpu.memory_space<vmem>>
      %dma_start3A_349 = tpu.memref_squeeze %dma_start3A_348 : memref<1x32xf32, #tpu.memory_space<vmem>> -> memref<32xf32, #tpu.memory_space<vmem>>
      %dma_start3A_350 = arith.constant 0 : i32
      %dma_start3A_351 = tpu.memref_slice %arg7[%squeeze3A_304, %dma_start3A_350] : memref<1000000x32xf32, #tpu.memory_space<hbm>> -> memref<1x32xf32, #tpu.memory_space<hbm>>
      %dma_start3A_352 = tpu.memref_squeeze %dma_start3A_351 : memref<1x32xf32, #tpu.memory_space<hbm>> -> memref<32xf32, #tpu.memory_space<hbm>>
      tpu.enqueue_dma source(%dma_start3A_352 : memref<32xf32, #tpu.memory_space<hbm>>) target(%dma_start3A_349 : memref<32xf32, #tpu.memory_space<vmem>>) target_semaphore(%arg12 : memref<!tpu.dma_semaphore, #tpu.memory_space<semaphore_mem>>)
      %add3A_353 = arith.constant 0 : i32
      %add3A_354 = arith.addi %mul3A_10, %add3A_353 : i32
      %add3A_355 = arith.constant 6 : i32
      %add3A_356 = arith.addi %add3A_354, %add3A_355 : i32
      %slice3A_357 = vector.extract_strided_slice %get3A_14 {offsets = [6], sizes = [1], strides = [1]} : vector<16xi32> to vector<1xi32>
      %squeeze3A_358 = vector.extract %slice3A_357[0] : i32 from vector<1xi32>
      %slice3A_359 = vector.extract_strided_slice %get3A_19 {offsets = [6], sizes = [1], strides = [1]} : vector<16xi32> to vector<1xi32>
      %squeeze3A_360 = vector.extract %slice3A_359[0] : i32 from vector<1xi32>
      %dma_start3A_361 = arith.constant 0 : i32
      %dma_start3A_362 = tpu.memref_slice %arg11[%add3A_356, %dma_start3A_361] : memref<512x128xf32, #tpu.memory_space<vmem>> -> memref<1x32xf32, #tpu.memory_space<vmem>>
      %dma_start3A_363 = tpu.memref_squeeze %dma_start3A_362 : memref<1x32xf32, #tpu.memory_space<vmem>> -> memref<32xf32, #tpu.memory_space<vmem>>
      %dma_start3A_364 = arith.constant 0 : i32
      %dma_start3A_365 = tpu.memref_slice %arg4[%squeeze3A_358, %dma_start3A_364] : memref<1000000x32xf32, #tpu.memory_space<hbm>> -> memref<1x32xf32, #tpu.memory_space<hbm>>
      %dma_start3A_366 = tpu.memref_squeeze %dma_start3A_365 : memref<1x32xf32, #tpu.memory_space<hbm>> -> memref<32xf32, #tpu.memory_space<hbm>>
      %dma_start3A_367 = arith.constant 0 : i32
      %dma_start3A_368 = tpu.memref_slice %arg11[%add3A_356, %dma_start3A_367] : memref<512x128xf32, #tpu.memory_space<vmem>> -> memref<1x32xf32, #tpu.memory_space<vmem>>
      %dma_start3A_369 = tpu.memref_squeeze %dma_start3A_368 : memref<1x32xf32, #tpu.memory_space<vmem>> -> memref<32xf32, #tpu.memory_space<vmem>>
      %dma_start3A_370 = arith.constant 0 : i32
      %dma_start3A_371 = tpu.memref_slice %arg4[%squeeze3A_358, %dma_start3A_370] : memref<1000000x32xf32, #tpu.memory_space<hbm>> -> memref<1x32xf32, #tpu.memory_space<hbm>>
      %dma_start3A_372 = tpu.memref_squeeze %dma_start3A_371 : memref<1x32xf32, #tpu.memory_space<hbm>> -> memref<32xf32, #tpu.memory_space<hbm>>
      tpu.enqueue_dma source(%dma_start3A_372 : memref<32xf32, #tpu.memory_space<hbm>>) target(%dma_start3A_369 : memref<32xf32, #tpu.memory_space<vmem>>) target_semaphore(%arg12 : memref<!tpu.dma_semaphore, #tpu.memory_space<semaphore_mem>>)
      %dma_start3A_373 = arith.constant 32 : i32
      %dma_start3A_374 = tpu.memref_slice %arg11[%add3A_356, %dma_start3A_373] : memref<512x128xf32, #tpu.memory_space<vmem>> -> memref<1x32xf32, #tpu.memory_space<vmem>>
      %dma_start3A_375 = tpu.memref_squeeze %dma_start3A_374 : memref<1x32xf32, #tpu.memory_space<vmem>> -> memref<32xf32, #tpu.memory_space<vmem>>
      %dma_start3A_376 = arith.constant 0 : i32
      %dma_start3A_377 = tpu.memref_slice %arg5[%squeeze3A_360, %dma_start3A_376] : memref<1000000x32xf32, #tpu.memory_space<hbm>> -> memref<1x32xf32, #tpu.memory_space<hbm>>
      %dma_start3A_378 = tpu.memref_squeeze %dma_start3A_377 : memref<1x32xf32, #tpu.memory_space<hbm>> -> memref<32xf32, #tpu.memory_space<hbm>>
      %dma_start3A_379 = arith.constant 32 : i32
      %dma_start3A_380 = tpu.memref_slice %arg11[%add3A_356, %dma_start3A_379] : memref<512x128xf32, #tpu.memory_space<vmem>> -> memref<1x32xf32, #tpu.memory_space<vmem>>
      %dma_start3A_381 = tpu.memref_squeeze %dma_start3A_380 : memref<1x32xf32, #tpu.memory_space<vmem>> -> memref<32xf32, #tpu.memory_space<vmem>>
      %dma_start3A_382 = arith.constant 0 : i32
      %dma_start3A_383 = tpu.memref_slice %arg5[%squeeze3A_360, %dma_start3A_382] : memref<1000000x32xf32, #tpu.memory_space<hbm>> -> memref<1x32xf32, #tpu.memory_space<hbm>>
      %dma_start3A_384 = tpu.memref_squeeze %dma_start3A_383 : memref<1x32xf32, #tpu.memory_space<hbm>> -> memref<32xf32, #tpu.memory_space<hbm>>
      tpu.enqueue_dma source(%dma_start3A_384 : memref<32xf32, #tpu.memory_space<hbm>>) target(%dma_start3A_381 : memref<32xf32, #tpu.memory_space<vmem>>) target_semaphore(%arg12 : memref<!tpu.dma_semaphore, #tpu.memory_space<semaphore_mem>>)
      %dma_start3A_385 = arith.constant 64 : i32
      %dma_start3A_386 = tpu.memref_slice %arg11[%add3A_356, %dma_start3A_385] : memref<512x128xf32, #tpu.memory_space<vmem>> -> memref<1x32xf32, #tpu.memory_space<vmem>>
      %dma_start3A_387 = tpu.memref_squeeze %dma_start3A_386 : memref<1x32xf32, #tpu.memory_space<vmem>> -> memref<32xf32, #tpu.memory_space<vmem>>
      %dma_start3A_388 = arith.constant 0 : i32
      %dma_start3A_389 = tpu.memref_slice %arg6[%squeeze3A_358, %dma_start3A_388] : memref<1000000x32xf32, #tpu.memory_space<hbm>> -> memref<1x32xf32, #tpu.memory_space<hbm>>
      %dma_start3A_390 = tpu.memref_squeeze %dma_start3A_389 : memref<1x32xf32, #tpu.memory_space<hbm>> -> memref<32xf32, #tpu.memory_space<hbm>>
      %dma_start3A_391 = arith.constant 64 : i32
      %dma_start3A_392 = tpu.memref_slice %arg11[%add3A_356, %dma_start3A_391] : memref<512x128xf32, #tpu.memory_space<vmem>> -> memref<1x32xf32, #tpu.memory_space<vmem>>
      %dma_start3A_393 = tpu.memref_squeeze %dma_start3A_392 : memref<1x32xf32, #tpu.memory_space<vmem>> -> memref<32xf32, #tpu.memory_space<vmem>>
      %dma_start3A_394 = arith.constant 0 : i32
      %dma_start3A_395 = tpu.memref_slice %arg6[%squeeze3A_358, %dma_start3A_394] : memref<1000000x32xf32, #tpu.memory_space<hbm>> -> memref<1x32xf32, #tpu.memory_space<hbm>>
      %dma_start3A_396 = tpu.memref_squeeze %dma_start3A_395 : memref<1x32xf32, #tpu.memory_space<hbm>> -> memref<32xf32, #tpu.memory_space<hbm>>
      tpu.enqueue_dma source(%dma_start3A_396 : memref<32xf32, #tpu.memory_space<hbm>>) target(%dma_start3A_393 : memref<32xf32, #tpu.memory_space<vmem>>) target_semaphore(%arg12 : memref<!tpu.dma_semaphore, #tpu.memory_space<semaphore_mem>>)
      %dma_start3A_397 = arith.constant 96 : i32
      %dma_start3A_398 = tpu.memref_slice %arg11[%add3A_356, %dma_start3A_397] : memref<512x128xf32, #tpu.memory_space<vmem>> -> memref<1x32xf32, #tpu.memory_space<vmem>>
      %dma_start3A_399 = tpu.memref_squeeze %dma_start3A_398 : memref<1x32xf32, #tpu.memory_space<vmem>> -> memref<32xf32, #tpu.memory_space<vmem>>
      %dma_start3A_400 = arith.constant 0 : i32
      %dma_start3A_401 = tpu.memref_slice %arg7[%squeeze3A_360, %dma_start3A_400] : memref<1000000x32xf32, #tpu.memory_space<hbm>> -> memref<1x32xf32, #tpu.memory_space<hbm>>
      %dma_start3A_402 = tpu.memref_squeeze %dma_start3A_401 : memref<1x32xf32, #tpu.memory_space<hbm>> -> memref<32xf32, #tpu.memory_space<hbm>>
      %dma_start3A_403 = arith.constant 96 : i32
      %dma_start3A_404 = tpu.memref_slice %arg11[%add3A_356, %dma_start3A_403] : memref<512x128xf32, #tpu.memory_space<vmem>> -> memref<1x32xf32, #tpu.memory_space<vmem>>
      %dma_start3A_405 = tpu.memref_squeeze %dma_start3A_404 : memref<1x32xf32, #tpu.memory_space<vmem>> -> memref<32xf32, #tpu.memory_space<vmem>>
      %dma_start3A_406 = arith.constant 0 : i32
      %dma_start3A_407 = tpu.memref_slice %arg7[%squeeze3A_360, %dma_start3A_406] : memref<1000000x32xf32, #tpu.memory_space<hbm>> -> memref<1x32xf32, #tpu.memory_space<hbm>>
      %dma_start3A_408 = tpu.memref_squeeze %dma_start3A_407 : memref<1x32xf32, #tpu.memory_space<hbm>> -> memref<32xf32, #tpu.memory_space<hbm>>
      tpu.enqueue_dma source(%dma_start3A_408 : memref<32xf32, #tpu.memory_space<hbm>>) target(%dma_start3A_405 : memref<32xf32, #tpu.memory_space<vmem>>) target_semaphore(%arg12 : memref<!tpu.dma_semaphore, #tpu.memory_space<semaphore_mem>>)
      %add3A_409 = arith.constant 0 : i32
      %add3A_410 = arith.addi %mul3A_10, %add3A_409 : i32
      %add3A_411 = arith.constant 7 : i32
      %add3A_412 = arith.addi %add3A_410, %add3A_411 : i32
      %slice3A_413 = vector.extract_strided_slice %get3A_14 {offsets = [7], sizes = [1], strides = [1]} : vector<16xi32> to vector<1xi32>
      %squeeze3A_414 = vector.extract %slice3A_413[0] : i32 from vector<1xi32>
      %slice3A_415 = vector.extract_strided_slice %get3A_19 {offsets = [7], sizes = [1], strides = [1]} : vector<16xi32> to vector<1xi32>
      %squeeze3A_416 = vector.extract %slice3A_415[0] : i32 from vector<1xi32>
      %dma_start3A_417 = arith.constant 0 : i32
      %dma_start3A_418 = tpu.memref_slice %arg11[%add3A_412, %dma_start3A_417] : memref<512x128xf32, #tpu.memory_space<vmem>> -> memref<1x32xf32, #tpu.memory_space<vmem>>
      %dma_start3A_419 = tpu.memref_squeeze %dma_start3A_418 : memref<1x32xf32, #tpu.memory_space<vmem>> -> memref<32xf32, #tpu.memory_space<vmem>>
      %dma_start3A_420 = arith.constant 0 : i32
      %dma_start3A_421 = tpu.memref_slice %arg4[%squeeze3A_414, %dma_start3A_420] : memref<1000000x32xf32, #tpu.memory_space<hbm>> -> memref<1x32xf32, #tpu.memory_space<hbm>>
      %dma_start3A_422 = tpu.memref_squeeze %dma_start3A_421 : memref<1x32xf32, #tpu.memory_space<hbm>> -> memref<32xf32, #tpu.memory_space<hbm>>
      %dma_start3A_423 = arith.constant 0 : i32
      %dma_start3A_424 = tpu.memref_slice %arg11[%add3A_412, %dma_start3A_423] : memref<512x128xf32, #tpu.memory_space<vmem>> -> memref<1x32xf32, #tpu.memory_space<vmem>>
      %dma_start3A_425 = tpu.memref_squeeze %dma_start3A_424 : memref<1x32xf32, #tpu.memory_space<vmem>> -> memref<32xf32, #tpu.memory_space<vmem>>
      %dma_start3A_426 = arith.constant 0 : i32
      %dma_start3A_427 = tpu.memref_slice %arg4[%squeeze3A_414, %dma_start3A_426] : memref<1000000x32xf32, #tpu.memory_space<hbm>> -> memref<1x32xf32, #tpu.memory_space<hbm>>
      %dma_start3A_428 = tpu.memref_squeeze %dma_start3A_427 : memref<1x32xf32, #tpu.memory_space<hbm>> -> memref<32xf32, #tpu.memory_space<hbm>>
      tpu.enqueue_dma source(%dma_start3A_428 : memref<32xf32, #tpu.memory_space<hbm>>) target(%dma_start3A_425 : memref<32xf32, #tpu.memory_space<vmem>>) target_semaphore(%arg12 : memref<!tpu.dma_semaphore, #tpu.memory_space<semaphore_mem>>)
      %dma_start3A_429 = arith.constant 32 : i32
      %dma_start3A_430 = tpu.memref_slice %arg11[%add3A_412, %dma_start3A_429] : memref<512x128xf32, #tpu.memory_space<vmem>> -> memref<1x32xf32, #tpu.memory_space<vmem>>
      %dma_start3A_431 = tpu.memref_squeeze %dma_start3A_430 : memref<1x32xf32, #tpu.memory_space<vmem>> -> memref<32xf32, #tpu.memory_space<vmem>>
      %dma_start3A_432 = arith.constant 0 : i32
      %dma_start3A_433 = tpu.memref_slice %arg5[%squeeze3A_416, %dma_start3A_432] : memref<1000000x32xf32, #tpu.memory_space<hbm>> -> memref<1x32xf32, #tpu.memory_space<hbm>>
      %dma_start3A_434 = tpu.memref_squeeze %dma_start3A_433 : memref<1x32xf32, #tpu.memory_space<hbm>> -> memref<32xf32, #tpu.memory_space<hbm>>
      %dma_start3A_435 = arith.constant 32 : i32
      %dma_start3A_436 = tpu.memref_slice %arg11[%add3A_412, %dma_start3A_435] : memref<512x128xf32, #tpu.memory_space<vmem>> -> memref<1x32xf32, #tpu.memory_space<vmem>>
      %dma_start3A_437 = tpu.memref_squeeze %dma_start3A_436 : memref<1x32xf32, #tpu.memory_space<vmem>> -> memref<32xf32, #tpu.memory_space<vmem>>
      %dma_start3A_438 = arith.constant 0 : i32
      %dma_start3A_439 = tpu.memref_slice %arg5[%squeeze3A_416, %dma_start3A_438] : memref<1000000x32xf32, #tpu.memory_space<hbm>> -> memref<1x32xf32, #tpu.memory_space<hbm>>
      %dma_start3A_440 = tpu.memref_squeeze %dma_start3A_439 : memref<1x32xf32, #tpu.memory_space<hbm>> -> memref<32xf32, #tpu.memory_space<hbm>>
      tpu.enqueue_dma source(%dma_start3A_440 : memref<32xf32, #tpu.memory_space<hbm>>) target(%dma_start3A_437 : memref<32xf32, #tpu.memory_space<vmem>>) target_semaphore(%arg12 : memref<!tpu.dma_semaphore, #tpu.memory_space<semaphore_mem>>)
      %dma_start3A_441 = arith.constant 64 : i32
      %dma_start3A_442 = tpu.memref_slice %arg11[%add3A_412, %dma_start3A_441] : memref<512x128xf32, #tpu.memory_space<vmem>> -> memref<1x32xf32, #tpu.memory_space<vmem>>
      %dma_start3A_443 = tpu.memref_squeeze %dma_start3A_442 : memref<1x32xf32, #tpu.memory_space<vmem>> -> memref<32xf32, #tpu.memory_space<vmem>>
      %dma_start3A_444 = arith.constant 0 : i32
      %dma_start3A_445 = tpu.memref_slice %arg6[%squeeze3A_414, %dma_start3A_444] : memref<1000000x32xf32, #tpu.memory_space<hbm>> -> memref<1x32xf32, #tpu.memory_space<hbm>>
      %dma_start3A_446 = tpu.memref_squeeze %dma_start3A_445 : memref<1x32xf32, #tpu.memory_space<hbm>> -> memref<32xf32, #tpu.memory_space<hbm>>
      %dma_start3A_447 = arith.constant 64 : i32
      %dma_start3A_448 = tpu.memref_slice %arg11[%add3A_412, %dma_start3A_447] : memref<512x128xf32, #tpu.memory_space<vmem>> -> memref<1x32xf32, #tpu.memory_space<vmem>>
      %dma_start3A_449 = tpu.memref_squeeze %dma_start3A_448 : memref<1x32xf32, #tpu.memory_space<vmem>> -> memref<32xf32, #tpu.memory_space<vmem>>
      %dma_start3A_450 = arith.constant 0 : i32
      %dma_start3A_451 = tpu.memref_slice %arg6[%squeeze3A_414, %dma_start3A_450] : memref<1000000x32xf32, #tpu.memory_space<hbm>> -> memref<1x32xf32, #tpu.memory_space<hbm>>
      %dma_start3A_452 = tpu.memref_squeeze %dma_start3A_451 : memref<1x32xf32, #tpu.memory_space<hbm>> -> memref<32xf32, #tpu.memory_space<hbm>>
      tpu.enqueue_dma source(%dma_start3A_452 : memref<32xf32, #tpu.memory_space<hbm>>) target(%dma_start3A_449 : memref<32xf32, #tpu.memory_space<vmem>>) target_semaphore(%arg12 : memref<!tpu.dma_semaphore, #tpu.memory_space<semaphore_mem>>)
      %dma_start3A_453 = arith.constant 96 : i32
      %dma_start3A_454 = tpu.memref_slice %arg11[%add3A_412, %dma_start3A_453] : memref<512x128xf32, #tpu.memory_space<vmem>> -> memref<1x32xf32, #tpu.memory_space<vmem>>
      %dma_start3A_455 = tpu.memref_squeeze %dma_start3A_454 : memref<1x32xf32, #tpu.memory_space<vmem>> -> memref<32xf32, #tpu.memory_space<vmem>>
      %dma_start3A_456 = arith.constant 0 : i32
      %dma_start3A_457 = tpu.memref_slice %arg7[%squeeze3A_416, %dma_start3A_456] : memref<1000000x32xf32, #tpu.memory_space<hbm>> -> memref<1x32xf32, #tpu.memory_space<hbm>>
      %dma_start3A_458 = tpu.memref_squeeze %dma_start3A_457 : memref<1x32xf32, #tpu.memory_space<hbm>> -> memref<32xf32, #tpu.memory_space<hbm>>
      %dma_start3A_459 = arith.constant 96 : i32
      %dma_start3A_460 = tpu.memref_slice %arg11[%add3A_412, %dma_start3A_459] : memref<512x128xf32, #tpu.memory_space<vmem>> -> memref<1x32xf32, #tpu.memory_space<vmem>>
      %dma_start3A_461 = tpu.memref_squeeze %dma_start3A_460 : memref<1x32xf32, #tpu.memory_space<vmem>> -> memref<32xf32, #tpu.memory_space<vmem>>
      %dma_start3A_462 = arith.constant 0 : i32
      %dma_start3A_463 = tpu.memref_slice %arg7[%squeeze3A_416, %dma_start3A_462] : memref<1000000x32xf32, #tpu.memory_space<hbm>> -> memref<1x32xf32, #tpu.memory_space<hbm>>
      %dma_start3A_464 = tpu.memref_squeeze %dma_start3A_463 : memref<1x32xf32, #tpu.memory_space<hbm>> -> memref<32xf32, #tpu.memory_space<hbm>>
      tpu.enqueue_dma source(%dma_start3A_464 : memref<32xf32, #tpu.memory_space<hbm>>) target(%dma_start3A_461 : memref<32xf32, #tpu.memory_space<vmem>>) target_semaphore(%arg12 : memref<!tpu.dma_semaphore, #tpu.memory_space<semaphore_mem>>)
      %add3A_465 = arith.constant 0 : i32
      %add3A_466 = arith.addi %mul3A_10, %add3A_465 : i32
      %add3A_467 = arith.constant 8 : i32
      %add3A_468 = arith.addi %add3A_466, %add3A_467 : i32
      %slice3A_469 = vector.extract_strided_slice %get3A_14 {offsets = [8], sizes = [1], strides = [1]} : vector<16xi32> to vector<1xi32>
      %squeeze3A_470 = vector.extract %slice3A_469[0] : i32 from vector<1xi32>
      %slice3A_471 = vector.extract_strided_slice %get3A_19 {offsets = [8], sizes = [1], strides = [1]} : vector<16xi32> to vector<1xi32>
      %squeeze3A_472 = vector.extract %slice3A_471[0] : i32 from vector<1xi32>
      %dma_start3A_473 = arith.constant 0 : i32
      %dma_start3A_474 = tpu.memref_slice %arg11[%add3A_468, %dma_start3A_473] : memref<512x128xf32, #tpu.memory_space<vmem>> -> memref<1x32xf32, #tpu.memory_space<vmem>>
      %dma_start3A_475 = tpu.memref_squeeze %dma_start3A_474 : memref<1x32xf32, #tpu.memory_space<vmem>> -> memref<32xf32, #tpu.memory_space<vmem>>
      %dma_start3A_476 = arith.constant 0 : i32
      %dma_start3A_477 = tpu.memref_slice %arg4[%squeeze3A_470, %dma_start3A_476] : memref<1000000x32xf32, #tpu.memory_space<hbm>> -> memref<1x32xf32, #tpu.memory_space<hbm>>
      %dma_start3A_478 = tpu.memref_squeeze %dma_start3A_477 : memref<1x32xf32, #tpu.memory_space<hbm>> -> memref<32xf32, #tpu.memory_space<hbm>>
      %dma_start3A_479 = arith.constant 0 : i32
      %dma_start3A_480 = tpu.memref_slice %arg11[%add3A_468, %dma_start3A_479] : memref<512x128xf32, #tpu.memory_space<vmem>> -> memref<1x32xf32, #tpu.memory_space<vmem>>
      %dma_start3A_481 = tpu.memref_squeeze %dma_start3A_480 : memref<1x32xf32, #tpu.memory_space<vmem>> -> memref<32xf32, #tpu.memory_space<vmem>>
      %dma_start3A_482 = arith.constant 0 : i32
      %dma_start3A_483 = tpu.memref_slice %arg4[%squeeze3A_470, %dma_start3A_482] : memref<1000000x32xf32, #tpu.memory_space<hbm>> -> memref<1x32xf32, #tpu.memory_space<hbm>>
      %dma_start3A_484 = tpu.memref_squeeze %dma_start3A_483 : memref<1x32xf32, #tpu.memory_space<hbm>> -> memref<32xf32, #tpu.memory_space<hbm>>
      tpu.enqueue_dma source(%dma_start3A_484 : memref<32xf32, #tpu.memory_space<hbm>>) target(%dma_start3A_481 : memref<32xf32, #tpu.memory_space<vmem>>) target_semaphore(%arg12 : memref<!tpu.dma_semaphore, #tpu.memory_space<semaphore_mem>>)
      %dma_start3A_485 = arith.constant 32 : i32
      %dma_start3A_486 = tpu.memref_slice %arg11[%add3A_468, %dma_start3A_485] : memref<512x128xf32, #tpu.memory_space<vmem>> -> memref<1x32xf32, #tpu.memory_space<vmem>>
      %dma_start3A_487 = tpu.memref_squeeze %dma_start3A_486 : memref<1x32xf32, #tpu.memory_space<vmem>> -> memref<32xf32, #tpu.memory_space<vmem>>
      %dma_start3A_488 = arith.constant 0 : i32
      %dma_start3A_489 = tpu.memref_slice %arg5[%squeeze3A_472, %dma_start3A_488] : memref<1000000x32xf32, #tpu.memory_space<hbm>> -> memref<1x32xf32, #tpu.memory_space<hbm>>
      %dma_start3A_490 = tpu.memref_squeeze %dma_start3A_489 : memref<1x32xf32, #tpu.memory_space<hbm>> -> memref<32xf32, #tpu.memory_space<hbm>>
      %dma_start3A_491 = arith.constant 32 : i32
      %dma_start3A_492 = tpu.memref_slice %arg11[%add3A_468, %dma_start3A_491] : memref<512x128xf32, #tpu.memory_space<vmem>> -> memref<1x32xf32, #tpu.memory_space<vmem>>
      %dma_start3A_493 = tpu.memref_squeeze %dma_start3A_492 : memref<1x32xf32, #tpu.memory_space<vmem>> -> memref<32xf32, #tpu.memory_space<vmem>>
      %dma_start3A_494 = arith.constant 0 : i32
      %dma_start3A_495 = tpu.memref_slice %arg5[%squeeze3A_472, %dma_start3A_494] : memref<1000000x32xf32, #tpu.memory_space<hbm>> -> memref<1x32xf32, #tpu.memory_space<hbm>>
      %dma_start3A_496 = tpu.memref_squeeze %dma_start3A_495 : memref<1x32xf32, #tpu.memory_space<hbm>> -> memref<32xf32, #tpu.memory_space<hbm>>
      tpu.enqueue_dma source(%dma_start3A_496 : memref<32xf32, #tpu.memory_space<hbm>>) target(%dma_start3A_493 : memref<32xf32, #tpu.memory_space<vmem>>) target_semaphore(%arg12 : memref<!tpu.dma_semaphore, #tpu.memory_space<semaphore_mem>>)
      %dma_start3A_497 = arith.constant 64 : i32
      %dma_start3A_498 = tpu.memref_slice %arg11[%add3A_468, %dma_start3A_497] : memref<512x128xf32, #tpu.memory_space<vmem>> -> memref<1x32xf32, #tpu.memory_space<vmem>>
      %dma_start3A_499 = tpu.memref_squeeze %dma_start3A_498 : memref<1x32xf32, #tpu.memory_space<vmem>> -> memref<32xf32, #tpu.memory_space<vmem>>
      %dma_start3A_500 = arith.constant 0 : i32
      %dma_start3A_501 = tpu.memref_slice %arg6[%squeeze3A_470, %dma_start3A_500] : memref<1000000x32xf32, #tpu.memory_space<hbm>> -> memref<1x32xf32, #tpu.memory_space<hbm>>
      %dma_start3A_502 = tpu.memref_squeeze %dma_start3A_501 : memref<1x32xf32, #tpu.memory_space<hbm>> -> memref<32xf32, #tpu.memory_space<hbm>>
      %dma_start3A_503 = arith.constant 64 : i32
      %dma_start3A_504 = tpu.memref_slice %arg11[%add3A_468, %dma_start3A_503] : memref<512x128xf32, #tpu.memory_space<vmem>> -> memref<1x32xf32, #tpu.memory_space<vmem>>
      %dma_start3A_505 = tpu.memref_squeeze %dma_start3A_504 : memref<1x32xf32, #tpu.memory_space<vmem>> -> memref<32xf32, #tpu.memory_space<vmem>>
      %dma_start3A_506 = arith.constant 0 : i32
      %dma_start3A_507 = tpu.memref_slice %arg6[%squeeze3A_470, %dma_start3A_506] : memref<1000000x32xf32, #tpu.memory_space<hbm>> -> memref<1x32xf32, #tpu.memory_space<hbm>>
      %dma_start3A_508 = tpu.memref_squeeze %dma_start3A_507 : memref<1x32xf32, #tpu.memory_space<hbm>> -> memref<32xf32, #tpu.memory_space<hbm>>
      tpu.enqueue_dma source(%dma_start3A_508 : memref<32xf32, #tpu.memory_space<hbm>>) target(%dma_start3A_505 : memref<32xf32, #tpu.memory_space<vmem>>) target_semaphore(%arg12 : memref<!tpu.dma_semaphore, #tpu.memory_space<semaphore_mem>>)
      %dma_start3A_509 = arith.constant 96 : i32
      %dma_start3A_510 = tpu.memref_slice %arg11[%add3A_468, %dma_start3A_509] : memref<512x128xf32, #tpu.memory_space<vmem>> -> memref<1x32xf32, #tpu.memory_space<vmem>>
      %dma_start3A_511 = tpu.memref_squeeze %dma_start3A_510 : memref<1x32xf32, #tpu.memory_space<vmem>> -> memref<32xf32, #tpu.memory_space<vmem>>
      %dma_start3A_512 = arith.constant 0 : i32
      %dma_start3A_513 = tpu.memref_slice %arg7[%squeeze3A_472, %dma_start3A_512] : memref<1000000x32xf32, #tpu.memory_space<hbm>> -> memref<1x32xf32, #tpu.memory_space<hbm>>
      %dma_start3A_514 = tpu.memref_squeeze %dma_start3A_513 : memref<1x32xf32, #tpu.memory_space<hbm>> -> memref<32xf32, #tpu.memory_space<hbm>>
      %dma_start3A_515 = arith.constant 96 : i32
      %dma_start3A_516 = tpu.memref_slice %arg11[%add3A_468, %dma_start3A_515] : memref<512x128xf32, #tpu.memory_space<vmem>> -> memref<1x32xf32, #tpu.memory_space<vmem>>
      %dma_start3A_517 = tpu.memref_squeeze %dma_start3A_516 : memref<1x32xf32, #tpu.memory_space<vmem>> -> memref<32xf32, #tpu.memory_space<vmem>>
      %dma_start3A_518 = arith.constant 0 : i32
      %dma_start3A_519 = tpu.memref_slice %arg7[%squeeze3A_472, %dma_start3A_518] : memref<1000000x32xf32, #tpu.memory_space<hbm>> -> memref<1x32xf32, #tpu.memory_space<hbm>>
      %dma_start3A_520 = tpu.memref_squeeze %dma_start3A_519 : memref<1x32xf32, #tpu.memory_space<hbm>> -> memref<32xf32, #tpu.memory_space<hbm>>
      tpu.enqueue_dma source(%dma_start3A_520 : memref<32xf32, #tpu.memory_space<hbm>>) target(%dma_start3A_517 : memref<32xf32, #tpu.memory_space<vmem>>) target_semaphore(%arg12 : memref<!tpu.dma_semaphore, #tpu.memory_space<semaphore_mem>>)
      %add3A_521 = arith.constant 0 : i32
      %add3A_522 = arith.addi %mul3A_10, %add3A_521 : i32
      %add3A_523 = arith.constant 9 : i32
      %add3A_524 = arith.addi %add3A_522, %add3A_523 : i32
      %slice3A_525 = vector.extract_strided_slice %get3A_14 {offsets = [9], sizes = [1], strides = [1]} : vector<16xi32> to vector<1xi32>
      %squeeze3A_526 = vector.extract %slice3A_525[0] : i32 from vector<1xi32>
      %slice3A_527 = vector.extract_strided_slice %get3A_19 {offsets = [9], sizes = [1], strides = [1]} : vector<16xi32> to vector<1xi32>
      %squeeze3A_528 = vector.extract %slice3A_527[0] : i32 from vector<1xi32>
      %dma_start3A_529 = arith.constant 0 : i32
      %dma_start3A_530 = tpu.memref_slice %arg11[%add3A_524, %dma_start3A_529] : memref<512x128xf32, #tpu.memory_space<vmem>> -> memref<1x32xf32, #tpu.memory_space<vmem>>
      %dma_start3A_531 = tpu.memref_squeeze %dma_start3A_530 : memref<1x32xf32, #tpu.memory_space<vmem>> -> memref<32xf32, #tpu.memory_space<vmem>>
      %dma_start3A_532 = arith.constant 0 : i32
      %dma_start3A_533 = tpu.memref_slice %arg4[%squeeze3A_526, %dma_start3A_532] : memref<1000000x32xf32, #tpu.memory_space<hbm>> -> memref<1x32xf32, #tpu.memory_space<hbm>>
      %dma_start3A_534 = tpu.memref_squeeze %dma_start3A_533 : memref<1x32xf32, #tpu.memory_space<hbm>> -> memref<32xf32, #tpu.memory_space<hbm>>
      %dma_start3A_535 = arith.constant 0 : i32
      %dma_start3A_536 = tpu.memref_slice %arg11[%add3A_524, %dma_start3A_535] : memref<512x128xf32, #tpu.memory_space<vmem>> -> memref<1x32xf32, #tpu.memory_space<vmem>>
      %dma_start3A_537 = tpu.memref_squeeze %dma_start3A_536 : memref<1x32xf32, #tpu.memory_space<vmem>> -> memref<32xf32, #tpu.memory_space<vmem>>
      %dma_start3A_538 = arith.constant 0 : i32
      %dma_start3A_539 = tpu.memref_slice %arg4[%squeeze3A_526, %dma_start3A_538] : memref<1000000x32xf32, #tpu.memory_space<hbm>> -> memref<1x32xf32, #tpu.memory_space<hbm>>
      %dma_start3A_540 = tpu.memref_squeeze %dma_start3A_539 : memref<1x32xf32, #tpu.memory_space<hbm>> -> memref<32xf32, #tpu.memory_space<hbm>>
      tpu.enqueue_dma source(%dma_start3A_540 : memref<32xf32, #tpu.memory_space<hbm>>) target(%dma_start3A_537 : memref<32xf32, #tpu.memory_space<vmem>>) target_semaphore(%arg12 : memref<!tpu.dma_semaphore, #tpu.memory_space<semaphore_mem>>)
      %dma_start3A_541 = arith.constant 32 : i32
      %dma_start3A_542 = tpu.memref_slice %arg11[%add3A_524, %dma_start3A_541] : memref<512x128xf32, #tpu.memory_space<vmem>> -> memref<1x32xf32, #tpu.memory_space<vmem>>
      %dma_start3A_543 = tpu.memref_squeeze %dma_start3A_542 : memref<1x32xf32, #tpu.memory_space<vmem>> -> memref<32xf32, #tpu.memory_space<vmem>>
      %dma_start3A_544 = arith.constant 0 : i32
      %dma_start3A_545 = tpu.memref_slice %arg5[%squeeze3A_528, %dma_start3A_544] : memref<1000000x32xf32, #tpu.memory_space<hbm>> -> memref<1x32xf32, #tpu.memory_space<hbm>>
      %dma_start3A_546 = tpu.memref_squeeze %dma_start3A_545 : memref<1x32xf32, #tpu.memory_space<hbm>> -> memref<32xf32, #tpu.memory_space<hbm>>
      %dma_start3A_547 = arith.constant 32 : i32
      %dma_start3A_548 = tpu.memref_slice %arg11[%add3A_524, %dma_start3A_547] : memref<512x128xf32, #tpu.memory_space<vmem>> -> memref<1x32xf32, #tpu.memory_space<vmem>>
      %dma_start3A_549 = tpu.memref_squeeze %dma_start3A_548 : memref<1x32xf32, #tpu.memory_space<vmem>> -> memref<32xf32, #tpu.memory_space<vmem>>
      %dma_start3A_550 = arith.constant 0 : i32
      %dma_start3A_551 = tpu.memref_slice %arg5[%squeeze3A_528, %dma_start3A_550] : memref<1000000x32xf32, #tpu.memory_space<hbm>> -> memref<1x32xf32, #tpu.memory_space<hbm>>
      %dma_start3A_552 = tpu.memref_squeeze %dma_start3A_551 : memref<1x32xf32, #tpu.memory_space<hbm>> -> memref<32xf32, #tpu.memory_space<hbm>>
      tpu.enqueue_dma source(%dma_start3A_552 : memref<32xf32, #tpu.memory_space<hbm>>) target(%dma_start3A_549 : memref<32xf32, #tpu.memory_space<vmem>>) target_semaphore(%arg12 : memref<!tpu.dma_semaphore, #tpu.memory_space<semaphore_mem>>)
      %dma_start3A_553 = arith.constant 64 : i32
      %dma_start3A_554 = tpu.memref_slice %arg11[%add3A_524, %dma_start3A_553] : memref<512x128xf32, #tpu.memory_space<vmem>> -> memref<1x32xf32, #tpu.memory_space<vmem>>
      %dma_start3A_555 = tpu.memref_squeeze %dma_start3A_554 : memref<1x32xf32, #tpu.memory_space<vmem>> -> memref<32xf32, #tpu.memory_space<vmem>>
      %dma_start3A_556 = arith.constant 0 : i32
      %dma_start3A_557 = tpu.memref_slice %arg6[%squeeze3A_526, %dma_start3A_556] : memref<1000000x32xf32, #tpu.memory_space<hbm>> -> memref<1x32xf32, #tpu.memory_space<hbm>>
      %dma_start3A_558 = tpu.memref_squeeze %dma_start3A_557 : memref<1x32xf32, #tpu.memory_space<hbm>> -> memref<32xf32, #tpu.memory_space<hbm>>
      %dma_start3A_559 = arith.constant 64 : i32
      %dma_start3A_560 = tpu.memref_slice %arg11[%add3A_524, %dma_start3A_559] : memref<512x128xf32, #tpu.memory_space<vmem>> -> memref<1x32xf32, #tpu.memory_space<vmem>>
      %dma_start3A_561 = tpu.memref_squeeze %dma_start3A_560 : memref<1x32xf32, #tpu.memory_space<vmem>> -> memref<32xf32, #tpu.memory_space<vmem>>
      %dma_start3A_562 = arith.constant 0 : i32
      %dma_start3A_563 = tpu.memref_slice %arg6[%squeeze3A_526, %dma_start3A_562] : memref<1000000x32xf32, #tpu.memory_space<hbm>> -> memref<1x32xf32, #tpu.memory_space<hbm>>
      %dma_start3A_564 = tpu.memref_squeeze %dma_start3A_563 : memref<1x32xf32, #tpu.memory_space<hbm>> -> memref<32xf32, #tpu.memory_space<hbm>>
      tpu.enqueue_dma source(%dma_start3A_564 : memref<32xf32, #tpu.memory_space<hbm>>) target(%dma_start3A_561 : memref<32xf32, #tpu.memory_space<vmem>>) target_semaphore(%arg12 : memref<!tpu.dma_semaphore, #tpu.memory_space<semaphore_mem>>)
      %dma_start3A_565 = arith.constant 96 : i32
      %dma_start3A_566 = tpu.memref_slice %arg11[%add3A_524, %dma_start3A_565] : memref<512x128xf32, #tpu.memory_space<vmem>> -> memref<1x32xf32, #tpu.memory_space<vmem>>
      %dma_start3A_567 = tpu.memref_squeeze %dma_start3A_566 : memref<1x32xf32, #tpu.memory_space<vmem>> -> memref<32xf32, #tpu.memory_space<vmem>>
      %dma_start3A_568 = arith.constant 0 : i32
      %dma_start3A_569 = tpu.memref_slice %arg7[%squeeze3A_528, %dma_start3A_568] : memref<1000000x32xf32, #tpu.memory_space<hbm>> -> memref<1x32xf32, #tpu.memory_space<hbm>>
      %dma_start3A_570 = tpu.memref_squeeze %dma_start3A_569 : memref<1x32xf32, #tpu.memory_space<hbm>> -> memref<32xf32, #tpu.memory_space<hbm>>
      %dma_start3A_571 = arith.constant 96 : i32
      %dma_start3A_572 = tpu.memref_slice %arg11[%add3A_524, %dma_start3A_571] : memref<512x128xf32, #tpu.memory_space<vmem>> -> memref<1x32xf32, #tpu.memory_space<vmem>>
      %dma_start3A_573 = tpu.memref_squeeze %dma_start3A_572 : memref<1x32xf32, #tpu.memory_space<vmem>> -> memref<32xf32, #tpu.memory_space<vmem>>
      %dma_start3A_574 = arith.constant 0 : i32
      %dma_start3A_575 = tpu.memref_slice %arg7[%squeeze3A_528, %dma_start3A_574] : memref<1000000x32xf32, #tpu.memory_space<hbm>> -> memref<1x32xf32, #tpu.memory_space<hbm>>
      %dma_start3A_576 = tpu.memref_squeeze %dma_start3A_575 : memref<1x32xf32, #tpu.memory_space<hbm>> -> memref<32xf32, #tpu.memory_space<hbm>>
      tpu.enqueue_dma source(%dma_start3A_576 : memref<32xf32, #tpu.memory_space<hbm>>) target(%dma_start3A_573 : memref<32xf32, #tpu.memory_space<vmem>>) target_semaphore(%arg12 : memref<!tpu.dma_semaphore, #tpu.memory_space<semaphore_mem>>)
      %add3A_577 = arith.constant 0 : i32
      %add3A_578 = arith.addi %mul3A_10, %add3A_577 : i32
      %add3A_579 = arith.constant 10 : i32
      %add3A_580 = arith.addi %add3A_578, %add3A_579 : i32
      %slice3A_581 = vector.extract_strided_slice %get3A_14 {offsets = [10], sizes = [1], strides = [1]} : vector<16xi32> to vector<1xi32>
      %squeeze3A_582 = vector.extract %slice3A_581[0] : i32 from vector<1xi32>
      %slice3A_583 = vector.extract_strided_slice %get3A_19 {offsets = [10], sizes = [1], strides = [1]} : vector<16xi32> to vector<1xi32>
      %squeeze3A_584 = vector.extract %slice3A_583[0] : i32 from vector<1xi32>
      %dma_start3A_585 = arith.constant 0 : i32
      %dma_start3A_586 = tpu.memref_slice %arg11[%add3A_580, %dma_start3A_585] : memref<512x128xf32, #tpu.memory_space<vmem>> -> memref<1x32xf32, #tpu.memory_space<vmem>>
      %dma_start3A_587 = tpu.memref_squeeze %dma_start3A_586 : memref<1x32xf32, #tpu.memory_space<vmem>> -> memref<32xf32, #tpu.memory_space<vmem>>
      %dma_start3A_588 = arith.constant 0 : i32
      %dma_start3A_589 = tpu.memref_slice %arg4[%squeeze3A_582, %dma_start3A_588] : memref<1000000x32xf32, #tpu.memory_space<hbm>> -> memref<1x32xf32, #tpu.memory_space<hbm>>
      %dma_start3A_590 = tpu.memref_squeeze %dma_start3A_589 : memref<1x32xf32, #tpu.memory_space<hbm>> -> memref<32xf32, #tpu.memory_space<hbm>>
      %dma_start3A_591 = arith.constant 0 : i32
      %dma_start3A_592 = tpu.memref_slice %arg11[%add3A_580, %dma_start3A_591] : memref<512x128xf32, #tpu.memory_space<vmem>> -> memref<1x32xf32, #tpu.memory_space<vmem>>
      %dma_start3A_593 = tpu.memref_squeeze %dma_start3A_592 : memref<1x32xf32, #tpu.memory_space<vmem>> -> memref<32xf32, #tpu.memory_space<vmem>>
      %dma_start3A_594 = arith.constant 0 : i32
      %dma_start3A_595 = tpu.memref_slice %arg4[%squeeze3A_582, %dma_start3A_594] : memref<1000000x32xf32, #tpu.memory_space<hbm>> -> memref<1x32xf32, #tpu.memory_space<hbm>>
      %dma_start3A_596 = tpu.memref_squeeze %dma_start3A_595 : memref<1x32xf32, #tpu.memory_space<hbm>> -> memref<32xf32, #tpu.memory_space<hbm>>
      tpu.enqueue_dma source(%dma_start3A_596 : memref<32xf32, #tpu.memory_space<hbm>>) target(%dma_start3A_593 : memref<32xf32, #tpu.memory_space<vmem>>) target_semaphore(%arg12 : memref<!tpu.dma_semaphore, #tpu.memory_space<semaphore_mem>>)
      %dma_start3A_597 = arith.constant 32 : i32
      %dma_start3A_598 = tpu.memref_slice %arg11[%add3A_580, %dma_start3A_597] : memref<512x128xf32, #tpu.memory_space<vmem>> -> memref<1x32xf32, #tpu.memory_space<vmem>>
      %dma_start3A_599 = tpu.memref_squeeze %dma_start3A_598 : memref<1x32xf32, #tpu.memory_space<vmem>> -> memref<32xf32, #tpu.memory_space<vmem>>
      %dma_start3A_600 = arith.constant 0 : i32
      %dma_start3A_601 = tpu.memref_slice %arg5[%squeeze3A_584, %dma_start3A_600] : memref<1000000x32xf32, #tpu.memory_space<hbm>> -> memref<1x32xf32, #tpu.memory_space<hbm>>
      %dma_start3A_602 = tpu.memref_squeeze %dma_start3A_601 : memref<1x32xf32, #tpu.memory_space<hbm>> -> memref<32xf32, #tpu.memory_space<hbm>>
      %dma_start3A_603 = arith.constant 32 : i32
      %dma_start3A_604 = tpu.memref_slice %arg11[%add3A_580, %dma_start3A_603] : memref<512x128xf32, #tpu.memory_space<vmem>> -> memref<1x32xf32, #tpu.memory_space<vmem>>
      %dma_start3A_605 = tpu.memref_squeeze %dma_start3A_604 : memref<1x32xf32, #tpu.memory_space<vmem>> -> memref<32xf32, #tpu.memory_space<vmem>>
      %dma_start3A_606 = arith.constant 0 : i32
      %dma_start3A_607 = tpu.memref_slice %arg5[%squeeze3A_584, %dma_start3A_606] : memref<1000000x32xf32, #tpu.memory_space<hbm>> -> memref<1x32xf32, #tpu.memory_space<hbm>>
      %dma_start3A_608 = tpu.memref_squeeze %dma_start3A_607 : memref<1x32xf32, #tpu.memory_space<hbm>> -> memref<32xf32, #tpu.memory_space<hbm>>
      tpu.enqueue_dma source(%dma_start3A_608 : memref<32xf32, #tpu.memory_space<hbm>>) target(%dma_start3A_605 : memref<32xf32, #tpu.memory_space<vmem>>) target_semaphore(%arg12 : memref<!tpu.dma_semaphore, #tpu.memory_space<semaphore_mem>>)
      %dma_start3A_609 = arith.constant 64 : i32
      %dma_start3A_610 = tpu.memref_slice %arg11[%add3A_580, %dma_start3A_609] : memref<512x128xf32, #tpu.memory_space<vmem>> -> memref<1x32xf32, #tpu.memory_space<vmem>>
      %dma_start3A_611 = tpu.memref_squeeze %dma_start3A_610 : memref<1x32xf32, #tpu.memory_space<vmem>> -> memref<32xf32, #tpu.memory_space<vmem>>
      %dma_start3A_612 = arith.constant 0 : i32
      %dma_start3A_613 = tpu.memref_slice %arg6[%squeeze3A_582, %dma_start3A_612] : memref<1000000x32xf32, #tpu.memory_space<hbm>> -> memref<1x32xf32, #tpu.memory_space<hbm>>
      %dma_start3A_614 = tpu.memref_squeeze %dma_start3A_613 : memref<1x32xf32, #tpu.memory_space<hbm>> -> memref<32xf32, #tpu.memory_space<hbm>>
      %dma_start3A_615 = arith.constant 64 : i32
      %dma_start3A_616 = tpu.memref_slice %arg11[%add3A_580, %dma_start3A_615] : memref<512x128xf32, #tpu.memory_space<vmem>> -> memref<1x32xf32, #tpu.memory_space<vmem>>
      %dma_start3A_617 = tpu.memref_squeeze %dma_start3A_616 : memref<1x32xf32, #tpu.memory_space<vmem>> -> memref<32xf32, #tpu.memory_space<vmem>>
      %dma_start3A_618 = arith.constant 0 : i32
      %dma_start3A_619 = tpu.memref_slice %arg6[%squeeze3A_582, %dma_start3A_618] : memref<1000000x32xf32, #tpu.memory_space<hbm>> -> memref<1x32xf32, #tpu.memory_space<hbm>>
      %dma_start3A_620 = tpu.memref_squeeze %dma_start3A_619 : memref<1x32xf32, #tpu.memory_space<hbm>> -> memref<32xf32, #tpu.memory_space<hbm>>
      tpu.enqueue_dma source(%dma_start3A_620 : memref<32xf32, #tpu.memory_space<hbm>>) target(%dma_start3A_617 : memref<32xf32, #tpu.memory_space<vmem>>) target_semaphore(%arg12 : memref<!tpu.dma_semaphore, #tpu.memory_space<semaphore_mem>>)
      %dma_start3A_621 = arith.constant 96 : i32
      %dma_start3A_622 = tpu.memref_slice %arg11[%add3A_580, %dma_start3A_621] : memref<512x128xf32, #tpu.memory_space<vmem>> -> memref<1x32xf32, #tpu.memory_space<vmem>>
      %dma_start3A_623 = tpu.memref_squeeze %dma_start3A_622 : memref<1x32xf32, #tpu.memory_space<vmem>> -> memref<32xf32, #tpu.memory_space<vmem>>
      %dma_start3A_624 = arith.constant 0 : i32
      %dma_start3A_625 = tpu.memref_slice %arg7[%squeeze3A_584, %dma_start3A_624] : memref<1000000x32xf32, #tpu.memory_space<hbm>> -> memref<1x32xf32, #tpu.memory_space<hbm>>
      %dma_start3A_626 = tpu.memref_squeeze %dma_start3A_625 : memref<1x32xf32, #tpu.memory_space<hbm>> -> memref<32xf32, #tpu.memory_space<hbm>>
      %dma_start3A_627 = arith.constant 96 : i32
      %dma_start3A_628 = tpu.memref_slice %arg11[%add3A_580, %dma_start3A_627] : memref<512x128xf32, #tpu.memory_space<vmem>> -> memref<1x32xf32, #tpu.memory_space<vmem>>
      %dma_start3A_629 = tpu.memref_squeeze %dma_start3A_628 : memref<1x32xf32, #tpu.memory_space<vmem>> -> memref<32xf32, #tpu.memory_space<vmem>>
      %dma_start3A_630 = arith.constant 0 : i32
      %dma_start3A_631 = tpu.memref_slice %arg7[%squeeze3A_584, %dma_start3A_630] : memref<1000000x32xf32, #tpu.memory_space<hbm>> -> memref<1x32xf32, #tpu.memory_space<hbm>>
      %dma_start3A_632 = tpu.memref_squeeze %dma_start3A_631 : memref<1x32xf32, #tpu.memory_space<hbm>> -> memref<32xf32, #tpu.memory_space<hbm>>
      tpu.enqueue_dma source(%dma_start3A_632 : memref<32xf32, #tpu.memory_space<hbm>>) target(%dma_start3A_629 : memref<32xf32, #tpu.memory_space<vmem>>) target_semaphore(%arg12 : memref<!tpu.dma_semaphore, #tpu.memory_space<semaphore_mem>>)
      %add3A_633 = arith.constant 0 : i32
      %add3A_634 = arith.addi %mul3A_10, %add3A_633 : i32
      %add3A_635 = arith.constant 11 : i32
      %add3A_636 = arith.addi %add3A_634, %add3A_635 : i32
      %slice3A_637 = vector.extract_strided_slice %get3A_14 {offsets = [11], sizes = [1], strides = [1]} : vector<16xi32> to vector<1xi32>
      %squeeze3A_638 = vector.extract %slice3A_637[0] : i32 from vector<1xi32>
      %slice3A_639 = vector.extract_strided_slice %get3A_19 {offsets = [11], sizes = [1], strides = [1]} : vector<16xi32> to vector<1xi32>
      %squeeze3A_640 = vector.extract %slice3A_639[0] : i32 from vector<1xi32>
      %dma_start3A_641 = arith.constant 0 : i32
      %dma_start3A_642 = tpu.memref_slice %arg11[%add3A_636, %dma_start3A_641] : memref<512x128xf32, #tpu.memory_space<vmem>> -> memref<1x32xf32, #tpu.memory_space<vmem>>
      %dma_start3A_643 = tpu.memref_squeeze %dma_start3A_642 : memref<1x32xf32, #tpu.memory_space<vmem>> -> memref<32xf32, #tpu.memory_space<vmem>>
      %dma_start3A_644 = arith.constant 0 : i32
      %dma_start3A_645 = tpu.memref_slice %arg4[%squeeze3A_638, %dma_start3A_644] : memref<1000000x32xf32, #tpu.memory_space<hbm>> -> memref<1x32xf32, #tpu.memory_space<hbm>>
      %dma_start3A_646 = tpu.memref_squeeze %dma_start3A_645 : memref<1x32xf32, #tpu.memory_space<hbm>> -> memref<32xf32, #tpu.memory_space<hbm>>
      %dma_start3A_647 = arith.constant 0 : i32
      %dma_start3A_648 = tpu.memref_slice %arg11[%add3A_636, %dma_start3A_647] : memref<512x128xf32, #tpu.memory_space<vmem>> -> memref<1x32xf32, #tpu.memory_space<vmem>>
      %dma_start3A_649 = tpu.memref_squeeze %dma_start3A_648 : memref<1x32xf32, #tpu.memory_space<vmem>> -> memref<32xf32, #tpu.memory_space<vmem>>
      %dma_start3A_650 = arith.constant 0 : i32
      %dma_start3A_651 = tpu.memref_slice %arg4[%squeeze3A_638, %dma_start3A_650] : memref<1000000x32xf32, #tpu.memory_space<hbm>> -> memref<1x32xf32, #tpu.memory_space<hbm>>
      %dma_start3A_652 = tpu.memref_squeeze %dma_start3A_651 : memref<1x32xf32, #tpu.memory_space<hbm>> -> memref<32xf32, #tpu.memory_space<hbm>>
      tpu.enqueue_dma source(%dma_start3A_652 : memref<32xf32, #tpu.memory_space<hbm>>) target(%dma_start3A_649 : memref<32xf32, #tpu.memory_space<vmem>>) target_semaphore(%arg12 : memref<!tpu.dma_semaphore, #tpu.memory_space<semaphore_mem>>)
      %dma_start3A_653 = arith.constant 32 : i32
      %dma_start3A_654 = tpu.memref_slice %arg11[%add3A_636, %dma_start3A_653] : memref<512x128xf32, #tpu.memory_space<vmem>> -> memref<1x32xf32, #tpu.memory_space<vmem>>
      %dma_start3A_655 = tpu.memref_squeeze %dma_start3A_654 : memref<1x32xf32, #tpu.memory_space<vmem>> -> memref<32xf32, #tpu.memory_space<vmem>>
      %dma_start3A_656 = arith.constant 0 : i32
      %dma_start3A_657 = tpu.memref_slice %arg5[%squeeze3A_640, %dma_start3A_656] : memref<1000000x32xf32, #tpu.memory_space<hbm>> -> memref<1x32xf32, #tpu.memory_space<hbm>>
      %dma_start3A_658 = tpu.memref_squeeze %dma_start3A_657 : memref<1x32xf32, #tpu.memory_space<hbm>> -> memref<32xf32, #tpu.memory_space<hbm>>
      %dma_start3A_659 = arith.constant 32 : i32
      %dma_start3A_660 = tpu.memref_slice %arg11[%add3A_636, %dma_start3A_659] : memref<512x128xf32, #tpu.memory_space<vmem>> -> memref<1x32xf32, #tpu.memory_space<vmem>>
      %dma_start3A_661 = tpu.memref_squeeze %dma_start3A_660 : memref<1x32xf32, #tpu.memory_space<vmem>> -> memref<32xf32, #tpu.memory_space<vmem>>
      %dma_start3A_662 = arith.constant 0 : i32
      %dma_start3A_663 = tpu.memref_slice %arg5[%squeeze3A_640, %dma_start3A_662] : memref<1000000x32xf32, #tpu.memory_space<hbm>> -> memref<1x32xf32, #tpu.memory_space<hbm>>
      %dma_start3A_664 = tpu.memref_squeeze %dma_start3A_663 : memref<1x32xf32, #tpu.memory_space<hbm>> -> memref<32xf32, #tpu.memory_space<hbm>>
      tpu.enqueue_dma source(%dma_start3A_664 : memref<32xf32, #tpu.memory_space<hbm>>) target(%dma_start3A_661 : memref<32xf32, #tpu.memory_space<vmem>>) target_semaphore(%arg12 : memref<!tpu.dma_semaphore, #tpu.memory_space<semaphore_mem>>)
      %dma_start3A_665 = arith.constant 64 : i32
      %dma_start3A_666 = tpu.memref_slice %arg11[%add3A_636, %dma_start3A_665] : memref<512x128xf32, #tpu.memory_space<vmem>> -> memref<1x32xf32, #tpu.memory_space<vmem>>
      %dma_start3A_667 = tpu.memref_squeeze %dma_start3A_666 : memref<1x32xf32, #tpu.memory_space<vmem>> -> memref<32xf32, #tpu.memory_space<vmem>>
      %dma_start3A_668 = arith.constant 0 : i32
      %dma_start3A_669 = tpu.memref_slice %arg6[%squeeze3A_638, %dma_start3A_668] : memref<1000000x32xf32, #tpu.memory_space<hbm>> -> memref<1x32xf32, #tpu.memory_space<hbm>>
      %dma_start3A_670 = tpu.memref_squeeze %dma_start3A_669 : memref<1x32xf32, #tpu.memory_space<hbm>> -> memref<32xf32, #tpu.memory_space<hbm>>
      %dma_start3A_671 = arith.constant 64 : i32
      %dma_start3A_672 = tpu.memref_slice %arg11[%add3A_636, %dma_start3A_671] : memref<512x128xf32, #tpu.memory_space<vmem>> -> memref<1x32xf32, #tpu.memory_space<vmem>>
      %dma_start3A_673 = tpu.memref_squeeze %dma_start3A_672 : memref<1x32xf32, #tpu.memory_space<vmem>> -> memref<32xf32, #tpu.memory_space<vmem>>
      %dma_start3A_674 = arith.constant 0 : i32
      %dma_start3A_675 = tpu.memref_slice %arg6[%squeeze3A_638, %dma_start3A_674] : memref<1000000x32xf32, #tpu.memory_space<hbm>> -> memref<1x32xf32, #tpu.memory_space<hbm>>
      %dma_start3A_676 = tpu.memref_squeeze %dma_start3A_675 : memref<1x32xf32, #tpu.memory_space<hbm>> -> memref<32xf32, #tpu.memory_space<hbm>>
      tpu.enqueue_dma source(%dma_start3A_676 : memref<32xf32, #tpu.memory_space<hbm>>) target(%dma_start3A_673 : memref<32xf32, #tpu.memory_space<vmem>>) target_semaphore(%arg12 : memref<!tpu.dma_semaphore, #tpu.memory_space<semaphore_mem>>)
      %dma_start3A_677 = arith.constant 96 : i32
      %dma_start3A_678 = tpu.memref_slice %arg11[%add3A_636, %dma_start3A_677] : memref<512x128xf32, #tpu.memory_space<vmem>> -> memref<1x32xf32, #tpu.memory_space<vmem>>
      %dma_start3A_679 = tpu.memref_squeeze %dma_start3A_678 : memref<1x32xf32, #tpu.memory_space<vmem>> -> memref<32xf32, #tpu.memory_space<vmem>>
      %dma_start3A_680 = arith.constant 0 : i32
      %dma_start3A_681 = tpu.memref_slice %arg7[%squeeze3A_640, %dma_start3A_680] : memref<1000000x32xf32, #tpu.memory_space<hbm>> -> memref<1x32xf32, #tpu.memory_space<hbm>>
      %dma_start3A_682 = tpu.memref_squeeze %dma_start3A_681 : memref<1x32xf32, #tpu.memory_space<hbm>> -> memref<32xf32, #tpu.memory_space<hbm>>
      %dma_start3A_683 = arith.constant 96 : i32
      %dma_start3A_684 = tpu.memref_slice %arg11[%add3A_636, %dma_start3A_683] : memref<512x128xf32, #tpu.memory_space<vmem>> -> memref<1x32xf32, #tpu.memory_space<vmem>>
      %dma_start3A_685 = tpu.memref_squeeze %dma_start3A_684 : memref<1x32xf32, #tpu.memory_space<vmem>> -> memref<32xf32, #tpu.memory_space<vmem>>
      %dma_start3A_686 = arith.constant 0 : i32
      %dma_start3A_687 = tpu.memref_slice %arg7[%squeeze3A_640, %dma_start3A_686] : memref<1000000x32xf32, #tpu.memory_space<hbm>> -> memref<1x32xf32, #tpu.memory_space<hbm>>
      %dma_start3A_688 = tpu.memref_squeeze %dma_start3A_687 : memref<1x32xf32, #tpu.memory_space<hbm>> -> memref<32xf32, #tpu.memory_space<hbm>>
      tpu.enqueue_dma source(%dma_start3A_688 : memref<32xf32, #tpu.memory_space<hbm>>) target(%dma_start3A_685 : memref<32xf32, #tpu.memory_space<vmem>>) target_semaphore(%arg12 : memref<!tpu.dma_semaphore, #tpu.memory_space<semaphore_mem>>)
      %add3A_689 = arith.constant 0 : i32
      %add3A_690 = arith.addi %mul3A_10, %add3A_689 : i32
      %add3A_691 = arith.constant 12 : i32
      %add3A_692 = arith.addi %add3A_690, %add3A_691 : i32
      %slice3A_693 = vector.extract_strided_slice %get3A_14 {offsets = [12], sizes = [1], strides = [1]} : vector<16xi32> to vector<1xi32>
      %squeeze3A_694 = vector.extract %slice3A_693[0] : i32 from vector<1xi32>
      %slice3A_695 = vector.extract_strided_slice %get3A_19 {offsets = [12], sizes = [1], strides = [1]} : vector<16xi32> to vector<1xi32>
      %squeeze3A_696 = vector.extract %slice3A_695[0] : i32 from vector<1xi32>
      %dma_start3A_697 = arith.constant 0 : i32
      %dma_start3A_698 = tpu.memref_slice %arg11[%add3A_692, %dma_start3A_697] : memref<512x128xf32, #tpu.memory_space<vmem>> -> memref<1x32xf32, #tpu.memory_space<vmem>>
      %dma_start3A_699 = tpu.memref_squeeze %dma_start3A_698 : memref<1x32xf32, #tpu.memory_space<vmem>> -> memref<32xf32, #tpu.memory_space<vmem>>
      %dma_start3A_700 = arith.constant 0 : i32
      %dma_start3A_701 = tpu.memref_slice %arg4[%squeeze3A_694, %dma_start3A_700] : memref<1000000x32xf32, #tpu.memory_space<hbm>> -> memref<1x32xf32, #tpu.memory_space<hbm>>
      %dma_start3A_702 = tpu.memref_squeeze %dma_start3A_701 : memref<1x32xf32, #tpu.memory_space<hbm>> -> memref<32xf32, #tpu.memory_space<hbm>>
      %dma_start3A_703 = arith.constant 0 : i32
      %dma_start3A_704 = tpu.memref_slice %arg11[%add3A_692, %dma_start3A_703] : memref<512x128xf32, #tpu.memory_space<vmem>> -> memref<1x32xf32, #tpu.memory_space<vmem>>
      %dma_start3A_705 = tpu.memref_squeeze %dma_start3A_704 : memref<1x32xf32, #tpu.memory_space<vmem>> -> memref<32xf32, #tpu.memory_space<vmem>>
      %dma_start3A_706 = arith.constant 0 : i32
      %dma_start3A_707 = tpu.memref_slice %arg4[%squeeze3A_694, %dma_start3A_706] : memref<1000000x32xf32, #tpu.memory_space<hbm>> -> memref<1x32xf32, #tpu.memory_space<hbm>>
      %dma_start3A_708 = tpu.memref_squeeze %dma_start3A_707 : memref<1x32xf32, #tpu.memory_space<hbm>> -> memref<32xf32, #tpu.memory_space<hbm>>
      tpu.enqueue_dma source(%dma_start3A_708 : memref<32xf32, #tpu.memory_space<hbm>>) target(%dma_start3A_705 : memref<32xf32, #tpu.memory_space<vmem>>) target_semaphore(%arg12 : memref<!tpu.dma_semaphore, #tpu.memory_space<semaphore_mem>>)
      %dma_start3A_709 = arith.constant 32 : i32
      %dma_start3A_710 = tpu.memref_slice %arg11[%add3A_692, %dma_start3A_709] : memref<512x128xf32, #tpu.memory_space<vmem>> -> memref<1x32xf32, #tpu.memory_space<vmem>>
      %dma_start3A_711 = tpu.memref_squeeze %dma_start3A_710 : memref<1x32xf32, #tpu.memory_space<vmem>> -> memref<32xf32, #tpu.memory_space<vmem>>
      %dma_start3A_712 = arith.constant 0 : i32
      %dma_start3A_713 = tpu.memref_slice %arg5[%squeeze3A_696, %dma_start3A_712] : memref<1000000x32xf32, #tpu.memory_space<hbm>> -> memref<1x32xf32, #tpu.memory_space<hbm>>
      %dma_start3A_714 = tpu.memref_squeeze %dma_start3A_713 : memref<1x32xf32, #tpu.memory_space<hbm>> -> memref<32xf32, #tpu.memory_space<hbm>>
      %dma_start3A_715 = arith.constant 32 : i32
      %dma_start3A_716 = tpu.memref_slice %arg11[%add3A_692, %dma_start3A_715] : memref<512x128xf32, #tpu.memory_space<vmem>> -> memref<1x32xf32, #tpu.memory_space<vmem>>
      %dma_start3A_717 = tpu.memref_squeeze %dma_start3A_716 : memref<1x32xf32, #tpu.memory_space<vmem>> -> memref<32xf32, #tpu.memory_space<vmem>>
      %dma_start3A_718 = arith.constant 0 : i32
      %dma_start3A_719 = tpu.memref_slice %arg5[%squeeze3A_696, %dma_start3A_718] : memref<1000000x32xf32, #tpu.memory_space<hbm>> -> memref<1x32xf32, #tpu.memory_space<hbm>>
      %dma_start3A_720 = tpu.memref_squeeze %dma_start3A_719 : memref<1x32xf32, #tpu.memory_space<hbm>> -> memref<32xf32, #tpu.memory_space<hbm>>
      tpu.enqueue_dma source(%dma_start3A_720 : memref<32xf32, #tpu.memory_space<hbm>>) target(%dma_start3A_717 : memref<32xf32, #tpu.memory_space<vmem>>) target_semaphore(%arg12 : memref<!tpu.dma_semaphore, #tpu.memory_space<semaphore_mem>>)
      %dma_start3A_721 = arith.constant 64 : i32
      %dma_start3A_722 = tpu.memref_slice %arg11[%add3A_692, %dma_start3A_721] : memref<512x128xf32, #tpu.memory_space<vmem>> -> memref<1x32xf32, #tpu.memory_space<vmem>>
      %dma_start3A_723 = tpu.memref_squeeze %dma_start3A_722 : memref<1x32xf32, #tpu.memory_space<vmem>> -> memref<32xf32, #tpu.memory_space<vmem>>
      %dma_start3A_724 = arith.constant 0 : i32
      %dma_start3A_725 = tpu.memref_slice %arg6[%squeeze3A_694, %dma_start3A_724] : memref<1000000x32xf32, #tpu.memory_space<hbm>> -> memref<1x32xf32, #tpu.memory_space<hbm>>
      %dma_start3A_726 = tpu.memref_squeeze %dma_start3A_725 : memref<1x32xf32, #tpu.memory_space<hbm>> -> memref<32xf32, #tpu.memory_space<hbm>>
      %dma_start3A_727 = arith.constant 64 : i32
      %dma_start3A_728 = tpu.memref_slice %arg11[%add3A_692, %dma_start3A_727] : memref<512x128xf32, #tpu.memory_space<vmem>> -> memref<1x32xf32, #tpu.memory_space<vmem>>
      %dma_start3A_729 = tpu.memref_squeeze %dma_start3A_728 : memref<1x32xf32, #tpu.memory_space<vmem>> -> memref<32xf32, #tpu.memory_space<vmem>>
      %dma_start3A_730 = arith.constant 0 : i32
      %dma_start3A_731 = tpu.memref_slice %arg6[%squeeze3A_694, %dma_start3A_730] : memref<1000000x32xf32, #tpu.memory_space<hbm>> -> memref<1x32xf32, #tpu.memory_space<hbm>>
      %dma_start3A_732 = tpu.memref_squeeze %dma_start3A_731 : memref<1x32xf32, #tpu.memory_space<hbm>> -> memref<32xf32, #tpu.memory_space<hbm>>
      tpu.enqueue_dma source(%dma_start3A_732 : memref<32xf32, #tpu.memory_space<hbm>>) target(%dma_start3A_729 : memref<32xf32, #tpu.memory_space<vmem>>) target_semaphore(%arg12 : memref<!tpu.dma_semaphore, #tpu.memory_space<semaphore_mem>>)
      %dma_start3A_733 = arith.constant 96 : i32
      %dma_start3A_734 = tpu.memref_slice %arg11[%add3A_692, %dma_start3A_733] : memref<512x128xf32, #tpu.memory_space<vmem>> -> memref<1x32xf32, #tpu.memory_space<vmem>>
      %dma_start3A_735 = tpu.memref_squeeze %dma_start3A_734 : memref<1x32xf32, #tpu.memory_space<vmem>> -> memref<32xf32, #tpu.memory_space<vmem>>
      %dma_start3A_736 = arith.constant 0 : i32
      %dma_start3A_737 = tpu.memref_slice %arg7[%squeeze3A_696, %dma_start3A_736] : memref<1000000x32xf32, #tpu.memory_space<hbm>> -> memref<1x32xf32, #tpu.memory_space<hbm>>
      %dma_start3A_738 = tpu.memref_squeeze %dma_start3A_737 : memref<1x32xf32, #tpu.memory_space<hbm>> -> memref<32xf32, #tpu.memory_space<hbm>>
      %dma_start3A_739 = arith.constant 96 : i32
      %dma_start3A_740 = tpu.memref_slice %arg11[%add3A_692, %dma_start3A_739] : memref<512x128xf32, #tpu.memory_space<vmem>> -> memref<1x32xf32, #tpu.memory_space<vmem>>
      %dma_start3A_741 = tpu.memref_squeeze %dma_start3A_740 : memref<1x32xf32, #tpu.memory_space<vmem>> -> memref<32xf32, #tpu.memory_space<vmem>>
      %dma_start3A_742 = arith.constant 0 : i32
      %dma_start3A_743 = tpu.memref_slice %arg7[%squeeze3A_696, %dma_start3A_742] : memref<1000000x32xf32, #tpu.memory_space<hbm>> -> memref<1x32xf32, #tpu.memory_space<hbm>>
      %dma_start3A_744 = tpu.memref_squeeze %dma_start3A_743 : memref<1x32xf32, #tpu.memory_space<hbm>> -> memref<32xf32, #tpu.memory_space<hbm>>
      tpu.enqueue_dma source(%dma_start3A_744 : memref<32xf32, #tpu.memory_space<hbm>>) target(%dma_start3A_741 : memref<32xf32, #tpu.memory_space<vmem>>) target_semaphore(%arg12 : memref<!tpu.dma_semaphore, #tpu.memory_space<semaphore_mem>>)
      %add3A_745 = arith.constant 0 : i32
      %add3A_746 = arith.addi %mul3A_10, %add3A_745 : i32
      %add3A_747 = arith.constant 13 : i32
      %add3A_748 = arith.addi %add3A_746, %add3A_747 : i32
      %slice3A_749 = vector.extract_strided_slice %get3A_14 {offsets = [13], sizes = [1], strides = [1]} : vector<16xi32> to vector<1xi32>
      %squeeze3A_750 = vector.extract %slice3A_749[0] : i32 from vector<1xi32>
      %slice3A_751 = vector.extract_strided_slice %get3A_19 {offsets = [13], sizes = [1], strides = [1]} : vector<16xi32> to vector<1xi32>
      %squeeze3A_752 = vector.extract %slice3A_751[0] : i32 from vector<1xi32>
      %dma_start3A_753 = arith.constant 0 : i32
      %dma_start3A_754 = tpu.memref_slice %arg11[%add3A_748, %dma_start3A_753] : memref<512x128xf32, #tpu.memory_space<vmem>> -> memref<1x32xf32, #tpu.memory_space<vmem>>
      %dma_start3A_755 = tpu.memref_squeeze %dma_start3A_754 : memref<1x32xf32, #tpu.memory_space<vmem>> -> memref<32xf32, #tpu.memory_space<vmem>>
      %dma_start3A_756 = arith.constant 0 : i32
      %dma_start3A_757 = tpu.memref_slice %arg4[%squeeze3A_750, %dma_start3A_756] : memref<1000000x32xf32, #tpu.memory_space<hbm>> -> memref<1x32xf32, #tpu.memory_space<hbm>>
      %dma_start3A_758 = tpu.memref_squeeze %dma_start3A_757 : memref<1x32xf32, #tpu.memory_space<hbm>> -> memref<32xf32, #tpu.memory_space<hbm>>
      %dma_start3A_759 = arith.constant 0 : i32
      %dma_start3A_760 = tpu.memref_slice %arg11[%add3A_748, %dma_start3A_759] : memref<512x128xf32, #tpu.memory_space<vmem>> -> memref<1x32xf32, #tpu.memory_space<vmem>>
      %dma_start3A_761 = tpu.memref_squeeze %dma_start3A_760 : memref<1x32xf32, #tpu.memory_space<vmem>> -> memref<32xf32, #tpu.memory_space<vmem>>
      %dma_start3A_762 = arith.constant 0 : i32
      %dma_start3A_763 = tpu.memref_slice %arg4[%squeeze3A_750, %dma_start3A_762] : memref<1000000x32xf32, #tpu.memory_space<hbm>> -> memref<1x32xf32, #tpu.memory_space<hbm>>
      %dma_start3A_764 = tpu.memref_squeeze %dma_start3A_763 : memref<1x32xf32, #tpu.memory_space<hbm>> -> memref<32xf32, #tpu.memory_space<hbm>>
      tpu.enqueue_dma source(%dma_start3A_764 : memref<32xf32, #tpu.memory_space<hbm>>) target(%dma_start3A_761 : memref<32xf32, #tpu.memory_space<vmem>>) target_semaphore(%arg12 : memref<!tpu.dma_semaphore, #tpu.memory_space<semaphore_mem>>)
      %dma_start3A_765 = arith.constant 32 : i32
      %dma_start3A_766 = tpu.memref_slice %arg11[%add3A_748, %dma_start3A_765] : memref<512x128xf32, #tpu.memory_space<vmem>> -> memref<1x32xf32, #tpu.memory_space<vmem>>
      %dma_start3A_767 = tpu.memref_squeeze %dma_start3A_766 : memref<1x32xf32, #tpu.memory_space<vmem>> -> memref<32xf32, #tpu.memory_space<vmem>>
      %dma_start3A_768 = arith.constant 0 : i32
      %dma_start3A_769 = tpu.memref_slice %arg5[%squeeze3A_752, %dma_start3A_768] : memref<1000000x32xf32, #tpu.memory_space<hbm>> -> memref<1x32xf32, #tpu.memory_space<hbm>>
      %dma_start3A_770 = tpu.memref_squeeze %dma_start3A_769 : memref<1x32xf32, #tpu.memory_space<hbm>> -> memref<32xf32, #tpu.memory_space<hbm>>
      %dma_start3A_771 = arith.constant 32 : i32
      %dma_start3A_772 = tpu.memref_slice %arg11[%add3A_748, %dma_start3A_771] : memref<512x128xf32, #tpu.memory_space<vmem>> -> memref<1x32xf32, #tpu.memory_space<vmem>>
      %dma_start3A_773 = tpu.memref_squeeze %dma_start3A_772 : memref<1x32xf32, #tpu.memory_space<vmem>> -> memref<32xf32, #tpu.memory_space<vmem>>
      %dma_start3A_774 = arith.constant 0 : i32
      %dma_start3A_775 = tpu.memref_slice %arg5[%squeeze3A_752, %dma_start3A_774] : memref<1000000x32xf32, #tpu.memory_space<hbm>> -> memref<1x32xf32, #tpu.memory_space<hbm>>
      %dma_start3A_776 = tpu.memref_squeeze %dma_start3A_775 : memref<1x32xf32, #tpu.memory_space<hbm>> -> memref<32xf32, #tpu.memory_space<hbm>>
      tpu.enqueue_dma source(%dma_start3A_776 : memref<32xf32, #tpu.memory_space<hbm>>) target(%dma_start3A_773 : memref<32xf32, #tpu.memory_space<vmem>>) target_semaphore(%arg12 : memref<!tpu.dma_semaphore, #tpu.memory_space<semaphore_mem>>)
      %dma_start3A_777 = arith.constant 64 : i32
      %dma_start3A_778 = tpu.memref_slice %arg11[%add3A_748, %dma_start3A_777] : memref<512x128xf32, #tpu.memory_space<vmem>> -> memref<1x32xf32, #tpu.memory_space<vmem>>
      %dma_start3A_779 = tpu.memref_squeeze %dma_start3A_778 : memref<1x32xf32, #tpu.memory_space<vmem>> -> memref<32xf32, #tpu.memory_space<vmem>>
      %dma_start3A_780 = arith.constant 0 : i32
      %dma_start3A_781 = tpu.memref_slice %arg6[%squeeze3A_750, %dma_start3A_780] : memref<1000000x32xf32, #tpu.memory_space<hbm>> -> memref<1x32xf32, #tpu.memory_space<hbm>>
      %dma_start3A_782 = tpu.memref_squeeze %dma_start3A_781 : memref<1x32xf32, #tpu.memory_space<hbm>> -> memref<32xf32, #tpu.memory_space<hbm>>
      %dma_start3A_783 = arith.constant 64 : i32
      %dma_start3A_784 = tpu.memref_slice %arg11[%add3A_748, %dma_start3A_783] : memref<512x128xf32, #tpu.memory_space<vmem>> -> memref<1x32xf32, #tpu.memory_space<vmem>>
      %dma_start3A_785 = tpu.memref_squeeze %dma_start3A_784 : memref<1x32xf32, #tpu.memory_space<vmem>> -> memref<32xf32, #tpu.memory_space<vmem>>
      %dma_start3A_786 = arith.constant 0 : i32
      %dma_start3A_787 = tpu.memref_slice %arg6[%squeeze3A_750, %dma_start3A_786] : memref<1000000x32xf32, #tpu.memory_space<hbm>> -> memref<1x32xf32, #tpu.memory_space<hbm>>
      %dma_start3A_788 = tpu.memref_squeeze %dma_start3A_787 : memref<1x32xf32, #tpu.memory_space<hbm>> -> memref<32xf32, #tpu.memory_space<hbm>>
      tpu.enqueue_dma source(%dma_start3A_788 : memref<32xf32, #tpu.memory_space<hbm>>) target(%dma_start3A_785 : memref<32xf32, #tpu.memory_space<vmem>>) target_semaphore(%arg12 : memref<!tpu.dma_semaphore, #tpu.memory_space<semaphore_mem>>)
      %dma_start3A_789 = arith.constant 96 : i32
      %dma_start3A_790 = tpu.memref_slice %arg11[%add3A_748, %dma_start3A_789] : memref<512x128xf32, #tpu.memory_space<vmem>> -> memref<1x32xf32, #tpu.memory_space<vmem>>
      %dma_start3A_791 = tpu.memref_squeeze %dma_start3A_790 : memref<1x32xf32, #tpu.memory_space<vmem>> -> memref<32xf32, #tpu.memory_space<vmem>>
      %dma_start3A_792 = arith.constant 0 : i32
      %dma_start3A_793 = tpu.memref_slice %arg7[%squeeze3A_752, %dma_start3A_792] : memref<1000000x32xf32, #tpu.memory_space<hbm>> -> memref<1x32xf32, #tpu.memory_space<hbm>>
      %dma_start3A_794 = tpu.memref_squeeze %dma_start3A_793 : memref<1x32xf32, #tpu.memory_space<hbm>> -> memref<32xf32, #tpu.memory_space<hbm>>
      %dma_start3A_795 = arith.constant 96 : i32
      %dma_start3A_796 = tpu.memref_slice %arg11[%add3A_748, %dma_start3A_795] : memref<512x128xf32, #tpu.memory_space<vmem>> -> memref<1x32xf32, #tpu.memory_space<vmem>>
      %dma_start3A_797 = tpu.memref_squeeze %dma_start3A_796 : memref<1x32xf32, #tpu.memory_space<vmem>> -> memref<32xf32, #tpu.memory_space<vmem>>
      %dma_start3A_798 = arith.constant 0 : i32
      %dma_start3A_799 = tpu.memref_slice %arg7[%squeeze3A_752, %dma_start3A_798] : memref<1000000x32xf32, #tpu.memory_space<hbm>> -> memref<1x32xf32, #tpu.memory_space<hbm>>
      %dma_start3A_800 = tpu.memref_squeeze %dma_start3A_799 : memref<1x32xf32, #tpu.memory_space<hbm>> -> memref<32xf32, #tpu.memory_space<hbm>>
      tpu.enqueue_dma source(%dma_start3A_800 : memref<32xf32, #tpu.memory_space<hbm>>) target(%dma_start3A_797 : memref<32xf32, #tpu.memory_space<vmem>>) target_semaphore(%arg12 : memref<!tpu.dma_semaphore, #tpu.memory_space<semaphore_mem>>)
      %add3A_801 = arith.constant 0 : i32
      %add3A_802 = arith.addi %mul3A_10, %add3A_801 : i32
      %add3A_803 = arith.constant 14 : i32
      %add3A_804 = arith.addi %add3A_802, %add3A_803 : i32
      %slice3A_805 = vector.extract_strided_slice %get3A_14 {offsets = [14], sizes = [1], strides = [1]} : vector<16xi32> to vector<1xi32>
      %squeeze3A_806 = vector.extract %slice3A_805[0] : i32 from vector<1xi32>
      %slice3A_807 = vector.extract_strided_slice %get3A_19 {offsets = [14], sizes = [1], strides = [1]} : vector<16xi32> to vector<1xi32>
      %squeeze3A_808 = vector.extract %slice3A_807[0] : i32 from vector<1xi32>
      %dma_start3A_809 = arith.constant 0 : i32
      %dma_start3A_810 = tpu.memref_slice %arg11[%add3A_804, %dma_start3A_809] : memref<512x128xf32, #tpu.memory_space<vmem>> -> memref<1x32xf32, #tpu.memory_space<vmem>>
      %dma_start3A_811 = tpu.memref_squeeze %dma_start3A_810 : memref<1x32xf32, #tpu.memory_space<vmem>> -> memref<32xf32, #tpu.memory_space<vmem>>
      %dma_start3A_812 = arith.constant 0 : i32
      %dma_start3A_813 = tpu.memref_slice %arg4[%squeeze3A_806, %dma_start3A_812] : memref<1000000x32xf32, #tpu.memory_space<hbm>> -> memref<1x32xf32, #tpu.memory_space<hbm>>
      %dma_start3A_814 = tpu.memref_squeeze %dma_start3A_813 : memref<1x32xf32, #tpu.memory_space<hbm>> -> memref<32xf32, #tpu.memory_space<hbm>>
      %dma_start3A_815 = arith.constant 0 : i32
      %dma_start3A_816 = tpu.memref_slice %arg11[%add3A_804, %dma_start3A_815] : memref<512x128xf32, #tpu.memory_space<vmem>> -> memref<1x32xf32, #tpu.memory_space<vmem>>
      %dma_start3A_817 = tpu.memref_squeeze %dma_start3A_816 : memref<1x32xf32, #tpu.memory_space<vmem>> -> memref<32xf32, #tpu.memory_space<vmem>>
      %dma_start3A_818 = arith.constant 0 : i32
      %dma_start3A_819 = tpu.memref_slice %arg4[%squeeze3A_806, %dma_start3A_818] : memref<1000000x32xf32, #tpu.memory_space<hbm>> -> memref<1x32xf32, #tpu.memory_space<hbm>>
      %dma_start3A_820 = tpu.memref_squeeze %dma_start3A_819 : memref<1x32xf32, #tpu.memory_space<hbm>> -> memref<32xf32, #tpu.memory_space<hbm>>
      tpu.enqueue_dma source(%dma_start3A_820 : memref<32xf32, #tpu.memory_space<hbm>>) target(%dma_start3A_817 : memref<32xf32, #tpu.memory_space<vmem>>) target_semaphore(%arg12 : memref<!tpu.dma_semaphore, #tpu.memory_space<semaphore_mem>>)
      %dma_start3A_821 = arith.constant 32 : i32
      %dma_start3A_822 = tpu.memref_slice %arg11[%add3A_804, %dma_start3A_821] : memref<512x128xf32, #tpu.memory_space<vmem>> -> memref<1x32xf32, #tpu.memory_space<vmem>>
      %dma_start3A_823 = tpu.memref_squeeze %dma_start3A_822 : memref<1x32xf32, #tpu.memory_space<vmem>> -> memref<32xf32, #tpu.memory_space<vmem>>
      %dma_start3A_824 = arith.constant 0 : i32
      %dma_start3A_825 = tpu.memref_slice %arg5[%squeeze3A_808, %dma_start3A_824] : memref<1000000x32xf32, #tpu.memory_space<hbm>> -> memref<1x32xf32, #tpu.memory_space<hbm>>
      %dma_start3A_826 = tpu.memref_squeeze %dma_start3A_825 : memref<1x32xf32, #tpu.memory_space<hbm>> -> memref<32xf32, #tpu.memory_space<hbm>>
      %dma_start3A_827 = arith.constant 32 : i32
      %dma_start3A_828 = tpu.memref_slice %arg11[%add3A_804, %dma_start3A_827] : memref<512x128xf32, #tpu.memory_space<vmem>> -> memref<1x32xf32, #tpu.memory_space<vmem>>
      %dma_start3A_829 = tpu.memref_squeeze %dma_start3A_828 : memref<1x32xf32, #tpu.memory_space<vmem>> -> memref<32xf32, #tpu.memory_space<vmem>>
      %dma_start3A_830 = arith.constant 0 : i32
      %dma_start3A_831 = tpu.memref_slice %arg5[%squeeze3A_808, %dma_start3A_830] : memref<1000000x32xf32, #tpu.memory_space<hbm>> -> memref<1x32xf32, #tpu.memory_space<hbm>>
      %dma_start3A_832 = tpu.memref_squeeze %dma_start3A_831 : memref<1x32xf32, #tpu.memory_space<hbm>> -> memref<32xf32, #tpu.memory_space<hbm>>
      tpu.enqueue_dma source(%dma_start3A_832 : memref<32xf32, #tpu.memory_space<hbm>>) target(%dma_start3A_829 : memref<32xf32, #tpu.memory_space<vmem>>) target_semaphore(%arg12 : memref<!tpu.dma_semaphore, #tpu.memory_space<semaphore_mem>>)
      %dma_start3A_833 = arith.constant 64 : i32
      %dma_start3A_834 = tpu.memref_slice %arg11[%add3A_804, %dma_start3A_833] : memref<512x128xf32, #tpu.memory_space<vmem>> -> memref<1x32xf32, #tpu.memory_space<vmem>>
      %dma_start3A_835 = tpu.memref_squeeze %dma_start3A_834 : memref<1x32xf32, #tpu.memory_space<vmem>> -> memref<32xf32, #tpu.memory_space<vmem>>
      %dma_start3A_836 = arith.constant 0 : i32
      %dma_start3A_837 = tpu.memref_slice %arg6[%squeeze3A_806, %dma_start3A_836] : memref<1000000x32xf32, #tpu.memory_space<hbm>> -> memref<1x32xf32, #tpu.memory_space<hbm>>
      %dma_start3A_838 = tpu.memref_squeeze %dma_start3A_837 : memref<1x32xf32, #tpu.memory_space<hbm>> -> memref<32xf32, #tpu.memory_space<hbm>>
      %dma_start3A_839 = arith.constant 64 : i32
      %dma_start3A_840 = tpu.memref_slice %arg11[%add3A_804, %dma_start3A_839] : memref<512x128xf32, #tpu.memory_space<vmem>> -> memref<1x32xf32, #tpu.memory_space<vmem>>
      %dma_start3A_841 = tpu.memref_squeeze %dma_start3A_840 : memref<1x32xf32, #tpu.memory_space<vmem>> -> memref<32xf32, #tpu.memory_space<vmem>>
      %dma_start3A_842 = arith.constant 0 : i32
      %dma_start3A_843 = tpu.memref_slice %arg6[%squeeze3A_806, %dma_start3A_842] : memref<1000000x32xf32, #tpu.memory_space<hbm>> -> memref<1x32xf32, #tpu.memory_space<hbm>>
      %dma_start3A_844 = tpu.memref_squeeze %dma_start3A_843 : memref<1x32xf32, #tpu.memory_space<hbm>> -> memref<32xf32, #tpu.memory_space<hbm>>
      tpu.enqueue_dma source(%dma_start3A_844 : memref<32xf32, #tpu.memory_space<hbm>>) target(%dma_start3A_841 : memref<32xf32, #tpu.memory_space<vmem>>) target_semaphore(%arg12 : memref<!tpu.dma_semaphore, #tpu.memory_space<semaphore_mem>>)
      %dma_start3A_845 = arith.constant 96 : i32
      %dma_start3A_846 = tpu.memref_slice %arg11[%add3A_804, %dma_start3A_845] : memref<512x128xf32, #tpu.memory_space<vmem>> -> memref<1x32xf32, #tpu.memory_space<vmem>>
      %dma_start3A_847 = tpu.memref_squeeze %dma_start3A_846 : memref<1x32xf32, #tpu.memory_space<vmem>> -> memref<32xf32, #tpu.memory_space<vmem>>
      %dma_start3A_848 = arith.constant 0 : i32
      %dma_start3A_849 = tpu.memref_slice %arg7[%squeeze3A_808, %dma_start3A_848] : memref<1000000x32xf32, #tpu.memory_space<hbm>> -> memref<1x32xf32, #tpu.memory_space<hbm>>
      %dma_start3A_850 = tpu.memref_squeeze %dma_start3A_849 : memref<1x32xf32, #tpu.memory_space<hbm>> -> memref<32xf32, #tpu.memory_space<hbm>>
      %dma_start3A_851 = arith.constant 96 : i32
      %dma_start3A_852 = tpu.memref_slice %arg11[%add3A_804, %dma_start3A_851] : memref<512x128xf32, #tpu.memory_space<vmem>> -> memref<1x32xf32, #tpu.memory_space<vmem>>
      %dma_start3A_853 = tpu.memref_squeeze %dma_start3A_852 : memref<1x32xf32, #tpu.memory_space<vmem>> -> memref<32xf32, #tpu.memory_space<vmem>>
      %dma_start3A_854 = arith.constant 0 : i32
      %dma_start3A_855 = tpu.memref_slice %arg7[%squeeze3A_808, %dma_start3A_854] : memref<1000000x32xf32, #tpu.memory_space<hbm>> -> memref<1x32xf32, #tpu.memory_space<hbm>>
      %dma_start3A_856 = tpu.memref_squeeze %dma_start3A_855 : memref<1x32xf32, #tpu.memory_space<hbm>> -> memref<32xf32, #tpu.memory_space<hbm>>
      tpu.enqueue_dma source(%dma_start3A_856 : memref<32xf32, #tpu.memory_space<hbm>>) target(%dma_start3A_853 : memref<32xf32, #tpu.memory_space<vmem>>) target_semaphore(%arg12 : memref<!tpu.dma_semaphore, #tpu.memory_space<semaphore_mem>>)
      %add3A_857 = arith.constant 0 : i32
      %add3A_858 = arith.addi %mul3A_10, %add3A_857 : i32
      %add3A_859 = arith.constant 15 : i32
      %add3A_860 = arith.addi %add3A_858, %add3A_859 : i32
      %slice3A_861 = vector.extract_strided_slice %get3A_14 {offsets = [15], sizes = [1], strides = [1]} : vector<16xi32> to vector<1xi32>
      %squeeze3A_862 = vector.extract %slice3A_861[0] : i32 from vector<1xi32>
      %slice3A_863 = vector.extract_strided_slice %get3A_19 {offsets = [15], sizes = [1], strides = [1]} : vector<16xi32> to vector<1xi32>
      %squeeze3A_864 = vector.extract %slice3A_863[0] : i32 from vector<1xi32>
      %dma_start3A_865 = arith.constant 0 : i32
      %dma_start3A_866 = tpu.memref_slice %arg11[%add3A_860, %dma_start3A_865] : memref<512x128xf32, #tpu.memory_space<vmem>> -> memref<1x32xf32, #tpu.memory_space<vmem>>
      %dma_start3A_867 = tpu.memref_squeeze %dma_start3A_866 : memref<1x32xf32, #tpu.memory_space<vmem>> -> memref<32xf32, #tpu.memory_space<vmem>>
      %dma_start3A_868 = arith.constant 0 : i32
      %dma_start3A_869 = tpu.memref_slice %arg4[%squeeze3A_862, %dma_start3A_868] : memref<1000000x32xf32, #tpu.memory_space<hbm>> -> memref<1x32xf32, #tpu.memory_space<hbm>>
      %dma_start3A_870 = tpu.memref_squeeze %dma_start3A_869 : memref<1x32xf32, #tpu.memory_space<hbm>> -> memref<32xf32, #tpu.memory_space<hbm>>
      %dma_start3A_871 = arith.constant 0 : i32
      %dma_start3A_872 = tpu.memref_slice %arg11[%add3A_860, %dma_start3A_871] : memref<512x128xf32, #tpu.memory_space<vmem>> -> memref<1x32xf32, #tpu.memory_space<vmem>>
      %dma_start3A_873 = tpu.memref_squeeze %dma_start3A_872 : memref<1x32xf32, #tpu.memory_space<vmem>> -> memref<32xf32, #tpu.memory_space<vmem>>
      %dma_start3A_874 = arith.constant 0 : i32
      %dma_start3A_875 = tpu.memref_slice %arg4[%squeeze3A_862, %dma_start3A_874] : memref<1000000x32xf32, #tpu.memory_space<hbm>> -> memref<1x32xf32, #tpu.memory_space<hbm>>
      %dma_start3A_876 = tpu.memref_squeeze %dma_start3A_875 : memref<1x32xf32, #tpu.memory_space<hbm>> -> memref<32xf32, #tpu.memory_space<hbm>>
      tpu.enqueue_dma source(%dma_start3A_876 : memref<32xf32, #tpu.memory_space<hbm>>) target(%dma_start3A_873 : memref<32xf32, #tpu.memory_space<vmem>>) target_semaphore(%arg12 : memref<!tpu.dma_semaphore, #tpu.memory_space<semaphore_mem>>)
      %dma_start3A_877 = arith.constant 32 : i32
      %dma_start3A_878 = tpu.memref_slice %arg11[%add3A_860, %dma_start3A_877] : memref<512x128xf32, #tpu.memory_space<vmem>> -> memref<1x32xf32, #tpu.memory_space<vmem>>
      %dma_start3A_879 = tpu.memref_squeeze %dma_start3A_878 : memref<1x32xf32, #tpu.memory_space<vmem>> -> memref<32xf32, #tpu.memory_space<vmem>>
      %dma_start3A_880 = arith.constant 0 : i32
      %dma_start3A_881 = tpu.memref_slice %arg5[%squeeze3A_864, %dma_start3A_880] : memref<1000000x32xf32, #tpu.memory_space<hbm>> -> memref<1x32xf32, #tpu.memory_space<hbm>>
      %dma_start3A_882 = tpu.memref_squeeze %dma_start3A_881 : memref<1x32xf32, #tpu.memory_space<hbm>> -> memref<32xf32, #tpu.memory_space<hbm>>
      %dma_start3A_883 = arith.constant 32 : i32
      %dma_start3A_884 = tpu.memref_slice %arg11[%add3A_860, %dma_start3A_883] : memref<512x128xf32, #tpu.memory_space<vmem>> -> memref<1x32xf32, #tpu.memory_space<vmem>>
      %dma_start3A_885 = tpu.memref_squeeze %dma_start3A_884 : memref<1x32xf32, #tpu.memory_space<vmem>> -> memref<32xf32, #tpu.memory_space<vmem>>
      %dma_start3A_886 = arith.constant 0 : i32
      %dma_start3A_887 = tpu.memref_slice %arg5[%squeeze3A_864, %dma_start3A_886] : memref<1000000x32xf32, #tpu.memory_space<hbm>> -> memref<1x32xf32, #tpu.memory_space<hbm>>
      %dma_start3A_888 = tpu.memref_squeeze %dma_start3A_887 : memref<1x32xf32, #tpu.memory_space<hbm>> -> memref<32xf32, #tpu.memory_space<hbm>>
      tpu.enqueue_dma source(%dma_start3A_888 : memref<32xf32, #tpu.memory_space<hbm>>) target(%dma_start3A_885 : memref<32xf32, #tpu.memory_space<vmem>>) target_semaphore(%arg12 : memref<!tpu.dma_semaphore, #tpu.memory_space<semaphore_mem>>)
      %dma_start3A_889 = arith.constant 64 : i32
      %dma_start3A_890 = tpu.memref_slice %arg11[%add3A_860, %dma_start3A_889] : memref<512x128xf32, #tpu.memory_space<vmem>> -> memref<1x32xf32, #tpu.memory_space<vmem>>
      %dma_start3A_891 = tpu.memref_squeeze %dma_start3A_890 : memref<1x32xf32, #tpu.memory_space<vmem>> -> memref<32xf32, #tpu.memory_space<vmem>>
      %dma_start3A_892 = arith.constant 0 : i32
      %dma_start3A_893 = tpu.memref_slice %arg6[%squeeze3A_862, %dma_start3A_892] : memref<1000000x32xf32, #tpu.memory_space<hbm>> -> memref<1x32xf32, #tpu.memory_space<hbm>>
      %dma_start3A_894 = tpu.memref_squeeze %dma_start3A_893 : memref<1x32xf32, #tpu.memory_space<hbm>> -> memref<32xf32, #tpu.memory_space<hbm>>
      %dma_start3A_895 = arith.constant 64 : i32
      %dma_start3A_896 = tpu.memref_slice %arg11[%add3A_860, %dma_start3A_895] : memref<512x128xf32, #tpu.memory_space<vmem>> -> memref<1x32xf32, #tpu.memory_space<vmem>>
      %dma_start3A_897 = tpu.memref_squeeze %dma_start3A_896 : memref<1x32xf32, #tpu.memory_space<vmem>> -> memref<32xf32, #tpu.memory_space<vmem>>
      %dma_start3A_898 = arith.constant 0 : i32
      %dma_start3A_899 = tpu.memref_slice %arg6[%squeeze3A_862, %dma_start3A_898] : memref<1000000x32xf32, #tpu.memory_space<hbm>> -> memref<1x32xf32, #tpu.memory_space<hbm>>
      %dma_start3A_900 = tpu.memref_squeeze %dma_start3A_899 : memref<1x32xf32, #tpu.memory_space<hbm>> -> memref<32xf32, #tpu.memory_space<hbm>>
      tpu.enqueue_dma source(%dma_start3A_900 : memref<32xf32, #tpu.memory_space<hbm>>) target(%dma_start3A_897 : memref<32xf32, #tpu.memory_space<vmem>>) target_semaphore(%arg12 : memref<!tpu.dma_semaphore, #tpu.memory_space<semaphore_mem>>)
      %dma_start3A_901 = arith.constant 96 : i32
      %dma_start3A_902 = tpu.memref_slice %arg11[%add3A_860, %dma_start3A_901] : memref<512x128xf32, #tpu.memory_space<vmem>> -> memref<1x32xf32, #tpu.memory_space<vmem>>
      %dma_start3A_903 = tpu.memref_squeeze %dma_start3A_902 : memref<1x32xf32, #tpu.memory_space<vmem>> -> memref<32xf32, #tpu.memory_space<vmem>>
      %dma_start3A_904 = arith.constant 0 : i32
      %dma_start3A_905 = tpu.memref_slice %arg7[%squeeze3A_864, %dma_start3A_904] : memref<1000000x32xf32, #tpu.memory_space<hbm>> -> memref<1x32xf32, #tpu.memory_space<hbm>>
      %dma_start3A_906 = tpu.memref_squeeze %dma_start3A_905 : memref<1x32xf32, #tpu.memory_space<hbm>> -> memref<32xf32, #tpu.memory_space<hbm>>
      %dma_start3A_907 = arith.constant 96 : i32
      %dma_start3A_908 = tpu.memref_slice %arg11[%add3A_860, %dma_start3A_907] : memref<512x128xf32, #tpu.memory_space<vmem>> -> memref<1x32xf32, #tpu.memory_space<vmem>>
      %dma_start3A_909 = tpu.memref_squeeze %dma_start3A_908 : memref<1x32xf32, #tpu.memory_space<vmem>> -> memref<32xf32, #tpu.memory_space<vmem>>
      %dma_start3A_910 = arith.constant 0 : i32
      %dma_start3A_911 = tpu.memref_slice %arg7[%squeeze3A_864, %dma_start3A_910] : memref<1000000x32xf32, #tpu.memory_space<hbm>> -> memref<1x32xf32, #tpu.memory_space<hbm>>
      %dma_start3A_912 = tpu.memref_squeeze %dma_start3A_911 : memref<1x32xf32, #tpu.memory_space<hbm>> -> memref<32xf32, #tpu.memory_space<hbm>>
      tpu.enqueue_dma source(%dma_start3A_912 : memref<32xf32, #tpu.memory_space<hbm>>) target(%dma_start3A_909 : memref<32xf32, #tpu.memory_space<vmem>>) target_semaphore(%arg12 : memref<!tpu.dma_semaphore, #tpu.memory_space<semaphore_mem>>)
      %add3A_913 = arith.constant 16 : i32
      %add3A_914 = arith.addi %mul3A_10, %add3A_913 : i32
      %get3A_915 = arith.index_cast %add3A_914 : i32 to index
      %get3A_916 = tpu.vector_load %arg9[%get3A_915] {strides = array<i32>} : memref<512xi32, #tpu.memory_space<vmem>>, vector<16xi32>,
      %get3A_917 = vector.shape_cast %get3A_916 : vector<16xi32> to vector<16xi32>
      %add3A_918 = arith.constant 16 : i32
      %add3A_919 = arith.addi %mul3A_10, %add3A_918 : i32
      %get3A_920 = arith.index_cast %add3A_919 : i32 to index
      %get3A_921 = tpu.vector_load %arg10[%get3A_920] {strides = array<i32>} : memref<512xi32, #tpu.memory_space<vmem>>, vector<16xi32>,
      %get3A_922 = vector.shape_cast %get3A_921 : vector<16xi32> to vector<16xi32>
      %add3A_923 = arith.constant 16 : i32
      %add3A_924 = arith.addi %mul3A_10, %add3A_923 : i32
      %add3A_925 = arith.constant 0 : i32
      %add3A_926 = arith.addi %add3A_924, %add3A_925 : i32
      %slice3A_927 = vector.extract_strided_slice %get3A_917 {offsets = [0], sizes = [1], strides = [1]} : vector<16xi32> to vector<1xi32>
      %squeeze3A_928 = vector.extract %slice3A_927[0] : i32 from vector<1xi32>
      %slice3A_929 = vector.extract_strided_slice %get3A_922 {offsets = [0], sizes = [1], strides = [1]} : vector<16xi32> to vector<1xi32>
      %squeeze3A_930 = vector.extract %slice3A_929[0] : i32 from vector<1xi32>
      %dma_start3A_931 = arith.constant 0 : i32
      %dma_start3A_932 = tpu.memref_slice %arg11[%add3A_926, %dma_start3A_931] : memref<512x128xf32, #tpu.memory_space<vmem>> -> memref<1x32xf32, #tpu.memory_space<vmem>>
      %dma_start3A_933 = tpu.memref_squeeze %dma_start3A_932 : memref<1x32xf32, #tpu.memory_space<vmem>> -> memref<32xf32, #tpu.memory_space<vmem>>
      %dma_start3A_934 = arith.constant 0 : i32
      %dma_start3A_935 = tpu.memref_slice %arg4[%squeeze3A_928, %dma_start3A_934] : memref<1000000x32xf32, #tpu.memory_space<hbm>> -> memref<1x32xf32, #tpu.memory_space<hbm>>
      %dma_start3A_936 = tpu.memref_squeeze %dma_start3A_935 : memref<1x32xf32, #tpu.memory_space<hbm>> -> memref<32xf32, #tpu.memory_space<hbm>>
      %dma_start3A_937 = arith.constant 0 : i32
      %dma_start3A_938 = tpu.memref_slice %arg11[%add3A_926, %dma_start3A_937] : memref<512x128xf32, #tpu.memory_space<vmem>> -> memref<1x32xf32, #tpu.memory_space<vmem>>
      %dma_start3A_939 = tpu.memref_squeeze %dma_start3A_938 : memref<1x32xf32, #tpu.memory_space<vmem>> -> memref<32xf32, #tpu.memory_space<vmem>>
      %dma_start3A_940 = arith.constant 0 : i32
      %dma_start3A_941 = tpu.memref_slice %arg4[%squeeze3A_928, %dma_start3A_940] : memref<1000000x32xf32, #tpu.memory_space<hbm>> -> memref<1x32xf32, #tpu.memory_space<hbm>>
      %dma_start3A_942 = tpu.memref_squeeze %dma_start3A_941 : memref<1x32xf32, #tpu.memory_space<hbm>> -> memref<32xf32, #tpu.memory_space<hbm>>
      tpu.enqueue_dma source(%dma_start3A_942 : memref<32xf32, #tpu.memory_space<hbm>>) target(%dma_start3A_939 : memref<32xf32, #tpu.memory_space<vmem>>) target_semaphore(%arg12 : memref<!tpu.dma_semaphore, #tpu.memory_space<semaphore_mem>>)
      %dma_start3A_943 = arith.constant 32 : i32
      %dma_start3A_944 = tpu.memref_slice %arg11[%add3A_926, %dma_start3A_943] : memref<512x128xf32, #tpu.memory_space<vmem>> -> memref<1x32xf32, #tpu.memory_space<vmem>>
      %dma_start3A_945 = tpu.memref_squeeze %dma_start3A_944 : memref<1x32xf32, #tpu.memory_space<vmem>> -> memref<32xf32, #tpu.memory_space<vmem>>
      %dma_start3A_946 = arith.constant 0 : i32
      %dma_start3A_947 = tpu.memref_slice %arg5[%squeeze3A_930, %dma_start3A_946] : memref<1000000x32xf32, #tpu.memory_space<hbm>> -> memref<1x32xf32, #tpu.memory_space<hbm>>
      %dma_start3A_948 = tpu.memref_squeeze %dma_start3A_947 : memref<1x32xf32, #tpu.memory_space<hbm>> -> memref<32xf32, #tpu.memory_space<hbm>>
      %dma_start3A_949 = arith.constant 32 : i32
      %dma_start3A_950 = tpu.memref_slice %arg11[%add3A_926, %dma_start3A_949] : memref<512x128xf32, #tpu.memory_space<vmem>> -> memref<1x32xf32, #tpu.memory_space<vmem>>
      %dma_start3A_951 = tpu.memref_squeeze %dma_start3A_950 : memref<1x32xf32, #tpu.memory_space<vmem>> -> memref<32xf32, #tpu.memory_space<vmem>>
      %dma_start3A_952 = arith.constant 0 : i32
      %dma_start3A_953 = tpu.memref_slice %arg5[%squeeze3A_930, %dma_start3A_952] : memref<1000000x32xf32, #tpu.memory_space<hbm>> -> memref<1x32xf32, #tpu.memory_space<hbm>>
      %dma_start3A_954 = tpu.memref_squeeze %dma_start3A_953 : memref<1x32xf32, #tpu.memory_space<hbm>> -> memref<32xf32, #tpu.memory_space<hbm>>
      tpu.enqueue_dma source(%dma_start3A_954 : memref<32xf32, #tpu.memory_space<hbm>>) target(%dma_start3A_951 : memref<32xf32, #tpu.memory_space<vmem>>) target_semaphore(%arg12 : memref<!tpu.dma_semaphore, #tpu.memory_space<semaphore_mem>>)
      %dma_start3A_955 = arith.constant 64 : i32
      %dma_start3A_956 = tpu.memref_slice %arg11[%add3A_926, %dma_start3A_955] : memref<512x128xf32, #tpu.memory_space<vmem>> -> memref<1x32xf32, #tpu.memory_space<vmem>>
      %dma_start3A_957 = tpu.memref_squeeze %dma_start3A_956 : memref<1x32xf32, #tpu.memory_space<vmem>> -> memref<32xf32, #tpu.memory_space<vmem>>
      %dma_start3A_958 = arith.constant 0 : i32
      %dma_start3A_959 = tpu.memref_slice %arg6[%squeeze3A_928, %dma_start3A_958] : memref<1000000x32xf32, #tpu.memory_space<hbm>> -> memref<1x32xf32, #tpu.memory_space<hbm>>
      %dma_start3A_960 = tpu.memref_squeeze %dma_start3A_959 : memref<1x32xf32, #tpu.memory_space<hbm>> -> memref<32xf32, #tpu.memory_space<hbm>>
      %dma_start3A_961 = arith.constant 64 : i32
      %dma_start3A_962 = tpu.memref_slice %arg11[%add3A_926, %dma_start3A_961] : memref<512x128xf32, #tpu.memory_space<vmem>> -> memref<1x32xf32, #tpu.memory_space<vmem>>
      %dma_start3A_963 = tpu.memref_squeeze %dma_start3A_962 : memref<1x32xf32, #tpu.memory_space<vmem>> -> memref<32xf32, #tpu.memory_space<vmem>>
      %dma_start3A_964 = arith.constant 0 : i32
      %dma_start3A_965 = tpu.memref_slice %arg6[%squeeze3A_928, %dma_start3A_964] : memref<1000000x32xf32, #tpu.memory_space<hbm>> -> memref<1x32xf32, #tpu.memory_space<hbm>>
      %dma_start3A_966 = tpu.memref_squeeze %dma_start3A_965 : memref<1x32xf32, #tpu.memory_space<hbm>> -> memref<32xf32, #tpu.memory_space<hbm>>
      tpu.enqueue_dma source(%dma_start3A_966 : memref<32xf32, #tpu.memory_space<hbm>>) target(%dma_start3A_963 : memref<32xf32, #tpu.memory_space<vmem>>) target_semaphore(%arg12 : memref<!tpu.dma_semaphore, #tpu.memory_space<semaphore_mem>>)
      %dma_start3A_967 = arith.constant 96 : i32
      %dma_start3A_968 = tpu.memref_slice %arg11[%add3A_926, %dma_start3A_967] : memref<512x128xf32, #tpu.memory_space<vmem>> -> memref<1x32xf32, #tpu.memory_space<vmem>>
      %dma_start3A_969 = tpu.memref_squeeze %dma_start3A_968 : memref<1x32xf32, #tpu.memory_space<vmem>> -> memref<32xf32, #tpu.memory_space<vmem>>
      %dma_start3A_970 = arith.constant 0 : i32
      %dma_start3A_971 = tpu.memref_slice %arg7[%squeeze3A_930, %dma_start3A_970] : memref<1000000x32xf32, #tpu.memory_space<hbm>> -> memref<1x32xf32, #tpu.memory_space<hbm>>
      %dma_start3A_972 = tpu.memref_squeeze %dma_start3A_971 : memref<1x32xf32, #tpu.memory_space<hbm>> -> memref<32xf32, #tpu.memory_space<hbm>>
      %dma_start3A_973 = arith.constant 96 : i32
      %dma_start3A_974 = tpu.memref_slice %arg11[%add3A_926, %dma_start3A_973] : memref<512x128xf32, #tpu.memory_space<vmem>> -> memref<1x32xf32, #tpu.memory_space<vmem>>
      %dma_start3A_975 = tpu.memref_squeeze %dma_start3A_974 : memref<1x32xf32, #tpu.memory_space<vmem>> -> memref<32xf32, #tpu.memory_space<vmem>>
      %dma_start3A_976 = arith.constant 0 : i32
      %dma_start3A_977 = tpu.memref_slice %arg7[%squeeze3A_930, %dma_start3A_976] : memref<1000000x32xf32, #tpu.memory_space<hbm>> -> memref<1x32xf32, #tpu.memory_space<hbm>>
      %dma_start3A_978 = tpu.memref_squeeze %dma_start3A_977 : memref<1x32xf32, #tpu.memory_space<hbm>> -> memref<32xf32, #tpu.memory_space<hbm>>
      tpu.enqueue_dma source(%dma_start3A_978 : memref<32xf32, #tpu.memory_space<hbm>>) target(%dma_start3A_975 : memref<32xf32, #tpu.memory_space<vmem>>) target_semaphore(%arg12 : memref<!tpu.dma_semaphore, #tpu.memory_space<semaphore_mem>>)
      %add3A_979 = arith.constant 16 : i32
      %add3A_980 = arith.addi %mul3A_10, %add3A_979 : i32
      %add3A_981 = arith.constant 1 : i32
      %add3A_982 = arith.addi %add3A_980, %add3A_981 : i32
      %slice3A_983 = vector.extract_strided_slice %get3A_917 {offsets = [1], sizes = [1], strides = [1]} : vector<16xi32> to vector<1xi32>
      %squeeze3A_984 = vector.extract %slice3A_983[0] : i32 from vector<1xi32>
      %slice3A_985 = vector.extract_strided_slice %get3A_922 {offsets = [1], sizes = [1], strides = [1]} : vector<16xi32> to vector<1xi32>
      %squeeze3A_986 = vector.extract %slice3A_985[0] : i32 from vector<1xi32>
      %dma_start3A_987 = arith.constant 0 : i32
      %dma_start3A_988 = tpu.memref_slice %arg11[%add3A_982, %dma_start3A_987] : memref<512x128xf32, #tpu.memory_space<vmem>> -> memref<1x32xf32, #tpu.memory_space<vmem>>
      %dma_start3A_989 = tpu.memref_squeeze %dma_start3A_988 : memref<1x32xf32, #tpu.memory_space<vmem>> -> memref<32xf32, #tpu.memory_space<vmem>>
      %dma_start3A_990 = arith.constant 0 : i32
      %dma_start3A_991 = tpu.memref_slice %arg4[%squeeze3A_984, %dma_start3A_990] : memref<1000000x32xf32, #tpu.memory_space<hbm>> -> memref<1x32xf32, #tpu.memory_space<hbm>>
      %dma_start3A_992 = tpu.memref_squeeze %dma_start3A_991 : memref<1x32xf32, #tpu.memory_space<hbm>> -> memref<32xf32, #tpu.memory_space<hbm>>
      %dma_start3A_993 = arith.constant 0 : i32
      %dma_start3A_994 = tpu.memref_slice %arg11[%add3A_982, %dma_start3A_993] : memref<512x128xf32, #tpu.memory_space<vmem>> -> memref<1x32xf32, #tpu.memory_space<vmem>>
      %dma_start3A_995 = tpu.memref_squeeze %dma_start3A_994 : memref<1x32xf32, #tpu.memory_space<vmem>> -> memref<32xf32, #tpu.memory_space<vmem>>
      %dma_start3A_996 = arith.constant 0 : i32
      %dma_start3A_997 = tpu.memref_slice %arg4[%squeeze3A_984, %dma_start3A_996] : memref<1000000x32xf32, #tpu.memory_space<hbm>> -> memref<1x32xf32, #tpu.memory_space<hbm>>
      %dma_start3A_998 = tpu.memref_squeeze %dma_start3A_997 : memref<1x32xf32, #tpu.memory_space<hbm>> -> memref<32xf32, #tpu.memory_space<hbm>>
      tpu.enqueue_dma source(%dma_start3A_998 : memref<32xf32, #tpu.memory_space<hbm>>) target(%dma_start3A_995 : memref<32xf32, #tpu.memory_space<vmem>>) target_semaphore(%arg12 : memref<!tpu.dma_semaphore, #tpu.memory_space<semaphore_mem>>)
      %dma_start3A_999 = arith.constant 32 : i32
      %dma_start3A_1000 = tpu.memref_slice %arg11[%add3A_982, %dma_start3A_999] : memref<512x128xf32, #tpu.memory_space<vmem>> -> memref<1x32xf32, #tpu.memory_space<vmem>>
      %dma_start3A_1001 = tpu.memref_squeeze %dma_start3A_1000 : memref<1x32xf32, #tpu.memory_space<vmem>> -> memref<32xf32, #tpu.memory_space<vmem>>
      %dma_start3A_1002 = arith.constant 0 : i32
      %dma_start3A_1003 = tpu.memref_slice %arg5[%squeeze3A_986, %dma_start3A_1002] : memref<1000000x32xf32, #tpu.memory_space<hbm>> -> memref<1x32xf32, #tpu.memory_space<hbm>>
      %dma_start3A_1004 = tpu.memref_squeeze %dma_start3A_1003 : memref<1x32xf32, #tpu.memory_space<hbm>> -> memref<32xf32, #tpu.memory_space<hbm>>
      %dma_start3A_1005 = arith.constant 32 : i32
      %dma_start3A_1006 = tpu.memref_slice %arg11[%add3A_982, %dma_start3A_1005] : memref<512x128xf32, #tpu.memory_space<vmem>> -> memref<1x32xf32, #tpu.memory_space<vmem>>
      %dma_start3A_1007 = tpu.memref_squeeze %dma_start3A_1006 : memref<1x32xf32, #tpu.memory_space<vmem>> -> memref<32xf32, #tpu.memory_space<vmem>>
      %dma_start3A_1008 = arith.constant 0 : i32
      %dma_start3A_1009 = tpu.memref_slice %arg5[%squeeze3A_986, %dma_start3A_1008] : memref<1000000x32xf32, #tpu.memory_space<hbm>> -> memref<1x32xf32, #tpu.memory_space<hbm>>
      %dma_start3A_1010 = tpu.memref_squeeze %dma_start3A_1009 : memref<1x32xf32, #tpu.memory_space<hbm>> -> memref<32xf32, #tpu.memory_space<hbm>>
      tpu.enqueue_dma source(%dma_start3A_1010 : memref<32xf32, #tpu.memory_space<hbm>>) target(%dma_start3A_1007 : memref<32xf32, #tpu.memory_space<vmem>>) target_semaphore(%arg12 : memref<!tpu.dma_semaphore, #tpu.memory_space<semaphore_mem>>)
      %dma_start3A_1011 = arith.constant 64 : i32
      %dma_start3A_1012 = tpu.memref_slice %arg11[%add3A_982, %dma_start3A_1011] : memref<512x128xf32, #tpu.memory_space<vmem>> -> memref<1x32xf32, #tpu.memory_space<vmem>>
      %dma_start3A_1013 = tpu.memref_squeeze %dma_start3A_1012 : memref<1x32xf32, #tpu.memory_space<vmem>> -> memref<32xf32, #tpu.memory_space<vmem>>
      %dma_start3A_1014 = arith.constant 0 : i32
      %dma_start3A_1015 = tpu.memref_slice %arg6[%squeeze3A_984, %dma_start3A_1014] : memref<1000000x32xf32, #tpu.memory_space<hbm>> -> memref<1x32xf32, #tpu.memory_space<hbm>>
      %dma_start3A_1016 = tpu.memref_squeeze %dma_start3A_1015 : memref<1x32xf32, #tpu.memory_space<hbm>> -> memref<32xf32, #tpu.memory_space<hbm>>
      %dma_start3A_1017 = arith.constant 64 : i32
      %dma_start3A_1018 = tpu.memref_slice %arg11[%add3A_982, %dma_start3A_1017] : memref<512x128xf32, #tpu.memory_space<vmem>> -> memref<1x32xf32, #tpu.memory_space<vmem>>
      %dma_start3A_1019 = tpu.memref_squeeze %dma_start3A_1018 : memref<1x32xf32, #tpu.memory_space<vmem>> -> memref<32xf32, #tpu.memory_space<vmem>>
      %dma_start3A_1020 = arith.constant 0 : i32
      %dma_start3A_1021 = tpu.memref_slice %arg6[%squeeze3A_984, %dma_start3A_1020] : memref<1000000x32xf32, #tpu.memory_space<hbm>> -> memref<1x32xf32, #tpu.memory_space<hbm>>
      %dma_start3A_1022 = tpu.memref_squeeze %dma_start3A_1021 : memref<1x32xf32, #tpu.memory_space<hbm>> -> memref<32xf32, #tpu.memory_space<hbm>>
      tpu.enqueue_dma source(%dma_start3A_1022 : memref<32xf32, #tpu.memory_space<hbm>>) target(%dma_start3A_1019 : memref<32xf32, #tpu.memory_space<vmem>>) target_semaphore(%arg12 : memref<!tpu.dma_semaphore, #tpu.memory_space<semaphore_mem>>)
      %dma_start3A_1023 = arith.constant 96 : i32
      %dma_start3A_1024 = tpu.memref_slice %arg11[%add3A_982, %dma_start3A_1023] : memref<512x128xf32, #tpu.memory_space<vmem>> -> memref<1x32xf32, #tpu.memory_space<vmem>>
      %dma_start3A_1025 = tpu.memref_squeeze %dma_start3A_1024 : memref<1x32xf32, #tpu.memory_space<vmem>> -> memref<32xf32, #tpu.memory_space<vmem>>
      %dma_start3A_1026 = arith.constant 0 : i32
      %dma_start3A_1027 = tpu.memref_slice %arg7[%squeeze3A_986, %dma_start3A_1026] : memref<1000000x32xf32, #tpu.memory_space<hbm>> -> memref<1x32xf32, #tpu.memory_space<hbm>>
      %dma_start3A_1028 = tpu.memref_squeeze %dma_start3A_1027 : memref<1x32xf32, #tpu.memory_space<hbm>> -> memref<32xf32, #tpu.memory_space<hbm>>
      %dma_start3A_1029 = arith.constant 96 : i32
      %dma_start3A_1030 = tpu.memref_slice %arg11[%add3A_982, %dma_start3A_1029] : memref<512x128xf32, #tpu.memory_space<vmem>> -> memref<1x32xf32, #tpu.memory_space<vmem>>
      %dma_start3A_1031 = tpu.memref_squeeze %dma_start3A_1030 : memref<1x32xf32, #tpu.memory_space<vmem>> -> memref<32xf32, #tpu.memory_space<vmem>>
      %dma_start3A_1032 = arith.constant 0 : i32
      %dma_start3A_1033 = tpu.memref_slice %arg7[%squeeze3A_986, %dma_start3A_1032] : memref<1000000x32xf32, #tpu.memory_space<hbm>> -> memref<1x32xf32, #tpu.memory_space<hbm>>
      %dma_start3A_1034 = tpu.memref_squeeze %dma_start3A_1033 : memref<1x32xf32, #tpu.memory_space<hbm>> -> memref<32xf32, #tpu.memory_space<hbm>>
      tpu.enqueue_dma source(%dma_start3A_1034 : memref<32xf32, #tpu.memory_space<hbm>>) target(%dma_start3A_1031 : memref<32xf32, #tpu.memory_space<vmem>>) target_semaphore(%arg12 : memref<!tpu.dma_semaphore, #tpu.memory_space<semaphore_mem>>)
      %add3A_1035 = arith.constant 16 : i32
      %add3A_1036 = arith.addi %mul3A_10, %add3A_1035 : i32
      %add3A_1037 = arith.constant 2 : i32
      %add3A_1038 = arith.addi %add3A_1036, %add3A_1037 : i32
      %slice3A_1039 = vector.extract_strided_slice %get3A_917 {offsets = [2], sizes = [1], strides = [1]} : vector<16xi32> to vector<1xi32>
      %squeeze3A_1040 = vector.extract %slice3A_1039[0] : i32 from vector<1xi32>
      %slice3A_1041 = vector.extract_strided_slice %get3A_922 {offsets = [2], sizes = [1], strides = [1]} : vector<16xi32> to vector<1xi32>
      %squeeze3A_1042 = vector.extract %slice3A_1041[0] : i32 from vector<1xi32>
      %dma_start3A_1043 = arith.constant 0 : i32
      %dma_start3A_1044 = tpu.memref_slice %arg11[%add3A_1038, %dma_start3A_1043] : memref<512x128xf32, #tpu.memory_space<vmem>> -> memref<1x32xf32, #tpu.memory_space<vmem>>
      %dma_start3A_1045 = tpu.memref_squeeze %dma_start3A_1044 : memref<1x32xf32, #tpu.memory_space<vmem>> -> memref<32xf32, #tpu.memory_space<vmem>>
      %dma_start3A_1046 = arith.constant 0 : i32
      %dma_start3A_1047 = tpu.memref_slice %arg4[%squeeze3A_1040, %dma_start3A_1046] : memref<1000000x32xf32, #tpu.memory_space<hbm>> -> memref<1x32xf32, #tpu.memory_space<hbm>>
      %dma_start3A_1048 = tpu.memref_squeeze %dma_start3A_1047 : memref<1x32xf32, #tpu.memory_space<hbm>> -> memref<32xf32, #tpu.memory_space<hbm>>
      %dma_start3A_1049 = arith.constant 0 : i32
      %dma_start3A_1050 = tpu.memref_slice %arg11[%add3A_1038, %dma_start3A_1049] : memref<512x128xf32, #tpu.memory_space<vmem>> -> memref<1x32xf32, #tpu.memory_space<vmem>>
      %dma_start3A_1051 = tpu.memref_squeeze %dma_start3A_1050 : memref<1x32xf32, #tpu.memory_space<vmem>> -> memref<32xf32, #tpu.memory_space<vmem>>
      %dma_start3A_1052 = arith.constant 0 : i32
      %dma_start3A_1053 = tpu.memref_slice %arg4[%squeeze3A_1040, %dma_start3A_1052] : memref<1000000x32xf32, #tpu.memory_space<hbm>> -> memref<1x32xf32, #tpu.memory_space<hbm>>
      %dma_start3A_1054 = tpu.memref_squeeze %dma_start3A_1053 : memref<1x32xf32, #tpu.memory_space<hbm>> -> memref<32xf32, #tpu.memory_space<hbm>>
      tpu.enqueue_dma source(%dma_start3A_1054 : memref<32xf32, #tpu.memory_space<hbm>>) target(%dma_start3A_1051 : memref<32xf32, #tpu.memory_space<vmem>>) target_semaphore(%arg12 : memref<!tpu.dma_semaphore, #tpu.memory_space<semaphore_mem>>)
      %dma_start3A_1055 = arith.constant 32 : i32
      %dma_start3A_1056 = tpu.memref_slice %arg11[%add3A_1038, %dma_start3A_1055] : memref<512x128xf32, #tpu.memory_space<vmem>> -> memref<1x32xf32, #tpu.memory_space<vmem>>
      %dma_start3A_1057 = tpu.memref_squeeze %dma_start3A_1056 : memref<1x32xf32, #tpu.memory_space<vmem>> -> memref<32xf32, #tpu.memory_space<vmem>>
      %dma_start3A_1058 = arith.constant 0 : i32
      %dma_start3A_1059 = tpu.memref_slice %arg5[%squeeze3A_1042, %dma_start3A_1058] : memref<1000000x32xf32, #tpu.memory_space<hbm>> -> memref<1x32xf32, #tpu.memory_space<hbm>>
      %dma_start3A_1060 = tpu.memref_squeeze %dma_start3A_1059 : memref<1x32xf32, #tpu.memory_space<hbm>> -> memref<32xf32, #tpu.memory_space<hbm>>
      %dma_start3A_1061 = arith.constant 32 : i32
      %dma_start3A_1062 = tpu.memref_slice %arg11[%add3A_1038, %dma_start3A_1061] : memref<512x128xf32, #tpu.memory_space<vmem>> -> memref<1x32xf32, #tpu.memory_space<vmem>>
      %dma_start3A_1063 = tpu.memref_squeeze %dma_start3A_1062 : memref<1x32xf32, #tpu.memory_space<vmem>> -> memref<32xf32, #tpu.memory_space<vmem>>
      %dma_start3A_1064 = arith.constant 0 : i32
      %dma_start3A_1065 = tpu.memref_slice %arg5[%squeeze3A_1042, %dma_start3A_1064] : memref<1000000x32xf32, #tpu.memory_space<hbm>> -> memref<1x32xf32, #tpu.memory_space<hbm>>
      %dma_start3A_1066 = tpu.memref_squeeze %dma_start3A_1065 : memref<1x32xf32, #tpu.memory_space<hbm>> -> memref<32xf32, #tpu.memory_space<hbm>>
      tpu.enqueue_dma source(%dma_start3A_1066 : memref<32xf32, #tpu.memory_space<hbm>>) target(%dma_start3A_1063 : memref<32xf32, #tpu.memory_space<vmem>>) target_semaphore(%arg12 : memref<!tpu.dma_semaphore, #tpu.memory_space<semaphore_mem>>)
      %dma_start3A_1067 = arith.constant 64 : i32
      %dma_start3A_1068 = tpu.memref_slice %arg11[%add3A_1038, %dma_start3A_1067] : memref<512x128xf32, #tpu.memory_space<vmem>> -> memref<1x32xf32, #tpu.memory_space<vmem>>
      %dma_start3A_1069 = tpu.memref_squeeze %dma_start3A_1068 : memref<1x32xf32, #tpu.memory_space<vmem>> -> memref<32xf32, #tpu.memory_space<vmem>>
      %dma_start3A_1070 = arith.constant 0 : i32
      %dma_start3A_1071 = tpu.memref_slice %arg6[%squeeze3A_1040, %dma_start3A_1070] : memref<1000000x32xf32, #tpu.memory_space<hbm>> -> memref<1x32xf32, #tpu.memory_space<hbm>>
      %dma_start3A_1072 = tpu.memref_squeeze %dma_start3A_1071 : memref<1x32xf32, #tpu.memory_space<hbm>> -> memref<32xf32, #tpu.memory_space<hbm>>
      %dma_start3A_1073 = arith.constant 64 : i32
      %dma_start3A_1074 = tpu.memref_slice %arg11[%add3A_1038, %dma_start3A_1073] : memref<512x128xf32, #tpu.memory_space<vmem>> -> memref<1x32xf32, #tpu.memory_space<vmem>>
      %dma_start3A_1075 = tpu.memref_squeeze %dma_start3A_1074 : memref<1x32xf32, #tpu.memory_space<vmem>> -> memref<32xf32, #tpu.memory_space<vmem>>
      %dma_start3A_1076 = arith.constant 0 : i32
      %dma_start3A_1077 = tpu.memref_slice %arg6[%squeeze3A_1040, %dma_start3A_1076] : memref<1000000x32xf32, #tpu.memory_space<hbm>> -> memref<1x32xf32, #tpu.memory_space<hbm>>
      %dma_start3A_1078 = tpu.memref_squeeze %dma_start3A_1077 : memref<1x32xf32, #tpu.memory_space<hbm>> -> memref<32xf32, #tpu.memory_space<hbm>>
      tpu.enqueue_dma source(%dma_start3A_1078 : memref<32xf32, #tpu.memory_space<hbm>>) target(%dma_start3A_1075 : memref<32xf32, #tpu.memory_space<vmem>>) target_semaphore(%arg12 : memref<!tpu.dma_semaphore, #tpu.memory_space<semaphore_mem>>)
      %dma_start3A_1079 = arith.constant 96 : i32
      %dma_start3A_1080 = tpu.memref_slice %arg11[%add3A_1038, %dma_start3A_1079] : memref<512x128xf32, #tpu.memory_space<vmem>> -> memref<1x32xf32, #tpu.memory_space<vmem>>
      %dma_start3A_1081 = tpu.memref_squeeze %dma_start3A_1080 : memref<1x32xf32, #tpu.memory_space<vmem>> -> memref<32xf32, #tpu.memory_space<vmem>>
      %dma_start3A_1082 = arith.constant 0 : i32
      %dma_start3A_1083 = tpu.memref_slice %arg7[%squeeze3A_1042, %dma_start3A_1082] : memref<1000000x32xf32, #tpu.memory_space<hbm>> -> memref<1x32xf32, #tpu.memory_space<hbm>>
      %dma_start3A_1084 = tpu.memref_squeeze %dma_start3A_1083 : memref<1x32xf32, #tpu.memory_space<hbm>> -> memref<32xf32, #tpu.memory_space<hbm>>
      %dma_start3A_1085 = arith.constant 96 : i32
      %dma_start3A_1086 = tpu.memref_slice %arg11[%add3A_1038, %dma_start3A_1085] : memref<512x128xf32, #tpu.memory_space<vmem>> -> memref<1x32xf32, #tpu.memory_space<vmem>>
      %dma_start3A_1087 = tpu.memref_squeeze %dma_start3A_1086 : memref<1x32xf32, #tpu.memory_space<vmem>> -> memref<32xf32, #tpu.memory_space<vmem>>
      %dma_start3A_1088 = arith.constant 0 : i32
      %dma_start3A_1089 = tpu.memref_slice %arg7[%squeeze3A_1042, %dma_start3A_1088] : memref<1000000x32xf32, #tpu.memory_space<hbm>> -> memref<1x32xf32, #tpu.memory_space<hbm>>
      %dma_start3A_1090 = tpu.memref_squeeze %dma_start3A_1089 : memref<1x32xf32, #tpu.memory_space<hbm>> -> memref<32xf32, #tpu.memory_space<hbm>>
      tpu.enqueue_dma source(%dma_start3A_1090 : memref<32xf32, #tpu.memory_space<hbm>>) target(%dma_start3A_1087 : memref<32xf32, #tpu.memory_space<vmem>>) target_semaphore(%arg12 : memref<!tpu.dma_semaphore, #tpu.memory_space<semaphore_mem>>)
      %add3A_1091 = arith.constant 16 : i32
      %add3A_1092 = arith.addi %mul3A_10, %add3A_1091 : i32
      %add3A_1093 = arith.constant 3 : i32
      %add3A_1094 = arith.addi %add3A_1092, %add3A_1093 : i32
      %slice3A_1095 = vector.extract_strided_slice %get3A_917 {offsets = [3], sizes = [1], strides = [1]} : vector<16xi32> to vector<1xi32>
      %squeeze3A_1096 = vector.extract %slice3A_1095[0] : i32 from vector<1xi32>
      %slice3A_1097 = vector.extract_strided_slice %get3A_922 {offsets = [3], sizes = [1], strides = [1]} : vector<16xi32> to vector<1xi32>
      %squeeze3A_1098 = vector.extract %slice3A_1097[0] : i32 from vector<1xi32>
      %dma_start3A_1099 = arith.constant 0 : i32
      %dma_start3A_1100 = tpu.memref_slice %arg11[%add3A_1094, %dma_start3A_1099] : memref<512x128xf32, #tpu.memory_space<vmem>> -> memref<1x32xf32, #tpu.memory_space<vmem>>
      %dma_start3A_1101 = tpu.memref_squeeze %dma_start3A_1100 : memref<1x32xf32, #tpu.memory_space<vmem>> -> memref<32xf32, #tpu.memory_space<vmem>>
      %dma_start3A_1102 = arith.constant 0 : i32
      %dma_start3A_1103 = tpu.memref_slice %arg4[%squeeze3A_1096, %dma_start3A_1102] : memref<1000000x32xf32, #tpu.memory_space<hbm>> -> memref<1x32xf32, #tpu.memory_space<hbm>>
      %dma_start3A_1104 = tpu.memref_squeeze %dma_start3A_1103 : memref<1x32xf32, #tpu.memory_space<hbm>> -> memref<32xf32, #tpu.memory_space<hbm>>
      %dma_start3A_1105 = arith.constant 0 : i32
      %dma_start3A_1106 = tpu.memref_slice %arg11[%add3A_1094, %dma_start3A_1105] : memref<512x128xf32, #tpu.memory_space<vmem>> -> memref<1x32xf32, #tpu.memory_space<vmem>>
      %dma_start3A_1107 = tpu.memref_squeeze %dma_start3A_1106 : memref<1x32xf32, #tpu.memory_space<vmem>> -> memref<32xf32, #tpu.memory_space<vmem>>
      %dma_start3A_1108 = arith.constant 0 : i32
      %dma_start3A_1109 = tpu.memref_slice %arg4[%squeeze3A_1096, %dma_start3A_1108] : memref<1000000x32xf32, #tpu.memory_space<hbm>> -> memref<1x32xf32, #tpu.memory_space<hbm>>
      %dma_start3A_1110 = tpu.memref_squeeze %dma_start3A_1109 : memref<1x32xf32, #tpu.memory_space<hbm>> -> memref<32xf32, #tpu.memory_space<hbm>>
      tpu.enqueue_dma source(%dma_start3A_1110 : memref<32xf32, #tpu.memory_space<hbm>>) target(%dma_start3A_1107 : memref<32xf32, #tpu.memory_space<vmem>>) target_semaphore(%arg12 : memref<!tpu.dma_semaphore, #tpu.memory_space<semaphore_mem>>)
      %dma_start3A_1111 = arith.constant 32 : i32
      %dma_start3A_1112 = tpu.memref_slice %arg11[%add3A_1094, %dma_start3A_1111] : memref<512x128xf32, #tpu.memory_space<vmem>> -> memref<1x32xf32, #tpu.memory_space<vmem>>
      %dma_start3A_1113 = tpu.memref_squeeze %dma_start3A_1112 : memref<1x32xf32, #tpu.memory_space<vmem>> -> memref<32xf32, #tpu.memory_space<vmem>>
      %dma_start3A_1114 = arith.constant 0 : i32
      %dma_start3A_1115 = tpu.memref_slice %arg5[%squeeze3A_1098, %dma_start3A_1114] : memref<1000000x32xf32, #tpu.memory_space<hbm>> -> memref<1x32xf32, #tpu.memory_space<hbm>>
      %dma_start3A_1116 = tpu.memref_squeeze %dma_start3A_1115 : memref<1x32xf32, #tpu.memory_space<hbm>> -> memref<32xf32, #tpu.memory_space<hbm>>
      %dma_start3A_1117 = arith.constant 32 : i32
      %dma_start3A_1118 = tpu.memref_slice %arg11[%add3A_1094, %dma_start3A_1117] : memref<512x128xf32, #tpu.memory_space<vmem>> -> memref<1x32xf32, #tpu.memory_space<vmem>>
      %dma_start3A_1119 = tpu.memref_squeeze %dma_start3A_1118 : memref<1x32xf32, #tpu.memory_space<vmem>> -> memref<32xf32, #tpu.memory_space<vmem>>
      %dma_start3A_1120 = arith.constant 0 : i32
      %dma_start3A_1121 = tpu.memref_slice %arg5[%squeeze3A_1098, %dma_start3A_1120] : memref<1000000x32xf32, #tpu.memory_space<hbm>> -> memref<1x32xf32, #tpu.memory_space<hbm>>
      %dma_start3A_1122 = tpu.memref_squeeze %dma_start3A_1121 : memref<1x32xf32, #tpu.memory_space<hbm>> -> memref<32xf32, #tpu.memory_space<hbm>>
      tpu.enqueue_dma source(%dma_start3A_1122 : memref<32xf32, #tpu.memory_space<hbm>>) target(%dma_start3A_1119 : memref<32xf32, #tpu.memory_space<vmem>>) target_semaphore(%arg12 : memref<!tpu.dma_semaphore, #tpu.memory_space<semaphore_mem>>)
      %dma_start3A_1123 = arith.constant 64 : i32
      %dma_start3A_1124 = tpu.memref_slice %arg11[%add3A_1094, %dma_start3A_1123] : memref<512x128xf32, #tpu.memory_space<vmem>> -> memref<1x32xf32, #tpu.memory_space<vmem>>
      %dma_start3A_1125 = tpu.memref_squeeze %dma_start3A_1124 : memref<1x32xf32, #tpu.memory_space<vmem>> -> memref<32xf32, #tpu.memory_space<vmem>>
      %dma_start3A_1126 = arith.constant 0 : i32
      %dma_start3A_1127 = tpu.memref_slice %arg6[%squeeze3A_1096, %dma_start3A_1126] : memref<1000000x32xf32, #tpu.memory_space<hbm>> -> memref<1x32xf32, #tpu.memory_space<hbm>>
      %dma_start3A_1128 = tpu.memref_squeeze %dma_start3A_1127 : memref<1x32xf32, #tpu.memory_space<hbm>> -> memref<32xf32, #tpu.memory_space<hbm>>
      %dma_start3A_1129 = arith.constant 64 : i32
      %dma_start3A_1130 = tpu.memref_slice %arg11[%add3A_1094, %dma_start3A_1129] : memref<512x128xf32, #tpu.memory_space<vmem>> -> memref<1x32xf32, #tpu.memory_space<vmem>>
      %dma_start3A_1131 = tpu.memref_squeeze %dma_start3A_1130 : memref<1x32xf32, #tpu.memory_space<vmem>> -> memref<32xf32, #tpu.memory_space<vmem>>
      %dma_start3A_1132 = arith.constant 0 : i32
      %dma_start3A_1133 = tpu.memref_slice %arg6[%squeeze3A_1096, %dma_start3A_1132] : memref<1000000x32xf32, #tpu.memory_space<hbm>> -> memref<1x32xf32, #tpu.memory_space<hbm>>
      %dma_start3A_1134 = tpu.memref_squeeze %dma_start3A_1133 : memref<1x32xf32, #tpu.memory_space<hbm>> -> memref<32xf32, #tpu.memory_space<hbm>>
      tpu.enqueue_dma source(%dma_start3A_1134 : memref<32xf32, #tpu.memory_space<hbm>>) target(%dma_start3A_1131 : memref<32xf32, #tpu.memory_space<vmem>>) target_semaphore(%arg12 : memref<!tpu.dma_semaphore, #tpu.memory_space<semaphore_mem>>)
      %dma_start3A_1135 = arith.constant 96 : i32
      %dma_start3A_1136 = tpu.memref_slice %arg11[%add3A_1094, %dma_start3A_1135] : memref<512x128xf32, #tpu.memory_space<vmem>> -> memref<1x32xf32, #tpu.memory_space<vmem>>
      %dma_start3A_1137 = tpu.memref_squeeze %dma_start3A_1136 : memref<1x32xf32, #tpu.memory_space<vmem>> -> memref<32xf32, #tpu.memory_space<vmem>>
      %dma_start3A_1138 = arith.constant 0 : i32
      %dma_start3A_1139 = tpu.memref_slice %arg7[%squeeze3A_1098, %dma_start3A_1138] : memref<1000000x32xf32, #tpu.memory_space<hbm>> -> memref<1x32xf32, #tpu.memory_space<hbm>>
      %dma_start3A_1140 = tpu.memref_squeeze %dma_start3A_1139 : memref<1x32xf32, #tpu.memory_space<hbm>> -> memref<32xf32, #tpu.memory_space<hbm>>
      %dma_start3A_1141 = arith.constant 96 : i32
      %dma_start3A_1142 = tpu.memref_slice %arg11[%add3A_1094, %dma_start3A_1141] : memref<512x128xf32, #tpu.memory_space<vmem>> -> memref<1x32xf32, #tpu.memory_space<vmem>>
      %dma_start3A_1143 = tpu.memref_squeeze %dma_start3A_1142 : memref<1x32xf32, #tpu.memory_space<vmem>> -> memref<32xf32, #tpu.memory_space<vmem>>
      %dma_start3A_1144 = arith.constant 0 : i32
      %dma_start3A_1145 = tpu.memref_slice %arg7[%squeeze3A_1098, %dma_start3A_1144] : memref<1000000x32xf32, #tpu.memory_space<hbm>> -> memref<1x32xf32, #tpu.memory_space<hbm>>
      %dma_start3A_1146 = tpu.memref_squeeze %dma_start3A_1145 : memref<1x32xf32, #tpu.memory_space<hbm>> -> memref<32xf32, #tpu.memory_space<hbm>>
      tpu.enqueue_dma source(%dma_start3A_1146 : memref<32xf32, #tpu.memory_space<hbm>>) target(%dma_start3A_1143 : memref<32xf32, #tpu.memory_space<vmem>>) target_semaphore(%arg12 : memref<!tpu.dma_semaphore, #tpu.memory_space<semaphore_mem>>)
      %add3A_1147 = arith.constant 16 : i32
      %add3A_1148 = arith.addi %mul3A_10, %add3A_1147 : i32
      %add3A_1149 = arith.constant 4 : i32
      %add3A_1150 = arith.addi %add3A_1148, %add3A_1149 : i32
      %slice3A_1151 = vector.extract_strided_slice %get3A_917 {offsets = [4], sizes = [1], strides = [1]} : vector<16xi32> to vector<1xi32>
      %squeeze3A_1152 = vector.extract %slice3A_1151[0] : i32 from vector<1xi32>
      %slice3A_1153 = vector.extract_strided_slice %get3A_922 {offsets = [4], sizes = [1], strides = [1]} : vector<16xi32> to vector<1xi32>
      %squeeze3A_1154 = vector.extract %slice3A_1153[0] : i32 from vector<1xi32>
      %dma_start3A_1155 = arith.constant 0 : i32
      %dma_start3A_1156 = tpu.memref_slice %arg11[%add3A_1150, %dma_start3A_1155] : memref<512x128xf32, #tpu.memory_space<vmem>> -> memref<1x32xf32, #tpu.memory_space<vmem>>
      %dma_start3A_1157 = tpu.memref_squeeze %dma_start3A_1156 : memref<1x32xf32, #tpu.memory_space<vmem>> -> memref<32xf32, #tpu.memory_space<vmem>>
      %dma_start3A_1158 = arith.constant 0 : i32
      %dma_start3A_1159 = tpu.memref_slice %arg4[%squeeze3A_1152, %dma_start3A_1158] : memref<1000000x32xf32, #tpu.memory_space<hbm>> -> memref<1x32xf32, #tpu.memory_space<hbm>>
      %dma_start3A_1160 = tpu.memref_squeeze %dma_start3A_1159 : memref<1x32xf32, #tpu.memory_space<hbm>> -> memref<32xf32, #tpu.memory_space<hbm>>
      %dma_start3A_1161 = arith.constant 0 : i32
      %dma_start3A_1162 = tpu.memref_slice %arg11[%add3A_1150, %dma_start3A_1161] : memref<512x128xf32, #tpu.memory_space<vmem>> -> memref<1x32xf32, #tpu.memory_space<vmem>>
      %dma_start3A_1163 = tpu.memref_squeeze %dma_start3A_1162 : memref<1x32xf32, #tpu.memory_space<vmem>> -> memref<32xf32, #tpu.memory_space<vmem>>
      %dma_start3A_1164 = arith.constant 0 : i32
      %dma_start3A_1165 = tpu.memref_slice %arg4[%squeeze3A_1152, %dma_start3A_1164] : memref<1000000x32xf32, #tpu.memory_space<hbm>> -> memref<1x32xf32, #tpu.memory_space<hbm>>
      %dma_start3A_1166 = tpu.memref_squeeze %dma_start3A_1165 : memref<1x32xf32, #tpu.memory_space<hbm>> -> memref<32xf32, #tpu.memory_space<hbm>>
      tpu.enqueue_dma source(%dma_start3A_1166 : memref<32xf32, #tpu.memory_space<hbm>>) target(%dma_start3A_1163 : memref<32xf32, #tpu.memory_space<vmem>>) target_semaphore(%arg12 : memref<!tpu.dma_semaphore, #tpu.memory_space<semaphore_mem>>)
      %dma_start3A_1167 = arith.constant 32 : i32
      %dma_start3A_1168 = tpu.memref_slice %arg11[%add3A_1150, %dma_start3A_1167] : memref<512x128xf32, #tpu.memory_space<vmem>> -> memref<1x32xf32, #tpu.memory_space<vmem>>
      %dma_start3A_1169 = tpu.memref_squeeze %dma_start3A_1168 : memref<1x32xf32, #tpu.memory_space<vmem>> -> memref<32xf32, #tpu.memory_space<vmem>>
      %dma_start3A_1170 = arith.constant 0 : i32
      %dma_start3A_1171 = tpu.memref_slice %arg5[%squeeze3A_1154, %dma_start3A_1170] : memref<1000000x32xf32, #tpu.memory_space<hbm>> -> memref<1x32xf32, #tpu.memory_space<hbm>>
      %dma_start3A_1172 = tpu.memref_squeeze %dma_start3A_1171 : memref<1x32xf32, #tpu.memory_space<hbm>> -> memref<32xf32, #tpu.memory_space<hbm>>
      %dma_start3A_1173 = arith.constant 32 : i32
      %dma_start3A_1174 = tpu.memref_slice %arg11[%add3A_1150, %dma_start3A_1173] : memref<512x128xf32, #tpu.memory_space<vmem>> -> memref<1x32xf32, #tpu.memory_space<vmem>>
      %dma_start3A_1175 = tpu.memref_squeeze %dma_start3A_1174 : memref<1x32xf32, #tpu.memory_space<vmem>> -> memref<32xf32, #tpu.memory_space<vmem>>
      %dma_start3A_1176 = arith.constant 0 : i32
      %dma_start3A_1177 = tpu.memref_slice %arg5[%squeeze3A_1154, %dma_start3A_1176] : memref<1000000x32xf32, #tpu.memory_space<hbm>> -> memref<1x32xf32, #tpu.memory_space<hbm>>
      %dma_start3A_1178 = tpu.memref_squeeze %dma_start3A_1177 : memref<1x32xf32, #tpu.memory_space<hbm>> -> memref<32xf32, #tpu.memory_space<hbm>>
      tpu.enqueue_dma source(%dma_start3A_1178 : memref<32xf32, #tpu.memory_space<hbm>>) target(%dma_start3A_1175 : memref<32xf32, #tpu.memory_space<vmem>>) target_semaphore(%arg12 : memref<!tpu.dma_semaphore, #tpu.memory_space<semaphore_mem>>)
      %dma_start3A_1179 = arith.constant 64 : i32
      %dma_start3A_1180 = tpu.memref_slice %arg11[%add3A_1150, %dma_start3A_1179] : memref<512x128xf32, #tpu.memory_space<vmem>> -> memref<1x32xf32, #tpu.memory_space<vmem>>
      %dma_start3A_1181 = tpu.memref_squeeze %dma_start3A_1180 : memref<1x32xf32, #tpu.memory_space<vmem>> -> memref<32xf32, #tpu.memory_space<vmem>>
      %dma_start3A_1182 = arith.constant 0 : i32
      %dma_start3A_1183 = tpu.memref_slice %arg6[%squeeze3A_1152, %dma_start3A_1182] : memref<1000000x32xf32, #tpu.memory_space<hbm>> -> memref<1x32xf32, #tpu.memory_space<hbm>>
      %dma_start3A_1184 = tpu.memref_squeeze %dma_start3A_1183 : memref<1x32xf32, #tpu.memory_space<hbm>> -> memref<32xf32, #tpu.memory_space<hbm>>
      %dma_start3A_1185 = arith.constant 64 : i32
      %dma_start3A_1186 = tpu.memref_slice %arg11[%add3A_1150, %dma_start3A_1185] : memref<512x128xf32, #tpu.memory_space<vmem>> -> memref<1x32xf32, #tpu.memory_space<vmem>>
      %dma_start3A_1187 = tpu.memref_squeeze %dma_start3A_1186 : memref<1x32xf32, #tpu.memory_space<vmem>> -> memref<32xf32, #tpu.memory_space<vmem>>
      %dma_start3A_1188 = arith.constant 0 : i32
      %dma_start3A_1189 = tpu.memref_slice %arg6[%squeeze3A_1152, %dma_start3A_1188] : memref<1000000x32xf32, #tpu.memory_space<hbm>> -> memref<1x32xf32, #tpu.memory_space<hbm>>
      %dma_start3A_1190 = tpu.memref_squeeze %dma_start3A_1189 : memref<1x32xf32, #tpu.memory_space<hbm>> -> memref<32xf32, #tpu.memory_space<hbm>>
      tpu.enqueue_dma source(%dma_start3A_1190 : memref<32xf32, #tpu.memory_space<hbm>>) target(%dma_start3A_1187 : memref<32xf32, #tpu.memory_space<vmem>>) target_semaphore(%arg12 : memref<!tpu.dma_semaphore, #tpu.memory_space<semaphore_mem>>)
      %dma_start3A_1191 = arith.constant 96 : i32
      %dma_start3A_1192 = tpu.memref_slice %arg11[%add3A_1150, %dma_start3A_1191] : memref<512x128xf32, #tpu.memory_space<vmem>> -> memref<1x32xf32, #tpu.memory_space<vmem>>
      %dma_start3A_1193 = tpu.memref_squeeze %dma_start3A_1192 : memref<1x32xf32, #tpu.memory_space<vmem>> -> memref<32xf32, #tpu.memory_space<vmem>>
      %dma_start3A_1194 = arith.constant 0 : i32
      %dma_start3A_1195 = tpu.memref_slice %arg7[%squeeze3A_1154, %dma_start3A_1194] : memref<1000000x32xf32, #tpu.memory_space<hbm>> -> memref<1x32xf32, #tpu.memory_space<hbm>>
      %dma_start3A_1196 = tpu.memref_squeeze %dma_start3A_1195 : memref<1x32xf32, #tpu.memory_space<hbm>> -> memref<32xf32, #tpu.memory_space<hbm>>
      %dma_start3A_1197 = arith.constant 96 : i32
      %dma_start3A_1198 = tpu.memref_slice %arg11[%add3A_1150, %dma_start3A_1197] : memref<512x128xf32, #tpu.memory_space<vmem>> -> memref<1x32xf32, #tpu.memory_space<vmem>>
      %dma_start3A_1199 = tpu.memref_squeeze %dma_start3A_1198 : memref<1x32xf32, #tpu.memory_space<vmem>> -> memref<32xf32, #tpu.memory_space<vmem>>
      %dma_start3A_1200 = arith.constant 0 : i32
      %dma_start3A_1201 = tpu.memref_slice %arg7[%squeeze3A_1154, %dma_start3A_1200] : memref<1000000x32xf32, #tpu.memory_space<hbm>> -> memref<1x32xf32, #tpu.memory_space<hbm>>
      %dma_start3A_1202 = tpu.memref_squeeze %dma_start3A_1201 : memref<1x32xf32, #tpu.memory_space<hbm>> -> memref<32xf32, #tpu.memory_space<hbm>>
      tpu.enqueue_dma source(%dma_start3A_1202 : memref<32xf32, #tpu.memory_space<hbm>>) target(%dma_start3A_1199 : memref<32xf32, #tpu.memory_space<vmem>>) target_semaphore(%arg12 : memref<!tpu.dma_semaphore, #tpu.memory_space<semaphore_mem>>)
      %add3A_1203 = arith.constant 16 : i32
      %add3A_1204 = arith.addi %mul3A_10, %add3A_1203 : i32
      %add3A_1205 = arith.constant 5 : i32
      %add3A_1206 = arith.addi %add3A_1204, %add3A_1205 : i32
      %slice3A_1207 = vector.extract_strided_slice %get3A_917 {offsets = [5], sizes = [1], strides = [1]} : vector<16xi32> to vector<1xi32>
      %squeeze3A_1208 = vector.extract %slice3A_1207[0] : i32 from vector<1xi32>
      %slice3A_1209 = vector.extract_strided_slice %get3A_922 {offsets = [5], sizes = [1], strides = [1]} : vector<16xi32> to vector<1xi32>
      %squeeze3A_1210 = vector.extract %slice3A_1209[0] : i32 from vector<1xi32>
      %dma_start3A_1211 = arith.constant 0 : i32
      %dma_start3A_1212 = tpu.memref_slice %arg11[%add3A_1206, %dma_start3A_1211] : memref<512x128xf32, #tpu.memory_space<vmem>> -> memref<1x32xf32, #tpu.memory_space<vmem>>
      %dma_start3A_1213 = tpu.memref_squeeze %dma_start3A_1212 : memref<1x32xf32, #tpu.memory_space<vmem>> -> memref<32xf32, #tpu.memory_space<vmem>>
      %dma_start3A_1214 = arith.constant 0 : i32
      %dma_start3A_1215 = tpu.memref_slice %arg4[%squeeze3A_1208, %dma_start3A_1214] : memref<1000000x32xf32, #tpu.memory_space<hbm>> -> memref<1x32xf32, #tpu.memory_space<hbm>>
      %dma_start3A_1216 = tpu.memref_squeeze %dma_start3A_1215 : memref<1x32xf32, #tpu.memory_space<hbm>> -> memref<32xf32, #tpu.memory_space<hbm>>
      %dma_start3A_1217 = arith.constant 0 : i32
      %dma_start3A_1218 = tpu.memref_slice %arg11[%add3A_1206, %dma_start3A_1217] : memref<512x128xf32, #tpu.memory_space<vmem>> -> memref<1x32xf32, #tpu.memory_space<vmem>>
      %dma_start3A_1219 = tpu.memref_squeeze %dma_start3A_1218 : memref<1x32xf32, #tpu.memory_space<vmem>> -> memref<32xf32, #tpu.memory_space<vmem>>
      %dma_start3A_1220 = arith.constant 0 : i32
      %dma_start3A_1221 = tpu.memref_slice %arg4[%squeeze3A_1208, %dma_start3A_1220] : memref<1000000x32xf32, #tpu.memory_space<hbm>> -> memref<1x32xf32, #tpu.memory_space<hbm>>
      %dma_start3A_1222 = tpu.memref_squeeze %dma_start3A_1221 : memref<1x32xf32, #tpu.memory_space<hbm>> -> memref<32xf32, #tpu.memory_space<hbm>>
      tpu.enqueue_dma source(%dma_start3A_1222 : memref<32xf32, #tpu.memory_space<hbm>>) target(%dma_start3A_1219 : memref<32xf32, #tpu.memory_space<vmem>>) target_semaphore(%arg12 : memref<!tpu.dma_semaphore, #tpu.memory_space<semaphore_mem>>)
      %dma_start3A_1223 = arith.constant 32 : i32
      %dma_start3A_1224 = tpu.memref_slice %arg11[%add3A_1206, %dma_start3A_1223] : memref<512x128xf32, #tpu.memory_space<vmem>> -> memref<1x32xf32, #tpu.memory_space<vmem>>
      %dma_start3A_1225 = tpu.memref_squeeze %dma_start3A_1224 : memref<1x32xf32, #tpu.memory_space<vmem>> -> memref<32xf32, #tpu.memory_space<vmem>>
      %dma_start3A_1226 = arith.constant 0 : i32
      %dma_start3A_1227 = tpu.memref_slice %arg5[%squeeze3A_1210, %dma_start3A_1226] : memref<1000000x32xf32, #tpu.memory_space<hbm>> -> memref<1x32xf32, #tpu.memory_space<hbm>>
      %dma_start3A_1228 = tpu.memref_squeeze %dma_start3A_1227 : memref<1x32xf32, #tpu.memory_space<hbm>> -> memref<32xf32, #tpu.memory_space<hbm>>
      %dma_start3A_1229 = arith.constant 32 : i32
      %dma_start3A_1230 = tpu.memref_slice %arg11[%add3A_1206, %dma_start3A_1229] : memref<512x128xf32, #tpu.memory_space<vmem>> -> memref<1x32xf32, #tpu.memory_space<vmem>>
      %dma_start3A_1231 = tpu.memref_squeeze %dma_start3A_1230 : memref<1x32xf32, #tpu.memory_space<vmem>> -> memref<32xf32, #tpu.memory_space<vmem>>
      %dma_start3A_1232 = arith.constant 0 : i32
      %dma_start3A_1233 = tpu.memref_slice %arg5[%squeeze3A_1210, %dma_start3A_1232] : memref<1000000x32xf32, #tpu.memory_space<hbm>> -> memref<1x32xf32, #tpu.memory_space<hbm>>
      %dma_start3A_1234 = tpu.memref_squeeze %dma_start3A_1233 : memref<1x32xf32, #tpu.memory_space<hbm>> -> memref<32xf32, #tpu.memory_space<hbm>>
      tpu.enqueue_dma source(%dma_start3A_1234 : memref<32xf32, #tpu.memory_space<hbm>>) target(%dma_start3A_1231 : memref<32xf32, #tpu.memory_space<vmem>>) target_semaphore(%arg12 : memref<!tpu.dma_semaphore, #tpu.memory_space<semaphore_mem>>)
      %dma_start3A_1235 = arith.constant 64 : i32
      %dma_start3A_1236 = tpu.memref_slice %arg11[%add3A_1206, %dma_start3A_1235] : memref<512x128xf32, #tpu.memory_space<vmem>> -> memref<1x32xf32, #tpu.memory_space<vmem>>
      %dma_start3A_1237 = tpu.memref_squeeze %dma_start3A_1236 : memref<1x32xf32, #tpu.memory_space<vmem>> -> memref<32xf32, #tpu.memory_space<vmem>>
      %dma_start3A_1238 = arith.constant 0 : i32
      %dma_start3A_1239 = tpu.memref_slice %arg6[%squeeze3A_1208, %dma_start3A_1238] : memref<1000000x32xf32, #tpu.memory_space<hbm>> -> memref<1x32xf32, #tpu.memory_space<hbm>>
      %dma_start3A_1240 = tpu.memref_squeeze %dma_start3A_1239 : memref<1x32xf32, #tpu.memory_space<hbm>> -> memref<32xf32, #tpu.memory_space<hbm>>
      %dma_start3A_1241 = arith.constant 64 : i32
      %dma_start3A_1242 = tpu.memref_slice %arg11[%add3A_1206, %dma_start3A_1241] : memref<512x128xf32, #tpu.memory_space<vmem>> -> memref<1x32xf32, #tpu.memory_space<vmem>>
      %dma_start3A_1243 = tpu.memref_squeeze %dma_start3A_1242 : memref<1x32xf32, #tpu.memory_space<vmem>> -> memref<32xf32, #tpu.memory_space<vmem>>
      %dma_start3A_1244 = arith.constant 0 : i32
      %dma_start3A_1245 = tpu.memref_slice %arg6[%squeeze3A_1208, %dma_start3A_1244] : memref<1000000x32xf32, #tpu.memory_space<hbm>> -> memref<1x32xf32, #tpu.memory_space<hbm>>
      %dma_start3A_1246 = tpu.memref_squeeze %dma_start3A_1245 : memref<1x32xf32, #tpu.memory_space<hbm>> -> memref<32xf32, #tpu.memory_space<hbm>>
      tpu.enqueue_dma source(%dma_start3A_1246 : memref<32xf32, #tpu.memory_space<hbm>>) target(%dma_start3A_1243 : memref<32xf32, #tpu.memory_space<vmem>>) target_semaphore(%arg12 : memref<!tpu.dma_semaphore, #tpu.memory_space<semaphore_mem>>)
      %dma_start3A_1247 = arith.constant 96 : i32
      %dma_start3A_1248 = tpu.memref_slice %arg11[%add3A_1206, %dma_start3A_1247] : memref<512x128xf32, #tpu.memory_space<vmem>> -> memref<1x32xf32, #tpu.memory_space<vmem>>
      %dma_start3A_1249 = tpu.memref_squeeze %dma_start3A_1248 : memref<1x32xf32, #tpu.memory_space<vmem>> -> memref<32xf32, #tpu.memory_space<vmem>>
      %dma_start3A_1250 = arith.constant 0 : i32
      %dma_start3A_1251 = tpu.memref_slice %arg7[%squeeze3A_1210, %dma_start3A_1250] : memref<1000000x32xf32, #tpu.memory_space<hbm>> -> memref<1x32xf32, #tpu.memory_space<hbm>>
      %dma_start3A_1252 = tpu.memref_squeeze %dma_start3A_1251 : memref<1x32xf32, #tpu.memory_space<hbm>> -> memref<32xf32, #tpu.memory_space<hbm>>
      %dma_start3A_1253 = arith.constant 96 : i32
      %dma_start3A_1254 = tpu.memref_slice %arg11[%add3A_1206, %dma_start3A_1253] : memref<512x128xf32, #tpu.memory_space<vmem>> -> memref<1x32xf32, #tpu.memory_space<vmem>>
      %dma_start3A_1255 = tpu.memref_squeeze %dma_start3A_1254 : memref<1x32xf32, #tpu.memory_space<vmem>> -> memref<32xf32, #tpu.memory_space<vmem>>
      %dma_start3A_1256 = arith.constant 0 : i32
      %dma_start3A_1257 = tpu.memref_slice %arg7[%squeeze3A_1210, %dma_start3A_1256] : memref<1000000x32xf32, #tpu.memory_space<hbm>> -> memref<1x32xf32, #tpu.memory_space<hbm>>
      %dma_start3A_1258 = tpu.memref_squeeze %dma_start3A_1257 : memref<1x32xf32, #tpu.memory_space<hbm>> -> memref<32xf32, #tpu.memory_space<hbm>>
      tpu.enqueue_dma source(%dma_start3A_1258 : memref<32xf32, #tpu.memory_space<hbm>>) target(%dma_start3A_1255 : memref<32xf32, #tpu.memory_space<vmem>>) target_semaphore(%arg12 : memref<!tpu.dma_semaphore, #tpu.memory_space<semaphore_mem>>)
      %add3A_1259 = arith.constant 16 : i32
      %add3A_1260 = arith.addi %mul3A_10, %add3A_1259 : i32
      %add3A_1261 = arith.constant 6 : i32
      %add3A_1262 = arith.addi %add3A_1260, %add3A_1261 : i32
      %slice3A_1263 = vector.extract_strided_slice %get3A_917 {offsets = [6], sizes = [1], strides = [1]} : vector<16xi32> to vector<1xi32>
      %squeeze3A_1264 = vector.extract %slice3A_1263[0] : i32 from vector<1xi32>
      %slice3A_1265 = vector.extract_strided_slice %get3A_922 {offsets = [6], sizes = [1], strides = [1]} : vector<16xi32> to vector<1xi32>
      %squeeze3A_1266 = vector.extract %slice3A_1265[0] : i32 from vector<1xi32>
      %dma_start3A_1267 = arith.constant 0 : i32
      %dma_start3A_1268 = tpu.memref_slice %arg11[%add3A_1262, %dma_start3A_1267] : memref<512x128xf32, #tpu.memory_space<vmem>> -> memref<1x32xf32, #tpu.memory_space<vmem>>
      %dma_start3A_1269 = tpu.memref_squeeze %dma_start3A_1268 : memref<1x32xf32, #tpu.memory_space<vmem>> -> memref<32xf32, #tpu.memory_space<vmem>>
      %dma_start3A_1270 = arith.constant 0 : i32
      %dma_start3A_1271 = tpu.memref_slice %arg4[%squeeze3A_1264, %dma_start3A_1270] : memref<1000000x32xf32, #tpu.memory_space<hbm>> -> memref<1x32xf32, #tpu.memory_space<hbm>>
      %dma_start3A_1272 = tpu.memref_squeeze %dma_start3A_1271 : memref<1x32xf32, #tpu.memory_space<hbm>> -> memref<32xf32, #tpu.memory_space<hbm>>
      %dma_start3A_1273 = arith.constant 0 : i32
      %dma_start3A_1274 = tpu.memref_slice %arg11[%add3A_1262, %dma_start3A_1273] : memref<512x128xf32, #tpu.memory_space<vmem>> -> memref<1x32xf32, #tpu.memory_space<vmem>>
      %dma_start3A_1275 = tpu.memref_squeeze %dma_start3A_1274 : memref<1x32xf32, #tpu.memory_space<vmem>> -> memref<32xf32, #tpu.memory_space<vmem>>
      %dma_start3A_1276 = arith.constant 0 : i32
      %dma_start3A_1277 = tpu.memref_slice %arg4[%squeeze3A_1264, %dma_start3A_1276] : memref<1000000x32xf32, #tpu.memory_space<hbm>> -> memref<1x32xf32, #tpu.memory_space<hbm>>
      %dma_start3A_1278 = tpu.memref_squeeze %dma_start3A_1277 : memref<1x32xf32, #tpu.memory_space<hbm>> -> memref<32xf32, #tpu.memory_space<hbm>>
      tpu.enqueue_dma source(%dma_start3A_1278 : memref<32xf32, #tpu.memory_space<hbm>>) target(%dma_start3A_1275 : memref<32xf32, #tpu.memory_space<vmem>>) target_semaphore(%arg12 : memref<!tpu.dma_semaphore, #tpu.memory_space<semaphore_mem>>)
      %dma_start3A_1279 = arith.constant 32 : i32
      %dma_start3A_1280 = tpu.memref_slice %arg11[%add3A_1262, %dma_start3A_1279] : memref<512x128xf32, #tpu.memory_space<vmem>> -> memref<1x32xf32, #tpu.memory_space<vmem>>
      %dma_start3A_1281 = tpu.memref_squeeze %dma_start3A_1280 : memref<1x32xf32, #tpu.memory_space<vmem>> -> memref<32xf32, #tpu.memory_space<vmem>>
      %dma_start3A_1282 = arith.constant 0 : i32
      %dma_start3A_1283 = tpu.memref_slice %arg5[%squeeze3A_1266, %dma_start3A_1282] : memref<1000000x32xf32, #tpu.memory_space<hbm>> -> memref<1x32xf32, #tpu.memory_space<hbm>>
      %dma_start3A_1284 = tpu.memref_squeeze %dma_start3A_1283 : memref<1x32xf32, #tpu.memory_space<hbm>> -> memref<32xf32, #tpu.memory_space<hbm>>
      %dma_start3A_1285 = arith.constant 32 : i32
      %dma_start3A_1286 = tpu.memref_slice %arg11[%add3A_1262, %dma_start3A_1285] : memref<512x128xf32, #tpu.memory_space<vmem>> -> memref<1x32xf32, #tpu.memory_space<vmem>>
      %dma_start3A_1287 = tpu.memref_squeeze %dma_start3A_1286 : memref<1x32xf32, #tpu.memory_space<vmem>> -> memref<32xf32, #tpu.memory_space<vmem>>
      %dma_start3A_1288 = arith.constant 0 : i32
      %dma_start3A_1289 = tpu.memref_slice %arg5[%squeeze3A_1266, %dma_start3A_1288] : memref<1000000x32xf32, #tpu.memory_space<hbm>> -> memref<1x32xf32, #tpu.memory_space<hbm>>
      %dma_start3A_1290 = tpu.memref_squeeze %dma_start3A_1289 : memref<1x32xf32, #tpu.memory_space<hbm>> -> memref<32xf32, #tpu.memory_space<hbm>>
      tpu.enqueue_dma source(%dma_start3A_1290 : memref<32xf32, #tpu.memory_space<hbm>>) target(%dma_start3A_1287 : memref<32xf32, #tpu.memory_space<vmem>>) target_semaphore(%arg12 : memref<!tpu.dma_semaphore, #tpu.memory_space<semaphore_mem>>)
      %dma_start3A_1291 = arith.constant 64 : i32
      %dma_start3A_1292 = tpu.memref_slice %arg11[%add3A_1262, %dma_start3A_1291] : memref<512x128xf32, #tpu.memory_space<vmem>> -> memref<1x32xf32, #tpu.memory_space<vmem>>
      %dma_start3A_1293 = tpu.memref_squeeze %dma_start3A_1292 : memref<1x32xf32, #tpu.memory_space<vmem>> -> memref<32xf32, #tpu.memory_space<vmem>>
      %dma_start3A_1294 = arith.constant 0 : i32
      %dma_start3A_1295 = tpu.memref_slice %arg6[%squeeze3A_1264, %dma_start3A_1294] : memref<1000000x32xf32, #tpu.memory_space<hbm>> -> memref<1x32xf32, #tpu.memory_space<hbm>>
      %dma_start3A_1296 = tpu.memref_squeeze %dma_start3A_1295 : memref<1x32xf32, #tpu.memory_space<hbm>> -> memref<32xf32, #tpu.memory_space<hbm>>
      %dma_start3A_1297 = arith.constant 64 : i32
      %dma_start3A_1298 = tpu.memref_slice %arg11[%add3A_1262, %dma_start3A_1297] : memref<512x128xf32, #tpu.memory_space<vmem>> -> memref<1x32xf32, #tpu.memory_space<vmem>>
      %dma_start3A_1299 = tpu.memref_squeeze %dma_start3A_1298 : memref<1x32xf32, #tpu.memory_space<vmem>> -> memref<32xf32, #tpu.memory_space<vmem>>
      %dma_start3A_1300 = arith.constant 0 : i32
      %dma_start3A_1301 = tpu.memref_slice %arg6[%squeeze3A_1264, %dma_start3A_1300] : memref<1000000x32xf32, #tpu.memory_space<hbm>> -> memref<1x32xf32, #tpu.memory_space<hbm>>
      %dma_start3A_1302 = tpu.memref_squeeze %dma_start3A_1301 : memref<1x32xf32, #tpu.memory_space<hbm>> -> memref<32xf32, #tpu.memory_space<hbm>>
      tpu.enqueue_dma source(%dma_start3A_1302 : memref<32xf32, #tpu.memory_space<hbm>>) target(%dma_start3A_1299 : memref<32xf32, #tpu.memory_space<vmem>>) target_semaphore(%arg12 : memref<!tpu.dma_semaphore, #tpu.memory_space<semaphore_mem>>)
      %dma_start3A_1303 = arith.constant 96 : i32
      %dma_start3A_1304 = tpu.memref_slice %arg11[%add3A_1262, %dma_start3A_1303] : memref<512x128xf32, #tpu.memory_space<vmem>> -> memref<1x32xf32, #tpu.memory_space<vmem>>
      %dma_start3A_1305 = tpu.memref_squeeze %dma_start3A_1304 : memref<1x32xf32, #tpu.memory_space<vmem>> -> memref<32xf32, #tpu.memory_space<vmem>>
      %dma_start3A_1306 = arith.constant 0 : i32
      %dma_start3A_1307 = tpu.memref_slice %arg7[%squeeze3A_1266, %dma_start3A_1306] : memref<1000000x32xf32, #tpu.memory_space<hbm>> -> memref<1x32xf32, #tpu.memory_space<hbm>>
      %dma_start3A_1308 = tpu.memref_squeeze %dma_start3A_1307 : memref<1x32xf32, #tpu.memory_space<hbm>> -> memref<32xf32, #tpu.memory_space<hbm>>
      %dma_start3A_1309 = arith.constant 96 : i32
      %dma_start3A_1310 = tpu.memref_slice %arg11[%add3A_1262, %dma_start3A_1309] : memref<512x128xf32, #tpu.memory_space<vmem>> -> memref<1x32xf32, #tpu.memory_space<vmem>>
      %dma_start3A_1311 = tpu.memref_squeeze %dma_start3A_1310 : memref<1x32xf32, #tpu.memory_space<vmem>> -> memref<32xf32, #tpu.memory_space<vmem>>
      %dma_start3A_1312 = arith.constant 0 : i32
      %dma_start3A_1313 = tpu.memref_slice %arg7[%squeeze3A_1266, %dma_start3A_1312] : memref<1000000x32xf32, #tpu.memory_space<hbm>> -> memref<1x32xf32, #tpu.memory_space<hbm>>
      %dma_start3A_1314 = tpu.memref_squeeze %dma_start3A_1313 : memref<1x32xf32, #tpu.memory_space<hbm>> -> memref<32xf32, #tpu.memory_space<hbm>>
      tpu.enqueue_dma source(%dma_start3A_1314 : memref<32xf32, #tpu.memory_space<hbm>>) target(%dma_start3A_1311 : memref<32xf32, #tpu.memory_space<vmem>>) target_semaphore(%arg12 : memref<!tpu.dma_semaphore, #tpu.memory_space<semaphore_mem>>)
      %add3A_1315 = arith.constant 16 : i32
      %add3A_1316 = arith.addi %mul3A_10, %add3A_1315 : i32
      %add3A_1317 = arith.constant 7 : i32
      %add3A_1318 = arith.addi %add3A_1316, %add3A_1317 : i32
      %slice3A_1319 = vector.extract_strided_slice %get3A_917 {offsets = [7], sizes = [1], strides = [1]} : vector<16xi32> to vector<1xi32>
      %squeeze3A_1320 = vector.extract %slice3A_1319[0] : i32 from vector<1xi32>
      %slice3A_1321 = vector.extract_strided_slice %get3A_922 {offsets = [7], sizes = [1], strides = [1]} : vector<16xi32> to vector<1xi32>
      %squeeze3A_1322 = vector.extract %slice3A_1321[0] : i32 from vector<1xi32>
      %dma_start3A_1323 = arith.constant 0 : i32
      %dma_start3A_1324 = tpu.memref_slice %arg11[%add3A_1318, %dma_start3A_1323] : memref<512x128xf32, #tpu.memory_space<vmem>> -> memref<1x32xf32, #tpu.memory_space<vmem>>
      %dma_start3A_1325 = tpu.memref_squeeze %dma_start3A_1324 : memref<1x32xf32, #tpu.memory_space<vmem>> -> memref<32xf32, #tpu.memory_space<vmem>>
      %dma_start3A_1326 = arith.constant 0 : i32
      %dma_start3A_1327 = tpu.memref_slice %arg4[%squeeze3A_1320, %dma_start3A_1326] : memref<1000000x32xf32, #tpu.memory_space<hbm>> -> memref<1x32xf32, #tpu.memory_space<hbm>>
      %dma_start3A_1328 = tpu.memref_squeeze %dma_start3A_1327 : memref<1x32xf32, #tpu.memory_space<hbm>> -> memref<32xf32, #tpu.memory_space<hbm>>
      %dma_start3A_1329 = arith.constant 0 : i32
      %dma_start3A_1330 = tpu.memref_slice %arg11[%add3A_1318, %dma_start3A_1329] : memref<512x128xf32, #tpu.memory_space<vmem>> -> memref<1x32xf32, #tpu.memory_space<vmem>>
      %dma_start3A_1331 = tpu.memref_squeeze %dma_start3A_1330 : memref<1x32xf32, #tpu.memory_space<vmem>> -> memref<32xf32, #tpu.memory_space<vmem>>
      %dma_start3A_1332 = arith.constant 0 : i32
      %dma_start3A_1333 = tpu.memref_slice %arg4[%squeeze3A_1320, %dma_start3A_1332] : memref<1000000x32xf32, #tpu.memory_space<hbm>> -> memref<1x32xf32, #tpu.memory_space<hbm>>
      %dma_start3A_1334 = tpu.memref_squeeze %dma_start3A_1333 : memref<1x32xf32, #tpu.memory_space<hbm>> -> memref<32xf32, #tpu.memory_space<hbm>>
      tpu.enqueue_dma source(%dma_start3A_1334 : memref<32xf32, #tpu.memory_space<hbm>>) target(%dma_start3A_1331 : memref<32xf32, #tpu.memory_space<vmem>>) target_semaphore(%arg12 : memref<!tpu.dma_semaphore, #tpu.memory_space<semaphore_mem>>)
      %dma_start3A_1335 = arith.constant 32 : i32
      %dma_start3A_1336 = tpu.memref_slice %arg11[%add3A_1318, %dma_start3A_1335] : memref<512x128xf32, #tpu.memory_space<vmem>> -> memref<1x32xf32, #tpu.memory_space<vmem>>
      %dma_start3A_1337 = tpu.memref_squeeze %dma_start3A_1336 : memref<1x32xf32, #tpu.memory_space<vmem>> -> memref<32xf32, #tpu.memory_space<vmem>>
      %dma_start3A_1338 = arith.constant 0 : i32
      %dma_start3A_1339 = tpu.memref_slice %arg5[%squeeze3A_1322, %dma_start3A_1338] : memref<1000000x32xf32, #tpu.memory_space<hbm>> -> memref<1x32xf32, #tpu.memory_space<hbm>>
      %dma_start3A_1340 = tpu.memref_squeeze %dma_start3A_1339 : memref<1x32xf32, #tpu.memory_space<hbm>> -> memref<32xf32, #tpu.memory_space<hbm>>
      %dma_start3A_1341 = arith.constant 32 : i32
      %dma_start3A_1342 = tpu.memref_slice %arg11[%add3A_1318, %dma_start3A_1341] : memref<512x128xf32, #tpu.memory_space<vmem>> -> memref<1x32xf32, #tpu.memory_space<vmem>>
      %dma_start3A_1343 = tpu.memref_squeeze %dma_start3A_1342 : memref<1x32xf32, #tpu.memory_space<vmem>> -> memref<32xf32, #tpu.memory_space<vmem>>
      %dma_start3A_1344 = arith.constant 0 : i32
      %dma_start3A_1345 = tpu.memref_slice %arg5[%squeeze3A_1322, %dma_start3A_1344] : memref<1000000x32xf32, #tpu.memory_space<hbm>> -> memref<1x32xf32, #tpu.memory_space<hbm>>
      %dma_start3A_1346 = tpu.memref_squeeze %dma_start3A_1345 : memref<1x32xf32, #tpu.memory_space<hbm>> -> memref<32xf32, #tpu.memory_space<hbm>>
      tpu.enqueue_dma source(%dma_start3A_1346 : memref<32xf32, #tpu.memory_space<hbm>>) target(%dma_start3A_1343 : memref<32xf32, #tpu.memory_space<vmem>>) target_semaphore(%arg12 : memref<!tpu.dma_semaphore, #tpu.memory_space<semaphore_mem>>)
      %dma_start3A_1347 = arith.constant 64 : i32
      %dma_start3A_1348 = tpu.memref_slice %arg11[%add3A_1318, %dma_start3A_1347] : memref<512x128xf32, #tpu.memory_space<vmem>> -> memref<1x32xf32, #tpu.memory_space<vmem>>
      %dma_start3A_1349 = tpu.memref_squeeze %dma_start3A_1348 : memref<1x32xf32, #tpu.memory_space<vmem>> -> memref<32xf32, #tpu.memory_space<vmem>>
      %dma_start3A_1350 = arith.constant 0 : i32
      %dma_start3A_1351 = tpu.memref_slice %arg6[%squeeze3A_1320, %dma_start3A_1350] : memref<1000000x32xf32, #tpu.memory_space<hbm>> -> memref<1x32xf32, #tpu.memory_space<hbm>>
      %dma_start3A_1352 = tpu.memref_squeeze %dma_start3A_1351 : memref<1x32xf32, #tpu.memory_space<hbm>> -> memref<32xf32, #tpu.memory_space<hbm>>
      %dma_start3A_1353 = arith.constant 64 : i32
      %dma_start3A_1354 = tpu.memref_slice %arg11[%add3A_1318, %dma_start3A_1353] : memref<512x128xf32, #tpu.memory_space<vmem>> -> memref<1x32xf32, #tpu.memory_space<vmem>>
      %dma_start3A_1355 = tpu.memref_squeeze %dma_start3A_1354 : memref<1x32xf32, #tpu.memory_space<vmem>> -> memref<32xf32, #tpu.memory_space<vmem>>
      %dma_start3A_1356 = arith.constant 0 : i32
      %dma_start3A_1357 = tpu.memref_slice %arg6[%squeeze3A_1320, %dma_start3A_1356] : memref<1000000x32xf32, #tpu.memory_space<hbm>> -> memref<1x32xf32, #tpu.memory_space<hbm>>
      %dma_start3A_1358 = tpu.memref_squeeze %dma_start3A_1357 : memref<1x32xf32, #tpu.memory_space<hbm>> -> memref<32xf32, #tpu.memory_space<hbm>>
      tpu.enqueue_dma source(%dma_start3A_1358 : memref<32xf32, #tpu.memory_space<hbm>>) target(%dma_start3A_1355 : memref<32xf32, #tpu.memory_space<vmem>>) target_semaphore(%arg12 : memref<!tpu.dma_semaphore, #tpu.memory_space<semaphore_mem>>)
      %dma_start3A_1359 = arith.constant 96 : i32
      %dma_start3A_1360 = tpu.memref_slice %arg11[%add3A_1318, %dma_start3A_1359] : memref<512x128xf32, #tpu.memory_space<vmem>> -> memref<1x32xf32, #tpu.memory_space<vmem>>
      %dma_start3A_1361 = tpu.memref_squeeze %dma_start3A_1360 : memref<1x32xf32, #tpu.memory_space<vmem>> -> memref<32xf32, #tpu.memory_space<vmem>>
      %dma_start3A_1362 = arith.constant 0 : i32
      %dma_start3A_1363 = tpu.memref_slice %arg7[%squeeze3A_1322, %dma_start3A_1362] : memref<1000000x32xf32, #tpu.memory_space<hbm>> -> memref<1x32xf32, #tpu.memory_space<hbm>>
      %dma_start3A_1364 = tpu.memref_squeeze %dma_start3A_1363 : memref<1x32xf32, #tpu.memory_space<hbm>> -> memref<32xf32, #tpu.memory_space<hbm>>
      %dma_start3A_1365 = arith.constant 96 : i32
      %dma_start3A_1366 = tpu.memref_slice %arg11[%add3A_1318, %dma_start3A_1365] : memref<512x128xf32, #tpu.memory_space<vmem>> -> memref<1x32xf32, #tpu.memory_space<vmem>>
      %dma_start3A_1367 = tpu.memref_squeeze %dma_start3A_1366 : memref<1x32xf32, #tpu.memory_space<vmem>> -> memref<32xf32, #tpu.memory_space<vmem>>
      %dma_start3A_1368 = arith.constant 0 : i32
      %dma_start3A_1369 = tpu.memref_slice %arg7[%squeeze3A_1322, %dma_start3A_1368] : memref<1000000x32xf32, #tpu.memory_space<hbm>> -> memref<1x32xf32, #tpu.memory_space<hbm>>
      %dma_start3A_1370 = tpu.memref_squeeze %dma_start3A_1369 : memref<1x32xf32, #tpu.memory_space<hbm>> -> memref<32xf32, #tpu.memory_space<hbm>>
      tpu.enqueue_dma source(%dma_start3A_1370 : memref<32xf32, #tpu.memory_space<hbm>>) target(%dma_start3A_1367 : memref<32xf32, #tpu.memory_space<vmem>>) target_semaphore(%arg12 : memref<!tpu.dma_semaphore, #tpu.memory_space<semaphore_mem>>)
      %add3A_1371 = arith.constant 16 : i32
      %add3A_1372 = arith.addi %mul3A_10, %add3A_1371 : i32
      %add3A_1373 = arith.constant 8 : i32
      %add3A_1374 = arith.addi %add3A_1372, %add3A_1373 : i32
      %slice3A_1375 = vector.extract_strided_slice %get3A_917 {offsets = [8], sizes = [1], strides = [1]} : vector<16xi32> to vector<1xi32>
      %squeeze3A_1376 = vector.extract %slice3A_1375[0] : i32 from vector<1xi32>
      %slice3A_1377 = vector.extract_strided_slice %get3A_922 {offsets = [8], sizes = [1], strides = [1]} : vector<16xi32> to vector<1xi32>
      %squeeze3A_1378 = vector.extract %slice3A_1377[0] : i32 from vector<1xi32>
      %dma_start3A_1379 = arith.constant 0 : i32
      %dma_start3A_1380 = tpu.memref_slice %arg11[%add3A_1374, %dma_start3A_1379] : memref<512x128xf32, #tpu.memory_space<vmem>> -> memref<1x32xf32, #tpu.memory_space<vmem>>
      %dma_start3A_1381 = tpu.memref_squeeze %dma_start3A_1380 : memref<1x32xf32, #tpu.memory_space<vmem>> -> memref<32xf32, #tpu.memory_space<vmem>>
      %dma_start3A_1382 = arith.constant 0 : i32
      %dma_start3A_1383 = tpu.memref_slice %arg4[%squeeze3A_1376, %dma_start3A_1382] : memref<1000000x32xf32, #tpu.memory_space<hbm>> -> memref<1x32xf32, #tpu.memory_space<hbm>>
      %dma_start3A_1384 = tpu.memref_squeeze %dma_start3A_1383 : memref<1x32xf32, #tpu.memory_space<hbm>> -> memref<32xf32, #tpu.memory_space<hbm>>
      %dma_start3A_1385 = arith.constant 0 : i32
      %dma_start3A_1386 = tpu.memref_slice %arg11[%add3A_1374, %dma_start3A_1385] : memref<512x128xf32, #tpu.memory_space<vmem>> -> memref<1x32xf32, #tpu.memory_space<vmem>>
      %dma_start3A_1387 = tpu.memref_squeeze %dma_start3A_1386 : memref<1x32xf32, #tpu.memory_space<vmem>> -> memref<32xf32, #tpu.memory_space<vmem>>
      %dma_start3A_1388 = arith.constant 0 : i32
      %dma_start3A_1389 = tpu.memref_slice %arg4[%squeeze3A_1376, %dma_start3A_1388] : memref<1000000x32xf32, #tpu.memory_space<hbm>> -> memref<1x32xf32, #tpu.memory_space<hbm>>
      %dma_start3A_1390 = tpu.memref_squeeze %dma_start3A_1389 : memref<1x32xf32, #tpu.memory_space<hbm>> -> memref<32xf32, #tpu.memory_space<hbm>>
      tpu.enqueue_dma source(%dma_start3A_1390 : memref<32xf32, #tpu.memory_space<hbm>>) target(%dma_start3A_1387 : memref<32xf32, #tpu.memory_space<vmem>>) target_semaphore(%arg12 : memref<!tpu.dma_semaphore, #tpu.memory_space<semaphore_mem>>)
      %dma_start3A_1391 = arith.constant 32 : i32
      %dma_start3A_1392 = tpu.memref_slice %arg11[%add3A_1374, %dma_start3A_1391] : memref<512x128xf32, #tpu.memory_space<vmem>> -> memref<1x32xf32, #tpu.memory_space<vmem>>
      %dma_start3A_1393 = tpu.memref_squeeze %dma_start3A_1392 : memref<1x32xf32, #tpu.memory_space<vmem>> -> memref<32xf32, #tpu.memory_space<vmem>>
      %dma_start3A_1394 = arith.constant 0 : i32
      %dma_start3A_1395 = tpu.memref_slice %arg5[%squeeze3A_1378, %dma_start3A_1394] : memref<1000000x32xf32, #tpu.memory_space<hbm>> -> memref<1x32xf32, #tpu.memory_space<hbm>>
      %dma_start3A_1396 = tpu.memref_squeeze %dma_start3A_1395 : memref<1x32xf32, #tpu.memory_space<hbm>> -> memref<32xf32, #tpu.memory_space<hbm>>
      %dma_start3A_1397 = arith.constant 32 : i32
      %dma_start3A_1398 = tpu.memref_slice %arg11[%add3A_1374, %dma_start3A_1397] : memref<512x128xf32, #tpu.memory_space<vmem>> -> memref<1x32xf32, #tpu.memory_space<vmem>>
      %dma_start3A_1399 = tpu.memref_squeeze %dma_start3A_1398 : memref<1x32xf32, #tpu.memory_space<vmem>> -> memref<32xf32, #tpu.memory_space<vmem>>
      %dma_start3A_1400 = arith.constant 0 : i32
      %dma_start3A_1401 = tpu.memref_slice %arg5[%squeeze3A_1378, %dma_start3A_1400] : memref<1000000x32xf32, #tpu.memory_space<hbm>> -> memref<1x32xf32, #tpu.memory_space<hbm>>
      %dma_start3A_1402 = tpu.memref_squeeze %dma_start3A_1401 : memref<1x32xf32, #tpu.memory_space<hbm>> -> memref<32xf32, #tpu.memory_space<hbm>>
      tpu.enqueue_dma source(%dma_start3A_1402 : memref<32xf32, #tpu.memory_space<hbm>>) target(%dma_start3A_1399 : memref<32xf32, #tpu.memory_space<vmem>>) target_semaphore(%arg12 : memref<!tpu.dma_semaphore, #tpu.memory_space<semaphore_mem>>)
      %dma_start3A_1403 = arith.constant 64 : i32
      %dma_start3A_1404 = tpu.memref_slice %arg11[%add3A_1374, %dma_start3A_1403] : memref<512x128xf32, #tpu.memory_space<vmem>> -> memref<1x32xf32, #tpu.memory_space<vmem>>
      %dma_start3A_1405 = tpu.memref_squeeze %dma_start3A_1404 : memref<1x32xf32, #tpu.memory_space<vmem>> -> memref<32xf32, #tpu.memory_space<vmem>>
      %dma_start3A_1406 = arith.constant 0 : i32
      %dma_start3A_1407 = tpu.memref_slice %arg6[%squeeze3A_1376, %dma_start3A_1406] : memref<1000000x32xf32, #tpu.memory_space<hbm>> -> memref<1x32xf32, #tpu.memory_space<hbm>>
      %dma_start3A_1408 = tpu.memref_squeeze %dma_start3A_1407 : memref<1x32xf32, #tpu.memory_space<hbm>> -> memref<32xf32, #tpu.memory_space<hbm>>
      %dma_start3A_1409 = arith.constant 64 : i32
      %dma_start3A_1410 = tpu.memref_slice %arg11[%add3A_1374, %dma_start3A_1409] : memref<512x128xf32, #tpu.memory_space<vmem>> -> memref<1x32xf32, #tpu.memory_space<vmem>>
      %dma_start3A_1411 = tpu.memref_squeeze %dma_start3A_1410 : memref<1x32xf32, #tpu.memory_space<vmem>> -> memref<32xf32, #tpu.memory_space<vmem>>
      %dma_start3A_1412 = arith.constant 0 : i32
      %dma_start3A_1413 = tpu.memref_slice %arg6[%squeeze3A_1376, %dma_start3A_1412] : memref<1000000x32xf32, #tpu.memory_space<hbm>> -> memref<1x32xf32, #tpu.memory_space<hbm>>
      %dma_start3A_1414 = tpu.memref_squeeze %dma_start3A_1413 : memref<1x32xf32, #tpu.memory_space<hbm>> -> memref<32xf32, #tpu.memory_space<hbm>>
      tpu.enqueue_dma source(%dma_start3A_1414 : memref<32xf32, #tpu.memory_space<hbm>>) target(%dma_start3A_1411 : memref<32xf32, #tpu.memory_space<vmem>>) target_semaphore(%arg12 : memref<!tpu.dma_semaphore, #tpu.memory_space<semaphore_mem>>)
      %dma_start3A_1415 = arith.constant 96 : i32
      %dma_start3A_1416 = tpu.memref_slice %arg11[%add3A_1374, %dma_start3A_1415] : memref<512x128xf32, #tpu.memory_space<vmem>> -> memref<1x32xf32, #tpu.memory_space<vmem>>
      %dma_start3A_1417 = tpu.memref_squeeze %dma_start3A_1416 : memref<1x32xf32, #tpu.memory_space<vmem>> -> memref<32xf32, #tpu.memory_space<vmem>>
      %dma_start3A_1418 = arith.constant 0 : i32
      %dma_start3A_1419 = tpu.memref_slice %arg7[%squeeze3A_1378, %dma_start3A_1418] : memref<1000000x32xf32, #tpu.memory_space<hbm>> -> memref<1x32xf32, #tpu.memory_space<hbm>>
      %dma_start3A_1420 = tpu.memref_squeeze %dma_start3A_1419 : memref<1x32xf32, #tpu.memory_space<hbm>> -> memref<32xf32, #tpu.memory_space<hbm>>
      %dma_start3A_1421 = arith.constant 96 : i32
      %dma_start3A_1422 = tpu.memref_slice %arg11[%add3A_1374, %dma_start3A_1421] : memref<512x128xf32, #tpu.memory_space<vmem>> -> memref<1x32xf32, #tpu.memory_space<vmem>>
      %dma_start3A_1423 = tpu.memref_squeeze %dma_start3A_1422 : memref<1x32xf32, #tpu.memory_space<vmem>> -> memref<32xf32, #tpu.memory_space<vmem>>
      %dma_start3A_1424 = arith.constant 0 : i32
      %dma_start3A_1425 = tpu.memref_slice %arg7[%squeeze3A_1378, %dma_start3A_1424] : memref<1000000x32xf32, #tpu.memory_space<hbm>> -> memref<1x32xf32, #tpu.memory_space<hbm>>
      %dma_start3A_1426 = tpu.memref_squeeze %dma_start3A_1425 : memref<1x32xf32, #tpu.memory_space<hbm>> -> memref<32xf32, #tpu.memory_space<hbm>>
      tpu.enqueue_dma source(%dma_start3A_1426 : memref<32xf32, #tpu.memory_space<hbm>>) target(%dma_start3A_1423 : memref<32xf32, #tpu.memory_space<vmem>>) target_semaphore(%arg12 : memref<!tpu.dma_semaphore, #tpu.memory_space<semaphore_mem>>)
      %add3A_1427 = arith.constant 16 : i32
      %add3A_1428 = arith.addi %mul3A_10, %add3A_1427 : i32
      %add3A_1429 = arith.constant 9 : i32
      %add3A_1430 = arith.addi %add3A_1428, %add3A_1429 : i32
      %slice3A_1431 = vector.extract_strided_slice %get3A_917 {offsets = [9], sizes = [1], strides = [1]} : vector<16xi32> to vector<1xi32>
      %squeeze3A_1432 = vector.extract %slice3A_1431[0] : i32 from vector<1xi32>
      %slice3A_1433 = vector.extract_strided_slice %get3A_922 {offsets = [9], sizes = [1], strides = [1]} : vector<16xi32> to vector<1xi32>
      %squeeze3A_1434 = vector.extract %slice3A_1433[0] : i32 from vector<1xi32>
      %dma_start3A_1435 = arith.constant 0 : i32
      %dma_start3A_1436 = tpu.memref_slice %arg11[%add3A_1430, %dma_start3A_1435] : memref<512x128xf32, #tpu.memory_space<vmem>> -> memref<1x32xf32, #tpu.memory_space<vmem>>
      %dma_start3A_1437 = tpu.memref_squeeze %dma_start3A_1436 : memref<1x32xf32, #tpu.memory_space<vmem>> -> memref<32xf32, #tpu.memory_space<vmem>>
      %dma_start3A_1438 = arith.constant 0 : i32
      %dma_start3A_1439 = tpu.memref_slice %arg4[%squeeze3A_1432, %dma_start3A_1438] : memref<1000000x32xf32, #tpu.memory_space<hbm>> -> memref<1x32xf32, #tpu.memory_space<hbm>>
      %dma_start3A_1440 = tpu.memref_squeeze %dma_start3A_1439 : memref<1x32xf32, #tpu.memory_space<hbm>> -> memref<32xf32, #tpu.memory_space<hbm>>
      %dma_start3A_1441 = arith.constant 0 : i32
      %dma_start3A_1442 = tpu.memref_slice %arg11[%add3A_1430, %dma_start3A_1441] : memref<512x128xf32, #tpu.memory_space<vmem>> -> memref<1x32xf32, #tpu.memory_space<vmem>>
      %dma_start3A_1443 = tpu.memref_squeeze %dma_start3A_1442 : memref<1x32xf32, #tpu.memory_space<vmem>> -> memref<32xf32, #tpu.memory_space<vmem>>
      %dma_start3A_1444 = arith.constant 0 : i32
      %dma_start3A_1445 = tpu.memref_slice %arg4[%squeeze3A_1432, %dma_start3A_1444] : memref<1000000x32xf32, #tpu.memory_space<hbm>> -> memref<1x32xf32, #tpu.memory_space<hbm>>
      %dma_start3A_1446 = tpu.memref_squeeze %dma_start3A_1445 : memref<1x32xf32, #tpu.memory_space<hbm>> -> memref<32xf32, #tpu.memory_space<hbm>>
      tpu.enqueue_dma source(%dma_start3A_1446 : memref<32xf32, #tpu.memory_space<hbm>>) target(%dma_start3A_1443 : memref<32xf32, #tpu.memory_space<vmem>>) target_semaphore(%arg12 : memref<!tpu.dma_semaphore, #tpu.memory_space<semaphore_mem>>)
      %dma_start3A_1447 = arith.constant 32 : i32
      %dma_start3A_1448 = tpu.memref_slice %arg11[%add3A_1430, %dma_start3A_1447] : memref<512x128xf32, #tpu.memory_space<vmem>> -> memref<1x32xf32, #tpu.memory_space<vmem>>
      %dma_start3A_1449 = tpu.memref_squeeze %dma_start3A_1448 : memref<1x32xf32, #tpu.memory_space<vmem>> -> memref<32xf32, #tpu.memory_space<vmem>>
      %dma_start3A_1450 = arith.constant 0 : i32
      %dma_start3A_1451 = tpu.memref_slice %arg5[%squeeze3A_1434, %dma_start3A_1450] : memref<1000000x32xf32, #tpu.memory_space<hbm>> -> memref<1x32xf32, #tpu.memory_space<hbm>>
      %dma_start3A_1452 = tpu.memref_squeeze %dma_start3A_1451 : memref<1x32xf32, #tpu.memory_space<hbm>> -> memref<32xf32, #tpu.memory_space<hbm>>
      %dma_start3A_1453 = arith.constant 32 : i32
      %dma_start3A_1454 = tpu.memref_slice %arg11[%add3A_1430, %dma_start3A_1453] : memref<512x128xf32, #tpu.memory_space<vmem>> -> memref<1x32xf32, #tpu.memory_space<vmem>>
      %dma_start3A_1455 = tpu.memref_squeeze %dma_start3A_1454 : memref<1x32xf32, #tpu.memory_space<vmem>> -> memref<32xf32, #tpu.memory_space<vmem>>
      %dma_start3A_1456 = arith.constant 0 : i32
      %dma_start3A_1457 = tpu.memref_slice %arg5[%squeeze3A_1434, %dma_start3A_1456] : memref<1000000x32xf32, #tpu.memory_space<hbm>> -> memref<1x32xf32, #tpu.memory_space<hbm>>
      %dma_start3A_1458 = tpu.memref_squeeze %dma_start3A_1457 : memref<1x32xf32, #tpu.memory_space<hbm>> -> memref<32xf32, #tpu.memory_space<hbm>>
      tpu.enqueue_dma source(%dma_start3A_1458 : memref<32xf32, #tpu.memory_space<hbm>>) target(%dma_start3A_1455 : memref<32xf32, #tpu.memory_space<vmem>>) target_semaphore(%arg12 : memref<!tpu.dma_semaphore, #tpu.memory_space<semaphore_mem>>)
      %dma_start3A_1459 = arith.constant 64 : i32
      %dma_start3A_1460 = tpu.memref_slice %arg11[%add3A_1430, %dma_start3A_1459] : memref<512x128xf32, #tpu.memory_space<vmem>> -> memref<1x32xf32, #tpu.memory_space<vmem>>
      %dma_start3A_1461 = tpu.memref_squeeze %dma_start3A_1460 : memref<1x32xf32, #tpu.memory_space<vmem>> -> memref<32xf32, #tpu.memory_space<vmem>>
      %dma_start3A_1462 = arith.constant 0 : i32
      %dma_start3A_1463 = tpu.memref_slice %arg6[%squeeze3A_1432, %dma_start3A_1462] : memref<1000000x32xf32, #tpu.memory_space<hbm>> -> memref<1x32xf32, #tpu.memory_space<hbm>>
      %dma_start3A_1464 = tpu.memref_squeeze %dma_start3A_1463 : memref<1x32xf32, #tpu.memory_space<hbm>> -> memref<32xf32, #tpu.memory_space<hbm>>
      %dma_start3A_1465 = arith.constant 64 : i32
      %dma_start3A_1466 = tpu.memref_slice %arg11[%add3A_1430, %dma_start3A_1465] : memref<512x128xf32, #tpu.memory_space<vmem>> -> memref<1x32xf32, #tpu.memory_space<vmem>>
      %dma_start3A_1467 = tpu.memref_squeeze %dma_start3A_1466 : memref<1x32xf32, #tpu.memory_space<vmem>> -> memref<32xf32, #tpu.memory_space<vmem>>
      %dma_start3A_1468 = arith.constant 0 : i32
      %dma_start3A_1469 = tpu.memref_slice %arg6[%squeeze3A_1432, %dma_start3A_1468] : memref<1000000x32xf32, #tpu.memory_space<hbm>> -> memref<1x32xf32, #tpu.memory_space<hbm>>
      %dma_start3A_1470 = tpu.memref_squeeze %dma_start3A_1469 : memref<1x32xf32, #tpu.memory_space<hbm>> -> memref<32xf32, #tpu.memory_space<hbm>>
      tpu.enqueue_dma source(%dma_start3A_1470 : memref<32xf32, #tpu.memory_space<hbm>>) target(%dma_start3A_1467 : memref<32xf32, #tpu.memory_space<vmem>>) target_semaphore(%arg12 : memref<!tpu.dma_semaphore, #tpu.memory_space<semaphore_mem>>)
      %dma_start3A_1471 = arith.constant 96 : i32
      %dma_start3A_1472 = tpu.memref_slice %arg11[%add3A_1430, %dma_start3A_1471] : memref<512x128xf32, #tpu.memory_space<vmem>> -> memref<1x32xf32, #tpu.memory_space<vmem>>
      %dma_start3A_1473 = tpu.memref_squeeze %dma_start3A_1472 : memref<1x32xf32, #tpu.memory_space<vmem>> -> memref<32xf32, #tpu.memory_space<vmem>>
      %dma_start3A_1474 = arith.constant 0 : i32
      %dma_start3A_1475 = tpu.memref_slice %arg7[%squeeze3A_1434, %dma_start3A_1474] : memref<1000000x32xf32, #tpu.memory_space<hbm>> -> memref<1x32xf32, #tpu.memory_space<hbm>>
      %dma_start3A_1476 = tpu.memref_squeeze %dma_start3A_1475 : memref<1x32xf32, #tpu.memory_space<hbm>> -> memref<32xf32, #tpu.memory_space<hbm>>
      %dma_start3A_1477 = arith.constant 96 : i32
      %dma_start3A_1478 = tpu.memref_slice %arg11[%add3A_1430, %dma_start3A_1477] : memref<512x128xf32, #tpu.memory_space<vmem>> -> memref<1x32xf32, #tpu.memory_space<vmem>>
      %dma_start3A_1479 = tpu.memref_squeeze %dma_start3A_1478 : memref<1x32xf32, #tpu.memory_space<vmem>> -> memref<32xf32, #tpu.memory_space<vmem>>
      %dma_start3A_1480 = arith.constant 0 : i32
      %dma_start3A_1481 = tpu.memref_slice %arg7[%squeeze3A_1434, %dma_start3A_1480] : memref<1000000x32xf32, #tpu.memory_space<hbm>> -> memref<1x32xf32, #tpu.memory_space<hbm>>
      %dma_start3A_1482 = tpu.memref_squeeze %dma_start3A_1481 : memref<1x32xf32, #tpu.memory_space<hbm>> -> memref<32xf32, #tpu.memory_space<hbm>>
      tpu.enqueue_dma source(%dma_start3A_1482 : memref<32xf32, #tpu.memory_space<hbm>>) target(%dma_start3A_1479 : memref<32xf32, #tpu.memory_space<vmem>>) target_semaphore(%arg12 : memref<!tpu.dma_semaphore, #tpu.memory_space<semaphore_mem>>)
      %add3A_1483 = arith.constant 16 : i32
      %add3A_1484 = arith.addi %mul3A_10, %add3A_1483 : i32
      %add3A_1485 = arith.constant 10 : i32
      %add3A_1486 = arith.addi %add3A_1484, %add3A_1485 : i32
      %slice3A_1487 = vector.extract_strided_slice %get3A_917 {offsets = [10], sizes = [1], strides = [1]} : vector<16xi32> to vector<1xi32>
      %squeeze3A_1488 = vector.extract %slice3A_1487[0] : i32 from vector<1xi32>
      %slice3A_1489 = vector.extract_strided_slice %get3A_922 {offsets = [10], sizes = [1], strides = [1]} : vector<16xi32> to vector<1xi32>
      %squeeze3A_1490 = vector.extract %slice3A_1489[0] : i32 from vector<1xi32>
      %dma_start3A_1491 = arith.constant 0 : i32
      %dma_start3A_1492 = tpu.memref_slice %arg11[%add3A_1486, %dma_start3A_1491] : memref<512x128xf32, #tpu.memory_space<vmem>> -> memref<1x32xf32, #tpu.memory_space<vmem>>
      %dma_start3A_1493 = tpu.memref_squeeze %dma_start3A_1492 : memref<1x32xf32, #tpu.memory_space<vmem>> -> memref<32xf32, #tpu.memory_space<vmem>>
      %dma_start3A_1494 = arith.constant 0 : i32
      %dma_start3A_1495 = tpu.memref_slice %arg4[%squeeze3A_1488, %dma_start3A_1494] : memref<1000000x32xf32, #tpu.memory_space<hbm>> -> memref<1x32xf32, #tpu.memory_space<hbm>>
      %dma_start3A_1496 = tpu.memref_squeeze %dma_start3A_1495 : memref<1x32xf32, #tpu.memory_space<hbm>> -> memref<32xf32, #tpu.memory_space<hbm>>
      %dma_start3A_1497 = arith.constant 0 : i32
      %dma_start3A_1498 = tpu.memref_slice %arg11[%add3A_1486, %dma_start3A_1497] : memref<512x128xf32, #tpu.memory_space<vmem>> -> memref<1x32xf32, #tpu.memory_space<vmem>>
      %dma_start3A_1499 = tpu.memref_squeeze %dma_start3A_1498 : memref<1x32xf32, #tpu.memory_space<vmem>> -> memref<32xf32, #tpu.memory_space<vmem>>
      %dma_start3A_1500 = arith.constant 0 : i32
      %dma_start3A_1501 = tpu.memref_slice %arg4[%squeeze3A_1488, %dma_start3A_1500] : memref<1000000x32xf32, #tpu.memory_space<hbm>> -> memref<1x32xf32, #tpu.memory_space<hbm>>
      %dma_start3A_1502 = tpu.memref_squeeze %dma_start3A_1501 : memref<1x32xf32, #tpu.memory_space<hbm>> -> memref<32xf32, #tpu.memory_space<hbm>>
      tpu.enqueue_dma source(%dma_start3A_1502 : memref<32xf32, #tpu.memory_space<hbm>>) target(%dma_start3A_1499 : memref<32xf32, #tpu.memory_space<vmem>>) target_semaphore(%arg12 : memref<!tpu.dma_semaphore, #tpu.memory_space<semaphore_mem>>)
      %dma_start3A_1503 = arith.constant 32 : i32
      %dma_start3A_1504 = tpu.memref_slice %arg11[%add3A_1486, %dma_start3A_1503] : memref<512x128xf32, #tpu.memory_space<vmem>> -> memref<1x32xf32, #tpu.memory_space<vmem>>
      %dma_start3A_1505 = tpu.memref_squeeze %dma_start3A_1504 : memref<1x32xf32, #tpu.memory_space<vmem>> -> memref<32xf32, #tpu.memory_space<vmem>>
      %dma_start3A_1506 = arith.constant 0 : i32
      %dma_start3A_1507 = tpu.memref_slice %arg5[%squeeze3A_1490, %dma_start3A_1506] : memref<1000000x32xf32, #tpu.memory_space<hbm>> -> memref<1x32xf32, #tpu.memory_space<hbm>>
      %dma_start3A_1508 = tpu.memref_squeeze %dma_start3A_1507 : memref<1x32xf32, #tpu.memory_space<hbm>> -> memref<32xf32, #tpu.memory_space<hbm>>
      %dma_start3A_1509 = arith.constant 32 : i32
      %dma_start3A_1510 = tpu.memref_slice %arg11[%add3A_1486, %dma_start3A_1509] : memref<512x128xf32, #tpu.memory_space<vmem>> -> memref<1x32xf32, #tpu.memory_space<vmem>>
      %dma_start3A_1511 = tpu.memref_squeeze %dma_start3A_1510 : memref<1x32xf32, #tpu.memory_space<vmem>> -> memref<32xf32, #tpu.memory_space<vmem>>
      %dma_start3A_1512 = arith.constant 0 : i32
      %dma_start3A_1513 = tpu.memref_slice %arg5[%squeeze3A_1490, %dma_start3A_1512] : memref<1000000x32xf32, #tpu.memory_space<hbm>> -> memref<1x32xf32, #tpu.memory_space<hbm>>
      %dma_start3A_1514 = tpu.memref_squeeze %dma_start3A_1513 : memref<1x32xf32, #tpu.memory_space<hbm>> -> memref<32xf32, #tpu.memory_space<hbm>>
      tpu.enqueue_dma source(%dma_start3A_1514 : memref<32xf32, #tpu.memory_space<hbm>>) target(%dma_start3A_1511 : memref<32xf32, #tpu.memory_space<vmem>>) target_semaphore(%arg12 : memref<!tpu.dma_semaphore, #tpu.memory_space<semaphore_mem>>)
      %dma_start3A_1515 = arith.constant 64 : i32
      %dma_start3A_1516 = tpu.memref_slice %arg11[%add3A_1486, %dma_start3A_1515] : memref<512x128xf32, #tpu.memory_space<vmem>> -> memref<1x32xf32, #tpu.memory_space<vmem>>
      %dma_start3A_1517 = tpu.memref_squeeze %dma_start3A_1516 : memref<1x32xf32, #tpu.memory_space<vmem>> -> memref<32xf32, #tpu.memory_space<vmem>>
      %dma_start3A_1518 = arith.constant 0 : i32
      %dma_start3A_1519 = tpu.memref_slice %arg6[%squeeze3A_1488, %dma_start3A_1518] : memref<1000000x32xf32, #tpu.memory_space<hbm>> -> memref<1x32xf32, #tpu.memory_space<hbm>>
      %dma_start3A_1520 = tpu.memref_squeeze %dma_start3A_1519 : memref<1x32xf32, #tpu.memory_space<hbm>> -> memref<32xf32, #tpu.memory_space<hbm>>
      %dma_start3A_1521 = arith.constant 64 : i32
      %dma_start3A_1522 = tpu.memref_slice %arg11[%add3A_1486, %dma_start3A_1521] : memref<512x128xf32, #tpu.memory_space<vmem>> -> memref<1x32xf32, #tpu.memory_space<vmem>>
      %dma_start3A_1523 = tpu.memref_squeeze %dma_start3A_1522 : memref<1x32xf32, #tpu.memory_space<vmem>> -> memref<32xf32, #tpu.memory_space<vmem>>
      %dma_start3A_1524 = arith.constant 0 : i32
      %dma_start3A_1525 = tpu.memref_slice %arg6[%squeeze3A_1488, %dma_start3A_1524] : memref<1000000x32xf32, #tpu.memory_space<hbm>> -> memref<1x32xf32, #tpu.memory_space<hbm>>
      %dma_start3A_1526 = tpu.memref_squeeze %dma_start3A_1525 : memref<1x32xf32, #tpu.memory_space<hbm>> -> memref<32xf32, #tpu.memory_space<hbm>>
      tpu.enqueue_dma source(%dma_start3A_1526 : memref<32xf32, #tpu.memory_space<hbm>>) target(%dma_start3A_1523 : memref<32xf32, #tpu.memory_space<vmem>>) target_semaphore(%arg12 : memref<!tpu.dma_semaphore, #tpu.memory_space<semaphore_mem>>)
      %dma_start3A_1527 = arith.constant 96 : i32
      %dma_start3A_1528 = tpu.memref_slice %arg11[%add3A_1486, %dma_start3A_1527] : memref<512x128xf32, #tpu.memory_space<vmem>> -> memref<1x32xf32, #tpu.memory_space<vmem>>
      %dma_start3A_1529 = tpu.memref_squeeze %dma_start3A_1528 : memref<1x32xf32, #tpu.memory_space<vmem>> -> memref<32xf32, #tpu.memory_space<vmem>>
      %dma_start3A_1530 = arith.constant 0 : i32
      %dma_start3A_1531 = tpu.memref_slice %arg7[%squeeze3A_1490, %dma_start3A_1530] : memref<1000000x32xf32, #tpu.memory_space<hbm>> -> memref<1x32xf32, #tpu.memory_space<hbm>>
      %dma_start3A_1532 = tpu.memref_squeeze %dma_start3A_1531 : memref<1x32xf32, #tpu.memory_space<hbm>> -> memref<32xf32, #tpu.memory_space<hbm>>
      %dma_start3A_1533 = arith.constant 96 : i32
      %dma_start3A_1534 = tpu.memref_slice %arg11[%add3A_1486, %dma_start3A_1533] : memref<512x128xf32, #tpu.memory_space<vmem>> -> memref<1x32xf32, #tpu.memory_space<vmem>>
      %dma_start3A_1535 = tpu.memref_squeeze %dma_start3A_1534 : memref<1x32xf32, #tpu.memory_space<vmem>> -> memref<32xf32, #tpu.memory_space<vmem>>
      %dma_start3A_1536 = arith.constant 0 : i32
      %dma_start3A_1537 = tpu.memref_slice %arg7[%squeeze3A_1490, %dma_start3A_1536] : memref<1000000x32xf32, #tpu.memory_space<hbm>> -> memref<1x32xf32, #tpu.memory_space<hbm>>
      %dma_start3A_1538 = tpu.memref_squeeze %dma_start3A_1537 : memref<1x32xf32, #tpu.memory_space<hbm>> -> memref<32xf32, #tpu.memory_space<hbm>>
      tpu.enqueue_dma source(%dma_start3A_1538 : memref<32xf32, #tpu.memory_space<hbm>>) target(%dma_start3A_1535 : memref<32xf32, #tpu.memory_space<vmem>>) target_semaphore(%arg12 : memref<!tpu.dma_semaphore, #tpu.memory_space<semaphore_mem>>)
      %add3A_1539 = arith.constant 16 : i32
      %add3A_1540 = arith.addi %mul3A_10, %add3A_1539 : i32
      %add3A_1541 = arith.constant 11 : i32
      %add3A_1542 = arith.addi %add3A_1540, %add3A_1541 : i32
      %slice3A_1543 = vector.extract_strided_slice %get3A_917 {offsets = [11], sizes = [1], strides = [1]} : vector<16xi32> to vector<1xi32>
      %squeeze3A_1544 = vector.extract %slice3A_1543[0] : i32 from vector<1xi32>
      %slice3A_1545 = vector.extract_strided_slice %get3A_922 {offsets = [11], sizes = [1], strides = [1]} : vector<16xi32> to vector<1xi32>
      %squeeze3A_1546 = vector.extract %slice3A_1545[0] : i32 from vector<1xi32>
      %dma_start3A_1547 = arith.constant 0 : i32
      %dma_start3A_1548 = tpu.memref_slice %arg11[%add3A_1542, %dma_start3A_1547] : memref<512x128xf32, #tpu.memory_space<vmem>> -> memref<1x32xf32, #tpu.memory_space<vmem>>
      %dma_start3A_1549 = tpu.memref_squeeze %dma_start3A_1548 : memref<1x32xf32, #tpu.memory_space<vmem>> -> memref<32xf32, #tpu.memory_space<vmem>>
      %dma_start3A_1550 = arith.constant 0 : i32
      %dma_start3A_1551 = tpu.memref_slice %arg4[%squeeze3A_1544, %dma_start3A_1550] : memref<1000000x32xf32, #tpu.memory_space<hbm>> -> memref<1x32xf32, #tpu.memory_space<hbm>>
      %dma_start3A_1552 = tpu.memref_squeeze %dma_start3A_1551 : memref<1x32xf32, #tpu.memory_space<hbm>> -> memref<32xf32, #tpu.memory_space<hbm>>
      %dma_start3A_1553 = arith.constant 0 : i32
      %dma_start3A_1554 = tpu.memref_slice %arg11[%add3A_1542, %dma_start3A_1553] : memref<512x128xf32, #tpu.memory_space<vmem>> -> memref<1x32xf32, #tpu.memory_space<vmem>>
      %dma_start3A_1555 = tpu.memref_squeeze %dma_start3A_1554 : memref<1x32xf32, #tpu.memory_space<vmem>> -> memref<32xf32, #tpu.memory_space<vmem>>
      %dma_start3A_1556 = arith.constant 0 : i32
      %dma_start3A_1557 = tpu.memref_slice %arg4[%squeeze3A_1544, %dma_start3A_1556] : memref<1000000x32xf32, #tpu.memory_space<hbm>> -> memref<1x32xf32, #tpu.memory_space<hbm>>
      %dma_start3A_1558 = tpu.memref_squeeze %dma_start3A_1557 : memref<1x32xf32, #tpu.memory_space<hbm>> -> memref<32xf32, #tpu.memory_space<hbm>>
      tpu.enqueue_dma source(%dma_start3A_1558 : memref<32xf32, #tpu.memory_space<hbm>>) target(%dma_start3A_1555 : memref<32xf32, #tpu.memory_space<vmem>>) target_semaphore(%arg12 : memref<!tpu.dma_semaphore, #tpu.memory_space<semaphore_mem>>)
      %dma_start3A_1559 = arith.constant 32 : i32
      %dma_start3A_1560 = tpu.memref_slice %arg11[%add3A_1542, %dma_start3A_1559] : memref<512x128xf32, #tpu.memory_space<vmem>> -> memref<1x32xf32, #tpu.memory_space<vmem>>
      %dma_start3A_1561 = tpu.memref_squeeze %dma_start3A_1560 : memref<1x32xf32, #tpu.memory_space<vmem>> -> memref<32xf32, #tpu.memory_space<vmem>>
      %dma_start3A_1562 = arith.constant 0 : i32
      %dma_start3A_1563 = tpu.memref_slice %arg5[%squeeze3A_1546, %dma_start3A_1562] : memref<1000000x32xf32, #tpu.memory_space<hbm>> -> memref<1x32xf32, #tpu.memory_space<hbm>>
      %dma_start3A_1564 = tpu.memref_squeeze %dma_start3A_1563 : memref<1x32xf32, #tpu.memory_space<hbm>> -> memref<32xf32, #tpu.memory_space<hbm>>
      %dma_start3A_1565 = arith.constant 32 : i32
      %dma_start3A_1566 = tpu.memref_slice %arg11[%add3A_1542, %dma_start3A_1565] : memref<512x128xf32, #tpu.memory_space<vmem>> -> memref<1x32xf32, #tpu.memory_space<vmem>>
      %dma_start3A_1567 = tpu.memref_squeeze %dma_start3A_1566 : memref<1x32xf32, #tpu.memory_space<vmem>> -> memref<32xf32, #tpu.memory_space<vmem>>
      %dma_start3A_1568 = arith.constant 0 : i32
      %dma_start3A_1569 = tpu.memref_slice %arg5[%squeeze3A_1546, %dma_start3A_1568] : memref<1000000x32xf32, #tpu.memory_space<hbm>> -> memref<1x32xf32, #tpu.memory_space<hbm>>
      %dma_start3A_1570 = tpu.memref_squeeze %dma_start3A_1569 : memref<1x32xf32, #tpu.memory_space<hbm>> -> memref<32xf32, #tpu.memory_space<hbm>>
      tpu.enqueue_dma source(%dma_start3A_1570 : memref<32xf32, #tpu.memory_space<hbm>>) target(%dma_start3A_1567 : memref<32xf32, #tpu.memory_space<vmem>>) target_semaphore(%arg12 : memref<!tpu.dma_semaphore, #tpu.memory_space<semaphore_mem>>)
      %dma_start3A_1571 = arith.constant 64 : i32
      %dma_start3A_1572 = tpu.memref_slice %arg11[%add3A_1542, %dma_start3A_1571] : memref<512x128xf32, #tpu.memory_space<vmem>> -> memref<1x32xf32, #tpu.memory_space<vmem>>
      %dma_start3A_1573 = tpu.memref_squeeze %dma_start3A_1572 : memref<1x32xf32, #tpu.memory_space<vmem>> -> memref<32xf32, #tpu.memory_space<vmem>>
      %dma_start3A_1574 = arith.constant 0 : i32
      %dma_start3A_1575 = tpu.memref_slice %arg6[%squeeze3A_1544, %dma_start3A_1574] : memref<1000000x32xf32, #tpu.memory_space<hbm>> -> memref<1x32xf32, #tpu.memory_space<hbm>>
      %dma_start3A_1576 = tpu.memref_squeeze %dma_start3A_1575 : memref<1x32xf32, #tpu.memory_space<hbm>> -> memref<32xf32, #tpu.memory_space<hbm>>
      %dma_start3A_1577 = arith.constant 64 : i32
      %dma_start3A_1578 = tpu.memref_slice %arg11[%add3A_1542, %dma_start3A_1577] : memref<512x128xf32, #tpu.memory_space<vmem>> -> memref<1x32xf32, #tpu.memory_space<vmem>>
      %dma_start3A_1579 = tpu.memref_squeeze %dma_start3A_1578 : memref<1x32xf32, #tpu.memory_space<vmem>> -> memref<32xf32, #tpu.memory_space<vmem>>
      %dma_start3A_1580 = arith.constant 0 : i32
      %dma_start3A_1581 = tpu.memref_slice %arg6[%squeeze3A_1544, %dma_start3A_1580] : memref<1000000x32xf32, #tpu.memory_space<hbm>> -> memref<1x32xf32, #tpu.memory_space<hbm>>
      %dma_start3A_1582 = tpu.memref_squeeze %dma_start3A_1581 : memref<1x32xf32, #tpu.memory_space<hbm>> -> memref<32xf32, #tpu.memory_space<hbm>>
      tpu.enqueue_dma source(%dma_start3A_1582 : memref<32xf32, #tpu.memory_space<hbm>>) target(%dma_start3A_1579 : memref<32xf32, #tpu.memory_space<vmem>>) target_semaphore(%arg12 : memref<!tpu.dma_semaphore, #tpu.memory_space<semaphore_mem>>)
      %dma_start3A_1583 = arith.constant 96 : i32
      %dma_start3A_1584 = tpu.memref_slice %arg11[%add3A_1542, %dma_start3A_1583] : memref<512x128xf32, #tpu.memory_space<vmem>> -> memref<1x32xf32, #tpu.memory_space<vmem>>
      %dma_start3A_1585 = tpu.memref_squeeze %dma_start3A_1584 : memref<1x32xf32, #tpu.memory_space<vmem>> -> memref<32xf32, #tpu.memory_space<vmem>>
      %dma_start3A_1586 = arith.constant 0 : i32
      %dma_start3A_1587 = tpu.memref_slice %arg7[%squeeze3A_1546, %dma_start3A_1586] : memref<1000000x32xf32, #tpu.memory_space<hbm>> -> memref<1x32xf32, #tpu.memory_space<hbm>>
      %dma_start3A_1588 = tpu.memref_squeeze %dma_start3A_1587 : memref<1x32xf32, #tpu.memory_space<hbm>> -> memref<32xf32, #tpu.memory_space<hbm>>
      %dma_start3A_1589 = arith.constant 96 : i32
      %dma_start3A_1590 = tpu.memref_slice %arg11[%add3A_1542, %dma_start3A_1589] : memref<512x128xf32, #tpu.memory_space<vmem>> -> memref<1x32xf32, #tpu.memory_space<vmem>>
      %dma_start3A_1591 = tpu.memref_squeeze %dma_start3A_1590 : memref<1x32xf32, #tpu.memory_space<vmem>> -> memref<32xf32, #tpu.memory_space<vmem>>
      %dma_start3A_1592 = arith.constant 0 : i32
      %dma_start3A_1593 = tpu.memref_slice %arg7[%squeeze3A_1546, %dma_start3A_1592] : memref<1000000x32xf32, #tpu.memory_space<hbm>> -> memref<1x32xf32, #tpu.memory_space<hbm>>
      %dma_start3A_1594 = tpu.memref_squeeze %dma_start3A_1593 : memref<1x32xf32, #tpu.memory_space<hbm>> -> memref<32xf32, #tpu.memory_space<hbm>>
      tpu.enqueue_dma source(%dma_start3A_1594 : memref<32xf32, #tpu.memory_space<hbm>>) target(%dma_start3A_1591 : memref<32xf32, #tpu.memory_space<vmem>>) target_semaphore(%arg12 : memref<!tpu.dma_semaphore, #tpu.memory_space<semaphore_mem>>)
      %add3A_1595 = arith.constant 16 : i32
      %add3A_1596 = arith.addi %mul3A_10, %add3A_1595 : i32
      %add3A_1597 = arith.constant 12 : i32
      %add3A_1598 = arith.addi %add3A_1596, %add3A_1597 : i32
      %slice3A_1599 = vector.extract_strided_slice %get3A_917 {offsets = [12], sizes = [1], strides = [1]} : vector<16xi32> to vector<1xi32>
      %squeeze3A_1600 = vector.extract %slice3A_1599[0] : i32 from vector<1xi32>
      %slice3A_1601 = vector.extract_strided_slice %get3A_922 {offsets = [12], sizes = [1], strides = [1]} : vector<16xi32> to vector<1xi32>
      %squeeze3A_1602 = vector.extract %slice3A_1601[0] : i32 from vector<1xi32>
      %dma_start3A_1603 = arith.constant 0 : i32
      %dma_start3A_1604 = tpu.memref_slice %arg11[%add3A_1598, %dma_start3A_1603] : memref<512x128xf32, #tpu.memory_space<vmem>> -> memref<1x32xf32, #tpu.memory_space<vmem>>
      %dma_start3A_1605 = tpu.memref_squeeze %dma_start3A_1604 : memref<1x32xf32, #tpu.memory_space<vmem>> -> memref<32xf32, #tpu.memory_space<vmem>>
      %dma_start3A_1606 = arith.constant 0 : i32
      %dma_start3A_1607 = tpu.memref_slice %arg4[%squeeze3A_1600, %dma_start3A_1606] : memref<1000000x32xf32, #tpu.memory_space<hbm>> -> memref<1x32xf32, #tpu.memory_space<hbm>>
      %dma_start3A_1608 = tpu.memref_squeeze %dma_start3A_1607 : memref<1x32xf32, #tpu.memory_space<hbm>> -> memref<32xf32, #tpu.memory_space<hbm>>
      %dma_start3A_1609 = arith.constant 0 : i32
      %dma_start3A_1610 = tpu.memref_slice %arg11[%add3A_1598, %dma_start3A_1609] : memref<512x128xf32, #tpu.memory_space<vmem>> -> memref<1x32xf32, #tpu.memory_space<vmem>>
      %dma_start3A_1611 = tpu.memref_squeeze %dma_start3A_1610 : memref<1x32xf32, #tpu.memory_space<vmem>> -> memref<32xf32, #tpu.memory_space<vmem>>
      %dma_start3A_1612 = arith.constant 0 : i32
      %dma_start3A_1613 = tpu.memref_slice %arg4[%squeeze3A_1600, %dma_start3A_1612] : memref<1000000x32xf32, #tpu.memory_space<hbm>> -> memref<1x32xf32, #tpu.memory_space<hbm>>
      %dma_start3A_1614 = tpu.memref_squeeze %dma_start3A_1613 : memref<1x32xf32, #tpu.memory_space<hbm>> -> memref<32xf32, #tpu.memory_space<hbm>>
      tpu.enqueue_dma source(%dma_start3A_1614 : memref<32xf32, #tpu.memory_space<hbm>>) target(%dma_start3A_1611 : memref<32xf32, #tpu.memory_space<vmem>>) target_semaphore(%arg12 : memref<!tpu.dma_semaphore, #tpu.memory_space<semaphore_mem>>)
      %dma_start3A_1615 = arith.constant 32 : i32
      %dma_start3A_1616 = tpu.memref_slice %arg11[%add3A_1598, %dma_start3A_1615] : memref<512x128xf32, #tpu.memory_space<vmem>> -> memref<1x32xf32, #tpu.memory_space<vmem>>
      %dma_start3A_1617 = tpu.memref_squeeze %dma_start3A_1616 : memref<1x32xf32, #tpu.memory_space<vmem>> -> memref<32xf32, #tpu.memory_space<vmem>>
      %dma_start3A_1618 = arith.constant 0 : i32
      %dma_start3A_1619 = tpu.memref_slice %arg5[%squeeze3A_1602, %dma_start3A_1618] : memref<1000000x32xf32, #tpu.memory_space<hbm>> -> memref<1x32xf32, #tpu.memory_space<hbm>>
      %dma_start3A_1620 = tpu.memref_squeeze %dma_start3A_1619 : memref<1x32xf32, #tpu.memory_space<hbm>> -> memref<32xf32, #tpu.memory_space<hbm>>
      %dma_start3A_1621 = arith.constant 32 : i32
      %dma_start3A_1622 = tpu.memref_slice %arg11[%add3A_1598, %dma_start3A_1621] : memref<512x128xf32, #tpu.memory_space<vmem>> -> memref<1x32xf32, #tpu.memory_space<vmem>>
      %dma_start3A_1623 = tpu.memref_squeeze %dma_start3A_1622 : memref<1x32xf32, #tpu.memory_space<vmem>> -> memref<32xf32, #tpu.memory_space<vmem>>
      %dma_start3A_1624 = arith.constant 0 : i32
      %dma_start3A_1625 = tpu.memref_slice %arg5[%squeeze3A_1602, %dma_start3A_1624] : memref<1000000x32xf32, #tpu.memory_space<hbm>> -> memref<1x32xf32, #tpu.memory_space<hbm>>
      %dma_start3A_1626 = tpu.memref_squeeze %dma_start3A_1625 : memref<1x32xf32, #tpu.memory_space<hbm>> -> memref<32xf32, #tpu.memory_space<hbm>>
      tpu.enqueue_dma source(%dma_start3A_1626 : memref<32xf32, #tpu.memory_space<hbm>>) target(%dma_start3A_1623 : memref<32xf32, #tpu.memory_space<vmem>>) target_semaphore(%arg12 : memref<!tpu.dma_semaphore, #tpu.memory_space<semaphore_mem>>)
      %dma_start3A_1627 = arith.constant 64 : i32
      %dma_start3A_1628 = tpu.memref_slice %arg11[%add3A_1598, %dma_start3A_1627] : memref<512x128xf32, #tpu.memory_space<vmem>> -> memref<1x32xf32, #tpu.memory_space<vmem>>
      %dma_start3A_1629 = tpu.memref_squeeze %dma_start3A_1628 : memref<1x32xf32, #tpu.memory_space<vmem>> -> memref<32xf32, #tpu.memory_space<vmem>>
      %dma_start3A_1630 = arith.constant 0 : i32
      %dma_start3A_1631 = tpu.memref_slice %arg6[%squeeze3A_1600, %dma_start3A_1630] : memref<1000000x32xf32, #tpu.memory_space<hbm>> -> memref<1x32xf32, #tpu.memory_space<hbm>>
      %dma_start3A_1632 = tpu.memref_squeeze %dma_start3A_1631 : memref<1x32xf32, #tpu.memory_space<hbm>> -> memref<32xf32, #tpu.memory_space<hbm>>
      %dma_start3A_1633 = arith.constant 64 : i32
      %dma_start3A_1634 = tpu.memref_slice %arg11[%add3A_1598, %dma_start3A_1633] : memref<512x128xf32, #tpu.memory_space<vmem>> -> memref<1x32xf32, #tpu.memory_space<vmem>>
      %dma_start3A_1635 = tpu.memref_squeeze %dma_start3A_1634 : memref<1x32xf32, #tpu.memory_space<vmem>> -> memref<32xf32, #tpu.memory_space<vmem>>
      %dma_start3A_1636 = arith.constant 0 : i32
      %dma_start3A_1637 = tpu.memref_slice %arg6[%squeeze3A_1600, %dma_start3A_1636] : memref<1000000x32xf32, #tpu.memory_space<hbm>> -> memref<1x32xf32, #tpu.memory_space<hbm>>
      %dma_start3A_1638 = tpu.memref_squeeze %dma_start3A_1637 : memref<1x32xf32, #tpu.memory_space<hbm>> -> memref<32xf32, #tpu.memory_space<hbm>>
      tpu.enqueue_dma source(%dma_start3A_1638 : memref<32xf32, #tpu.memory_space<hbm>>) target(%dma_start3A_1635 : memref<32xf32, #tpu.memory_space<vmem>>) target_semaphore(%arg12 : memref<!tpu.dma_semaphore, #tpu.memory_space<semaphore_mem>>)
      %dma_start3A_1639 = arith.constant 96 : i32
      %dma_start3A_1640 = tpu.memref_slice %arg11[%add3A_1598, %dma_start3A_1639] : memref<512x128xf32, #tpu.memory_space<vmem>> -> memref<1x32xf32, #tpu.memory_space<vmem>>
      %dma_start3A_1641 = tpu.memref_squeeze %dma_start3A_1640 : memref<1x32xf32, #tpu.memory_space<vmem>> -> memref<32xf32, #tpu.memory_space<vmem>>
      %dma_start3A_1642 = arith.constant 0 : i32
      %dma_start3A_1643 = tpu.memref_slice %arg7[%squeeze3A_1602, %dma_start3A_1642] : memref<1000000x32xf32, #tpu.memory_space<hbm>> -> memref<1x32xf32, #tpu.memory_space<hbm>>
      %dma_start3A_1644 = tpu.memref_squeeze %dma_start3A_1643 : memref<1x32xf32, #tpu.memory_space<hbm>> -> memref<32xf32, #tpu.memory_space<hbm>>
      %dma_start3A_1645 = arith.constant 96 : i32
      %dma_start3A_1646 = tpu.memref_slice %arg11[%add3A_1598, %dma_start3A_1645] : memref<512x128xf32, #tpu.memory_space<vmem>> -> memref<1x32xf32, #tpu.memory_space<vmem>>
      %dma_start3A_1647 = tpu.memref_squeeze %dma_start3A_1646 : memref<1x32xf32, #tpu.memory_space<vmem>> -> memref<32xf32, #tpu.memory_space<vmem>>
      %dma_start3A_1648 = arith.constant 0 : i32
      %dma_start3A_1649 = tpu.memref_slice %arg7[%squeeze3A_1602, %dma_start3A_1648] : memref<1000000x32xf32, #tpu.memory_space<hbm>> -> memref<1x32xf32, #tpu.memory_space<hbm>>
      %dma_start3A_1650 = tpu.memref_squeeze %dma_start3A_1649 : memref<1x32xf32, #tpu.memory_space<hbm>> -> memref<32xf32, #tpu.memory_space<hbm>>
      tpu.enqueue_dma source(%dma_start3A_1650 : memref<32xf32, #tpu.memory_space<hbm>>) target(%dma_start3A_1647 : memref<32xf32, #tpu.memory_space<vmem>>) target_semaphore(%arg12 : memref<!tpu.dma_semaphore, #tpu.memory_space<semaphore_mem>>)
      %add3A_1651 = arith.constant 16 : i32
      %add3A_1652 = arith.addi %mul3A_10, %add3A_1651 : i32
      %add3A_1653 = arith.constant 13 : i32
      %add3A_1654 = arith.addi %add3A_1652, %add3A_1653 : i32
      %slice3A_1655 = vector.extract_strided_slice %get3A_917 {offsets = [13], sizes = [1], strides = [1]} : vector<16xi32> to vector<1xi32>
      %squeeze3A_1656 = vector.extract %slice3A_1655[0] : i32 from vector<1xi32>
      %slice3A_1657 = vector.extract_strided_slice %get3A_922 {offsets = [13], sizes = [1], strides = [1]} : vector<16xi32> to vector<1xi32>
      %squeeze3A_1658 = vector.extract %slice3A_1657[0] : i32 from vector<1xi32>
      %dma_start3A_1659 = arith.constant 0 : i32
      %dma_start3A_1660 = tpu.memref_slice %arg11[%add3A_1654, %dma_start3A_1659] : memref<512x128xf32, #tpu.memory_space<vmem>> -> memref<1x32xf32, #tpu.memory_space<vmem>>
      %dma_start3A_1661 = tpu.memref_squeeze %dma_start3A_1660 : memref<1x32xf32, #tpu.memory_space<vmem>> -> memref<32xf32, #tpu.memory_space<vmem>>
      %dma_start3A_1662 = arith.constant 0 : i32
      %dma_start3A_1663 = tpu.memref_slice %arg4[%squeeze3A_1656, %dma_start3A_1662] : memref<1000000x32xf32, #tpu.memory_space<hbm>> -> memref<1x32xf32, #tpu.memory_space<hbm>>
      %dma_start3A_1664 = tpu.memref_squeeze %dma_start3A_1663 : memref<1x32xf32, #tpu.memory_space<hbm>> -> memref<32xf32, #tpu.memory_space<hbm>>
      %dma_start3A_1665 = arith.constant 0 : i32
      %dma_start3A_1666 = tpu.memref_slice %arg11[%add3A_1654, %dma_start3A_1665] : memref<512x128xf32, #tpu.memory_space<vmem>> -> memref<1x32xf32, #tpu.memory_space<vmem>>
      %dma_start3A_1667 = tpu.memref_squeeze %dma_start3A_1666 : memref<1x32xf32, #tpu.memory_space<vmem>> -> memref<32xf32, #tpu.memory_space<vmem>>
      %dma_start3A_1668 = arith.constant 0 : i32
      %dma_start3A_1669 = tpu.memref_slice %arg4[%squeeze3A_1656, %dma_start3A_1668] : memref<1000000x32xf32, #tpu.memory_space<hbm>> -> memref<1x32xf32, #tpu.memory_space<hbm>>
      %dma_start3A_1670 = tpu.memref_squeeze %dma_start3A_1669 : memref<1x32xf32, #tpu.memory_space<hbm>> -> memref<32xf32, #tpu.memory_space<hbm>>
      tpu.enqueue_dma source(%dma_start3A_1670 : memref<32xf32, #tpu.memory_space<hbm>>) target(%dma_start3A_1667 : memref<32xf32, #tpu.memory_space<vmem>>) target_semaphore(%arg12 : memref<!tpu.dma_semaphore, #tpu.memory_space<semaphore_mem>>)
      %dma_start3A_1671 = arith.constant 32 : i32
      %dma_start3A_1672 = tpu.memref_slice %arg11[%add3A_1654, %dma_start3A_1671] : memref<512x128xf32, #tpu.memory_space<vmem>> -> memref<1x32xf32, #tpu.memory_space<vmem>>
      %dma_start3A_1673 = tpu.memref_squeeze %dma_start3A_1672 : memref<1x32xf32, #tpu.memory_space<vmem>> -> memref<32xf32, #tpu.memory_space<vmem>>
      %dma_start3A_1674 = arith.constant 0 : i32
      %dma_start3A_1675 = tpu.memref_slice %arg5[%squeeze3A_1658, %dma_start3A_1674] : memref<1000000x32xf32, #tpu.memory_space<hbm>> -> memref<1x32xf32, #tpu.memory_space<hbm>>
      %dma_start3A_1676 = tpu.memref_squeeze %dma_start3A_1675 : memref<1x32xf32, #tpu.memory_space<hbm>> -> memref<32xf32, #tpu.memory_space<hbm>>
      %dma_start3A_1677 = arith.constant 32 : i32
      %dma_start3A_1678 = tpu.memref_slice %arg11[%add3A_1654, %dma_start3A_1677] : memref<512x128xf32, #tpu.memory_space<vmem>> -> memref<1x32xf32, #tpu.memory_space<vmem>>
      %dma_start3A_1679 = tpu.memref_squeeze %dma_start3A_1678 : memref<1x32xf32, #tpu.memory_space<vmem>> -> memref<32xf32, #tpu.memory_space<vmem>>
      %dma_start3A_1680 = arith.constant 0 : i32
      %dma_start3A_1681 = tpu.memref_slice %arg5[%squeeze3A_1658, %dma_start3A_1680] : memref<1000000x32xf32, #tpu.memory_space<hbm>> -> memref<1x32xf32, #tpu.memory_space<hbm>>
      %dma_start3A_1682 = tpu.memref_squeeze %dma_start3A_1681 : memref<1x32xf32, #tpu.memory_space<hbm>> -> memref<32xf32, #tpu.memory_space<hbm>>
      tpu.enqueue_dma source(%dma_start3A_1682 : memref<32xf32, #tpu.memory_space<hbm>>) target(%dma_start3A_1679 : memref<32xf32, #tpu.memory_space<vmem>>) target_semaphore(%arg12 : memref<!tpu.dma_semaphore, #tpu.memory_space<semaphore_mem>>)
      %dma_start3A_1683 = arith.constant 64 : i32
      %dma_start3A_1684 = tpu.memref_slice %arg11[%add3A_1654, %dma_start3A_1683] : memref<512x128xf32, #tpu.memory_space<vmem>> -> memref<1x32xf32, #tpu.memory_space<vmem>>
      %dma_start3A_1685 = tpu.memref_squeeze %dma_start3A_1684 : memref<1x32xf32, #tpu.memory_space<vmem>> -> memref<32xf32, #tpu.memory_space<vmem>>
      %dma_start3A_1686 = arith.constant 0 : i32
      %dma_start3A_1687 = tpu.memref_slice %arg6[%squeeze3A_1656, %dma_start3A_1686] : memref<1000000x32xf32, #tpu.memory_space<hbm>> -> memref<1x32xf32, #tpu.memory_space<hbm>>
      %dma_start3A_1688 = tpu.memref_squeeze %dma_start3A_1687 : memref<1x32xf32, #tpu.memory_space<hbm>> -> memref<32xf32, #tpu.memory_space<hbm>>
      %dma_start3A_1689 = arith.constant 64 : i32
      %dma_start3A_1690 = tpu.memref_slice %arg11[%add3A_1654, %dma_start3A_1689] : memref<512x128xf32, #tpu.memory_space<vmem>> -> memref<1x32xf32, #tpu.memory_space<vmem>>
      %dma_start3A_1691 = tpu.memref_squeeze %dma_start3A_1690 : memref<1x32xf32, #tpu.memory_space<vmem>> -> memref<32xf32, #tpu.memory_space<vmem>>
      %dma_start3A_1692 = arith.constant 0 : i32
      %dma_start3A_1693 = tpu.memref_slice %arg6[%squeeze3A_1656, %dma_start3A_1692] : memref<1000000x32xf32, #tpu.memory_space<hbm>> -> memref<1x32xf32, #tpu.memory_space<hbm>>
      %dma_start3A_1694 = tpu.memref_squeeze %dma_start3A_1693 : memref<1x32xf32, #tpu.memory_space<hbm>> -> memref<32xf32, #tpu.memory_space<hbm>>
      tpu.enqueue_dma source(%dma_start3A_1694 : memref<32xf32, #tpu.memory_space<hbm>>) target(%dma_start3A_1691 : memref<32xf32, #tpu.memory_space<vmem>>) target_semaphore(%arg12 : memref<!tpu.dma_semaphore, #tpu.memory_space<semaphore_mem>>)
      %dma_start3A_1695 = arith.constant 96 : i32
      %dma_start3A_1696 = tpu.memref_slice %arg11[%add3A_1654, %dma_start3A_1695] : memref<512x128xf32, #tpu.memory_space<vmem>> -> memref<1x32xf32, #tpu.memory_space<vmem>>
      %dma_start3A_1697 = tpu.memref_squeeze %dma_start3A_1696 : memref<1x32xf32, #tpu.memory_space<vmem>> -> memref<32xf32, #tpu.memory_space<vmem>>
      %dma_start3A_1698 = arith.constant 0 : i32
      %dma_start3A_1699 = tpu.memref_slice %arg7[%squeeze3A_1658, %dma_start3A_1698] : memref<1000000x32xf32, #tpu.memory_space<hbm>> -> memref<1x32xf32, #tpu.memory_space<hbm>>
      %dma_start3A_1700 = tpu.memref_squeeze %dma_start3A_1699 : memref<1x32xf32, #tpu.memory_space<hbm>> -> memref<32xf32, #tpu.memory_space<hbm>>
      %dma_start3A_1701 = arith.constant 96 : i32
      %dma_start3A_1702 = tpu.memref_slice %arg11[%add3A_1654, %dma_start3A_1701] : memref<512x128xf32, #tpu.memory_space<vmem>> -> memref<1x32xf32, #tpu.memory_space<vmem>>
      %dma_start3A_1703 = tpu.memref_squeeze %dma_start3A_1702 : memref<1x32xf32, #tpu.memory_space<vmem>> -> memref<32xf32, #tpu.memory_space<vmem>>
      %dma_start3A_1704 = arith.constant 0 : i32
      %dma_start3A_1705 = tpu.memref_slice %arg7[%squeeze3A_1658, %dma_start3A_1704] : memref<1000000x32xf32, #tpu.memory_space<hbm>> -> memref<1x32xf32, #tpu.memory_space<hbm>>
      %dma_start3A_1706 = tpu.memref_squeeze %dma_start3A_1705 : memref<1x32xf32, #tpu.memory_space<hbm>> -> memref<32xf32, #tpu.memory_space<hbm>>
      tpu.enqueue_dma source(%dma_start3A_1706 : memref<32xf32, #tpu.memory_space<hbm>>) target(%dma_start3A_1703 : memref<32xf32, #tpu.memory_space<vmem>>) target_semaphore(%arg12 : memref<!tpu.dma_semaphore, #tpu.memory_space<semaphore_mem>>)
      %add3A_1707 = arith.constant 16 : i32
      %add3A_1708 = arith.addi %mul3A_10, %add3A_1707 : i32
      %add3A_1709 = arith.constant 14 : i32
      %add3A_1710 = arith.addi %add3A_1708, %add3A_1709 : i32
      %slice3A_1711 = vector.extract_strided_slice %get3A_917 {offsets = [14], sizes = [1], strides = [1]} : vector<16xi32> to vector<1xi32>
      %squeeze3A_1712 = vector.extract %slice3A_1711[0] : i32 from vector<1xi32>
      %slice3A_1713 = vector.extract_strided_slice %get3A_922 {offsets = [14], sizes = [1], strides = [1]} : vector<16xi32> to vector<1xi32>
      %squeeze3A_1714 = vector.extract %slice3A_1713[0] : i32 from vector<1xi32>
      %dma_start3A_1715 = arith.constant 0 : i32
      %dma_start3A_1716 = tpu.memref_slice %arg11[%add3A_1710, %dma_start3A_1715] : memref<512x128xf32, #tpu.memory_space<vmem>> -> memref<1x32xf32, #tpu.memory_space<vmem>>
      %dma_start3A_1717 = tpu.memref_squeeze %dma_start3A_1716 : memref<1x32xf32, #tpu.memory_space<vmem>> -> memref<32xf32, #tpu.memory_space<vmem>>
      %dma_start3A_1718 = arith.constant 0 : i32
      %dma_start3A_1719 = tpu.memref_slice %arg4[%squeeze3A_1712, %dma_start3A_1718] : memref<1000000x32xf32, #tpu.memory_space<hbm>> -> memref<1x32xf32, #tpu.memory_space<hbm>>
      %dma_start3A_1720 = tpu.memref_squeeze %dma_start3A_1719 : memref<1x32xf32, #tpu.memory_space<hbm>> -> memref<32xf32, #tpu.memory_space<hbm>>
      %dma_start3A_1721 = arith.constant 0 : i32
      %dma_start3A_1722 = tpu.memref_slice %arg11[%add3A_1710, %dma_start3A_1721] : memref<512x128xf32, #tpu.memory_space<vmem>> -> memref<1x32xf32, #tpu.memory_space<vmem>>
      %dma_start3A_1723 = tpu.memref_squeeze %dma_start3A_1722 : memref<1x32xf32, #tpu.memory_space<vmem>> -> memref<32xf32, #tpu.memory_space<vmem>>
      %dma_start3A_1724 = arith.constant 0 : i32
      %dma_start3A_1725 = tpu.memref_slice %arg4[%squeeze3A_1712, %dma_start3A_1724] : memref<1000000x32xf32, #tpu.memory_space<hbm>> -> memref<1x32xf32, #tpu.memory_space<hbm>>
      %dma_start3A_1726 = tpu.memref_squeeze %dma_start3A_1725 : memref<1x32xf32, #tpu.memory_space<hbm>> -> memref<32xf32, #tpu.memory_space<hbm>>
      tpu.enqueue_dma source(%dma_start3A_1726 : memref<32xf32, #tpu.memory_space<hbm>>) target(%dma_start3A_1723 : memref<32xf32, #tpu.memory_space<vmem>>) target_semaphore(%arg12 : memref<!tpu.dma_semaphore, #tpu.memory_space<semaphore_mem>>)
      %dma_start3A_1727 = arith.constant 32 : i32
      %dma_start3A_1728 = tpu.memref_slice %arg11[%add3A_1710, %dma_start3A_1727] : memref<512x128xf32, #tpu.memory_space<vmem>> -> memref<1x32xf32, #tpu.memory_space<vmem>>
      %dma_start3A_1729 = tpu.memref_squeeze %dma_start3A_1728 : memref<1x32xf32, #tpu.memory_space<vmem>> -> memref<32xf32, #tpu.memory_space<vmem>>
      %dma_start3A_1730 = arith.constant 0 : i32
      %dma_start3A_1731 = tpu.memref_slice %arg5[%squeeze3A_1714, %dma_start3A_1730] : memref<1000000x32xf32, #tpu.memory_space<hbm>> -> memref<1x32xf32, #tpu.memory_space<hbm>>
      %dma_start3A_1732 = tpu.memref_squeeze %dma_start3A_1731 : memref<1x32xf32, #tpu.memory_space<hbm>> -> memref<32xf32, #tpu.memory_space<hbm>>
      %dma_start3A_1733 = arith.constant 32 : i32
      %dma_start3A_1734 = tpu.memref_slice %arg11[%add3A_1710, %dma_start3A_1733] : memref<512x128xf32, #tpu.memory_space<vmem>> -> memref<1x32xf32, #tpu.memory_space<vmem>>
      %dma_start3A_1735 = tpu.memref_squeeze %dma_start3A_1734 : memref<1x32xf32, #tpu.memory_space<vmem>> -> memref<32xf32, #tpu.memory_space<vmem>>
      %dma_start3A_1736 = arith.constant 0 : i32
      %dma_start3A_1737 = tpu.memref_slice %arg5[%squeeze3A_1714, %dma_start3A_1736] : memref<1000000x32xf32, #tpu.memory_space<hbm>> -> memref<1x32xf32, #tpu.memory_space<hbm>>
      %dma_start3A_1738 = tpu.memref_squeeze %dma_start3A_1737 : memref<1x32xf32, #tpu.memory_space<hbm>> -> memref<32xf32, #tpu.memory_space<hbm>>
      tpu.enqueue_dma source(%dma_start3A_1738 : memref<32xf32, #tpu.memory_space<hbm>>) target(%dma_start3A_1735 : memref<32xf32, #tpu.memory_space<vmem>>) target_semaphore(%arg12 : memref<!tpu.dma_semaphore, #tpu.memory_space<semaphore_mem>>)
      %dma_start3A_1739 = arith.constant 64 : i32
      %dma_start3A_1740 = tpu.memref_slice %arg11[%add3A_1710, %dma_start3A_1739] : memref<512x128xf32, #tpu.memory_space<vmem>> -> memref<1x32xf32, #tpu.memory_space<vmem>>
      %dma_start3A_1741 = tpu.memref_squeeze %dma_start3A_1740 : memref<1x32xf32, #tpu.memory_space<vmem>> -> memref<32xf32, #tpu.memory_space<vmem>>
      %dma_start3A_1742 = arith.constant 0 : i32
      %dma_start3A_1743 = tpu.memref_slice %arg6[%squeeze3A_1712, %dma_start3A_1742] : memref<1000000x32xf32, #tpu.memory_space<hbm>> -> memref<1x32xf32, #tpu.memory_space<hbm>>
      %dma_start3A_1744 = tpu.memref_squeeze %dma_start3A_1743 : memref<1x32xf32, #tpu.memory_space<hbm>> -> memref<32xf32, #tpu.memory_space<hbm>>
      %dma_start3A_1745 = arith.constant 64 : i32
      %dma_start3A_1746 = tpu.memref_slice %arg11[%add3A_1710, %dma_start3A_1745] : memref<512x128xf32, #tpu.memory_space<vmem>> -> memref<1x32xf32, #tpu.memory_space<vmem>>
      %dma_start3A_1747 = tpu.memref_squeeze %dma_start3A_1746 : memref<1x32xf32, #tpu.memory_space<vmem>> -> memref<32xf32, #tpu.memory_space<vmem>>
      %dma_start3A_1748 = arith.constant 0 : i32
      %dma_start3A_1749 = tpu.memref_slice %arg6[%squeeze3A_1712, %dma_start3A_1748] : memref<1000000x32xf32, #tpu.memory_space<hbm>> -> memref<1x32xf32, #tpu.memory_space<hbm>>
      %dma_start3A_1750 = tpu.memref_squeeze %dma_start3A_1749 : memref<1x32xf32, #tpu.memory_space<hbm>> -> memref<32xf32, #tpu.memory_space<hbm>>
      tpu.enqueue_dma source(%dma_start3A_1750 : memref<32xf32, #tpu.memory_space<hbm>>) target(%dma_start3A_1747 : memref<32xf32, #tpu.memory_space<vmem>>) target_semaphore(%arg12 : memref<!tpu.dma_semaphore, #tpu.memory_space<semaphore_mem>>)
      %dma_start3A_1751 = arith.constant 96 : i32
      %dma_start3A_1752 = tpu.memref_slice %arg11[%add3A_1710, %dma_start3A_1751] : memref<512x128xf32, #tpu.memory_space<vmem>> -> memref<1x32xf32, #tpu.memory_space<vmem>>
      %dma_start3A_1753 = tpu.memref_squeeze %dma_start3A_1752 : memref<1x32xf32, #tpu.memory_space<vmem>> -> memref<32xf32, #tpu.memory_space<vmem>>
      %dma_start3A_1754 = arith.constant 0 : i32
      %dma_start3A_1755 = tpu.memref_slice %arg7[%squeeze3A_1714, %dma_start3A_1754] : memref<1000000x32xf32, #tpu.memory_space<hbm>> -> memref<1x32xf32, #tpu.memory_space<hbm>>
      %dma_start3A_1756 = tpu.memref_squeeze %dma_start3A_1755 : memref<1x32xf32, #tpu.memory_space<hbm>> -> memref<32xf32, #tpu.memory_space<hbm>>
      %dma_start3A_1757 = arith.constant 96 : i32
      %dma_start3A_1758 = tpu.memref_slice %arg11[%add3A_1710, %dma_start3A_1757] : memref<512x128xf32, #tpu.memory_space<vmem>> -> memref<1x32xf32, #tpu.memory_space<vmem>>
      %dma_start3A_1759 = tpu.memref_squeeze %dma_start3A_1758 : memref<1x32xf32, #tpu.memory_space<vmem>> -> memref<32xf32, #tpu.memory_space<vmem>>
      %dma_start3A_1760 = arith.constant 0 : i32
      %dma_start3A_1761 = tpu.memref_slice %arg7[%squeeze3A_1714, %dma_start3A_1760] : memref<1000000x32xf32, #tpu.memory_space<hbm>> -> memref<1x32xf32, #tpu.memory_space<hbm>>
      %dma_start3A_1762 = tpu.memref_squeeze %dma_start3A_1761 : memref<1x32xf32, #tpu.memory_space<hbm>> -> memref<32xf32, #tpu.memory_space<hbm>>
      tpu.enqueue_dma source(%dma_start3A_1762 : memref<32xf32, #tpu.memory_space<hbm>>) target(%dma_start3A_1759 : memref<32xf32, #tpu.memory_space<vmem>>) target_semaphore(%arg12 : memref<!tpu.dma_semaphore, #tpu.memory_space<semaphore_mem>>)
      %add3A_1763 = arith.constant 16 : i32
      %add3A_1764 = arith.addi %mul3A_10, %add3A_1763 : i32
      %add3A_1765 = arith.constant 15 : i32
      %add3A_1766 = arith.addi %add3A_1764, %add3A_1765 : i32
      %slice3A_1767 = vector.extract_strided_slice %get3A_917 {offsets = [15], sizes = [1], strides = [1]} : vector<16xi32> to vector<1xi32>
      %squeeze3A_1768 = vector.extract %slice3A_1767[0] : i32 from vector<1xi32>
      %slice3A_1769 = vector.extract_strided_slice %get3A_922 {offsets = [15], sizes = [1], strides = [1]} : vector<16xi32> to vector<1xi32>
      %squeeze3A_1770 = vector.extract %slice3A_1769[0] : i32 from vector<1xi32>
      %dma_start3A_1771 = arith.constant 0 : i32
      %dma_start3A_1772 = tpu.memref_slice %arg11[%add3A_1766, %dma_start3A_1771] : memref<512x128xf32, #tpu.memory_space<vmem>> -> memref<1x32xf32, #tpu.memory_space<vmem>>
      %dma_start3A_1773 = tpu.memref_squeeze %dma_start3A_1772 : memref<1x32xf32, #tpu.memory_space<vmem>> -> memref<32xf32, #tpu.memory_space<vmem>>
      %dma_start3A_1774 = arith.constant 0 : i32
      %dma_start3A_1775 = tpu.memref_slice %arg4[%squeeze3A_1768, %dma_start3A_1774] : memref<1000000x32xf32, #tpu.memory_space<hbm>> -> memref<1x32xf32, #tpu.memory_space<hbm>>
      %dma_start3A_1776 = tpu.memref_squeeze %dma_start3A_1775 : memref<1x32xf32, #tpu.memory_space<hbm>> -> memref<32xf32, #tpu.memory_space<hbm>>
      %dma_start3A_1777 = arith.constant 0 : i32
      %dma_start3A_1778 = tpu.memref_slice %arg11[%add3A_1766, %dma_start3A_1777] : memref<512x128xf32, #tpu.memory_space<vmem>> -> memref<1x32xf32, #tpu.memory_space<vmem>>
      %dma_start3A_1779 = tpu.memref_squeeze %dma_start3A_1778 : memref<1x32xf32, #tpu.memory_space<vmem>> -> memref<32xf32, #tpu.memory_space<vmem>>
      %dma_start3A_1780 = arith.constant 0 : i32
      %dma_start3A_1781 = tpu.memref_slice %arg4[%squeeze3A_1768, %dma_start3A_1780] : memref<1000000x32xf32, #tpu.memory_space<hbm>> -> memref<1x32xf32, #tpu.memory_space<hbm>>
      %dma_start3A_1782 = tpu.memref_squeeze %dma_start3A_1781 : memref<1x32xf32, #tpu.memory_space<hbm>> -> memref<32xf32, #tpu.memory_space<hbm>>
      tpu.enqueue_dma source(%dma_start3A_1782 : memref<32xf32, #tpu.memory_space<hbm>>) target(%dma_start3A_1779 : memref<32xf32, #tpu.memory_space<vmem>>) target_semaphore(%arg12 : memref<!tpu.dma_semaphore, #tpu.memory_space<semaphore_mem>>)
      %dma_start3A_1783 = arith.constant 32 : i32
      %dma_start3A_1784 = tpu.memref_slice %arg11[%add3A_1766, %dma_start3A_1783] : memref<512x128xf32, #tpu.memory_space<vmem>> -> memref<1x32xf32, #tpu.memory_space<vmem>>
      %dma_start3A_1785 = tpu.memref_squeeze %dma_start3A_1784 : memref<1x32xf32, #tpu.memory_space<vmem>> -> memref<32xf32, #tpu.memory_space<vmem>>
      %dma_start3A_1786 = arith.constant 0 : i32
      %dma_start3A_1787 = tpu.memref_slice %arg5[%squeeze3A_1770, %dma_start3A_1786] : memref<1000000x32xf32, #tpu.memory_space<hbm>> -> memref<1x32xf32, #tpu.memory_space<hbm>>
      %dma_start3A_1788 = tpu.memref_squeeze %dma_start3A_1787 : memref<1x32xf32, #tpu.memory_space<hbm>> -> memref<32xf32, #tpu.memory_space<hbm>>
      %dma_start3A_1789 = arith.constant 32 : i32
      %dma_start3A_1790 = tpu.memref_slice %arg11[%add3A_1766, %dma_start3A_1789] : memref<512x128xf32, #tpu.memory_space<vmem>> -> memref<1x32xf32, #tpu.memory_space<vmem>>
      %dma_start3A_1791 = tpu.memref_squeeze %dma_start3A_1790 : memref<1x32xf32, #tpu.memory_space<vmem>> -> memref<32xf32, #tpu.memory_space<vmem>>
      %dma_start3A_1792 = arith.constant 0 : i32
      %dma_start3A_1793 = tpu.memref_slice %arg5[%squeeze3A_1770, %dma_start3A_1792] : memref<1000000x32xf32, #tpu.memory_space<hbm>> -> memref<1x32xf32, #tpu.memory_space<hbm>>
      %dma_start3A_1794 = tpu.memref_squeeze %dma_start3A_1793 : memref<1x32xf32, #tpu.memory_space<hbm>> -> memref<32xf32, #tpu.memory_space<hbm>>
      tpu.enqueue_dma source(%dma_start3A_1794 : memref<32xf32, #tpu.memory_space<hbm>>) target(%dma_start3A_1791 : memref<32xf32, #tpu.memory_space<vmem>>) target_semaphore(%arg12 : memref<!tpu.dma_semaphore, #tpu.memory_space<semaphore_mem>>)
      %dma_start3A_1795 = arith.constant 64 : i32
      %dma_start3A_1796 = tpu.memref_slice %arg11[%add3A_1766, %dma_start3A_1795] : memref<512x128xf32, #tpu.memory_space<vmem>> -> memref<1x32xf32, #tpu.memory_space<vmem>>
      %dma_start3A_1797 = tpu.memref_squeeze %dma_start3A_1796 : memref<1x32xf32, #tpu.memory_space<vmem>> -> memref<32xf32, #tpu.memory_space<vmem>>
      %dma_start3A_1798 = arith.constant 0 : i32
      %dma_start3A_1799 = tpu.memref_slice %arg6[%squeeze3A_1768, %dma_start3A_1798] : memref<1000000x32xf32, #tpu.memory_space<hbm>> -> memref<1x32xf32, #tpu.memory_space<hbm>>
      %dma_start3A_1800 = tpu.memref_squeeze %dma_start3A_1799 : memref<1x32xf32, #tpu.memory_space<hbm>> -> memref<32xf32, #tpu.memory_space<hbm>>
      %dma_start3A_1801 = arith.constant 64 : i32
      %dma_start3A_1802 = tpu.memref_slice %arg11[%add3A_1766, %dma_start3A_1801] : memref<512x128xf32, #tpu.memory_space<vmem>> -> memref<1x32xf32, #tpu.memory_space<vmem>>
      %dma_start3A_1803 = tpu.memref_squeeze %dma_start3A_1802 : memref<1x32xf32, #tpu.memory_space<vmem>> -> memref<32xf32, #tpu.memory_space<vmem>>
      %dma_start3A_1804 = arith.constant 0 : i32
      %dma_start3A_1805 = tpu.memref_slice %arg6[%squeeze3A_1768, %dma_start3A_1804] : memref<1000000x32xf32, #tpu.memory_space<hbm>> -> memref<1x32xf32, #tpu.memory_space<hbm>>
      %dma_start3A_1806 = tpu.memref_squeeze %dma_start3A_1805 : memref<1x32xf32, #tpu.memory_space<hbm>> -> memref<32xf32, #tpu.memory_space<hbm>>
      tpu.enqueue_dma source(%dma_start3A_1806 : memref<32xf32, #tpu.memory_space<hbm>>) target(%dma_start3A_1803 : memref<32xf32, #tpu.memory_space<vmem>>) target_semaphore(%arg12 : memref<!tpu.dma_semaphore, #tpu.memory_space<semaphore_mem>>)
      %dma_start3A_1807 = arith.constant 96 : i32
      %dma_start3A_1808 = tpu.memref_slice %arg11[%add3A_1766, %dma_start3A_1807] : memref<512x128xf32, #tpu.memory_space<vmem>> -> memref<1x32xf32, #tpu.memory_space<vmem>>
      %dma_start3A_1809 = tpu.memref_squeeze %dma_start3A_1808 : memref<1x32xf32, #tpu.memory_space<vmem>> -> memref<32xf32, #tpu.memory_space<vmem>>
      %dma_start3A_1810 = arith.constant 0 : i32
      %dma_start3A_1811 = tpu.memref_slice %arg7[%squeeze3A_1770, %dma_start3A_1810] : memref<1000000x32xf32, #tpu.memory_space<hbm>> -> memref<1x32xf32, #tpu.memory_space<hbm>>
      %dma_start3A_1812 = tpu.memref_squeeze %dma_start3A_1811 : memref<1x32xf32, #tpu.memory_space<hbm>> -> memref<32xf32, #tpu.memory_space<hbm>>
      %dma_start3A_1813 = arith.constant 96 : i32
      %dma_start3A_1814 = tpu.memref_slice %arg11[%add3A_1766, %dma_start3A_1813] : memref<512x128xf32, #tpu.memory_space<vmem>> -> memref<1x32xf32, #tpu.memory_space<vmem>>
      %dma_start3A_1815 = tpu.memref_squeeze %dma_start3A_1814 : memref<1x32xf32, #tpu.memory_space<vmem>> -> memref<32xf32, #tpu.memory_space<vmem>>
      %dma_start3A_1816 = arith.constant 0 : i32
      %dma_start3A_1817 = tpu.memref_slice %arg7[%squeeze3A_1770, %dma_start3A_1816] : memref<1000000x32xf32, #tpu.memory_space<hbm>> -> memref<1x32xf32, #tpu.memory_space<hbm>>
      %dma_start3A_1818 = tpu.memref_squeeze %dma_start3A_1817 : memref<1x32xf32, #tpu.memory_space<hbm>> -> memref<32xf32, #tpu.memory_space<hbm>>
      tpu.enqueue_dma source(%dma_start3A_1818 : memref<32xf32, #tpu.memory_space<hbm>>) target(%dma_start3A_1815 : memref<32xf32, #tpu.memory_space<vmem>>) target_semaphore(%arg12 : memref<!tpu.dma_semaphore, #tpu.memory_space<semaphore_mem>>)
      %add3A_1819 = arith.constant 0 : i32
      %add3A_1820 = arith.addi %mul3A_10, %add3A_1819 : i32
      %dma_wait3A = arith.constant 0 : i32
      %dma_wait3A_1821 = arith.constant 0 : i32
      %dma_wait3A_1822 = tpu.memref_slice %arg11[%add3A_1820, %dma_wait3A_1821] : memref<512x128xf32, #tpu.memory_space<vmem>> -> memref<1x128xf32, #tpu.memory_space<vmem>>
      %dma_wait3A_1823 = tpu.memref_squeeze %dma_wait3A_1822 : memref<1x128xf32, #tpu.memory_space<vmem>> -> memref<128xf32, #tpu.memory_space<vmem>>
      %dma_wait3A_1824 = arith.constant 0 : i32
      %dma_wait3A_1825 = tpu.memref_slice %arg4[%dma_wait3A, %dma_wait3A_1824] : memref<1000000x32xf32, #tpu.memory_space<hbm>> -> memref<1x32xf32, #tpu.memory_space<hbm>>
      %dma_wait3A_1826 = tpu.memref_squeeze %dma_wait3A_1825 : memref<1x32xf32, #tpu.memory_space<hbm>> -> memref<32xf32, #tpu.memory_space<hbm>>
      %dma_wait3A_1827 = arith.constant 0 : i32
      %dma_wait3A_1828 = tpu.memref_slice %arg11[%add3A_1820, %dma_wait3A_1827] : memref<512x128xf32, #tpu.memory_space<vmem>> -> memref<1x128xf32, #tpu.memory_space<vmem>>
      %dma_wait3A_1829 = tpu.memref_squeeze %dma_wait3A_1828 : memref<1x128xf32, #tpu.memory_space<vmem>> -> memref<128xf32, #tpu.memory_space<vmem>>
      %dma_wait3A_1830 = arith.constant 0 : i32
      %dma_wait3A_1831 = tpu.memref_slice %arg4[%dma_wait3A, %dma_wait3A_1830] : memref<1000000x32xf32, #tpu.memory_space<hbm>> -> memref<1x32xf32, #tpu.memory_space<hbm>>
      %dma_wait3A_1832 = tpu.memref_squeeze %dma_wait3A_1831 : memref<1x32xf32, #tpu.memory_space<hbm>> -> memref<32xf32, #tpu.memory_space<hbm>>
      tpu.wait_dma2 semaphore(%arg12 : memref<!tpu.dma_semaphore, #tpu.memory_space<semaphore_mem>>) src(%dma_wait3A_1832 : memref<32xf32, #tpu.memory_space<hbm>>) dst(%dma_wait3A_1829 : memref<128xf32, #tpu.memory_space<vmem>>)
      %add3A_1833 = arith.constant 1 : i32
      %add3A_1834 = arith.addi %mul3A_10, %add3A_1833 : i32
      %dma_wait3A_1835 = arith.constant 0 : i32
      %dma_wait3A_1836 = arith.constant 0 : i32
      %dma_wait3A_1837 = tpu.memref_slice %arg11[%add3A_1834, %dma_wait3A_1836] : memref<512x128xf32, #tpu.memory_space<vmem>> -> memref<1x128xf32, #tpu.memory_space<vmem>>
      %dma_wait3A_1838 = tpu.memref_squeeze %dma_wait3A_1837 : memref<1x128xf32, #tpu.memory_space<vmem>> -> memref<128xf32, #tpu.memory_space<vmem>>
      %dma_wait3A_1839 = arith.constant 0 : i32
      %dma_wait3A_1840 = tpu.memref_slice %arg4[%dma_wait3A_1835, %dma_wait3A_1839] : memref<1000000x32xf32, #tpu.memory_space<hbm>> -> memref<1x32xf32, #tpu.memory_space<hbm>>
      %dma_wait3A_1841 = tpu.memref_squeeze %dma_wait3A_1840 : memref<1x32xf32, #tpu.memory_space<hbm>> -> memref<32xf32, #tpu.memory_space<hbm>>
      %dma_wait3A_1842 = arith.constant 0 : i32
      %dma_wait3A_1843 = tpu.memref_slice %arg11[%add3A_1834, %dma_wait3A_1842] : memref<512x128xf32, #tpu.memory_space<vmem>> -> memref<1x128xf32, #tpu.memory_space<vmem>>
      %dma_wait3A_1844 = tpu.memref_squeeze %dma_wait3A_1843 : memref<1x128xf32, #tpu.memory_space<vmem>> -> memref<128xf32, #tpu.memory_space<vmem>>
      %dma_wait3A_1845 = arith.constant 0 : i32
      %dma_wait3A_1846 = tpu.memref_slice %arg4[%dma_wait3A_1835, %dma_wait3A_1845] : memref<1000000x32xf32, #tpu.memory_space<hbm>> -> memref<1x32xf32, #tpu.memory_space<hbm>>
      %dma_wait3A_1847 = tpu.memref_squeeze %dma_wait3A_1846 : memref<1x32xf32, #tpu.memory_space<hbm>> -> memref<32xf32, #tpu.memory_space<hbm>>
      tpu.wait_dma2 semaphore(%arg12 : memref<!tpu.dma_semaphore, #tpu.memory_space<semaphore_mem>>) src(%dma_wait3A_1847 : memref<32xf32, #tpu.memory_space<hbm>>) dst(%dma_wait3A_1844 : memref<128xf32, #tpu.memory_space<vmem>>)
      %add3A_1848 = arith.constant 2 : i32
      %add3A_1849 = arith.addi %mul3A_10, %add3A_1848 : i32
      %dma_wait3A_1850 = arith.constant 0 : i32
      %dma_wait3A_1851 = arith.constant 0 : i32
      %dma_wait3A_1852 = tpu.memref_slice %arg11[%add3A_1849, %dma_wait3A_1851] : memref<512x128xf32, #tpu.memory_space<vmem>> -> memref<1x128xf32, #tpu.memory_space<vmem>>
      %dma_wait3A_1853 = tpu.memref_squeeze %dma_wait3A_1852 : memref<1x128xf32, #tpu.memory_space<vmem>> -> memref<128xf32, #tpu.memory_space<vmem>>
      %dma_wait3A_1854 = arith.constant 0 : i32
      %dma_wait3A_1855 = tpu.memref_slice %arg4[%dma_wait3A_1850, %dma_wait3A_1854] : memref<1000000x32xf32, #tpu.memory_space<hbm>> -> memref<1x32xf32, #tpu.memory_space<hbm>>
      %dma_wait3A_1856 = tpu.memref_squeeze %dma_wait3A_1855 : memref<1x32xf32, #tpu.memory_space<hbm>> -> memref<32xf32, #tpu.memory_space<hbm>>
      %dma_wait3A_1857 = arith.constant 0 : i32
      %dma_wait3A_1858 = tpu.memref_slice %arg11[%add3A_1849, %dma_wait3A_1857] : memref<512x128xf32, #tpu.memory_space<vmem>> -> memref<1x128xf32, #tpu.memory_space<vmem>>
      %dma_wait3A_1859 = tpu.memref_squeeze %dma_wait3A_1858 : memref<1x128xf32, #tpu.memory_space<vmem>> -> memref<128xf32, #tpu.memory_space<vmem>>
      %dma_wait3A_1860 = arith.constant 0 : i32
      %dma_wait3A_1861 = tpu.memref_slice %arg4[%dma_wait3A_1850, %dma_wait3A_1860] : memref<1000000x32xf32, #tpu.memory_space<hbm>> -> memref<1x32xf32, #tpu.memory_space<hbm>>
      %dma_wait3A_1862 = tpu.memref_squeeze %dma_wait3A_1861 : memref<1x32xf32, #tpu.memory_space<hbm>> -> memref<32xf32, #tpu.memory_space<hbm>>
      tpu.wait_dma2 semaphore(%arg12 : memref<!tpu.dma_semaphore, #tpu.memory_space<semaphore_mem>>) src(%dma_wait3A_1862 : memref<32xf32, #tpu.memory_space<hbm>>) dst(%dma_wait3A_1859 : memref<128xf32, #tpu.memory_space<vmem>>)
      %add3A_1863 = arith.constant 3 : i32
      %add3A_1864 = arith.addi %mul3A_10, %add3A_1863 : i32
      %dma_wait3A_1865 = arith.constant 0 : i32
      %dma_wait3A_1866 = arith.constant 0 : i32
      %dma_wait3A_1867 = tpu.memref_slice %arg11[%add3A_1864, %dma_wait3A_1866] : memref<512x128xf32, #tpu.memory_space<vmem>> -> memref<1x128xf32, #tpu.memory_space<vmem>>
      %dma_wait3A_1868 = tpu.memref_squeeze %dma_wait3A_1867 : memref<1x128xf32, #tpu.memory_space<vmem>> -> memref<128xf32, #tpu.memory_space<vmem>>
      %dma_wait3A_1869 = arith.constant 0 : i32
      %dma_wait3A_1870 = tpu.memref_slice %arg4[%dma_wait3A_1865, %dma_wait3A_1869] : memref<1000000x32xf32, #tpu.memory_space<hbm>> -> memref<1x32xf32, #tpu.memory_space<hbm>>
      %dma_wait3A_1871 = tpu.memref_squeeze %dma_wait3A_1870 : memref<1x32xf32, #tpu.memory_space<hbm>> -> memref<32xf32, #tpu.memory_space<hbm>>
      %dma_wait3A_1872 = arith.constant 0 : i32
      %dma_wait3A_1873 = tpu.memref_slice %arg11[%add3A_1864, %dma_wait3A_1872] : memref<512x128xf32, #tpu.memory_space<vmem>> -> memref<1x128xf32, #tpu.memory_space<vmem>>
      %dma_wait3A_1874 = tpu.memref_squeeze %dma_wait3A_1873 : memref<1x128xf32, #tpu.memory_space<vmem>> -> memref<128xf32, #tpu.memory_space<vmem>>
      %dma_wait3A_1875 = arith.constant 0 : i32
      %dma_wait3A_1876 = tpu.memref_slice %arg4[%dma_wait3A_1865, %dma_wait3A_1875] : memref<1000000x32xf32, #tpu.memory_space<hbm>> -> memref<1x32xf32, #tpu.memory_space<hbm>>
      %dma_wait3A_1877 = tpu.memref_squeeze %dma_wait3A_1876 : memref<1x32xf32, #tpu.memory_space<hbm>> -> memref<32xf32, #tpu.memory_space<hbm>>
      tpu.wait_dma2 semaphore(%arg12 : memref<!tpu.dma_semaphore, #tpu.memory_space<semaphore_mem>>) src(%dma_wait3A_1877 : memref<32xf32, #tpu.memory_space<hbm>>) dst(%dma_wait3A_1874 : memref<128xf32, #tpu.memory_space<vmem>>)
      %add3A_1878 = arith.constant 4 : i32
      %add3A_1879 = arith.addi %mul3A_10, %add3A_1878 : i32
      %dma_wait3A_1880 = arith.constant 0 : i32
      %dma_wait3A_1881 = arith.constant 0 : i32
      %dma_wait3A_1882 = tpu.memref_slice %arg11[%add3A_1879, %dma_wait3A_1881] : memref<512x128xf32, #tpu.memory_space<vmem>> -> memref<1x128xf32, #tpu.memory_space<vmem>>
      %dma_wait3A_1883 = tpu.memref_squeeze %dma_wait3A_1882 : memref<1x128xf32, #tpu.memory_space<vmem>> -> memref<128xf32, #tpu.memory_space<vmem>>
      %dma_wait3A_1884 = arith.constant 0 : i32
      %dma_wait3A_1885 = tpu.memref_slice %arg4[%dma_wait3A_1880, %dma_wait3A_1884] : memref<1000000x32xf32, #tpu.memory_space<hbm>> -> memref<1x32xf32, #tpu.memory_space<hbm>>
      %dma_wait3A_1886 = tpu.memref_squeeze %dma_wait3A_1885 : memref<1x32xf32, #tpu.memory_space<hbm>> -> memref<32xf32, #tpu.memory_space<hbm>>
      %dma_wait3A_1887 = arith.constant 0 : i32
      %dma_wait3A_1888 = tpu.memref_slice %arg11[%add3A_1879, %dma_wait3A_1887] : memref<512x128xf32, #tpu.memory_space<vmem>> -> memref<1x128xf32, #tpu.memory_space<vmem>>
      %dma_wait3A_1889 = tpu.memref_squeeze %dma_wait3A_1888 : memref<1x128xf32, #tpu.memory_space<vmem>> -> memref<128xf32, #tpu.memory_space<vmem>>
      %dma_wait3A_1890 = arith.constant 0 : i32
      %dma_wait3A_1891 = tpu.memref_slice %arg4[%dma_wait3A_1880, %dma_wait3A_1890] : memref<1000000x32xf32, #tpu.memory_space<hbm>> -> memref<1x32xf32, #tpu.memory_space<hbm>>
      %dma_wait3A_1892 = tpu.memref_squeeze %dma_wait3A_1891 : memref<1x32xf32, #tpu.memory_space<hbm>> -> memref<32xf32, #tpu.memory_space<hbm>>
      tpu.wait_dma2 semaphore(%arg12 : memref<!tpu.dma_semaphore, #tpu.memory_space<semaphore_mem>>) src(%dma_wait3A_1892 : memref<32xf32, #tpu.memory_space<hbm>>) dst(%dma_wait3A_1889 : memref<128xf32, #tpu.memory_space<vmem>>)
      %add3A_1893 = arith.constant 5 : i32
      %add3A_1894 = arith.addi %mul3A_10, %add3A_1893 : i32
      %dma_wait3A_1895 = arith.constant 0 : i32
      %dma_wait3A_1896 = arith.constant 0 : i32
      %dma_wait3A_1897 = tpu.memref_slice %arg11[%add3A_1894, %dma_wait3A_1896] : memref<512x128xf32, #tpu.memory_space<vmem>> -> memref<1x128xf32, #tpu.memory_space<vmem>>
      %dma_wait3A_1898 = tpu.memref_squeeze %dma_wait3A_1897 : memref<1x128xf32, #tpu.memory_space<vmem>> -> memref<128xf32, #tpu.memory_space<vmem>>
      %dma_wait3A_1899 = arith.constant 0 : i32
      %dma_wait3A_1900 = tpu.memref_slice %arg4[%dma_wait3A_1895, %dma_wait3A_1899] : memref<1000000x32xf32, #tpu.memory_space<hbm>> -> memref<1x32xf32, #tpu.memory_space<hbm>>
      %dma_wait3A_1901 = tpu.memref_squeeze %dma_wait3A_1900 : memref<1x32xf32, #tpu.memory_space<hbm>> -> memref<32xf32, #tpu.memory_space<hbm>>
      %dma_wait3A_1902 = arith.constant 0 : i32
      %dma_wait3A_1903 = tpu.memref_slice %arg11[%add3A_1894, %dma_wait3A_1902] : memref<512x128xf32, #tpu.memory_space<vmem>> -> memref<1x128xf32, #tpu.memory_space<vmem>>
      %dma_wait3A_1904 = tpu.memref_squeeze %dma_wait3A_1903 : memref<1x128xf32, #tpu.memory_space<vmem>> -> memref<128xf32, #tpu.memory_space<vmem>>
      %dma_wait3A_1905 = arith.constant 0 : i32
      %dma_wait3A_1906 = tpu.memref_slice %arg4[%dma_wait3A_1895, %dma_wait3A_1905] : memref<1000000x32xf32, #tpu.memory_space<hbm>> -> memref<1x32xf32, #tpu.memory_space<hbm>>
      %dma_wait3A_1907 = tpu.memref_squeeze %dma_wait3A_1906 : memref<1x32xf32, #tpu.memory_space<hbm>> -> memref<32xf32, #tpu.memory_space<hbm>>
      tpu.wait_dma2 semaphore(%arg12 : memref<!tpu.dma_semaphore, #tpu.memory_space<semaphore_mem>>) src(%dma_wait3A_1907 : memref<32xf32, #tpu.memory_space<hbm>>) dst(%dma_wait3A_1904 : memref<128xf32, #tpu.memory_space<vmem>>)
      %add3A_1908 = arith.constant 6 : i32
      %add3A_1909 = arith.addi %mul3A_10, %add3A_1908 : i32
      %dma_wait3A_1910 = arith.constant 0 : i32
      %dma_wait3A_1911 = arith.constant 0 : i32
      %dma_wait3A_1912 = tpu.memref_slice %arg11[%add3A_1909, %dma_wait3A_1911] : memref<512x128xf32, #tpu.memory_space<vmem>> -> memref<1x128xf32, #tpu.memory_space<vmem>>
      %dma_wait3A_1913 = tpu.memref_squeeze %dma_wait3A_1912 : memref<1x128xf32, #tpu.memory_space<vmem>> -> memref<128xf32, #tpu.memory_space<vmem>>
      %dma_wait3A_1914 = arith.constant 0 : i32
      %dma_wait3A_1915 = tpu.memref_slice %arg4[%dma_wait3A_1910, %dma_wait3A_1914] : memref<1000000x32xf32, #tpu.memory_space<hbm>> -> memref<1x32xf32, #tpu.memory_space<hbm>>
      %dma_wait3A_1916 = tpu.memref_squeeze %dma_wait3A_1915 : memref<1x32xf32, #tpu.memory_space<hbm>> -> memref<32xf32, #tpu.memory_space<hbm>>
      %dma_wait3A_1917 = arith.constant 0 : i32
      %dma_wait3A_1918 = tpu.memref_slice %arg11[%add3A_1909, %dma_wait3A_1917] : memref<512x128xf32, #tpu.memory_space<vmem>> -> memref<1x128xf32, #tpu.memory_space<vmem>>
      %dma_wait3A_1919 = tpu.memref_squeeze %dma_wait3A_1918 : memref<1x128xf32, #tpu.memory_space<vmem>> -> memref<128xf32, #tpu.memory_space<vmem>>
      %dma_wait3A_1920 = arith.constant 0 : i32
      %dma_wait3A_1921 = tpu.memref_slice %arg4[%dma_wait3A_1910, %dma_wait3A_1920] : memref<1000000x32xf32, #tpu.memory_space<hbm>> -> memref<1x32xf32, #tpu.memory_space<hbm>>
      %dma_wait3A_1922 = tpu.memref_squeeze %dma_wait3A_1921 : memref<1x32xf32, #tpu.memory_space<hbm>> -> memref<32xf32, #tpu.memory_space<hbm>>
      tpu.wait_dma2 semaphore(%arg12 : memref<!tpu.dma_semaphore, #tpu.memory_space<semaphore_mem>>) src(%dma_wait3A_1922 : memref<32xf32, #tpu.memory_space<hbm>>) dst(%dma_wait3A_1919 : memref<128xf32, #tpu.memory_space<vmem>>)
      %add3A_1923 = arith.constant 7 : i32
      %add3A_1924 = arith.addi %mul3A_10, %add3A_1923 : i32
      %dma_wait3A_1925 = arith.constant 0 : i32
      %dma_wait3A_1926 = arith.constant 0 : i32
      %dma_wait3A_1927 = tpu.memref_slice %arg11[%add3A_1924, %dma_wait3A_1926] : memref<512x128xf32, #tpu.memory_space<vmem>> -> memref<1x128xf32, #tpu.memory_space<vmem>>
      %dma_wait3A_1928 = tpu.memref_squeeze %dma_wait3A_1927 : memref<1x128xf32, #tpu.memory_space<vmem>> -> memref<128xf32, #tpu.memory_space<vmem>>
      %dma_wait3A_1929 = arith.constant 0 : i32
      %dma_wait3A_1930 = tpu.memref_slice %arg4[%dma_wait3A_1925, %dma_wait3A_1929] : memref<1000000x32xf32, #tpu.memory_space<hbm>> -> memref<1x32xf32, #tpu.memory_space<hbm>>
      %dma_wait3A_1931 = tpu.memref_squeeze %dma_wait3A_1930 : memref<1x32xf32, #tpu.memory_space<hbm>> -> memref<32xf32, #tpu.memory_space<hbm>>
      %dma_wait3A_1932 = arith.constant 0 : i32
      %dma_wait3A_1933 = tpu.memref_slice %arg11[%add3A_1924, %dma_wait3A_1932] : memref<512x128xf32, #tpu.memory_space<vmem>> -> memref<1x128xf32, #tpu.memory_space<vmem>>
      %dma_wait3A_1934 = tpu.memref_squeeze %dma_wait3A_1933 : memref<1x128xf32, #tpu.memory_space<vmem>> -> memref<128xf32, #tpu.memory_space<vmem>>
      %dma_wait3A_1935 = arith.constant 0 : i32
      %dma_wait3A_1936 = tpu.memref_slice %arg4[%dma_wait3A_1925, %dma_wait3A_1935] : memref<1000000x32xf32, #tpu.memory_space<hbm>> -> memref<1x32xf32, #tpu.memory_space<hbm>>
      %dma_wait3A_1937 = tpu.memref_squeeze %dma_wait3A_1936 : memref<1x32xf32, #tpu.memory_space<hbm>> -> memref<32xf32, #tpu.memory_space<hbm>>
      tpu.wait_dma2 semaphore(%arg12 : memref<!tpu.dma_semaphore, #tpu.memory_space<semaphore_mem>>) src(%dma_wait3A_1937 : memref<32xf32, #tpu.memory_space<hbm>>) dst(%dma_wait3A_1934 : memref<128xf32, #tpu.memory_space<vmem>>)
      %add3A_1938 = arith.constant 8 : i32
      %add3A_1939 = arith.addi %mul3A_10, %add3A_1938 : i32
      %dma_wait3A_1940 = arith.constant 0 : i32
      %dma_wait3A_1941 = arith.constant 0 : i32
      %dma_wait3A_1942 = tpu.memref_slice %arg11[%add3A_1939, %dma_wait3A_1941] : memref<512x128xf32, #tpu.memory_space<vmem>> -> memref<1x128xf32, #tpu.memory_space<vmem>>
      %dma_wait3A_1943 = tpu.memref_squeeze %dma_wait3A_1942 : memref<1x128xf32, #tpu.memory_space<vmem>> -> memref<128xf32, #tpu.memory_space<vmem>>
      %dma_wait3A_1944 = arith.constant 0 : i32
      %dma_wait3A_1945 = tpu.memref_slice %arg4[%dma_wait3A_1940, %dma_wait3A_1944] : memref<1000000x32xf32, #tpu.memory_space<hbm>> -> memref<1x32xf32, #tpu.memory_space<hbm>>
      %dma_wait3A_1946 = tpu.memref_squeeze %dma_wait3A_1945 : memref<1x32xf32, #tpu.memory_space<hbm>> -> memref<32xf32, #tpu.memory_space<hbm>>
      %dma_wait3A_1947 = arith.constant 0 : i32
      %dma_wait3A_1948 = tpu.memref_slice %arg11[%add3A_1939, %dma_wait3A_1947] : memref<512x128xf32, #tpu.memory_space<vmem>> -> memref<1x128xf32, #tpu.memory_space<vmem>>
      %dma_wait3A_1949 = tpu.memref_squeeze %dma_wait3A_1948 : memref<1x128xf32, #tpu.memory_space<vmem>> -> memref<128xf32, #tpu.memory_space<vmem>>
      %dma_wait3A_1950 = arith.constant 0 : i32
      %dma_wait3A_1951 = tpu.memref_slice %arg4[%dma_wait3A_1940, %dma_wait3A_1950] : memref<1000000x32xf32, #tpu.memory_space<hbm>> -> memref<1x32xf32, #tpu.memory_space<hbm>>
      %dma_wait3A_1952 = tpu.memref_squeeze %dma_wait3A_1951 : memref<1x32xf32, #tpu.memory_space<hbm>> -> memref<32xf32, #tpu.memory_space<hbm>>
      tpu.wait_dma2 semaphore(%arg12 : memref<!tpu.dma_semaphore, #tpu.memory_space<semaphore_mem>>) src(%dma_wait3A_1952 : memref<32xf32, #tpu.memory_space<hbm>>) dst(%dma_wait3A_1949 : memref<128xf32, #tpu.memory_space<vmem>>)
      %add3A_1953 = arith.constant 9 : i32
      %add3A_1954 = arith.addi %mul3A_10, %add3A_1953 : i32
      %dma_wait3A_1955 = arith.constant 0 : i32
      %dma_wait3A_1956 = arith.constant 0 : i32
      %dma_wait3A_1957 = tpu.memref_slice %arg11[%add3A_1954, %dma_wait3A_1956] : memref<512x128xf32, #tpu.memory_space<vmem>> -> memref<1x128xf32, #tpu.memory_space<vmem>>
      %dma_wait3A_1958 = tpu.memref_squeeze %dma_wait3A_1957 : memref<1x128xf32, #tpu.memory_space<vmem>> -> memref<128xf32, #tpu.memory_space<vmem>>
      %dma_wait3A_1959 = arith.constant 0 : i32
      %dma_wait3A_1960 = tpu.memref_slice %arg4[%dma_wait3A_1955, %dma_wait3A_1959] : memref<1000000x32xf32, #tpu.memory_space<hbm>> -> memref<1x32xf32, #tpu.memory_space<hbm>>
      %dma_wait3A_1961 = tpu.memref_squeeze %dma_wait3A_1960 : memref<1x32xf32, #tpu.memory_space<hbm>> -> memref<32xf32, #tpu.memory_space<hbm>>
      %dma_wait3A_1962 = arith.constant 0 : i32
      %dma_wait3A_1963 = tpu.memref_slice %arg11[%add3A_1954, %dma_wait3A_1962] : memref<512x128xf32, #tpu.memory_space<vmem>> -> memref<1x128xf32, #tpu.memory_space<vmem>>
      %dma_wait3A_1964 = tpu.memref_squeeze %dma_wait3A_1963 : memref<1x128xf32, #tpu.memory_space<vmem>> -> memref<128xf32, #tpu.memory_space<vmem>>
      %dma_wait3A_1965 = arith.constant 0 : i32
      %dma_wait3A_1966 = tpu.memref_slice %arg4[%dma_wait3A_1955, %dma_wait3A_1965] : memref<1000000x32xf32, #tpu.memory_space<hbm>> -> memref<1x32xf32, #tpu.memory_space<hbm>>
      %dma_wait3A_1967 = tpu.memref_squeeze %dma_wait3A_1966 : memref<1x32xf32, #tpu.memory_space<hbm>> -> memref<32xf32, #tpu.memory_space<hbm>>
      tpu.wait_dma2 semaphore(%arg12 : memref<!tpu.dma_semaphore, #tpu.memory_space<semaphore_mem>>) src(%dma_wait3A_1967 : memref<32xf32, #tpu.memory_space<hbm>>) dst(%dma_wait3A_1964 : memref<128xf32, #tpu.memory_space<vmem>>)
      %add3A_1968 = arith.constant 10 : i32
      %add3A_1969 = arith.addi %mul3A_10, %add3A_1968 : i32
      %dma_wait3A_1970 = arith.constant 0 : i32
      %dma_wait3A_1971 = arith.constant 0 : i32
      %dma_wait3A_1972 = tpu.memref_slice %arg11[%add3A_1969, %dma_wait3A_1971] : memref<512x128xf32, #tpu.memory_space<vmem>> -> memref<1x128xf32, #tpu.memory_space<vmem>>
      %dma_wait3A_1973 = tpu.memref_squeeze %dma_wait3A_1972 : memref<1x128xf32, #tpu.memory_space<vmem>> -> memref<128xf32, #tpu.memory_space<vmem>>
      %dma_wait3A_1974 = arith.constant 0 : i32
      %dma_wait3A_1975 = tpu.memref_slice %arg4[%dma_wait3A_1970, %dma_wait3A_1974] : memref<1000000x32xf32, #tpu.memory_space<hbm>> -> memref<1x32xf32, #tpu.memory_space<hbm>>
      %dma_wait3A_1976 = tpu.memref_squeeze %dma_wait3A_1975 : memref<1x32xf32, #tpu.memory_space<hbm>> -> memref<32xf32, #tpu.memory_space<hbm>>
      %dma_wait3A_1977 = arith.constant 0 : i32
      %dma_wait3A_1978 = tpu.memref_slice %arg11[%add3A_1969, %dma_wait3A_1977] : memref<512x128xf32, #tpu.memory_space<vmem>> -> memref<1x128xf32, #tpu.memory_space<vmem>>
      %dma_wait3A_1979 = tpu.memref_squeeze %dma_wait3A_1978 : memref<1x128xf32, #tpu.memory_space<vmem>> -> memref<128xf32, #tpu.memory_space<vmem>>
      %dma_wait3A_1980 = arith.constant 0 : i32
      %dma_wait3A_1981 = tpu.memref_slice %arg4[%dma_wait3A_1970, %dma_wait3A_1980] : memref<1000000x32xf32, #tpu.memory_space<hbm>> -> memref<1x32xf32, #tpu.memory_space<hbm>>
      %dma_wait3A_1982 = tpu.memref_squeeze %dma_wait3A_1981 : memref<1x32xf32, #tpu.memory_space<hbm>> -> memref<32xf32, #tpu.memory_space<hbm>>
      tpu.wait_dma2 semaphore(%arg12 : memref<!tpu.dma_semaphore, #tpu.memory_space<semaphore_mem>>) src(%dma_wait3A_1982 : memref<32xf32, #tpu.memory_space<hbm>>) dst(%dma_wait3A_1979 : memref<128xf32, #tpu.memory_space<vmem>>)
      %add3A_1983 = arith.constant 11 : i32
      %add3A_1984 = arith.addi %mul3A_10, %add3A_1983 : i32
      %dma_wait3A_1985 = arith.constant 0 : i32
      %dma_wait3A_1986 = arith.constant 0 : i32
      %dma_wait3A_1987 = tpu.memref_slice %arg11[%add3A_1984, %dma_wait3A_1986] : memref<512x128xf32, #tpu.memory_space<vmem>> -> memref<1x128xf32, #tpu.memory_space<vmem>>
      %dma_wait3A_1988 = tpu.memref_squeeze %dma_wait3A_1987 : memref<1x128xf32, #tpu.memory_space<vmem>> -> memref<128xf32, #tpu.memory_space<vmem>>
      %dma_wait3A_1989 = arith.constant 0 : i32
      %dma_wait3A_1990 = tpu.memref_slice %arg4[%dma_wait3A_1985, %dma_wait3A_1989] : memref<1000000x32xf32, #tpu.memory_space<hbm>> -> memref<1x32xf32, #tpu.memory_space<hbm>>
      %dma_wait3A_1991 = tpu.memref_squeeze %dma_wait3A_1990 : memref<1x32xf32, #tpu.memory_space<hbm>> -> memref<32xf32, #tpu.memory_space<hbm>>
      %dma_wait3A_1992 = arith.constant 0 : i32
      %dma_wait3A_1993 = tpu.memref_slice %arg11[%add3A_1984, %dma_wait3A_1992] : memref<512x128xf32, #tpu.memory_space<vmem>> -> memref<1x128xf32, #tpu.memory_space<vmem>>
      %dma_wait3A_1994 = tpu.memref_squeeze %dma_wait3A_1993 : memref<1x128xf32, #tpu.memory_space<vmem>> -> memref<128xf32, #tpu.memory_space<vmem>>
      %dma_wait3A_1995 = arith.constant 0 : i32
      %dma_wait3A_1996 = tpu.memref_slice %arg4[%dma_wait3A_1985, %dma_wait3A_1995] : memref<1000000x32xf32, #tpu.memory_space<hbm>> -> memref<1x32xf32, #tpu.memory_space<hbm>>
      %dma_wait3A_1997 = tpu.memref_squeeze %dma_wait3A_1996 : memref<1x32xf32, #tpu.memory_space<hbm>> -> memref<32xf32, #tpu.memory_space<hbm>>
      tpu.wait_dma2 semaphore(%arg12 : memref<!tpu.dma_semaphore, #tpu.memory_space<semaphore_mem>>) src(%dma_wait3A_1997 : memref<32xf32, #tpu.memory_space<hbm>>) dst(%dma_wait3A_1994 : memref<128xf32, #tpu.memory_space<vmem>>)
      %add3A_1998 = arith.constant 12 : i32
      %add3A_1999 = arith.addi %mul3A_10, %add3A_1998 : i32
      %dma_wait3A_2000 = arith.constant 0 : i32
      %dma_wait3A_2001 = arith.constant 0 : i32
      %dma_wait3A_2002 = tpu.memref_slice %arg11[%add3A_1999, %dma_wait3A_2001] : memref<512x128xf32, #tpu.memory_space<vmem>> -> memref<1x128xf32, #tpu.memory_space<vmem>>
      %dma_wait3A_2003 = tpu.memref_squeeze %dma_wait3A_2002 : memref<1x128xf32, #tpu.memory_space<vmem>> -> memref<128xf32, #tpu.memory_space<vmem>>
      %dma_wait3A_2004 = arith.constant 0 : i32
      %dma_wait3A_2005 = tpu.memref_slice %arg4[%dma_wait3A_2000, %dma_wait3A_2004] : memref<1000000x32xf32, #tpu.memory_space<hbm>> -> memref<1x32xf32, #tpu.memory_space<hbm>>
      %dma_wait3A_2006 = tpu.memref_squeeze %dma_wait3A_2005 : memref<1x32xf32, #tpu.memory_space<hbm>> -> memref<32xf32, #tpu.memory_space<hbm>>
      %dma_wait3A_2007 = arith.constant 0 : i32
      %dma_wait3A_2008 = tpu.memref_slice %arg11[%add3A_1999, %dma_wait3A_2007] : memref<512x128xf32, #tpu.memory_space<vmem>> -> memref<1x128xf32, #tpu.memory_space<vmem>>
      %dma_wait3A_2009 = tpu.memref_squeeze %dma_wait3A_2008 : memref<1x128xf32, #tpu.memory_space<vmem>> -> memref<128xf32, #tpu.memory_space<vmem>>
      %dma_wait3A_2010 = arith.constant 0 : i32
      %dma_wait3A_2011 = tpu.memref_slice %arg4[%dma_wait3A_2000, %dma_wait3A_2010] : memref<1000000x32xf32, #tpu.memory_space<hbm>> -> memref<1x32xf32, #tpu.memory_space<hbm>>
      %dma_wait3A_2012 = tpu.memref_squeeze %dma_wait3A_2011 : memref<1x32xf32, #tpu.memory_space<hbm>> -> memref<32xf32, #tpu.memory_space<hbm>>
      tpu.wait_dma2 semaphore(%arg12 : memref<!tpu.dma_semaphore, #tpu.memory_space<semaphore_mem>>) src(%dma_wait3A_2012 : memref<32xf32, #tpu.memory_space<hbm>>) dst(%dma_wait3A_2009 : memref<128xf32, #tpu.memory_space<vmem>>)
      %add3A_2013 = arith.constant 13 : i32
      %add3A_2014 = arith.addi %mul3A_10, %add3A_2013 : i32
      %dma_wait3A_2015 = arith.constant 0 : i32
      %dma_wait3A_2016 = arith.constant 0 : i32
      %dma_wait3A_2017 = tpu.memref_slice %arg11[%add3A_2014, %dma_wait3A_2016] : memref<512x128xf32, #tpu.memory_space<vmem>> -> memref<1x128xf32, #tpu.memory_space<vmem>>
      %dma_wait3A_2018 = tpu.memref_squeeze %dma_wait3A_2017 : memref<1x128xf32, #tpu.memory_space<vmem>> -> memref<128xf32, #tpu.memory_space<vmem>>
      %dma_wait3A_2019 = arith.constant 0 : i32
      %dma_wait3A_2020 = tpu.memref_slice %arg4[%dma_wait3A_2015, %dma_wait3A_2019] : memref<1000000x32xf32, #tpu.memory_space<hbm>> -> memref<1x32xf32, #tpu.memory_space<hbm>>
      %dma_wait3A_2021 = tpu.memref_squeeze %dma_wait3A_2020 : memref<1x32xf32, #tpu.memory_space<hbm>> -> memref<32xf32, #tpu.memory_space<hbm>>
      %dma_wait3A_2022 = arith.constant 0 : i32
      %dma_wait3A_2023 = tpu.memref_slice %arg11[%add3A_2014, %dma_wait3A_2022] : memref<512x128xf32, #tpu.memory_space<vmem>> -> memref<1x128xf32, #tpu.memory_space<vmem>>
      %dma_wait3A_2024 = tpu.memref_squeeze %dma_wait3A_2023 : memref<1x128xf32, #tpu.memory_space<vmem>> -> memref<128xf32, #tpu.memory_space<vmem>>
      %dma_wait3A_2025 = arith.constant 0 : i32
      %dma_wait3A_2026 = tpu.memref_slice %arg4[%dma_wait3A_2015, %dma_wait3A_2025] : memref<1000000x32xf32, #tpu.memory_space<hbm>> -> memref<1x32xf32, #tpu.memory_space<hbm>>
      %dma_wait3A_2027 = tpu.memref_squeeze %dma_wait3A_2026 : memref<1x32xf32, #tpu.memory_space<hbm>> -> memref<32xf32, #tpu.memory_space<hbm>>
      tpu.wait_dma2 semaphore(%arg12 : memref<!tpu.dma_semaphore, #tpu.memory_space<semaphore_mem>>) src(%dma_wait3A_2027 : memref<32xf32, #tpu.memory_space<hbm>>) dst(%dma_wait3A_2024 : memref<128xf32, #tpu.memory_space<vmem>>)
      %add3A_2028 = arith.constant 14 : i32
      %add3A_2029 = arith.addi %mul3A_10, %add3A_2028 : i32
      %dma_wait3A_2030 = arith.constant 0 : i32
      %dma_wait3A_2031 = arith.constant 0 : i32
      %dma_wait3A_2032 = tpu.memref_slice %arg11[%add3A_2029, %dma_wait3A_2031] : memref<512x128xf32, #tpu.memory_space<vmem>> -> memref<1x128xf32, #tpu.memory_space<vmem>>
      %dma_wait3A_2033 = tpu.memref_squeeze %dma_wait3A_2032 : memref<1x128xf32, #tpu.memory_space<vmem>> -> memref<128xf32, #tpu.memory_space<vmem>>
      %dma_wait3A_2034 = arith.constant 0 : i32
      %dma_wait3A_2035 = tpu.memref_slice %arg4[%dma_wait3A_2030, %dma_wait3A_2034] : memref<1000000x32xf32, #tpu.memory_space<hbm>> -> memref<1x32xf32, #tpu.memory_space<hbm>>
      %dma_wait3A_2036 = tpu.memref_squeeze %dma_wait3A_2035 : memref<1x32xf32, #tpu.memory_space<hbm>> -> memref<32xf32, #tpu.memory_space<hbm>>
      %dma_wait3A_2037 = arith.constant 0 : i32
      %dma_wait3A_2038 = tpu.memref_slice %arg11[%add3A_2029, %dma_wait3A_2037] : memref<512x128xf32, #tpu.memory_space<vmem>> -> memref<1x128xf32, #tpu.memory_space<vmem>>
      %dma_wait3A_2039 = tpu.memref_squeeze %dma_wait3A_2038 : memref<1x128xf32, #tpu.memory_space<vmem>> -> memref<128xf32, #tpu.memory_space<vmem>>
      %dma_wait3A_2040 = arith.constant 0 : i32
      %dma_wait3A_2041 = tpu.memref_slice %arg4[%dma_wait3A_2030, %dma_wait3A_2040] : memref<1000000x32xf32, #tpu.memory_space<hbm>> -> memref<1x32xf32, #tpu.memory_space<hbm>>
      %dma_wait3A_2042 = tpu.memref_squeeze %dma_wait3A_2041 : memref<1x32xf32, #tpu.memory_space<hbm>> -> memref<32xf32, #tpu.memory_space<hbm>>
      tpu.wait_dma2 semaphore(%arg12 : memref<!tpu.dma_semaphore, #tpu.memory_space<semaphore_mem>>) src(%dma_wait3A_2042 : memref<32xf32, #tpu.memory_space<hbm>>) dst(%dma_wait3A_2039 : memref<128xf32, #tpu.memory_space<vmem>>)
      %add3A_2043 = arith.constant 15 : i32
      %add3A_2044 = arith.addi %mul3A_10, %add3A_2043 : i32
      %dma_wait3A_2045 = arith.constant 0 : i32
      %dma_wait3A_2046 = arith.constant 0 : i32
      %dma_wait3A_2047 = tpu.memref_slice %arg11[%add3A_2044, %dma_wait3A_2046] : memref<512x128xf32, #tpu.memory_space<vmem>> -> memref<1x128xf32, #tpu.memory_space<vmem>>
      %dma_wait3A_2048 = tpu.memref_squeeze %dma_wait3A_2047 : memref<1x128xf32, #tpu.memory_space<vmem>> -> memref<128xf32, #tpu.memory_space<vmem>>
      %dma_wait3A_2049 = arith.constant 0 : i32
      %dma_wait3A_2050 = tpu.memref_slice %arg4[%dma_wait3A_2045, %dma_wait3A_2049] : memref<1000000x32xf32, #tpu.memory_space<hbm>> -> memref<1x32xf32, #tpu.memory_space<hbm>>
      %dma_wait3A_2051 = tpu.memref_squeeze %dma_wait3A_2050 : memref<1x32xf32, #tpu.memory_space<hbm>> -> memref<32xf32, #tpu.memory_space<hbm>>
      %dma_wait3A_2052 = arith.constant 0 : i32
      %dma_wait3A_2053 = tpu.memref_slice %arg11[%add3A_2044, %dma_wait3A_2052] : memref<512x128xf32, #tpu.memory_space<vmem>> -> memref<1x128xf32, #tpu.memory_space<vmem>>
      %dma_wait3A_2054 = tpu.memref_squeeze %dma_wait3A_2053 : memref<1x128xf32, #tpu.memory_space<vmem>> -> memref<128xf32, #tpu.memory_space<vmem>>
      %dma_wait3A_2055 = arith.constant 0 : i32
      %dma_wait3A_2056 = tpu.memref_slice %arg4[%dma_wait3A_2045, %dma_wait3A_2055] : memref<1000000x32xf32, #tpu.memory_space<hbm>> -> memref<1x32xf32, #tpu.memory_space<hbm>>
      %dma_wait3A_2057 = tpu.memref_squeeze %dma_wait3A_2056 : memref<1x32xf32, #tpu.memory_space<hbm>> -> memref<32xf32, #tpu.memory_space<hbm>>
      tpu.wait_dma2 semaphore(%arg12 : memref<!tpu.dma_semaphore, #tpu.memory_space<semaphore_mem>>) src(%dma_wait3A_2057 : memref<32xf32, #tpu.memory_space<hbm>>) dst(%dma_wait3A_2054 : memref<128xf32, #tpu.memory_space<vmem>>)
      %add3A_2058 = arith.constant 16 : i32
      %add3A_2059 = arith.addi %mul3A_10, %add3A_2058 : i32
      %dma_wait3A_2060 = arith.constant 0 : i32
      %dma_wait3A_2061 = arith.constant 0 : i32
      %dma_wait3A_2062 = tpu.memref_slice %arg11[%add3A_2059, %dma_wait3A_2061] : memref<512x128xf32, #tpu.memory_space<vmem>> -> memref<1x128xf32, #tpu.memory_space<vmem>>
      %dma_wait3A_2063 = tpu.memref_squeeze %dma_wait3A_2062 : memref<1x128xf32, #tpu.memory_space<vmem>> -> memref<128xf32, #tpu.memory_space<vmem>>
      %dma_wait3A_2064 = arith.constant 0 : i32
      %dma_wait3A_2065 = tpu.memref_slice %arg4[%dma_wait3A_2060, %dma_wait3A_2064] : memref<1000000x32xf32, #tpu.memory_space<hbm>> -> memref<1x32xf32, #tpu.memory_space<hbm>>
      %dma_wait3A_2066 = tpu.memref_squeeze %dma_wait3A_2065 : memref<1x32xf32, #tpu.memory_space<hbm>> -> memref<32xf32, #tpu.memory_space<hbm>>
      %dma_wait3A_2067 = arith.constant 0 : i32
      %dma_wait3A_2068 = tpu.memref_slice %arg11[%add3A_2059, %dma_wait3A_2067] : memref<512x128xf32, #tpu.memory_space<vmem>> -> memref<1x128xf32, #tpu.memory_space<vmem>>
      %dma_wait3A_2069 = tpu.memref_squeeze %dma_wait3A_2068 : memref<1x128xf32, #tpu.memory_space<vmem>> -> memref<128xf32, #tpu.memory_space<vmem>>
      %dma_wait3A_2070 = arith.constant 0 : i32
      %dma_wait3A_2071 = tpu.memref_slice %arg4[%dma_wait3A_2060, %dma_wait3A_2070] : memref<1000000x32xf32, #tpu.memory_space<hbm>> -> memref<1x32xf32, #tpu.memory_space<hbm>>
      %dma_wait3A_2072 = tpu.memref_squeeze %dma_wait3A_2071 : memref<1x32xf32, #tpu.memory_space<hbm>> -> memref<32xf32, #tpu.memory_space<hbm>>
      tpu.wait_dma2 semaphore(%arg12 : memref<!tpu.dma_semaphore, #tpu.memory_space<semaphore_mem>>) src(%dma_wait3A_2072 : memref<32xf32, #tpu.memory_space<hbm>>) dst(%dma_wait3A_2069 : memref<128xf32, #tpu.memory_space<vmem>>)
      %add3A_2073 = arith.constant 17 : i32
      %add3A_2074 = arith.addi %mul3A_10, %add3A_2073 : i32
      %dma_wait3A_2075 = arith.constant 0 : i32
      %dma_wait3A_2076 = arith.constant 0 : i32
      %dma_wait3A_2077 = tpu.memref_slice %arg11[%add3A_2074, %dma_wait3A_2076] : memref<512x128xf32, #tpu.memory_space<vmem>> -> memref<1x128xf32, #tpu.memory_space<vmem>>
      %dma_wait3A_2078 = tpu.memref_squeeze %dma_wait3A_2077 : memref<1x128xf32, #tpu.memory_space<vmem>> -> memref<128xf32, #tpu.memory_space<vmem>>
      %dma_wait3A_2079 = arith.constant 0 : i32
      %dma_wait3A_2080 = tpu.memref_slice %arg4[%dma_wait3A_2075, %dma_wait3A_2079] : memref<1000000x32xf32, #tpu.memory_space<hbm>> -> memref<1x32xf32, #tpu.memory_space<hbm>>
      %dma_wait3A_2081 = tpu.memref_squeeze %dma_wait3A_2080 : memref<1x32xf32, #tpu.memory_space<hbm>> -> memref<32xf32, #tpu.memory_space<hbm>>
      %dma_wait3A_2082 = arith.constant 0 : i32
      %dma_wait3A_2083 = tpu.memref_slice %arg11[%add3A_2074, %dma_wait3A_2082] : memref<512x128xf32, #tpu.memory_space<vmem>> -> memref<1x128xf32, #tpu.memory_space<vmem>>
      %dma_wait3A_2084 = tpu.memref_squeeze %dma_wait3A_2083 : memref<1x128xf32, #tpu.memory_space<vmem>> -> memref<128xf32, #tpu.memory_space<vmem>>
      %dma_wait3A_2085 = arith.constant 0 : i32
      %dma_wait3A_2086 = tpu.memref_slice %arg4[%dma_wait3A_2075, %dma_wait3A_2085] : memref<1000000x32xf32, #tpu.memory_space<hbm>> -> memref<1x32xf32, #tpu.memory_space<hbm>>
      %dma_wait3A_2087 = tpu.memref_squeeze %dma_wait3A_2086 : memref<1x32xf32, #tpu.memory_space<hbm>> -> memref<32xf32, #tpu.memory_space<hbm>>
      tpu.wait_dma2 semaphore(%arg12 : memref<!tpu.dma_semaphore, #tpu.memory_space<semaphore_mem>>) src(%dma_wait3A_2087 : memref<32xf32, #tpu.memory_space<hbm>>) dst(%dma_wait3A_2084 : memref<128xf32, #tpu.memory_space<vmem>>)
      %add3A_2088 = arith.constant 18 : i32
      %add3A_2089 = arith.addi %mul3A_10, %add3A_2088 : i32
      %dma_wait3A_2090 = arith.constant 0 : i32
      %dma_wait3A_2091 = arith.constant 0 : i32
      %dma_wait3A_2092 = tpu.memref_slice %arg11[%add3A_2089, %dma_wait3A_2091] : memref<512x128xf32, #tpu.memory_space<vmem>> -> memref<1x128xf32, #tpu.memory_space<vmem>>
      %dma_wait3A_2093 = tpu.memref_squeeze %dma_wait3A_2092 : memref<1x128xf32, #tpu.memory_space<vmem>> -> memref<128xf32, #tpu.memory_space<vmem>>
      %dma_wait3A_2094 = arith.constant 0 : i32
      %dma_wait3A_2095 = tpu.memref_slice %arg4[%dma_wait3A_2090, %dma_wait3A_2094] : memref<1000000x32xf32, #tpu.memory_space<hbm>> -> memref<1x32xf32, #tpu.memory_space<hbm>>
      %dma_wait3A_2096 = tpu.memref_squeeze %dma_wait3A_2095 : memref<1x32xf32, #tpu.memory_space<hbm>> -> memref<32xf32, #tpu.memory_space<hbm>>
      %dma_wait3A_2097 = arith.constant 0 : i32
      %dma_wait3A_2098 = tpu.memref_slice %arg11[%add3A_2089, %dma_wait3A_2097] : memref<512x128xf32, #tpu.memory_space<vmem>> -> memref<1x128xf32, #tpu.memory_space<vmem>>
      %dma_wait3A_2099 = tpu.memref_squeeze %dma_wait3A_2098 : memref<1x128xf32, #tpu.memory_space<vmem>> -> memref<128xf32, #tpu.memory_space<vmem>>
      %dma_wait3A_2100 = arith.constant 0 : i32
      %dma_wait3A_2101 = tpu.memref_slice %arg4[%dma_wait3A_2090, %dma_wait3A_2100] : memref<1000000x32xf32, #tpu.memory_space<hbm>> -> memref<1x32xf32, #tpu.memory_space<hbm>>
      %dma_wait3A_2102 = tpu.memref_squeeze %dma_wait3A_2101 : memref<1x32xf32, #tpu.memory_space<hbm>> -> memref<32xf32, #tpu.memory_space<hbm>>
      tpu.wait_dma2 semaphore(%arg12 : memref<!tpu.dma_semaphore, #tpu.memory_space<semaphore_mem>>) src(%dma_wait3A_2102 : memref<32xf32, #tpu.memory_space<hbm>>) dst(%dma_wait3A_2099 : memref<128xf32, #tpu.memory_space<vmem>>)
      %add3A_2103 = arith.constant 19 : i32
      %add3A_2104 = arith.addi %mul3A_10, %add3A_2103 : i32
      %dma_wait3A_2105 = arith.constant 0 : i32
      %dma_wait3A_2106 = arith.constant 0 : i32
      %dma_wait3A_2107 = tpu.memref_slice %arg11[%add3A_2104, %dma_wait3A_2106] : memref<512x128xf32, #tpu.memory_space<vmem>> -> memref<1x128xf32, #tpu.memory_space<vmem>>
      %dma_wait3A_2108 = tpu.memref_squeeze %dma_wait3A_2107 : memref<1x128xf32, #tpu.memory_space<vmem>> -> memref<128xf32, #tpu.memory_space<vmem>>
      %dma_wait3A_2109 = arith.constant 0 : i32
      %dma_wait3A_2110 = tpu.memref_slice %arg4[%dma_wait3A_2105, %dma_wait3A_2109] : memref<1000000x32xf32, #tpu.memory_space<hbm>> -> memref<1x32xf32, #tpu.memory_space<hbm>>
      %dma_wait3A_2111 = tpu.memref_squeeze %dma_wait3A_2110 : memref<1x32xf32, #tpu.memory_space<hbm>> -> memref<32xf32, #tpu.memory_space<hbm>>
      %dma_wait3A_2112 = arith.constant 0 : i32
      %dma_wait3A_2113 = tpu.memref_slice %arg11[%add3A_2104, %dma_wait3A_2112] : memref<512x128xf32, #tpu.memory_space<vmem>> -> memref<1x128xf32, #tpu.memory_space<vmem>>
      %dma_wait3A_2114 = tpu.memref_squeeze %dma_wait3A_2113 : memref<1x128xf32, #tpu.memory_space<vmem>> -> memref<128xf32, #tpu.memory_space<vmem>>
      %dma_wait3A_2115 = arith.constant 0 : i32
      %dma_wait3A_2116 = tpu.memref_slice %arg4[%dma_wait3A_2105, %dma_wait3A_2115] : memref<1000000x32xf32, #tpu.memory_space<hbm>> -> memref<1x32xf32, #tpu.memory_space<hbm>>
      %dma_wait3A_2117 = tpu.memref_squeeze %dma_wait3A_2116 : memref<1x32xf32, #tpu.memory_space<hbm>> -> memref<32xf32, #tpu.memory_space<hbm>>
      tpu.wait_dma2 semaphore(%arg12 : memref<!tpu.dma_semaphore, #tpu.memory_space<semaphore_mem>>) src(%dma_wait3A_2117 : memref<32xf32, #tpu.memory_space<hbm>>) dst(%dma_wait3A_2114 : memref<128xf32, #tpu.memory_space<vmem>>)
      %add3A_2118 = arith.constant 20 : i32
      %add3A_2119 = arith.addi %mul3A_10, %add3A_2118 : i32
      %dma_wait3A_2120 = arith.constant 0 : i32
      %dma_wait3A_2121 = arith.constant 0 : i32
      %dma_wait3A_2122 = tpu.memref_slice %arg11[%add3A_2119, %dma_wait3A_2121] : memref<512x128xf32, #tpu.memory_space<vmem>> -> memref<1x128xf32, #tpu.memory_space<vmem>>
      %dma_wait3A_2123 = tpu.memref_squeeze %dma_wait3A_2122 : memref<1x128xf32, #tpu.memory_space<vmem>> -> memref<128xf32, #tpu.memory_space<vmem>>
      %dma_wait3A_2124 = arith.constant 0 : i32
      %dma_wait3A_2125 = tpu.memref_slice %arg4[%dma_wait3A_2120, %dma_wait3A_2124] : memref<1000000x32xf32, #tpu.memory_space<hbm>> -> memref<1x32xf32, #tpu.memory_space<hbm>>
      %dma_wait3A_2126 = tpu.memref_squeeze %dma_wait3A_2125 : memref<1x32xf32, #tpu.memory_space<hbm>> -> memref<32xf32, #tpu.memory_space<hbm>>
      %dma_wait3A_2127 = arith.constant 0 : i32
      %dma_wait3A_2128 = tpu.memref_slice %arg11[%add3A_2119, %dma_wait3A_2127] : memref<512x128xf32, #tpu.memory_space<vmem>> -> memref<1x128xf32, #tpu.memory_space<vmem>>
      %dma_wait3A_2129 = tpu.memref_squeeze %dma_wait3A_2128 : memref<1x128xf32, #tpu.memory_space<vmem>> -> memref<128xf32, #tpu.memory_space<vmem>>
      %dma_wait3A_2130 = arith.constant 0 : i32
      %dma_wait3A_2131 = tpu.memref_slice %arg4[%dma_wait3A_2120, %dma_wait3A_2130] : memref<1000000x32xf32, #tpu.memory_space<hbm>> -> memref<1x32xf32, #tpu.memory_space<hbm>>
      %dma_wait3A_2132 = tpu.memref_squeeze %dma_wait3A_2131 : memref<1x32xf32, #tpu.memory_space<hbm>> -> memref<32xf32, #tpu.memory_space<hbm>>
      tpu.wait_dma2 semaphore(%arg12 : memref<!tpu.dma_semaphore, #tpu.memory_space<semaphore_mem>>) src(%dma_wait3A_2132 : memref<32xf32, #tpu.memory_space<hbm>>) dst(%dma_wait3A_2129 : memref<128xf32, #tpu.memory_space<vmem>>)
      %add3A_2133 = arith.constant 21 : i32
      %add3A_2134 = arith.addi %mul3A_10, %add3A_2133 : i32
      %dma_wait3A_2135 = arith.constant 0 : i32
      %dma_wait3A_2136 = arith.constant 0 : i32
      %dma_wait3A_2137 = tpu.memref_slice %arg11[%add3A_2134, %dma_wait3A_2136] : memref<512x128xf32, #tpu.memory_space<vmem>> -> memref<1x128xf32, #tpu.memory_space<vmem>>
      %dma_wait3A_2138 = tpu.memref_squeeze %dma_wait3A_2137 : memref<1x128xf32, #tpu.memory_space<vmem>> -> memref<128xf32, #tpu.memory_space<vmem>>
      %dma_wait3A_2139 = arith.constant 0 : i32
      %dma_wait3A_2140 = tpu.memref_slice %arg4[%dma_wait3A_2135, %dma_wait3A_2139] : memref<1000000x32xf32, #tpu.memory_space<hbm>> -> memref<1x32xf32, #tpu.memory_space<hbm>>
      %dma_wait3A_2141 = tpu.memref_squeeze %dma_wait3A_2140 : memref<1x32xf32, #tpu.memory_space<hbm>> -> memref<32xf32, #tpu.memory_space<hbm>>
      %dma_wait3A_2142 = arith.constant 0 : i32
      %dma_wait3A_2143 = tpu.memref_slice %arg11[%add3A_2134, %dma_wait3A_2142] : memref<512x128xf32, #tpu.memory_space<vmem>> -> memref<1x128xf32, #tpu.memory_space<vmem>>
      %dma_wait3A_2144 = tpu.memref_squeeze %dma_wait3A_2143 : memref<1x128xf32, #tpu.memory_space<vmem>> -> memref<128xf32, #tpu.memory_space<vmem>>
      %dma_wait3A_2145 = arith.constant 0 : i32
      %dma_wait3A_2146 = tpu.memref_slice %arg4[%dma_wait3A_2135, %dma_wait3A_2145] : memref<1000000x32xf32, #tpu.memory_space<hbm>> -> memref<1x32xf32, #tpu.memory_space<hbm>>
      %dma_wait3A_2147 = tpu.memref_squeeze %dma_wait3A_2146 : memref<1x32xf32, #tpu.memory_space<hbm>> -> memref<32xf32, #tpu.memory_space<hbm>>
      tpu.wait_dma2 semaphore(%arg12 : memref<!tpu.dma_semaphore, #tpu.memory_space<semaphore_mem>>) src(%dma_wait3A_2147 : memref<32xf32, #tpu.memory_space<hbm>>) dst(%dma_wait3A_2144 : memref<128xf32, #tpu.memory_space<vmem>>)
      %add3A_2148 = arith.constant 22 : i32
      %add3A_2149 = arith.addi %mul3A_10, %add3A_2148 : i32
      %dma_wait3A_2150 = arith.constant 0 : i32
      %dma_wait3A_2151 = arith.constant 0 : i32
      %dma_wait3A_2152 = tpu.memref_slice %arg11[%add3A_2149, %dma_wait3A_2151] : memref<512x128xf32, #tpu.memory_space<vmem>> -> memref<1x128xf32, #tpu.memory_space<vmem>>
      %dma_wait3A_2153 = tpu.memref_squeeze %dma_wait3A_2152 : memref<1x128xf32, #tpu.memory_space<vmem>> -> memref<128xf32, #tpu.memory_space<vmem>>
      %dma_wait3A_2154 = arith.constant 0 : i32
      %dma_wait3A_2155 = tpu.memref_slice %arg4[%dma_wait3A_2150, %dma_wait3A_2154] : memref<1000000x32xf32, #tpu.memory_space<hbm>> -> memref<1x32xf32, #tpu.memory_space<hbm>>
      %dma_wait3A_2156 = tpu.memref_squeeze %dma_wait3A_2155 : memref<1x32xf32, #tpu.memory_space<hbm>> -> memref<32xf32, #tpu.memory_space<hbm>>
      %dma_wait3A_2157 = arith.constant 0 : i32
      %dma_wait3A_2158 = tpu.memref_slice %arg11[%add3A_2149, %dma_wait3A_2157] : memref<512x128xf32, #tpu.memory_space<vmem>> -> memref<1x128xf32, #tpu.memory_space<vmem>>
      %dma_wait3A_2159 = tpu.memref_squeeze %dma_wait3A_2158 : memref<1x128xf32, #tpu.memory_space<vmem>> -> memref<128xf32, #tpu.memory_space<vmem>>
      %dma_wait3A_2160 = arith.constant 0 : i32
      %dma_wait3A_2161 = tpu.memref_slice %arg4[%dma_wait3A_2150, %dma_wait3A_2160] : memref<1000000x32xf32, #tpu.memory_space<hbm>> -> memref<1x32xf32, #tpu.memory_space<hbm>>
      %dma_wait3A_2162 = tpu.memref_squeeze %dma_wait3A_2161 : memref<1x32xf32, #tpu.memory_space<hbm>> -> memref<32xf32, #tpu.memory_space<hbm>>
      tpu.wait_dma2 semaphore(%arg12 : memref<!tpu.dma_semaphore, #tpu.memory_space<semaphore_mem>>) src(%dma_wait3A_2162 : memref<32xf32, #tpu.memory_space<hbm>>) dst(%dma_wait3A_2159 : memref<128xf32, #tpu.memory_space<vmem>>)
      %add3A_2163 = arith.constant 23 : i32
      %add3A_2164 = arith.addi %mul3A_10, %add3A_2163 : i32
      %dma_wait3A_2165 = arith.constant 0 : i32
      %dma_wait3A_2166 = arith.constant 0 : i32
      %dma_wait3A_2167 = tpu.memref_slice %arg11[%add3A_2164, %dma_wait3A_2166] : memref<512x128xf32, #tpu.memory_space<vmem>> -> memref<1x128xf32, #tpu.memory_space<vmem>>
      %dma_wait3A_2168 = tpu.memref_squeeze %dma_wait3A_2167 : memref<1x128xf32, #tpu.memory_space<vmem>> -> memref<128xf32, #tpu.memory_space<vmem>>
      %dma_wait3A_2169 = arith.constant 0 : i32
      %dma_wait3A_2170 = tpu.memref_slice %arg4[%dma_wait3A_2165, %dma_wait3A_2169] : memref<1000000x32xf32, #tpu.memory_space<hbm>> -> memref<1x32xf32, #tpu.memory_space<hbm>>
      %dma_wait3A_2171 = tpu.memref_squeeze %dma_wait3A_2170 : memref<1x32xf32, #tpu.memory_space<hbm>> -> memref<32xf32, #tpu.memory_space<hbm>>
      %dma_wait3A_2172 = arith.constant 0 : i32
      %dma_wait3A_2173 = tpu.memref_slice %arg11[%add3A_2164, %dma_wait3A_2172] : memref<512x128xf32, #tpu.memory_space<vmem>> -> memref<1x128xf32, #tpu.memory_space<vmem>>
      %dma_wait3A_2174 = tpu.memref_squeeze %dma_wait3A_2173 : memref<1x128xf32, #tpu.memory_space<vmem>> -> memref<128xf32, #tpu.memory_space<vmem>>
      %dma_wait3A_2175 = arith.constant 0 : i32
      %dma_wait3A_2176 = tpu.memref_slice %arg4[%dma_wait3A_2165, %dma_wait3A_2175] : memref<1000000x32xf32, #tpu.memory_space<hbm>> -> memref<1x32xf32, #tpu.memory_space<hbm>>
      %dma_wait3A_2177 = tpu.memref_squeeze %dma_wait3A_2176 : memref<1x32xf32, #tpu.memory_space<hbm>> -> memref<32xf32, #tpu.memory_space<hbm>>
      tpu.wait_dma2 semaphore(%arg12 : memref<!tpu.dma_semaphore, #tpu.memory_space<semaphore_mem>>) src(%dma_wait3A_2177 : memref<32xf32, #tpu.memory_space<hbm>>) dst(%dma_wait3A_2174 : memref<128xf32, #tpu.memory_space<vmem>>)
      %add3A_2178 = arith.constant 24 : i32
      %add3A_2179 = arith.addi %mul3A_10, %add3A_2178 : i32
      %dma_wait3A_2180 = arith.constant 0 : i32
      %dma_wait3A_2181 = arith.constant 0 : i32
      %dma_wait3A_2182 = tpu.memref_slice %arg11[%add3A_2179, %dma_wait3A_2181] : memref<512x128xf32, #tpu.memory_space<vmem>> -> memref<1x128xf32, #tpu.memory_space<vmem>>
      %dma_wait3A_2183 = tpu.memref_squeeze %dma_wait3A_2182 : memref<1x128xf32, #tpu.memory_space<vmem>> -> memref<128xf32, #tpu.memory_space<vmem>>
      %dma_wait3A_2184 = arith.constant 0 : i32
      %dma_wait3A_2185 = tpu.memref_slice %arg4[%dma_wait3A_2180, %dma_wait3A_2184] : memref<1000000x32xf32, #tpu.memory_space<hbm>> -> memref<1x32xf32, #tpu.memory_space<hbm>>
      %dma_wait3A_2186 = tpu.memref_squeeze %dma_wait3A_2185 : memref<1x32xf32, #tpu.memory_space<hbm>> -> memref<32xf32, #tpu.memory_space<hbm>>
      %dma_wait3A_2187 = arith.constant 0 : i32
      %dma_wait3A_2188 = tpu.memref_slice %arg11[%add3A_2179, %dma_wait3A_2187] : memref<512x128xf32, #tpu.memory_space<vmem>> -> memref<1x128xf32, #tpu.memory_space<vmem>>
      %dma_wait3A_2189 = tpu.memref_squeeze %dma_wait3A_2188 : memref<1x128xf32, #tpu.memory_space<vmem>> -> memref<128xf32, #tpu.memory_space<vmem>>
      %dma_wait3A_2190 = arith.constant 0 : i32
      %dma_wait3A_2191 = tpu.memref_slice %arg4[%dma_wait3A_2180, %dma_wait3A_2190] : memref<1000000x32xf32, #tpu.memory_space<hbm>> -> memref<1x32xf32, #tpu.memory_space<hbm>>
      %dma_wait3A_2192 = tpu.memref_squeeze %dma_wait3A_2191 : memref<1x32xf32, #tpu.memory_space<hbm>> -> memref<32xf32, #tpu.memory_space<hbm>>
      tpu.wait_dma2 semaphore(%arg12 : memref<!tpu.dma_semaphore, #tpu.memory_space<semaphore_mem>>) src(%dma_wait3A_2192 : memref<32xf32, #tpu.memory_space<hbm>>) dst(%dma_wait3A_2189 : memref<128xf32, #tpu.memory_space<vmem>>)
      %add3A_2193 = arith.constant 25 : i32
      %add3A_2194 = arith.addi %mul3A_10, %add3A_2193 : i32
      %dma_wait3A_2195 = arith.constant 0 : i32
      %dma_wait3A_2196 = arith.constant 0 : i32
      %dma_wait3A_2197 = tpu.memref_slice %arg11[%add3A_2194, %dma_wait3A_2196] : memref<512x128xf32, #tpu.memory_space<vmem>> -> memref<1x128xf32, #tpu.memory_space<vmem>>
      %dma_wait3A_2198 = tpu.memref_squeeze %dma_wait3A_2197 : memref<1x128xf32, #tpu.memory_space<vmem>> -> memref<128xf32, #tpu.memory_space<vmem>>
      %dma_wait3A_2199 = arith.constant 0 : i32
      %dma_wait3A_2200 = tpu.memref_slice %arg4[%dma_wait3A_2195, %dma_wait3A_2199] : memref<1000000x32xf32, #tpu.memory_space<hbm>> -> memref<1x32xf32, #tpu.memory_space<hbm>>
      %dma_wait3A_2201 = tpu.memref_squeeze %dma_wait3A_2200 : memref<1x32xf32, #tpu.memory_space<hbm>> -> memref<32xf32, #tpu.memory_space<hbm>>
      %dma_wait3A_2202 = arith.constant 0 : i32
      %dma_wait3A_2203 = tpu.memref_slice %arg11[%add3A_2194, %dma_wait3A_2202] : memref<512x128xf32, #tpu.memory_space<vmem>> -> memref<1x128xf32, #tpu.memory_space<vmem>>
      %dma_wait3A_2204 = tpu.memref_squeeze %dma_wait3A_2203 : memref<1x128xf32, #tpu.memory_space<vmem>> -> memref<128xf32, #tpu.memory_space<vmem>>
      %dma_wait3A_2205 = arith.constant 0 : i32
      %dma_wait3A_2206 = tpu.memref_slice %arg4[%dma_wait3A_2195, %dma_wait3A_2205] : memref<1000000x32xf32, #tpu.memory_space<hbm>> -> memref<1x32xf32, #tpu.memory_space<hbm>>
      %dma_wait3A_2207 = tpu.memref_squeeze %dma_wait3A_2206 : memref<1x32xf32, #tpu.memory_space<hbm>> -> memref<32xf32, #tpu.memory_space<hbm>>
      tpu.wait_dma2 semaphore(%arg12 : memref<!tpu.dma_semaphore, #tpu.memory_space<semaphore_mem>>) src(%dma_wait3A_2207 : memref<32xf32, #tpu.memory_space<hbm>>) dst(%dma_wait3A_2204 : memref<128xf32, #tpu.memory_space<vmem>>)
      %add3A_2208 = arith.constant 26 : i32
      %add3A_2209 = arith.addi %mul3A_10, %add3A_2208 : i32
      %dma_wait3A_2210 = arith.constant 0 : i32
      %dma_wait3A_2211 = arith.constant 0 : i32
      %dma_wait3A_2212 = tpu.memref_slice %arg11[%add3A_2209, %dma_wait3A_2211] : memref<512x128xf32, #tpu.memory_space<vmem>> -> memref<1x128xf32, #tpu.memory_space<vmem>>
      %dma_wait3A_2213 = tpu.memref_squeeze %dma_wait3A_2212 : memref<1x128xf32, #tpu.memory_space<vmem>> -> memref<128xf32, #tpu.memory_space<vmem>>
      %dma_wait3A_2214 = arith.constant 0 : i32
      %dma_wait3A_2215 = tpu.memref_slice %arg4[%dma_wait3A_2210, %dma_wait3A_2214] : memref<1000000x32xf32, #tpu.memory_space<hbm>> -> memref<1x32xf32, #tpu.memory_space<hbm>>
      %dma_wait3A_2216 = tpu.memref_squeeze %dma_wait3A_2215 : memref<1x32xf32, #tpu.memory_space<hbm>> -> memref<32xf32, #tpu.memory_space<hbm>>
      %dma_wait3A_2217 = arith.constant 0 : i32
      %dma_wait3A_2218 = tpu.memref_slice %arg11[%add3A_2209, %dma_wait3A_2217] : memref<512x128xf32, #tpu.memory_space<vmem>> -> memref<1x128xf32, #tpu.memory_space<vmem>>
      %dma_wait3A_2219 = tpu.memref_squeeze %dma_wait3A_2218 : memref<1x128xf32, #tpu.memory_space<vmem>> -> memref<128xf32, #tpu.memory_space<vmem>>
      %dma_wait3A_2220 = arith.constant 0 : i32
      %dma_wait3A_2221 = tpu.memref_slice %arg4[%dma_wait3A_2210, %dma_wait3A_2220] : memref<1000000x32xf32, #tpu.memory_space<hbm>> -> memref<1x32xf32, #tpu.memory_space<hbm>>
      %dma_wait3A_2222 = tpu.memref_squeeze %dma_wait3A_2221 : memref<1x32xf32, #tpu.memory_space<hbm>> -> memref<32xf32, #tpu.memory_space<hbm>>
      tpu.wait_dma2 semaphore(%arg12 : memref<!tpu.dma_semaphore, #tpu.memory_space<semaphore_mem>>) src(%dma_wait3A_2222 : memref<32xf32, #tpu.memory_space<hbm>>) dst(%dma_wait3A_2219 : memref<128xf32, #tpu.memory_space<vmem>>)
      %add3A_2223 = arith.constant 27 : i32
      %add3A_2224 = arith.addi %mul3A_10, %add3A_2223 : i32
      %dma_wait3A_2225 = arith.constant 0 : i32
      %dma_wait3A_2226 = arith.constant 0 : i32
      %dma_wait3A_2227 = tpu.memref_slice %arg11[%add3A_2224, %dma_wait3A_2226] : memref<512x128xf32, #tpu.memory_space<vmem>> -> memref<1x128xf32, #tpu.memory_space<vmem>>
      %dma_wait3A_2228 = tpu.memref_squeeze %dma_wait3A_2227 : memref<1x128xf32, #tpu.memory_space<vmem>> -> memref<128xf32, #tpu.memory_space<vmem>>
      %dma_wait3A_2229 = arith.constant 0 : i32
      %dma_wait3A_2230 = tpu.memref_slice %arg4[%dma_wait3A_2225, %dma_wait3A_2229] : memref<1000000x32xf32, #tpu.memory_space<hbm>> -> memref<1x32xf32, #tpu.memory_space<hbm>>
      %dma_wait3A_2231 = tpu.memref_squeeze %dma_wait3A_2230 : memref<1x32xf32, #tpu.memory_space<hbm>> -> memref<32xf32, #tpu.memory_space<hbm>>
      %dma_wait3A_2232 = arith.constant 0 : i32
      %dma_wait3A_2233 = tpu.memref_slice %arg11[%add3A_2224, %dma_wait3A_2232] : memref<512x128xf32, #tpu.memory_space<vmem>> -> memref<1x128xf32, #tpu.memory_space<vmem>>
      %dma_wait3A_2234 = tpu.memref_squeeze %dma_wait3A_2233 : memref<1x128xf32, #tpu.memory_space<vmem>> -> memref<128xf32, #tpu.memory_space<vmem>>
      %dma_wait3A_2235 = arith.constant 0 : i32
      %dma_wait3A_2236 = tpu.memref_slice %arg4[%dma_wait3A_2225, %dma_wait3A_2235] : memref<1000000x32xf32, #tpu.memory_space<hbm>> -> memref<1x32xf32, #tpu.memory_space<hbm>>
      %dma_wait3A_2237 = tpu.memref_squeeze %dma_wait3A_2236 : memref<1x32xf32, #tpu.memory_space<hbm>> -> memref<32xf32, #tpu.memory_space<hbm>>
      tpu.wait_dma2 semaphore(%arg12 : memref<!tpu.dma_semaphore, #tpu.memory_space<semaphore_mem>>) src(%dma_wait3A_2237 : memref<32xf32, #tpu.memory_space<hbm>>) dst(%dma_wait3A_2234 : memref<128xf32, #tpu.memory_space<vmem>>)
      %add3A_2238 = arith.constant 28 : i32
      %add3A_2239 = arith.addi %mul3A_10, %add3A_2238 : i32
      %dma_wait3A_2240 = arith.constant 0 : i32
      %dma_wait3A_2241 = arith.constant 0 : i32
      %dma_wait3A_2242 = tpu.memref_slice %arg11[%add3A_2239, %dma_wait3A_2241] : memref<512x128xf32, #tpu.memory_space<vmem>> -> memref<1x128xf32, #tpu.memory_space<vmem>>
      %dma_wait3A_2243 = tpu.memref_squeeze %dma_wait3A_2242 : memref<1x128xf32, #tpu.memory_space<vmem>> -> memref<128xf32, #tpu.memory_space<vmem>>
      %dma_wait3A_2244 = arith.constant 0 : i32
      %dma_wait3A_2245 = tpu.memref_slice %arg4[%dma_wait3A_2240, %dma_wait3A_2244] : memref<1000000x32xf32, #tpu.memory_space<hbm>> -> memref<1x32xf32, #tpu.memory_space<hbm>>
      %dma_wait3A_2246 = tpu.memref_squeeze %dma_wait3A_2245 : memref<1x32xf32, #tpu.memory_space<hbm>> -> memref<32xf32, #tpu.memory_space<hbm>>
      %dma_wait3A_2247 = arith.constant 0 : i32
      %dma_wait3A_2248 = tpu.memref_slice %arg11[%add3A_2239, %dma_wait3A_2247] : memref<512x128xf32, #tpu.memory_space<vmem>> -> memref<1x128xf32, #tpu.memory_space<vmem>>
      %dma_wait3A_2249 = tpu.memref_squeeze %dma_wait3A_2248 : memref<1x128xf32, #tpu.memory_space<vmem>> -> memref<128xf32, #tpu.memory_space<vmem>>
      %dma_wait3A_2250 = arith.constant 0 : i32
      %dma_wait3A_2251 = tpu.memref_slice %arg4[%dma_wait3A_2240, %dma_wait3A_2250] : memref<1000000x32xf32, #tpu.memory_space<hbm>> -> memref<1x32xf32, #tpu.memory_space<hbm>>
      %dma_wait3A_2252 = tpu.memref_squeeze %dma_wait3A_2251 : memref<1x32xf32, #tpu.memory_space<hbm>> -> memref<32xf32, #tpu.memory_space<hbm>>
      tpu.wait_dma2 semaphore(%arg12 : memref<!tpu.dma_semaphore, #tpu.memory_space<semaphore_mem>>) src(%dma_wait3A_2252 : memref<32xf32, #tpu.memory_space<hbm>>) dst(%dma_wait3A_2249 : memref<128xf32, #tpu.memory_space<vmem>>)
      %add3A_2253 = arith.constant 29 : i32
      %add3A_2254 = arith.addi %mul3A_10, %add3A_2253 : i32
      %dma_wait3A_2255 = arith.constant 0 : i32
      %dma_wait3A_2256 = arith.constant 0 : i32
      %dma_wait3A_2257 = tpu.memref_slice %arg11[%add3A_2254, %dma_wait3A_2256] : memref<512x128xf32, #tpu.memory_space<vmem>> -> memref<1x128xf32, #tpu.memory_space<vmem>>
      %dma_wait3A_2258 = tpu.memref_squeeze %dma_wait3A_2257 : memref<1x128xf32, #tpu.memory_space<vmem>> -> memref<128xf32, #tpu.memory_space<vmem>>
      %dma_wait3A_2259 = arith.constant 0 : i32
      %dma_wait3A_2260 = tpu.memref_slice %arg4[%dma_wait3A_2255, %dma_wait3A_2259] : memref<1000000x32xf32, #tpu.memory_space<hbm>> -> memref<1x32xf32, #tpu.memory_space<hbm>>
      %dma_wait3A_2261 = tpu.memref_squeeze %dma_wait3A_2260 : memref<1x32xf32, #tpu.memory_space<hbm>> -> memref<32xf32, #tpu.memory_space<hbm>>
      %dma_wait3A_2262 = arith.constant 0 : i32
      %dma_wait3A_2263 = tpu.memref_slice %arg11[%add3A_2254, %dma_wait3A_2262] : memref<512x128xf32, #tpu.memory_space<vmem>> -> memref<1x128xf32, #tpu.memory_space<vmem>>
      %dma_wait3A_2264 = tpu.memref_squeeze %dma_wait3A_2263 : memref<1x128xf32, #tpu.memory_space<vmem>> -> memref<128xf32, #tpu.memory_space<vmem>>
      %dma_wait3A_2265 = arith.constant 0 : i32
      %dma_wait3A_2266 = tpu.memref_slice %arg4[%dma_wait3A_2255, %dma_wait3A_2265] : memref<1000000x32xf32, #tpu.memory_space<hbm>> -> memref<1x32xf32, #tpu.memory_space<hbm>>
      %dma_wait3A_2267 = tpu.memref_squeeze %dma_wait3A_2266 : memref<1x32xf32, #tpu.memory_space<hbm>> -> memref<32xf32, #tpu.memory_space<hbm>>
      tpu.wait_dma2 semaphore(%arg12 : memref<!tpu.dma_semaphore, #tpu.memory_space<semaphore_mem>>) src(%dma_wait3A_2267 : memref<32xf32, #tpu.memory_space<hbm>>) dst(%dma_wait3A_2264 : memref<128xf32, #tpu.memory_space<vmem>>)
      %add3A_2268 = arith.constant 30 : i32
      %add3A_2269 = arith.addi %mul3A_10, %add3A_2268 : i32
      %dma_wait3A_2270 = arith.constant 0 : i32
      %dma_wait3A_2271 = arith.constant 0 : i32
      %dma_wait3A_2272 = tpu.memref_slice %arg11[%add3A_2269, %dma_wait3A_2271] : memref<512x128xf32, #tpu.memory_space<vmem>> -> memref<1x128xf32, #tpu.memory_space<vmem>>
      %dma_wait3A_2273 = tpu.memref_squeeze %dma_wait3A_2272 : memref<1x128xf32, #tpu.memory_space<vmem>> -> memref<128xf32, #tpu.memory_space<vmem>>
      %dma_wait3A_2274 = arith.constant 0 : i32
      %dma_wait3A_2275 = tpu.memref_slice %arg4[%dma_wait3A_2270, %dma_wait3A_2274] : memref<1000000x32xf32, #tpu.memory_space<hbm>> -> memref<1x32xf32, #tpu.memory_space<hbm>>
      %dma_wait3A_2276 = tpu.memref_squeeze %dma_wait3A_2275 : memref<1x32xf32, #tpu.memory_space<hbm>> -> memref<32xf32, #tpu.memory_space<hbm>>
      %dma_wait3A_2277 = arith.constant 0 : i32
      %dma_wait3A_2278 = tpu.memref_slice %arg11[%add3A_2269, %dma_wait3A_2277] : memref<512x128xf32, #tpu.memory_space<vmem>> -> memref<1x128xf32, #tpu.memory_space<vmem>>
      %dma_wait3A_2279 = tpu.memref_squeeze %dma_wait3A_2278 : memref<1x128xf32, #tpu.memory_space<vmem>> -> memref<128xf32, #tpu.memory_space<vmem>>
      %dma_wait3A_2280 = arith.constant 0 : i32
      %dma_wait3A_2281 = tpu.memref_slice %arg4[%dma_wait3A_2270, %dma_wait3A_2280] : memref<1000000x32xf32, #tpu.memory_space<hbm>> -> memref<1x32xf32, #tpu.memory_space<hbm>>
      %dma_wait3A_2282 = tpu.memref_squeeze %dma_wait3A_2281 : memref<1x32xf32, #tpu.memory_space<hbm>> -> memref<32xf32, #tpu.memory_space<hbm>>
      tpu.wait_dma2 semaphore(%arg12 : memref<!tpu.dma_semaphore, #tpu.memory_space<semaphore_mem>>) src(%dma_wait3A_2282 : memref<32xf32, #tpu.memory_space<hbm>>) dst(%dma_wait3A_2279 : memref<128xf32, #tpu.memory_space<vmem>>)
      %add3A_2283 = arith.constant 31 : i32
      %add3A_2284 = arith.addi %mul3A_10, %add3A_2283 : i32
      %dma_wait3A_2285 = arith.constant 0 : i32
      %dma_wait3A_2286 = arith.constant 0 : i32
      %dma_wait3A_2287 = tpu.memref_slice %arg11[%add3A_2284, %dma_wait3A_2286] : memref<512x128xf32, #tpu.memory_space<vmem>> -> memref<1x128xf32, #tpu.memory_space<vmem>>
      %dma_wait3A_2288 = tpu.memref_squeeze %dma_wait3A_2287 : memref<1x128xf32, #tpu.memory_space<vmem>> -> memref<128xf32, #tpu.memory_space<vmem>>
      %dma_wait3A_2289 = arith.constant 0 : i32
      %dma_wait3A_2290 = tpu.memref_slice %arg4[%dma_wait3A_2285, %dma_wait3A_2289] : memref<1000000x32xf32, #tpu.memory_space<hbm>> -> memref<1x32xf32, #tpu.memory_space<hbm>>
      %dma_wait3A_2291 = tpu.memref_squeeze %dma_wait3A_2290 : memref<1x32xf32, #tpu.memory_space<hbm>> -> memref<32xf32, #tpu.memory_space<hbm>>
      %dma_wait3A_2292 = arith.constant 0 : i32
      %dma_wait3A_2293 = tpu.memref_slice %arg11[%add3A_2284, %dma_wait3A_2292] : memref<512x128xf32, #tpu.memory_space<vmem>> -> memref<1x128xf32, #tpu.memory_space<vmem>>
      %dma_wait3A_2294 = tpu.memref_squeeze %dma_wait3A_2293 : memref<1x128xf32, #tpu.memory_space<vmem>> -> memref<128xf32, #tpu.memory_space<vmem>>
      %dma_wait3A_2295 = arith.constant 0 : i32
      %dma_wait3A_2296 = tpu.memref_slice %arg4[%dma_wait3A_2285, %dma_wait3A_2295] : memref<1000000x32xf32, #tpu.memory_space<hbm>> -> memref<1x32xf32, #tpu.memory_space<hbm>>
      %dma_wait3A_2297 = tpu.memref_squeeze %dma_wait3A_2296 : memref<1x32xf32, #tpu.memory_space<hbm>> -> memref<32xf32, #tpu.memory_space<hbm>>
      tpu.wait_dma2 semaphore(%arg12 : memref<!tpu.dma_semaphore, #tpu.memory_space<semaphore_mem>>) src(%dma_wait3A_2297 : memref<32xf32, #tpu.memory_space<hbm>>) dst(%dma_wait3A_2294 : memref<128xf32, #tpu.memory_space<vmem>>)
    }
    %scan3A_7 = arith.constant 16 : i32
    "tpu.region"() ({
      %run_scoped3A = tpu.sem_alloc : memref<!tpu.dma_semaphore, #tpu.memory_space<semaphore_mem>>
      %dma_start3A = arith.constant 0 : i32
      %dma_start3A_8 = tpu.memref_slice %arg8[%mul3A_2, %dma_start3A] : memref<16384x128xf32, #tpu.memory_space<hbm>> -> memref<512x128xf32, #tpu.memory_space<hbm>>
      %dma_start3A_9 = arith.constant 0 : i32
      %dma_start3A_10 = tpu.memref_slice %arg8[%mul3A_2, %dma_start3A_9] : memref<16384x128xf32, #tpu.memory_space<hbm>> -> memref<512x128xf32, #tpu.memory_space<hbm>>
      tpu.enqueue_dma source(%arg11 : memref<512x128xf32, #tpu.memory_space<vmem>>) target(%dma_start3A_10 : memref<512x128xf32, #tpu.memory_space<hbm>>) target_semaphore(%run_scoped3A : memref<!tpu.dma_semaphore, #tpu.memory_space<semaphore_mem>>)
      %dma_wait3A = arith.constant 0 : i32
      %dma_wait3A_11 = tpu.memref_slice %arg8[%mul3A_2, %dma_wait3A] : memref<16384x128xf32, #tpu.memory_space<hbm>> -> memref<512x128xf32, #tpu.memory_space<hbm>>
      %dma_wait3A_12 = arith.constant 0 : i32
      %dma_wait3A_13 = tpu.memref_slice %arg8[%mul3A_2, %dma_wait3A_12] : memref<16384x128xf32, #tpu.memory_space<hbm>> -> memref<512x128xf32, #tpu.memory_space<hbm>>
      tpu.wait_dma2 semaphore(%run_scoped3A : memref<!tpu.dma_semaphore, #tpu.memory_space<semaphore_mem>>) src(%arg11 : memref<512x128xf32, #tpu.memory_space<vmem>>) dst(%dma_wait3A_13 : memref<512x128xf32, #tpu.memory_space<hbm>>)
      tpu.yield
    }) : () -> ()
    return
  }
}

module attributes {stable_mosaic.version = 14 : i64} {
  func.func @_tc_body(%arg0: i32, %arg1: memref<4096x128xf32, #tpu.memory_space<vmem>>, %arg2: memref<64x128xf32, #tpu.memory_space<vmem>>, %arg3: memref<1x128xf32, #tpu.memory_space<vmem>>, %arg4: memref<128x64xf32, #tpu.memory_space<vmem>>, %arg5: memref<1x64xf32, #tpu.memory_space<vmem>>, %arg6: memref<64x32xf32, #tpu.memory_space<vmem>>, %arg7: memref<1x32xf32, #tpu.memory_space<vmem>>, %arg8: memref<32x1xf32, #tpu.memory_space<vmem>>, %arg9: memref<1x1xf32, #tpu.memory_space<vmem>>, %arg10: memref<32x1xf32, #tpu.memory_space<vmem>>, %arg11: memref<1x1xf32, #tpu.memory_space<vmem>>, %arg12: memref<1x1xf32, #tpu.memory_space<vmem>>, %arg13: memref<4096x1xf32, #tpu.memory_space<vmem>>) attributes {dimension_semantics = [#tpu.dimension_semantics<arbitrary>], iteration_bounds = array<i64: 4>, scalar_prefetch = 0 : i64, scratch_operands = 0 : i64, tpu.core_type = #tpu.core_type<tc>, window_params = [{transform_indices = @transform_0, window_bounds = array<i64: 4096, 128>}, {pipeline_mode = #tpu.pipeline_mode<synchronous>, transform_indices = @transform_1, window_bounds = array<i64: 64, 128>}, {pipeline_mode = #tpu.pipeline_mode<synchronous>, transform_indices = @transform_2, window_bounds = array<i64: 1, 128>}, {pipeline_mode = #tpu.pipeline_mode<synchronous>, transform_indices = @transform_3, window_bounds = array<i64: 128, 64>}, {pipeline_mode = #tpu.pipeline_mode<synchronous>, transform_indices = @transform_4, window_bounds = array<i64: 1, 64>}, {pipeline_mode = #tpu.pipeline_mode<synchronous>, transform_indices = @transform_5, window_bounds = array<i64: 64, 32>}, {pipeline_mode = #tpu.pipeline_mode<synchronous>, transform_indices = @transform_6, window_bounds = array<i64: 1, 32>}, {pipeline_mode = #tpu.pipeline_mode<synchronous>, transform_indices = @transform_7, window_bounds = array<i64: 32, 1>}, {pipeline_mode = #tpu.pipeline_mode<synchronous>, transform_indices = @transform_8, window_bounds = array<i64: 1, 1>}, {pipeline_mode = #tpu.pipeline_mode<synchronous>, transform_indices = @transform_9, window_bounds = array<i64: 32, 1>}, {pipeline_mode = #tpu.pipeline_mode<synchronous>, transform_indices = @transform_10, window_bounds = array<i64: 1, 1>}, {pipeline_mode = #tpu.pipeline_mode<synchronous>, transform_indices = @transform_11, window_bounds = array<i64: 1, 1>}, {transform_indices = @transform_12, window_bounds = array<i64: 4096, 1>}]} {
    %get3A = arith.constant 0 : index
    %get3A_0 = arith.constant 0 : index
    %get3A_1 = vector.load %arg1[%get3A, %get3A_0] : memref<4096x128xf32, #tpu.memory_space<vmem>>, vector<4096x128xf32>
    %slice3A = vector.extract_strided_slice %get3A_1 {offsets = [0, 0], sizes = [4096, 64], strides = [1, 1]} : vector<4096x128xf32> to vector<4096x64xf32>
    %get3A_2 = arith.constant 0 : index
    %get3A_3 = arith.constant 0 : index
    %get3A_4 = vector.load %arg2[%get3A_2, %get3A_3] : memref<64x128xf32, #tpu.memory_space<vmem>>, vector<64x128xf32>
    %dot_general3A = arith.constant dense<0.000000e+00> : vector<4096x128xf32>
    %dot_general3A_5 = tpu.matmul %slice3A, %get3A_4, %dot_general3A {dimension_numbers = #tpu.dot_dimension_numbers<[1], [0], [0], [1], [0, 0, 1, 1], [], []>, transpose_lhs_hint = false} : vector<4096x64xf32>, vector<64x128xf32>, vector<4096x128xf32> -> vector<4096x128xf32>
    %get3A_6 = arith.constant 0 : index
    %get3A_7 = arith.constant 0 : index
    %get3A_8 = vector.load %arg3[%get3A_6, %get3A_7] : memref<1x128xf32, #tpu.memory_space<vmem>>, vector<1x128xf32>
    %add3A = vector.broadcast %get3A_8 : vector<1x128xf32> to vector<4096x128xf32>
    %add3A_9 = arith.addf %dot_general3A_5, %add3A : vector<4096x128xf32>
    %max3A = arith.constant 0.000000e+00 : f32
    %max3A_10 = vector.broadcast %max3A : f32 to vector<4096x128xf32>
    %max3A_11 = arith.maximumf %add3A_9, %max3A_10 : vector<4096x128xf32>
    %get3A_12 = arith.constant 0 : index
    %get3A_13 = arith.constant 0 : index
    %get3A_14 = vector.load %arg4[%get3A_12, %get3A_13] : memref<128x64xf32, #tpu.memory_space<vmem>>, vector<128x64xf32>
    %dot_general3A_15 = arith.constant dense<0.000000e+00> : vector<4096x64xf32>
    %dot_general3A_16 = tpu.matmul %max3A_11, %get3A_14, %dot_general3A_15 {dimension_numbers = #tpu.dot_dimension_numbers<[1], [0], [0], [1], [0, 0, 1, 1], [], []>, transpose_lhs_hint = false} : vector<4096x128xf32>, vector<128x64xf32>, vector<4096x64xf32> -> vector<4096x64xf32>
    %get3A_17 = arith.constant 0 : index
    %get3A_18 = arith.constant 0 : index
    %get3A_19 = vector.load %arg5[%get3A_17, %get3A_18] : memref<1x64xf32, #tpu.memory_space<vmem>>, vector<1x64xf32>
    %add3A_20 = vector.broadcast %get3A_19 : vector<1x64xf32> to vector<4096x64xf32>
    %add3A_21 = arith.addf %dot_general3A_16, %add3A_20 : vector<4096x64xf32>
    %max3A_22 = arith.constant 0.000000e+00 : f32
    %max3A_23 = vector.broadcast %max3A_22 : f32 to vector<4096x64xf32>
    %max3A_24 = arith.maximumf %add3A_21, %max3A_23 : vector<4096x64xf32>
    %get3A_25 = arith.constant 0 : index
    %get3A_26 = arith.constant 0 : index
    %get3A_27 = vector.load %arg6[%get3A_25, %get3A_26] : memref<64x32xf32, #tpu.memory_space<vmem>>, vector<64x32xf32>
    %dot_general3A_28 = arith.constant dense<0.000000e+00> : vector<4096x32xf32>
    %dot_general3A_29 = tpu.matmul %max3A_24, %get3A_27, %dot_general3A_28 {dimension_numbers = #tpu.dot_dimension_numbers<[1], [0], [0], [1], [0, 0, 1, 1], [], []>, transpose_lhs_hint = false} : vector<4096x64xf32>, vector<64x32xf32>, vector<4096x32xf32> -> vector<4096x32xf32>
    %get3A_30 = arith.constant 0 : index
    %get3A_31 = arith.constant 0 : index
    %get3A_32 = vector.load %arg7[%get3A_30, %get3A_31] : memref<1x32xf32, #tpu.memory_space<vmem>>, vector<1x32xf32>
    %add3A_33 = vector.broadcast %get3A_32 : vector<1x32xf32> to vector<4096x32xf32>
    %add3A_34 = arith.addf %dot_general3A_29, %add3A_33 : vector<4096x32xf32>
    %max3A_35 = arith.constant 0.000000e+00 : f32
    %max3A_36 = vector.broadcast %max3A_35 : f32 to vector<4096x32xf32>
    %max3A_37 = arith.maximumf %add3A_34, %max3A_36 : vector<4096x32xf32>
    %get3A_38 = arith.constant 0 : index
    %get3A_39 = arith.constant 0 : index
    %get3A_40 = vector.load %arg8[%get3A_38, %get3A_39] : memref<32x1xf32, #tpu.memory_space<vmem>>, vector<32x1xf32>
    %dot_general3A_41 = arith.constant dense<0.000000e+00> : vector<4096x1xf32>
    %dot_general3A_42 = tpu.matmul %max3A_37, %get3A_40, %dot_general3A_41 {dimension_numbers = #tpu.dot_dimension_numbers<[1], [0], [0], [1], [0, 0, 1, 1], [], []>, transpose_lhs_hint = false} : vector<4096x32xf32>, vector<32x1xf32>, vector<4096x1xf32> -> vector<4096x1xf32>
    %get3A_43 = arith.constant 0 : index
    %get3A_44 = arith.constant 0 : index
    %get3A_45 = vector.load %arg9[%get3A_43, %get3A_44] : memref<1x1xf32, #tpu.memory_space<vmem>>, vector<1x1xf32>
    %add3A_46 = vector.broadcast %get3A_45 : vector<1x1xf32> to vector<4096x1xf32>
    %add3A_47 = arith.addf %dot_general3A_42, %add3A_46 : vector<4096x1xf32>
    %slice3A_48 = vector.extract_strided_slice %get3A_1 {offsets = [0, 64], sizes = [4096, 32], strides = [1, 1]} : vector<4096x128xf32> to vector<4096x32xf32>
    %slice3A_49 = vector.extract_strided_slice %get3A_1 {offsets = [0, 96], sizes = [4096, 32], strides = [1, 1]} : vector<4096x128xf32> to vector<4096x32xf32>
    %mul3A = arith.mulf %slice3A_48, %slice3A_49 : vector<4096x32xf32>
    %get3A_50 = arith.constant 0 : index
    %get3A_51 = arith.constant 0 : index
    %get3A_52 = vector.load %arg10[%get3A_50, %get3A_51] : memref<32x1xf32, #tpu.memory_space<vmem>>, vector<32x1xf32>
    %dot_general3A_53 = arith.constant dense<0.000000e+00> : vector<4096x1xf32>
    %dot_general3A_54 = tpu.matmul %mul3A, %get3A_52, %dot_general3A_53 {dimension_numbers = #tpu.dot_dimension_numbers<[1], [0], [0], [1], [0, 0, 1, 1], [], []>, transpose_lhs_hint = false} : vector<4096x32xf32>, vector<32x1xf32>, vector<4096x1xf32> -> vector<4096x1xf32>
    %get3A_55 = arith.constant 0 : index
    %get3A_56 = arith.constant 0 : index
    %get3A_57 = vector.load %arg11[%get3A_55, %get3A_56] : memref<1x1xf32, #tpu.memory_space<vmem>>, vector<1x1xf32>
    %mul3A_58 = vector.broadcast %get3A_57 : vector<1x1xf32> to vector<4096x1xf32>
    %mul3A_59 = arith.mulf %add3A_47, %mul3A_58 : vector<4096x1xf32>
    %add3A_60 = arith.addf %mul3A_59, %dot_general3A_54 : vector<4096x1xf32>
    %get3A_61 = arith.constant 0 : index
    %get3A_62 = arith.constant 0 : index
    %get3A_63 = vector.load %arg12[%get3A_61, %get3A_62] : memref<1x1xf32, #tpu.memory_space<vmem>>, vector<1x1xf32>
    %add3A_64 = vector.broadcast %get3A_63 : vector<1x1xf32> to vector<4096x1xf32>
    %add3A_65 = arith.addf %add3A_60, %add3A_64 : vector<4096x1xf32>
    %swap3A = arith.constant 0 : index
    %swap3A_66 = arith.constant 0 : index
    %swap3A_67 = vector.load %arg13[%swap3A, %swap3A_66] : memref<4096x1xf32, #tpu.memory_space<vmem>>, vector<4096x1xf32>
    tpu.vector_store %arg13[%swap3A, %swap3A_66], %add3A_65 {strides = array<i32>} : memref<4096x1xf32, #tpu.memory_space<vmem>>, vector<4096x1xf32>,
    return
  }
  func.func @transform_0(%arg0: i32) -> (i32, i32) {
    %c0_i32 = arith.constant 0 : i32
    %c0_i32_0 = arith.constant 0 : i32
    return %arg0, %c0_i32 : i32, i32
  }
  func.func @transform_1(%arg0: i32) -> (i32, i32) {
    %c0_i32 = arith.constant 0 : i32
    %c0_i32_0 = arith.constant 0 : i32
    %c0_i32_1 = arith.constant 0 : i32
    return %c0_i32, %c0_i32_0 : i32, i32
  }
  func.func @transform_2(%arg0: i32) -> (i32, i32) {
    %c0_i32 = arith.constant 0 : i32
    %c0_i32_0 = arith.constant 0 : i32
    %c0_i32_1 = arith.constant 0 : i32
    return %c0_i32, %c0_i32_0 : i32, i32
  }
  func.func @transform_3(%arg0: i32) -> (i32, i32) {
    %c0_i32 = arith.constant 0 : i32
    %c0_i32_0 = arith.constant 0 : i32
    %c0_i32_1 = arith.constant 0 : i32
    return %c0_i32, %c0_i32_0 : i32, i32
  }
  func.func @transform_4(%arg0: i32) -> (i32, i32) {
    %c0_i32 = arith.constant 0 : i32
    %c0_i32_0 = arith.constant 0 : i32
    %c0_i32_1 = arith.constant 0 : i32
    return %c0_i32, %c0_i32_0 : i32, i32
  }
  func.func @transform_5(%arg0: i32) -> (i32, i32) {
    %c0_i32 = arith.constant 0 : i32
    %c0_i32_0 = arith.constant 0 : i32
    %c0_i32_1 = arith.constant 0 : i32
    return %c0_i32, %c0_i32_0 : i32, i32
  }
  func.func @transform_6(%arg0: i32) -> (i32, i32) {
    %c0_i32 = arith.constant 0 : i32
    %c0_i32_0 = arith.constant 0 : i32
    %c0_i32_1 = arith.constant 0 : i32
    return %c0_i32, %c0_i32_0 : i32, i32
  }
  func.func @transform_7(%arg0: i32) -> (i32, i32) {
    %c0_i32 = arith.constant 0 : i32
    %c0_i32_0 = arith.constant 0 : i32
    %c0_i32_1 = arith.constant 0 : i32
    return %c0_i32, %c0_i32_0 : i32, i32
  }
  func.func @transform_8(%arg0: i32) -> (i32, i32) {
    %c0_i32 = arith.constant 0 : i32
    %c0_i32_0 = arith.constant 0 : i32
    %c0_i32_1 = arith.constant 0 : i32
    return %c0_i32, %c0_i32_0 : i32, i32
  }
  func.func @transform_9(%arg0: i32) -> (i32, i32) {
    %c0_i32 = arith.constant 0 : i32
    %c0_i32_0 = arith.constant 0 : i32
    %c0_i32_1 = arith.constant 0 : i32
    return %c0_i32, %c0_i32_0 : i32, i32
  }
  func.func @transform_10(%arg0: i32) -> (i32, i32) {
    %c0_i32 = arith.constant 0 : i32
    %c0_i32_0 = arith.constant 0 : i32
    %c0_i32_1 = arith.constant 0 : i32
    return %c0_i32, %c0_i32_0 : i32, i32
  }
  func.func @transform_11(%arg0: i32) -> (i32, i32) {
    %c0_i32 = arith.constant 0 : i32
    %c0_i32_0 = arith.constant 0 : i32
    %c0_i32_1 = arith.constant 0 : i32
    return %c0_i32, %c0_i32_0 : i32, i32
  }
  func.func @transform_12(%arg0: i32) -> (i32, i32) {
    %c0_i32 = arith.constant 0 : i32
    %c0_i32_0 = arith.constant 0 : i32
    return %arg0, %c0_i32 : i32, i32
  }
}

</mosaic_0001>

<sc_bundles>
// kernel: kernel.4.cloned.1.call-start
scs
__scs_entry_jumppad:
0x0: {  	(pc) =	sbr.rel $0x88, $3  }
0x1: {  	(tag) =	ssettag $0x0;
	lr =	simm.s32 $0x1  }
0x2: {  	[smem:$0x3F91] =	sst lr;
	_ =	strace $0xD0000000  }
0x3: {  	_ = 	snop  }
0x4: {  	_ = 	snop  }
0x5: {  	_ = 	snop  }
0x6: {  	_ = 	snop  }
0x7: {  	_ = 	snop  }
__scs_overlays_trampoline_lowered:
0x8: {  	[smem:$0x3FA0] =	sst s0  }
0x9: {  	[smem:$0x3FA1] =	sst s1  }
0xa: {  	[smem:$0x3FA2] =	sst s2  }
0xb: {  	[smem:$0x3FA3] =	sst s3  }
0xc: {  	[smem:$0x3FA4] =	sst s4  }
0xd: {  	[smem:$0x3FA5] =	sst s5  }
0xe: {  	[smem:$0x3FA6] =	sst s6  }
0xf: {  	[smem:$0x3FA7] =	sst s7  }
0x10: {  	[smem:$0x3FA8] =	sst s8  }
0x11: {  	[smem:$0x3FA9] =	sst s9;
	s0 =	simm.s32 @!p0 $0x0  }
0x12: {  	s1 =	sld [smem:$0x3F8F];
	s0 =	simm.s32 @p0 $0x1  }
0x13: {  	[smem:$0x3FAA] =	sst s0;
	s0 =	simm.s32 @!p1 $0x0  }
0x14: {  	s2 =	sld [smem:$0x3F8E];
	s0 =	simm.s32 @p1 $0x1  }
0x15: {  	[smem:$0x3FAB] =	sst s0;
	s0 =	simm.s32 @!p2 $0x0  }
0x16: {  	s3 =	sld [smem:$0x3FDB];
	s0 =	simm.s32 @p2 $0x1  }
0x17: {  	s4 =	simm.s32 $0x1BF5;
	[smem:$0x3FAD] =	sst s0  }
0x18: {  	s0 =	sld [smem:$0x3F90];
	_ =	swait.ge [sflag:s4], $0x0  }
0x19: {  	s7 =	sld [smem:$0x3F91]  }
0x1a: {  	s8 =	sadd.s32 $0xFFFFE003, lr  }
0x1b: {  	s9 =	sadd.s32 $0xFFFFFEF7, lr;
	s5 =	simm.s32 $0xFFFFFFFF;
	p2 =	slt.u32 s8, $0xFFFFF086  }
0x1c: {  	p1 =	slt.u32 s9, $0xF7A;
	s5 =	simm.s32 @!p2 $0x0  }
0x1d: {  	s5 =	simm.s32 @p1 $0x1;
	p0 =	seq.s32 s7, s2  }
0x1e: {  	s7 =	smul.u32 @!p0 $0xF7A, s2;
	p2 =	seq.s32 @!p0 s5, $0x0  }
0x1f: {  	s9 =	smul.u32 $0xF7A, s1;
	s8 =	simm.s32 @!p0 $0x1BF5;
	p2 =	por !p2, p0  }
0x20: {  	[sflag:s8] =	ssyncset.s32 @!p0 $0xFFFFF086;
	s6 =	sadd.s32 @!p0 s3, s7;
	s7 =	simm.s32 @!p0 $0x108  }
0x21: {  	s3 =	sadd.s32 s3, s9;
	s6 =	sadd.s32 @!p0 $0x88, s6;
	s7 =	simm.s32 @p2 $0x1082  }
0x22: {  	[simem:s7], [sflag:s8] =	dma.local @!p0 [hbm:s6], $0xF7A  }
0x23: {  	s9 =	sor.u32 $0xD0000000, s2;
	s6 =	simm.s32 $0x108;
	_ =	swait.ge @!p0 [sflag:s8], $0x0  }
0x24: {  	s3 =	sadd.s32 $0x88, s3;
	s6 =	simm.s32 @!p1 $0x1082;
	[sflag:s4] =	ssyncset.s32 $0xFFFFF086  }
0x25: {  	[simem:s6], [sflag:s4] =	dma.local [hbm:s3], $0xF7A  }
0x26: {  	[smem:$0x3F91] =	sst s1;
	(tag) =	ssettag s2;
	_ =	strace s9  }
0x27: {  	s1 =	sld [smem:$0x3FA1]  }
0x28: {  	s2 =	sld [smem:$0x3FA2]  }
0x29: {  	s4 =	sld [smem:$0x3FA4]  }
0x2a: {  	p0 =	seq.s32 s5, $0x0;
	s5 =	sld [smem:$0x3FA5]  }
0x2b: {  	s6 =	sld [smem:$0x3FA6]  }
0x2c: {  	s7 =	sld [smem:$0x3FA7]  }
0x2d: {  	s3 =	simm.s32 $0x108;
	s8 =	sld [smem:$0x3FA8]  }
0x2e: {  	s3 =	simm.s32 @!p0 $0x1082;
	s9 =	sld [smem:$0x3FA9]  }
0x2f: {  	lr =	sadd.s32 s0, s3;
	s0 =	sld [smem:$0x3FA0]  }
0x30: {  	s3 =	sld [smem:$0x3FA3]  }
0x31: {  	[smem:$0x3FAC] =	sst s10  }
0x32: {  	s10 =	sld [smem:$0x3FAA];
	_ =	sdelay $0x3  }
0x33: {  	p0 =	seq.s32 s10, $0x1;
	s10 =	sld [smem:$0x3FAC];
	_ =	sdelay $0x3  }
0x34: {  	[smem:$0x3FAC] =	sst s10  }
0x35: {  	s10 =	sld [smem:$0x3FAB];
	_ =	sdelay $0x3  }
0x36: {  	p1 =	seq.s32 s10, $0x1;
	s10 =	sld [smem:$0x3FAC];
	_ =	sdelay $0x3  }
0x37: {  	[smem:$0x3FAC] =	sst s10  }
0x38: {  	s10 =	sld [smem:$0x3FAD]  }
0x39: {  	_ = 	snop;
	(pc) =	sbr.ind lr, $3  }
0x3a: {  	_ = 	snop  }
0x3b: {  	_ = 	snop  }
0x3c: {  	p2 =	seq.s32 s10, $0x1;
	s10 =	sld [smem:$0x3FAC]  }
0x3d: {  	_ =	shalt  }
0x3e: {  	_ =	shalt  }
0x3f: {  	_ =	shalt  }
0x40: {  	_ =	shalt  }
0x41: {  	_ =	shalt  }
0x42: {  	_ =	shalt  }
0x43: {  	_ =	shalt  }
0x44: {  	_ =	shalt  }
0x45: {  	_ =	shalt  }
0x46: {  	_ =	shalt  }
0x47: {  	_ =	shalt  }
0x48: {  	_ =	shalt  }
0x49: {  	_ =	shalt  }
0x4a: {  	_ =	shalt  }
0x4b: {  	_ =	shalt  }
0x4c: {  	_ =	shalt  }
0x4d: {  	_ =	shalt  }
0x4e: {  	_ =	shalt  }
0x4f: {  	_ =	shalt  }
0x50: {  	_ =	shalt  }
0x51: {  	_ =	shalt  }
0x52: {  	_ =	shalt  }
0x53: {  	_ =	shalt  }
0x54: {  	_ =	shalt  }
0x55: {  	_ =	shalt  }
0x56: {  	_ =	shalt  }
0x57: {  	_ =	shalt  }
0x58: {  	_ =	shalt  }
0x59: {  	_ =	shalt  }
0x5a: {  	_ =	shalt  }
0x5b: {  	_ =	shalt  }
0x5c: {  	_ =	shalt  }
0x5d: {  	_ =	shalt  }
0x5e: {  	_ =	shalt  }
0x5f: {  	_ =	shalt  }
0x60: {  	_ =	shalt  }
0x61: {  	_ =	shalt  }
0x62: {  	_ =	shalt  }
0x63: {  	_ =	shalt  }
0x64: {  	_ =	shalt  }
0x65: {  	_ =	shalt  }
0x66: {  	_ =	shalt  }
0x67: {  	_ =	shalt  }
0x68: {  	_ =	shalt  }
0x69: {  	_ =	shalt  }
0x6a: {  	_ =	shalt  }
0x6b: {  	_ =	shalt  }
0x6c: {  	_ =	shalt  }
0x6d: {  	_ =	shalt  }
0x6e: {  	_ =	shalt  }
0x6f: {  	_ =	shalt  }
0x70: {  	_ =	shalt  }
0x71: {  	_ =	shalt  }
0x72: {  	_ =	shalt  }
0x73: {  	_ =	shalt  }
0x74: {  	_ =	shalt  }
0x75: {  	_ =	shalt  }
0x76: {  	_ =	shalt  }
0x77: {  	_ =	shalt  }
0x78: {  	_ =	shalt  }
0x79: {  	_ =	shalt  }
0x7a: {  	_ =	shalt  }
0x7b: {  	_ =	shalt  }
0x7c: {  	_ =	shalt  }
0x7d: {  	_ =	shalt  }
0x7e: {  	_ =	shalt  }
0x7f: {  	_ =	shalt  }
0x80: {  	_ =	shalt  }
0x81: {  	_ =	shalt  }
0x82: {  	_ =	shalt  }
0x83: {  	_ =	shalt  }
0x84: {  	_ =	shalt  }
0x85: {  	_ =	shalt  }
0x86: {  	_ =	shalt  }
0x87: {  	_ =	shalt  }
.Lfunc_end0:
.L_simem_size_0:
called_computation_lowered:
.L_overlay_start_0:
0x88: {  	s2 =	sld [smem:$0x3FD9]  }
0x89: {  	s3 =	sld [smem:$0x3FFE];
	_ =	sdelay $0x1  }
0x8a: {  	s1 =	srdreg.scid  }
0x8b: {  	s0 =	sand.u32 $0x1, s1  }
0x8c: {  	s17 =	sshll.u32 s0, $0xA;
	s2 =	sadd.s32 s3, s2  }
0x8d: {  	s2 =	sadd.s32 s2, s17  }
0x8e: {  	[smem:$0x3FB8] =	sst s2  }
0x8f: {  	_ = 	snop  }
0x90: {  	s2 =	sld [smem:$0x3FC9]  }
0x91: {  	s18 =	sld [smem:$0x3FC8];
	(tm) =	ssettm $0x1  }
0x92: {  	s4 =	sld [smem:$0x3FFB];
	_ =	sdelay $0x3  }
0x93: {  	_ =	strace s4  }
0x94: {  	s4 =	sld [smem:$0x3FFC];
	_ =	sdelay $0x3  }
0x95: {  	_ =	strace s4  }
0x96: {  	s4 =	sld [smem:$0x3FFD];
	_ =	sdelay $0x3  }
0x97: {  	_ =	strace s4  }
0x98: {  	_ =	strace $0x8FFFFFFF  }
0x99: {  	s19 =	sld [smem:$0x3FDB];
	_ =	sdelay $0x1  }
0x9a: {  	s5 =	simm.s32 $_scs_section_size  }
0x9b: {  	s6 =	simm.s32 $_size__tile_overlayer_lowered;
	s7 =	simm.s32 $_tile_overlayer_lowered  }
0x9c: {  	s22 =	simm.s32 $0x1BFF;
	s21 =	sshll.u32 s7, $0x1;
	s4 =	sadd.s32 s5, s19  }
0x9d: {  	s8 =	simm.s32 $0x0;
	s20 =	sshll.u32 s6, $0x1;
	s6 =	sadd.s32 s21, s4  }
0x9e: {  	[timem:s8], [sflag:s22] =	dma.local [hbm:s6], s20  }
0x9f: {  	_ =	swait.ge [sflag:s22], s20  }
0xa0: {  	s5 =	ssub.s32 $0x0, s20;
	[sflag:s22] =	ssyncset.done $0x0  }
0xa1: {  	[sflag:s22] =	ssyncadd.s32 s5;
	_ =	sdelay $0x1  }
0xa2: {  	s23 =	simm.s32 $0x1B8B  }
0xa3: {  	_ =	swait.ge [sflag:s23], $0x1  }
0xa4: {  	[sflag:s23] =	ssyncset.done $0x0  }
0xa5: {  	s25 =	simm.s32 $0x1B8E;
	s24 =	sld [smem:$0x3FFE];
	[sflag:s23] =	ssyncadd.s32 $0xFFFFFFFF  }
0xa6: {  	s26 =	simm.s32 $execute0_lowered;
	[smem:$0x3FD2] =	sst s25  }
0xa7: {  	s6 =	sshll.u32 s26, $0x1;
	_ =	strace $0x80000046;
	[dreg:$0x1] =	wrdreg $0xFFFFFFFF  }
0xa8: {  	s28 =	simm.s32 $_size_execute0_lowered;
	s4 =	sadd.s32 s4, s6;
	[dreg:$0x0] =	wrdreg $0x0  }
0xa9: {  	s6 =	sshll.u32 s28, $0x1;
	[dreg:$0x2] =	wrdreg s4  }
0xaa: {  	[dreg:$0x3] =	wrdreg s6  }
0xab: {  	[dreg:$0x4] =	wrdreg $0xC0  }
0xac: {  	_ =	task [dreg:s8], $0x5FFFF  }
0xad: {  	[dreg:$0x1] =	wrdreg $0xFFFFFFFF  }
0xae: {  	[dreg:$0x0] =	wrdreg $0x60  }
0xaf: {  	[dreg:$0x2] =	wrdreg s2  }
0xb0: {  	[dreg:$0x3] =	wrdreg s18  }
0xb1: {  	[dreg:$0x4] =	wrdreg s24  }
0xb2: {  	[dreg:$0x5] =	wrdreg $0x9  }
0xb3: {  	_ =	task.clear_ibuf [dreg:s8], $0x6FFFF;
	_ =	strace $0x90000046  }
0xb4: {  	s29 =	simm.s32 $0x9;
	_ =	strace $0x80000048  }
0xb5: {  	_ =	swait.ge [sflag:s29], $0x1  }
0xb6: {  	[sflag:s29] =	ssyncadd.s32 $0xFFFFFFFF  }
0xb7: {  	_ =	strace $0x90000048  }
0xb8: {  	_ =	sfence  }
0xb9: {  	s30 =	sld [smem:$0x0];
	_ =	sdelay $0x2  }
0xba: {  	s31 =	sshll.u32 s1, $0xD;
	s1 =	sshrl.u32 s1, $0x2  }
0xbb: {  	s3 =	sand.u32 $0x4000, s31;
	s1 =	sadd.s32 s1, s30  }
0xbc: {  	s0 =	sor.u32 s3, s0;
	s1 =	sshll.u32 s1, $0x11  }
0xbd: {  	s0 =	sor.u32 s1, s0  }
0xbe: {  	s0 =	sadd.s32 $0x8F2B, s0  }
0xbf: {  	[sflag:s0] =	ssyncadd.remote.s32 $0x1  }
0xc0: {  	_ =	sfence.sel $0xFFFF  }
0xc1: {  	[dreg:$0x0] =	wrdreg $0xFFFFFFFF;
	(pc) =	sbr.abs _section_cstart, $3  }
0xc2: {  	[dreg:$0x1] =	wrdreg $0xFFFFFFFF  }
0xc3: {  	_ =	task.clear_ibuf [dreg:s8], $0x2FFFF;
	_ =	strace $0x9FFFFFFF  }
0xc4: {  	(tm) =	ssettm $0x7FFFFFFF  }
0xc5: {  	_ =	shalt  }
tec
execute0_lowered:
.L_overlay_start_1:
0x0: {  	(tag) =	ssettag $0x1  }
0x1: {  	s0 =	rddreg [dreg:$0x0]  }
0x2: {  	s2 =	rddreg [dreg:$0x1]  }
0x3: {  	s3 =	rddreg [dreg:$0x2]  }
0x4: {  	s1 =	simm.s32 $0x0;
	s5 =	srdreg.scid;
	s4 =	stileid.u32  }
0x5: {  	s15 =	simm.s32 $0x80;
	s14 =	simm.s32 $0x400;
	s6 =	simm.s32 $0x1  }
0x6: {  	[smem:$0x7FF] =	sst s1;
	s11 =	sadd.s32 $0x1600, s3;
	s12 =	sadd.s32 $0xF43A00, s3  }
0x7: {  	s7 =	sand.u32 $0x1, s5;
	s16 =	sadd.s32 $0x1E85E00, s3;
	s1 =	sadd.s32 $0x2DC8200, s3  }
0x8: {  	s8 =	sshll.u32 s4, $0xA;
	_ =	strace $0x80000047;
	s9 =	sshll.u32 s7, $0x9  }
0x9: {  	s7 =	ssub.s32 $0x2, s7;
	[dreg:$0x4] =	wrdreg s11;
	s8 =	sor.u32 s9, s8  }
0xa: {  	[dreg:$0x5] =	wrdreg s1;
	s9 =	sshll.u32 s8, $0x4;
	s8 =	sshrl.u32 s8, $0x3  }
0xb: {  	[dreg:$0x6] =	wrdreg s16;
	s10 =	sshrl.u32 s7, $0x1;
	s0 =	sadd.s32 s0, s8  }
0xc: {  	s7 =	ssub.s32 s7, s10;
	s29 =	sadd.s32 s2, s8;
	[dreg:$0xc] =	wrdreg s0  }
0xd: {  	s3 =	sadd.s32 s9, s3;
	s31 =	smax.u32 s7, $0x1;
	[dreg:$0xd] =	wrdreg s29  }
0xe: {  	s13 =	simm.s32 $0x0;
	s30 =	sadd.s32 $0x3D0A600, s3;
	[dreg:$0xf] =	wrdreg s31  }
0xf: {  	s2 =	simm.s32 $0x2;
	s3 =	simm.s32 $0x0;
	[dreg:$0xe] =	wrdreg s30  }
.LBB2_1:
0x10: {  	[dreg:$0x10] =	wrdreg s3  }
0x11: {  	s0 =	rddreg [dreg:$0xc];
	s4 =	simm.s32 $0x0  }
0x12: {  	[tilespmem:s4], [sflag:$0x2] =	stream.linear.gather [hbm4b:s0+s4], $0x200, $0x38;
	[tilespmem:$0x10400] =	vst v63  }
0x13: {  	_ =	swait.ge [sflag:s2], $0x200  }
0x14: {  	[sflag:s2] =	ssyncset.done $0x0  }
0x15: {  	s24 =	simm.s32 $0x200;
	s23 =	rddreg [dreg:$0xd];
	[sflag:s2] =	ssyncadd.s32 $0xFFFFFE00  }
0x16: {  	[tilespmem:s24], [sflag:$0x2] =	stream.linear.gather [hbm4b:s23+s4], $0x200, $0x38;
	[tilespmem:$0x10400] =	vst v63  }
0x17: {  	_ =	swait.ge [sflag:s2], $0x200  }
0x18: {  	[sflag:s2] =	ssyncset.done $0x0  }
0x19: {  	s18 =	simm.s32 $0x0;
	[sflag:s2] =	ssyncadd.s32 $0xFFFFFE00  }
0x1a: {  	v0 =	vld [tilespmem:s18+$0x0];
	_ =	sdelay $0x1  }
0x1b: {  	v2 =	vld [tilespmem:s18+$0x200];
	_ =	sdelay $0x2  }
0x1c: {  	v1 =	vshll.u32 v0, $0x4  }
0x1d: {  	(v2sf) =	vpush v1, $0x0  }
0x1e: {  	v59 =	vshll.u32 v2, $0x4;
	(v2sf) =	vpush v1, $0x1  }
0x1f: {  	(v2sf) =	vpush v59, $0x0;
	_ =	sdelay $0xc  }
0x20: {  	s25 =	simm.s32 $0x0;
	s26 =	spop (v2sf)  }
0x21: {  	s17 =	sand.u32 $0x3FFFF000, s25;
	s28 =	sand.u32 $0x1FFFFFF0, s26;
	s29 =	spop (v2sf)  }
0x22: {  	s30 =	sor.u32 $0x400, s17;
	s7 =	sadd.s32 s11, s28;
	s8 =	spop (v2sf)  }
0x23: {  	(v2sf) =	vpush v59, $0x1;
	[tilespmem:s30], [sflag:$0x1] =	stream.strided.gather [hbm4b:s7+s15], $0x0, s14, s15, $0x38;
	[tilespmem:$0x10400] =	vst v63  }
0x24: {  	s8 =	sand.u32 $0x1FFFFFF0, s8  }
0x25: {  	[tilespmem:s30], [sflag:$0x1] =	stream.linear.gather [hbm4b:s7+s4], $0x20, $0x38;
	[tilespmem:$0x10400] =	vst v63  }
0x26: {  	s31 =	sor.u32 $0x420, s17;
	s5 =	sadd.s32 s12, s8  }
0x27: {  	[tilespmem:s31], [sflag:$0x1] =	stream.strided.gather [hbm4b:s5+s15], $0x0, s14, s15, $0x38;
	[tilespmem:$0x10400] =	vst v63  }
0x28: {  	_ = 	snop  }
0x29: {  	[tilespmem:s31], [sflag:$0x1] =	stream.linear.gather [hbm4b:s5+s4], $0x20, $0x38;
	[tilespmem:$0x10400] =	vst v63  }
0x2a: {  	s0 =	sadd.s32 s16, s28;
	s7 =	sor.u32 $0x440, s17  }
0x2b: {  	[tilespmem:s7], [sflag:$0x1] =	stream.strided.gather [hbm4b:s0+s15], $0x0, s14, s15, $0x38;
	[tilespmem:$0x10400] =	vst v63  }
0x2c: {  	_ = 	snop  }
0x2d: {  	[tilespmem:s7], [sflag:$0x1] =	stream.linear.gather [hbm4b:s0+s4], $0x20, $0x38;
	[tilespmem:$0x10400] =	vst v63  }
0x2e: {  	s9 =	sor.u32 $0x460, s17;
	s10 =	sadd.s32 s1, s8  }
0x2f: {  	(v2sf) =	vpush v1, $0x2;
	[tilespmem:s9], [sflag:$0x1] =	stream.strided.gather [hbm4b:s10+s15], $0x0, s14, s15, $0x38;
	[tilespmem:$0x10400] =	vst v63  }
0x30: {  	s2 =	sand.u32 $0x1FFFFFF0, s29  }
0x31: {  	[tilespmem:s9], [sflag:$0x1] =	stream.linear.gather [hbm4b:s10+s4], $0x20, $0x38;
	[tilespmem:$0x10400] =	vst v63  }
0x32: {  	s20 =	sor.u32 $0x480, s17;
	s21 =	sadd.s32 s11, s2;
	s19 =	spop (v2sf)  }
0x33: {  	(v2sf) =	vpush v59, $0x2;
	[tilespmem:s20], [sflag:$0x1] =	stream.strided.gather [hbm4b:s21+s15], $0x0, s14, s15, $0x38;
	[tilespmem:$0x10400] =	vst v63  }
0x34: {  	s0 =	sand.u32 $0x1FFFFFF0, s19  }
0x35: {  	[tilespmem:s20], [sflag:$0x1] =	stream.linear.gather [hbm4b:s21+s4], $0x20, $0x38;
	[tilespmem:$0x10400] =	vst v63  }
0x36: {  	s22 =	sor.u32 $0x4A0, s17;
	s23 =	sadd.s32 s12, s0  }
0x37: {  	[tilespmem:s22], [sflag:$0x1] =	stream.strided.gather [hbm4b:s23+s15], $0x0, s14, s15, $0x38;
	[tilespmem:$0x10400] =	vst v63  }
0x38: {  	_ = 	snop  }
0x39: {  	[tilespmem:s22], [sflag:$0x1] =	stream.linear.gather [hbm4b:s23+s4], $0x20, $0x38;
	[tilespmem:$0x10400] =	vst v63  }
0x3a: {  	s24 =	sor.u32 $0x4C0, s17;
	s2 =	sadd.s32 s16, s2  }
0x3b: {  	[tilespmem:s24], [sflag:$0x1] =	stream.strided.gather [hbm4b:s2+s15], $0x0, s14, s15, $0x38;
	[tilespmem:$0x10400] =	vst v63  }
0x3c: {  	_ = 	snop  }
0x3d: {  	[tilespmem:s24], [sflag:$0x1] =	stream.linear.gather [hbm4b:s2+s4], $0x20, $0x38;
	[tilespmem:$0x10400] =	vst v63  }
0x3e: {  	s26 =	sor.u32 $0x4E0, s17;
	s25 =	spop (v2sf);
	s0 =	sadd.s32 s1, s0  }
0x3f: {  	(v2sf) =	vpush v1, $0x3;
	[tilespmem:s26], [sflag:$0x1] =	stream.strided.gather [hbm4b:s0+s15], $0x0, s14, s15, $0x38;
	[tilespmem:$0x10400] =	vst v63  }
0x40: {  	s2 =	sand.u32 $0x1FFFFFF0, s25  }
0x41: {  	[tilespmem:s26], [sflag:$0x1] =	stream.linear.gather [hbm4b:s0+s4], $0x20, $0x38;
	[tilespmem:$0x10400] =	vst v63  }
0x42: {  	s29 =	sor.u32 $0x500, s17;
	s28 =	spop (v2sf);
	s30 =	sadd.s32 s11, s2  }
0x43: {  	(v2sf) =	vpush v59, $0x3;
	[tilespmem:s29], [sflag:$0x1] =	stream.strided.gather [hbm4b:s30+s15], $0x0, s14, s15, $0x38;
	[tilespmem:$0x10400] =	vst v63  }
0x44: {  	s0 =	sand.u32 $0x1FFFFFF0, s28  }
0x45: {  	[tilespmem:s29], [sflag:$0x1] =	stream.linear.gather [hbm4b:s30+s4], $0x20, $0x38;
	[tilespmem:$0x10400] =	vst v63  }
0x46: {  	s31 =	sor.u32 $0x520, s17;
	s5 =	sadd.s32 s12, s0  }
0x47: {  	[tilespmem:s31], [sflag:$0x1] =	stream.strided.gather [hbm4b:s5+s15], $0x0, s14, s15, $0x38;
	[tilespmem:$0x10400] =	vst v63  }
0x48: {  	_ = 	snop  }
0x49: {  	[tilespmem:s31], [sflag:$0x1] =	stream.linear.gather [hbm4b:s5+s4], $0x20, $0x38;
	[tilespmem:$0x10400] =	vst v63  }
0x4a: {  	s8 =	sor.u32 $0x540, s17;
	s2 =	sadd.s32 s16, s2  }
0x4b: {  	[tilespmem:s8], [sflag:$0x1] =	stream.strided.gather [hbm4b:s2+s15], $0x0, s14, s15, $0x38;
	[tilespmem:$0x10400] =	vst v63  }
0x4c: {  	_ = 	snop  }
0x4d: {  	[tilespmem:s8], [sflag:$0x1] =	stream.linear.gather [hbm4b:s2+s4], $0x20, $0x38;
	[tilespmem:$0x10400] =	vst v63  }
0x4e: {  	s10 =	sor.u32 $0x560, s17;
	s9 =	spop (v2sf);
	s0 =	sadd.s32 s1, s0  }
0x4f: {  	(v2sf) =	vpush v1, $0x4;
	[tilespmem:s10], [sflag:$0x1] =	stream.strided.gather [hbm4b:s0+s15], $0x0, s14, s15, $0x38;
	[tilespmem:$0x10400] =	vst v63  }
0x50: {  	s2 =	sand.u32 $0x1FFFFFF0, s9  }
0x51: {  	[tilespmem:s10], [sflag:$0x1] =	stream.linear.gather [hbm4b:s0+s4], $0x20, $0x38;
	[tilespmem:$0x10400] =	vst v63  }
0x52: {  	s20 =	sor.u32 $0x580, s17;
	s19 =	spop (v2sf);
	s21 =	sadd.s32 s11, s2  }
0x53: {  	(v2sf) =	vpush v59, $0x4;
	[tilespmem:s20], [sflag:$0x1] =	stream.strided.gather [hbm4b:s21+s15], $0x0, s14, s15, $0x38;
	[tilespmem:$0x10400] =	vst v63  }
0x54: {  	s0 =	sand.u32 $0x1FFFFFF0, s19  }
0x55: {  	[tilespmem:s20], [sflag:$0x1] =	stream.linear.gather [hbm4b:s21+s4], $0x20, $0x38;
	[tilespmem:$0x10400] =	vst v63  }
0x56: {  	s22 =	sor.u32 $0x5A0, s17;
	s23 =	sadd.s32 s12, s0  }
0x57: {  	[tilespmem:s22], [sflag:$0x1] =	stream.strided.gather [hbm4b:s23+s15], $0x0, s14, s15, $0x38;
	[tilespmem:$0x10400] =	vst v63  }
0x58: {  	_ = 	snop  }
0x59: {  	[tilespmem:s22], [sflag:$0x1] =	stream.linear.gather [hbm4b:s23+s4], $0x20, $0x38;
	[tilespmem:$0x10400] =	vst v63  }
0x5a: {  	s24 =	sor.u32 $0x5C0, s17;
	s2 =	sadd.s32 s16, s2  }
0x5b: {  	[tilespmem:s24], [sflag:$0x1] =	stream.strided.gather [hbm4b:s2+s15], $0x0, s14, s15, $0x38;
	[tilespmem:$0x10400] =	vst v63  }
0x5c: {  	_ = 	snop  }
0x5d: {  	[tilespmem:s24], [sflag:$0x1] =	stream.linear.gather [hbm4b:s2+s4], $0x20, $0x38;
	[tilespmem:$0x10400] =	vst v63  }
0x5e: {  	s26 =	sor.u32 $0x5E0, s17;
	s25 =	spop (v2sf);
	s0 =	sadd.s32 s1, s0  }
0x5f: {  	(v2sf) =	vpush v1, $0x5;
	[tilespmem:s26], [sflag:$0x1] =	stream.strided.gather [hbm4b:s0+s15], $0x0, s14, s15, $0x38;
	[tilespmem:$0x10400] =	vst v63  }
0x60: {  	s2 =	sand.u32 $0x1FFFFFF0, s25  }
0x61: {  	[tilespmem:s26], [sflag:$0x1] =	stream.linear.gather [hbm4b:s0+s4], $0x20, $0x38;
	[tilespmem:$0x10400] =	vst v63  }
0x62: {  	s29 =	sor.u32 $0x600, s17;
	s28 =	spop (v2sf);
	s30 =	sadd.s32 s11, s2  }
0x63: {  	(v2sf) =	vpush v59, $0x5;
	[tilespmem:s29], [sflag:$0x1] =	stream.strided.gather [hbm4b:s30+s15], $0x0, s14, s15, $0x38;
	[tilespmem:$0x10400] =	vst v63  }
0x64: {  	s0 =	sand.u32 $0x1FFFFFF0, s28  }
0x65: {  	[tilespmem:s29], [sflag:$0x1] =	stream.linear.gather [hbm4b:s30+s4], $0x20, $0x38;
	[tilespmem:$0x10400] =	vst v63  }
0x66: {  	s31 =	sor.u32 $0x620, s17;
	s5 =	sadd.s32 s12, s0  }
0x67: {  	[tilespmem:s31], [sflag:$0x1] =	stream.strided.gather [hbm4b:s5+s15], $0x0, s14, s15, $0x38;
	[tilespmem:$0x10400] =	vst v63  }
0x68: {  	_ = 	snop  }
0x69: {  	[tilespmem:s31], [sflag:$0x1] =	stream.linear.gather [hbm4b:s5+s4], $0x20, $0x38;
	[tilespmem:$0x10400] =	vst v63  }
0x6a: {  	s8 =	sor.u32 $0x640, s17;
	s2 =	sadd.s32 s16, s2  }
0x6b: {  	[tilespmem:s8], [sflag:$0x1] =	stream.strided.gather [hbm4b:s2+s15], $0x0, s14, s15, $0x38;
	[tilespmem:$0x10400] =	vst v63  }
0x6c: {  	_ = 	snop  }
0x6d: {  	[tilespmem:s8], [sflag:$0x1] =	stream.linear.gather [hbm4b:s2+s4], $0x20, $0x38;
	[tilespmem:$0x10400] =	vst v63  }
0x6e: {  	s10 =	sor.u32 $0x660, s17;
	s9 =	spop (v2sf);
	s0 =	sadd.s32 s1, s0  }
0x6f: {  	(v2sf) =	vpush v1, $0x6;
	[tilespmem:s10], [sflag:$0x1] =	stream.strided.gather [hbm4b:s0+s15], $0x0, s14, s15, $0x38;
	[tilespmem:$0x10400] =	vst v63  }
0x70: {  	s2 =	sand.u32 $0x1FFFFFF0, s9  }
0x71: {  	[tilespmem:s10], [sflag:$0x1] =	stream.linear.gather [hbm4b:s0+s4], $0x20, $0x38;
	[tilespmem:$0x10400] =	vst v63  }
0x72: {  	s20 =	sor.u32 $0x680, s17;
	s19 =	spop (v2sf);
	s21 =	sadd.s32 s11, s2  }
0x73: {  	(v2sf) =	vpush v59, $0x6;
	[tilespmem:s20], [sflag:$0x1] =	stream.strided.gather [hbm4b:s21+s15], $0x0, s14, s15, $0x38;
	[tilespmem:$0x10400] =	vst v63  }
0x74: {  	s0 =	sand.u32 $0x1FFFFFF0, s19  }
0x75: {  	[tilespmem:s20], [sflag:$0x1] =	stream.linear.gather [hbm4b:s21+s4], $0x20, $0x38;
	[tilespmem:$0x10400] =	vst v63  }
0x76: {  	s22 =	sor.u32 $0x6A0, s17;
	s23 =	sadd.s32 s12, s0  }
0x77: {  	[tilespmem:s22], [sflag:$0x1] =	stream.strided.gather [hbm4b:s23+s15], $0x0, s14, s15, $0x38;
	[tilespmem:$0x10400] =	vst v63  }
0x78: {  	_ = 	snop  }
0x79: {  	[tilespmem:s22], [sflag:$0x1] =	stream.linear.gather [hbm4b:s23+s4], $0x20, $0x38;
	[tilespmem:$0x10400] =	vst v63  }
0x7a: {  	s24 =	sor.u32 $0x6C0, s17;
	s2 =	sadd.s32 s16, s2  }
0x7b: {  	[tilespmem:s24], [sflag:$0x1] =	stream.strided.gather [hbm4b:s2+s15], $0x0, s14, s15, $0x38;
	[tilespmem:$0x10400] =	vst v63  }
0x7c: {  	_ = 	snop  }
0x7d: {  	[tilespmem:s24], [sflag:$0x1] =	stream.linear.gather [hbm4b:s2+s4], $0x20, $0x38;
	[tilespmem:$0x10400] =	vst v63  }
0x7e: {  	s26 =	sor.u32 $0x6E0, s17;
	s25 =	spop (v2sf);
	s0 =	sadd.s32 s1, s0  }
0x7f: {  	(v2sf) =	vpush v1, $0x7;
	[tilespmem:s26], [sflag:$0x1] =	stream.strided.gather [hbm4b:s0+s15], $0x0, s14, s15, $0x38;
	[tilespmem:$0x10400] =	vst v63  }
0x80: {  	s2 =	sand.u32 $0x1FFFFFF0, s25  }
0x81: {  	[tilespmem:s26], [sflag:$0x1] =	stream.linear.gather [hbm4b:s0+s4], $0x20, $0x38;
	[tilespmem:$0x10400] =	vst v63  }
0x82: {  	s29 =	sor.u32 $0x700, s17;
	s28 =	spop (v2sf);
	s30 =	sadd.s32 s11, s2  }
0x83: {  	(v2sf) =	vpush v59, $0x7;
	[tilespmem:s29], [sflag:$0x1] =	stream.strided.gather [hbm4b:s30+s15], $0x0, s14, s15, $0x38;
	[tilespmem:$0x10400] =	vst v63  }
0x84: {  	s0 =	sand.u32 $0x1FFFFFF0, s28  }
0x85: {  	[tilespmem:s29], [sflag:$0x1] =	stream.linear.gather [hbm4b:s30+s4], $0x20, $0x38;
	[tilespmem:$0x10400] =	vst v63  }
0x86: {  	s31 =	sor.u32 $0x720, s17;
	s5 =	sadd.s32 s12, s0  }
0x87: {  	[tilespmem:s31], [sflag:$0x1] =	stream.strided.gather [hbm4b:s5+s15], $0x0, s14, s15, $0x38;
	[tilespmem:$0x10400] =	vst v63  }
0x88: {  	_ = 	snop  }
0x89: {  	[tilespmem:s31], [sflag:$0x1] =	stream.linear.gather [hbm4b:s5+s4], $0x20, $0x38;
	[tilespmem:$0x10400] =	vst v63  }
0x8a: {  	s8 =	sor.u32 $0x740, s17;
	s2 =	sadd.s32 s16, s2  }
0x8b: {  	[tilespmem:s8], [sflag:$0x1] =	stream.strided.gather [hbm4b:s2+s15], $0x0, s14, s15, $0x38;
	[tilespmem:$0x10400] =	vst v63  }
0x8c: {  	_ = 	snop  }
0x8d: {  	[tilespmem:s8], [sflag:$0x1] =	stream.linear.gather [hbm4b:s2+s4], $0x20, $0x38;
	[tilespmem:$0x10400] =	vst v63  }
0x8e: {  	s10 =	sor.u32 $0x760, s17;
	s9 =	spop (v2sf);
	s0 =	sadd.s32 s1, s0  }
0x8f: {  	(v2sf) =	vpush v1, $0x8;
	[tilespmem:s10], [sflag:$0x1] =	stream.strided.gather [hbm4b:s0+s15], $0x0, s14, s15, $0x38;
	[tilespmem:$0x10400] =	vst v63  }
0x90: {  	s2 =	sand.u32 $0x1FFFFFF0, s9  }
0x91: {  	[tilespmem:s10], [sflag:$0x1] =	stream.linear.gather [hbm4b:s0+s4], $0x20, $0x38;
	[tilespmem:$0x10400] =	vst v63  }
0x92: {  	s20 =	sor.u32 $0x780, s17;
	s19 =	spop (v2sf);
	s21 =	sadd.s32 s11, s2  }
0x93: {  	(v2sf) =	vpush v59, $0x8;
	[tilespmem:s20], [sflag:$0x1] =	stream.strided.gather [hbm4b:s21+s15], $0x0, s14, s15, $0x38;
	[tilespmem:$0x10400] =	vst v63  }
0x94: {  	s0 =	sand.u32 $0x1FFFFFF0, s19  }
0x95: {  	[tilespmem:s20], [sflag:$0x1] =	stream.linear.gather [hbm4b:s21+s4], $0x20, $0x38;
	[tilespmem:$0x10400] =	vst v63  }
0x96: {  	s22 =	sor.u32 $0x7A0, s17;
	s23 =	sadd.s32 s12, s0  }
0x97: {  	[tilespmem:s22], [sflag:$0x1] =	stream.strided.gather [hbm4b:s23+s15], $0x0, s14, s15, $0x38;
	[tilespmem:$0x10400] =	vst v63  }
0x98: {  	_ = 	snop  }
0x99: {  	[tilespmem:s22], [sflag:$0x1] =	stream.linear.gather [hbm4b:s23+s4], $0x20, $0x38;
	[tilespmem:$0x10400] =	vst v63  }
0x9a: {  	s24 =	sor.u32 $0x7C0, s17;
	s2 =	sadd.s32 s16, s2  }
0x9b: {  	[tilespmem:s24], [sflag:$0x1] =	stream.strided.gather [hbm4b:s2+s15], $0x0, s14, s15, $0x38;
	[tilespmem:$0x10400] =	vst v63  }
0x9c: {  	_ = 	snop  }
0x9d: {  	[tilespmem:s24], [sflag:$0x1] =	stream.linear.gather [hbm4b:s2+s4], $0x20, $0x38;
	[tilespmem:$0x10400] =	vst v63  }
0x9e: {  	s26 =	sor.u32 $0x7E0, s17;
	s25 =	spop (v2sf);
	s0 =	sadd.s32 s1, s0  }
0x9f: {  	(v2sf) =	vpush v1, $0x9;
	[tilespmem:s26], [sflag:$0x1] =	stream.strided.gather [hbm4b:s0+s15], $0x0, s14, s15, $0x38;
	[tilespmem:$0x10400] =	vst v63  }
0xa0: {  	s2 =	sand.u32 $0x1FFFFFF0, s25  }
0xa1: {  	[tilespmem:s26], [sflag:$0x1] =	stream.linear.gather [hbm4b:s0+s4], $0x20, $0x38;
	[tilespmem:$0x10400] =	vst v63  }
0xa2: {  	s29 =	sor.u32 $0x800, s17;
	s28 =	spop (v2sf);
	s30 =	sadd.s32 s11, s2  }
0xa3: {  	(v2sf) =	vpush v59, $0x9;
	[tilespmem:s29], [sflag:$0x1] =	stream.strided.gather [hbm4b:s30+s15], $0x0, s14, s15, $0x38;
	[tilespmem:$0x10400] =	vst v63  }
0xa4: {  	s0 =	sand.u32 $0x1FFFFFF0, s28  }
0xa5: {  	[tilespmem:s29], [sflag:$0x1] =	stream.linear.gather [hbm4b:s30+s4], $0x20, $0x38;
	[tilespmem:$0x10400] =	vst v63  }
0xa6: {  	s31 =	sor.u32 $0x820, s17;
	s5 =	sadd.s32 s12, s0  }
0xa7: {  	[tilespmem:s31], [sflag:$0x1] =	stream.strided.gather [hbm4b:s5+s15], $0x0, s14, s15, $0x38;
	[tilespmem:$0x10400] =	vst v63  }
0xa8: {  	_ = 	snop  }
0xa9: {  	[tilespmem:s31], [sflag:$0x1] =	stream.linear.gather [hbm4b:s5+s4], $0x20, $0x38;
	[tilespmem:$0x10400] =	vst v63  }
0xaa: {  	s8 =	sor.u32 $0x840, s17;
	s2 =	sadd.s32 s16, s2  }
0xab: {  	[tilespmem:s8], [sflag:$0x1] =	stream.strided.gather [hbm4b:s2+s15], $0x0, s14, s15, $0x38;
	[tilespmem:$0x10400] =	vst v63  }
0xac: {  	_ = 	snop  }
0xad: {  	[tilespmem:s8], [sflag:$0x1] =	stream.linear.gather [hbm4b:s2+s4], $0x20, $0x38;
	[tilespmem:$0x10400] =	vst v63  }
0xae: {  	s10 =	sor.u32 $0x860, s17;
	s9 =	spop (v2sf);
	s0 =	sadd.s32 s1, s0  }
0xaf: {  	(v2sf) =	vpush v1, $0xA;
	[tilespmem:s10], [sflag:$0x1] =	stream.strided.gather [hbm4b:s0+s15], $0x0, s14, s15, $0x38;
	[tilespmem:$0x10400] =	vst v63  }
0xb0: {  	s2 =	sand.u32 $0x1FFFFFF0, s9  }
0xb1: {  	[tilespmem:s10], [sflag:$0x1] =	stream.linear.gather [hbm4b:s0+s4], $0x20, $0x38;
	[tilespmem:$0x10400] =	vst v63  }
0xb2: {  	s20 =	sor.u32 $0x880, s17;
	s19 =	spop (v2sf);
	s21 =	sadd.s32 s11, s2  }
0xb3: {  	(v2sf) =	vpush v59, $0xA;
	[tilespmem:s20], [sflag:$0x1] =	stream.strided.gather [hbm4b:s21+s15], $0x0, s14, s15, $0x38;
	[tilespmem:$0x10400] =	vst v63  }
0xb4: {  	s0 =	sand.u32 $0x1FFFFFF0, s19  }
0xb5: {  	[tilespmem:s20], [sflag:$0x1] =	stream.linear.gather [hbm4b:s21+s4], $0x20, $0x38;
	[tilespmem:$0x10400] =	vst v63  }
0xb6: {  	s22 =	sor.u32 $0x8A0, s17;
	s23 =	sadd.s32 s12, s0  }
0xb7: {  	[tilespmem:s22], [sflag:$0x1] =	stream.strided.gather [hbm4b:s23+s15], $0x0, s14, s15, $0x38;
	[tilespmem:$0x10400] =	vst v63  }
0xb8: {  	_ = 	snop  }
0xb9: {  	[tilespmem:s22], [sflag:$0x1] =	stream.linear.gather [hbm4b:s23+s4], $0x20, $0x38;
	[tilespmem:$0x10400] =	vst v63  }
0xba: {  	s24 =	sor.u32 $0x8C0, s17;
	s2 =	sadd.s32 s16, s2  }
0xbb: {  	[tilespmem:s24], [sflag:$0x1] =	stream.strided.gather [hbm4b:s2+s15], $0x0, s14, s15, $0x38;
	[tilespmem:$0x10400] =	vst v63  }
0xbc: {  	_ = 	snop  }
0xbd: {  	[tilespmem:s24], [sflag:$0x1] =	stream.linear.gather [hbm4b:s2+s4], $0x20, $0x38;
	[tilespmem:$0x10400] =	vst v63  }
0xbe: {  	s26 =	sor.u32 $0x8E0, s17;
	s25 =	spop (v2sf);
	s0 =	sadd.s32 s1, s0  }
0xbf: {  	(v2sf) =	vpush v1, $0xB;
	[tilespmem:s26], [sflag:$0x1] =	stream.strided.gather [hbm4b:s0+s15], $0x0, s14, s15, $0x38;
	[tilespmem:$0x10400] =	vst v63  }
0xc0: {  	s2 =	sand.u32 $0x1FFFFFF0, s25  }
0xc1: {  	[tilespmem:s26], [sflag:$0x1] =	stream.linear.gather [hbm4b:s0+s4], $0x20, $0x38;
	[tilespmem:$0x10400] =	vst v63  }
0xc2: {  	s29 =	sor.u32 $0x900, s17;
	s28 =	spop (v2sf);
	s30 =	sadd.s32 s11, s2  }
0xc3: {  	(v2sf) =	vpush v59, $0xB;
	[tilespmem:s29], [sflag:$0x1] =	stream.strided.gather [hbm4b:s30+s15], $0x0, s14, s15, $0x38;
	[tilespmem:$0x10400] =	vst v63  }
0xc4: {  	s0 =	sand.u32 $0x1FFFFFF0, s28  }
0xc5: {  	[tilespmem:s29], [sflag:$0x1] =	stream.linear.gather [hbm4b:s30+s4], $0x20, $0x38;
	[tilespmem:$0x10400] =	vst v63  }
0xc6: {  	s31 =	sor.u32 $0x920, s17;
	s5 =	sadd.s32 s12, s0  }
0xc7: {  	[tilespmem:s31], [sflag:$0x1] =	stream.strided.gather [hbm4b:s5+s15], $0x0, s14, s15, $0x38;
	[tilespmem:$0x10400] =	vst v63  }
0xc8: {  	_ = 	snop  }
0xc9: {  	[tilespmem:s31], [sflag:$0x1] =	stream.linear.gather [hbm4b:s5+s4], $0x20, $0x38;
	[tilespmem:$0x10400] =	vst v63  }
0xca: {  	s8 =	sor.u32 $0x940, s17;
	s2 =	sadd.s32 s16, s2  }
0xcb: {  	[tilespmem:s8], [sflag:$0x1] =	stream.strided.gather [hbm4b:s2+s15], $0x0, s14, s15, $0x38;
	[tilespmem:$0x10400] =	vst v63  }
0xcc: {  	_ = 	snop  }
0xcd: {  	[tilespmem:s8], [sflag:$0x1] =	stream.linear.gather [hbm4b:s2+s4], $0x20, $0x38;
	[tilespmem:$0x10400] =	vst v63  }
0xce: {  	s10 =	sor.u32 $0x960, s17;
	s9 =	spop (v2sf);
	s0 =	sadd.s32 s1, s0  }
0xcf: {  	(v2sf) =	vpush v1, $0xC;
	[tilespmem:s10], [sflag:$0x1] =	stream.strided.gather [hbm4b:s0+s15], $0x0, s14, s15, $0x38;
	[tilespmem:$0x10400] =	vst v63  }
0xd0: {  	s2 =	sand.u32 $0x1FFFFFF0, s9  }
0xd1: {  	[tilespmem:s10], [sflag:$0x1] =	stream.linear.gather [hbm4b:s0+s4], $0x20, $0x38;
	[tilespmem:$0x10400] =	vst v63  }
0xd2: {  	s20 =	sor.u32 $0x980, s17;
	s19 =	spop (v2sf);
	s21 =	sadd.s32 s11, s2  }
0xd3: {  	(v2sf) =	vpush v59, $0xC;
	[tilespmem:s20], [sflag:$0x1] =	stream.strided.gather [hbm4b:s21+s15], $0x0, s14, s15, $0x38;
	[tilespmem:$0x10400] =	vst v63  }
0xd4: {  	s0 =	sand.u32 $0x1FFFFFF0, s19  }
0xd5: {  	[tilespmem:s20], [sflag:$0x1] =	stream.linear.gather [hbm4b:s21+s4], $0x20, $0x38;
	[tilespmem:$0x10400] =	vst v63  }
0xd6: {  	s22 =	sor.u32 $0x9A0, s17;
	s23 =	sadd.s32 s12, s0  }
0xd7: {  	[tilespmem:s22], [sflag:$0x1] =	stream.strided.gather [hbm4b:s23+s15], $0x0, s14, s15, $0x38;
	[tilespmem:$0x10400] =	vst v63  }
0xd8: {  	_ = 	snop  }
0xd9: {  	[tilespmem:s22], [sflag:$0x1] =	stream.linear.gather [hbm4b:s23+s4], $0x20, $0x38;
	[tilespmem:$0x10400] =	vst v63  }
0xda: {  	s24 =	sor.u32 $0x9C0, s17;
	s2 =	sadd.s32 s16, s2  }
0xdb: {  	[tilespmem:s24], [sflag:$0x1] =	stream.strided.gather [hbm4b:s2+s15], $0x0, s14, s15, $0x38;
	[tilespmem:$0x10400] =	vst v63  }
0xdc: {  	_ = 	snop  }
0xdd: {  	[tilespmem:s24], [sflag:$0x1] =	stream.linear.gather [hbm4b:s2+s4], $0x20, $0x38;
	[tilespmem:$0x10400] =	vst v63  }
0xde: {  	s26 =	sor.u32 $0x9E0, s17;
	s25 =	spop (v2sf);
	s0 =	sadd.s32 s1, s0  }
0xdf: {  	(v2sf) =	vpush v1, $0xD;
	[tilespmem:s26], [sflag:$0x1] =	stream.strided.gather [hbm4b:s0+s15], $0x0, s14, s15, $0x38;
	[tilespmem:$0x10400] =	vst v63  }
0xe0: {  	s2 =	sand.u32 $0x1FFFFFF0, s25  }
0xe1: {  	[tilespmem:s26], [sflag:$0x1] =	stream.linear.gather [hbm4b:s0+s4], $0x20, $0x38;
	[tilespmem:$0x10400] =	vst v63  }
0xe2: {  	s29 =	sor.u32 $0xA00, s17;
	s28 =	spop (v2sf);
	s30 =	sadd.s32 s11, s2  }
0xe3: {  	(v2sf) =	vpush v59, $0xD;
	[tilespmem:s29], [sflag:$0x1] =	stream.strided.gather [hbm4b:s30+s15], $0x0, s14, s15, $0x38;
	[tilespmem:$0x10400] =	vst v63  }
0xe4: {  	s0 =	sand.u32 $0x1FFFFFF0, s28  }
0xe5: {  	[tilespmem:s29], [sflag:$0x1] =	stream.linear.gather [hbm4b:s30+s4], $0x20, $0x38;
	[tilespmem:$0x10400] =	vst v63  }
0xe6: {  	s31 =	sor.u32 $0xA20, s17;
	s5 =	sadd.s32 s12, s0  }
0xe7: {  	[tilespmem:s31], [sflag:$0x1] =	stream.strided.gather [hbm4b:s5+s15], $0x0, s14, s15, $0x38;
	[tilespmem:$0x10400] =	vst v63  }
0xe8: {  	_ = 	snop  }
0xe9: {  	[tilespmem:s31], [sflag:$0x1] =	stream.linear.gather [hbm4b:s5+s4], $0x20, $0x38;
	[tilespmem:$0x10400] =	vst v63  }
0xea: {  	s8 =	sor.u32 $0xA40, s17;
	s2 =	sadd.s32 s16, s2  }
0xeb: {  	[tilespmem:s8], [sflag:$0x1] =	stream.strided.gather [hbm4b:s2+s15], $0x0, s14, s15, $0x38;
	[tilespmem:$0x10400] =	vst v63  }
0xec: {  	_ = 	snop  }
0xed: {  	[tilespmem:s8], [sflag:$0x1] =	stream.linear.gather [hbm4b:s2+s4], $0x20, $0x38;
	[tilespmem:$0x10400] =	vst v63  }
0xee: {  	s10 =	sor.u32 $0xA60, s17;
	s9 =	spop (v2sf);
	s0 =	sadd.s32 s1, s0  }
0xef: {  	(v2sf) =	vpush v1, $0xE;
	[tilespmem:s10], [sflag:$0x1] =	stream.strided.gather [hbm4b:s0+s15], $0x0, s14, s15, $0x38;
	[tilespmem:$0x10400] =	vst v63  }
0xf0: {  	s2 =	sand.u32 $0x1FFFFFF0, s9  }
0xf1: {  	[tilespmem:s10], [sflag:$0x1] =	stream.linear.gather [hbm4b:s0+s4], $0x20, $0x38;
	[tilespmem:$0x10400] =	vst v63  }
0xf2: {  	s20 =	sor.u32 $0xA80, s17;
	s19 =	spop (v2sf);
	s21 =	sadd.s32 s11, s2  }
0xf3: {  	(v2sf) =	vpush v59, $0xE;
	[tilespmem:s20], [sflag:$0x1] =	stream.strided.gather [hbm4b:s21+s15], $0x0, s14, s15, $0x38;
	[tilespmem:$0x10400] =	vst v63  }
0xf4: {  	s0 =	sand.u32 $0x1FFFFFF0, s19  }
0xf5: {  	[tilespmem:s20], [sflag:$0x1] =	stream.linear.gather [hbm4b:s21+s4], $0x20, $0x38;
	[tilespmem:$0x10400] =	vst v63  }
0xf6: {  	s22 =	sor.u32 $0xAA0, s17;
	s23 =	sadd.s32 s12, s0  }
0xf7: {  	[tilespmem:s22], [sflag:$0x1] =	stream.strided.gather [hbm4b:s23+s15], $0x0, s14, s15, $0x38;
	[tilespmem:$0x10400] =	vst v63  }
0xf8: {  	_ = 	snop  }
0xf9: {  	[tilespmem:s22], [sflag:$0x1] =	stream.linear.gather [hbm4b:s23+s4], $0x20, $0x38;
	[tilespmem:$0x10400] =	vst v63  }
0xfa: {  	s24 =	sor.u32 $0xAC0, s17;
	s2 =	sadd.s32 s16, s2  }
0xfb: {  	[tilespmem:s24], [sflag:$0x1] =	stream.strided.gather [hbm4b:s2+s15], $0x0, s14, s15, $0x38;
	[tilespmem:$0x10400] =	vst v63  }
0xfc: {  	_ = 	snop  }
0xfd: {  	[tilespmem:s24], [sflag:$0x1] =	stream.linear.gather [hbm4b:s2+s4], $0x20, $0x38;
	[tilespmem:$0x10400] =	vst v63  }
0xfe: {  	s26 =	sor.u32 $0xAE0, s17;
	s25 =	spop (v2sf);
	s0 =	sadd.s32 s1, s0  }
0xff: {  	(v2sf) =	vpush v1, $0xF;
	[tilespmem:s26], [sflag:$0x1] =	stream.strided.gather [hbm4b:s0+s15], $0x0, s14, s15, $0x38;
	[tilespmem:$0x10400] =	vst v63  }
0x100: {  	s2 =	sand.u32 $0x1FFFFFF0, s25  }
0x101: {  	[tilespmem:s26], [sflag:$0x1] =	stream.linear.gather [hbm4b:s0+s4], $0x20, $0x38;
	[tilespmem:$0x10400] =	vst v63  }
0x102: {  	s29 =	sor.u32 $0xB00, s17;
	s28 =	spop (v2sf);
	s30 =	sadd.s32 s11, s2  }
0x103: {  	(v2sf) =	vpush v59, $0xF;
	[tilespmem:s29], [sflag:$0x1] =	stream.strided.gather [hbm4b:s30+s15], $0x0, s14, s15, $0x38;
	[tilespmem:$0x10400] =	vst v63  }
0x104: {  	s0 =	sand.u32 $0x1FFFFFF0, s28  }
0x105: {  	[tilespmem:s29], [sflag:$0x1] =	stream.linear.gather [hbm4b:s30+s4], $0x20, $0x38;
	[tilespmem:$0x10400] =	vst v63  }
0x106: {  	s31 =	sor.u32 $0xB20, s17;
	s5 =	sadd.s32 s12, s0  }
0x107: {  	[tilespmem:s31], [sflag:$0x1] =	stream.strided.gather [hbm4b:s5+s15], $0x0, s14, s15, $0x38;
	[tilespmem:$0x10400] =	vst v63  }
0x108: {  	_ = 	snop  }
0x109: {  	[tilespmem:s31], [sflag:$0x1] =	stream.linear.gather [hbm4b:s5+s4], $0x20, $0x38;
	[tilespmem:$0x10400] =	vst v63  }
0x10a: {  	s7 =	sor.u32 $0xB40, s17;
	s2 =	sadd.s32 s16, s2  }
0x10b: {  	[tilespmem:s7], [sflag:$0x1] =	stream.strided.gather [hbm4b:s2+s15], $0x0, s14, s15, $0x38;
	[tilespmem:$0x10400] =	vst v63  }
0x10c: {  	_ = 	snop  }
0x10d: {  	[tilespmem:s7], [sflag:$0x1] =	stream.linear.gather [hbm4b:s2+s4], $0x20, $0x38;
	[tilespmem:$0x10400] =	vst v63  }
0x10e: {  	s9 =	sor.u32 $0xB60, s17;
	s8 =	spop (v2sf);
	s0 =	sadd.s32 s1, s0  }
0x10f: {  	[tilespmem:s9], [sflag:$0x1] =	stream.strided.gather [hbm4b:s0+s15], $0x0, s14, s15, $0x38;
	[tilespmem:$0x10400] =	vst v63  }
0x110: {  	s2 =	sand.u32 $0x1FFFFFF0, s8  }
0x111: {  	[tilespmem:s9], [sflag:$0x1] =	stream.linear.gather [hbm4b:s0+s4], $0x20, $0x38;
	[tilespmem:$0x10400] =	vst v63  }
0x112: {  	s19 =	sor.u32 $0xB80, s17;
	s10 =	spop (v2sf);
	s20 =	sadd.s32 s11, s2  }
0x113: {  	[tilespmem:s19], [sflag:$0x1] =	stream.strided.gather [hbm4b:s20+s15], $0x0, s14, s15, $0x38;
	[tilespmem:$0x10400] =	vst v63  }
0x114: {  	s0 =	sand.u32 $0x1FFFFFF0, s10  }
0x115: {  	[tilespmem:s19], [sflag:$0x1] =	stream.linear.gather [hbm4b:s20+s4], $0x20, $0x38;
	[tilespmem:$0x10400] =	vst v63  }
0x116: {  	s21 =	sor.u32 $0xBA0, s17;
	s22 =	sadd.s32 s12, s0  }
0x117: {  	[tilespmem:s21], [sflag:$0x1] =	stream.strided.gather [hbm4b:s22+s15], $0x0, s14, s15, $0x38;
	[tilespmem:$0x10400] =	vst v63  }
0x118: {  	_ = 	snop  }
0x119: {  	[tilespmem:s21], [sflag:$0x1] =	stream.linear.gather [hbm4b:s22+s4], $0x20, $0x38;
	[tilespmem:$0x10400] =	vst v63  }
0x11a: {  	s23 =	sor.u32 $0xBC0, s17;
	s2 =	sadd.s32 s16, s2  }
0x11b: {  	[tilespmem:s23], [sflag:$0x1] =	stream.strided.gather [hbm4b:s2+s15], $0x0, s14, s15, $0x38;
	[tilespmem:$0x10400] =	vst v63  }
0x11c: {  	_ = 	snop  }
0x11d: {  	[tilespmem:s23], [sflag:$0x1] =	stream.linear.gather [hbm4b:s2+s4], $0x20, $0x38;
	[tilespmem:$0x10400] =	vst v63  }
0x11e: {  	s24 =	sor.u32 $0xBE0, s17;
	s0 =	sadd.s32 s1, s0  }
0x11f: {  	[tilespmem:s24], [sflag:$0x1] =	stream.strided.gather [hbm4b:s0+s15], $0x0, s14, s15, $0x38;
	[tilespmem:$0x10400] =	vst v63  }
0x120: {  	_ = 	snop  }
0x121: {  	[tilespmem:s24], [sflag:$0x1] =	stream.linear.gather [hbm4b:s0+s4], $0x20, $0x38;
	[tilespmem:$0x10400] =	vst v63  }
0x122: {  	v60 =	vld [tilespmem:s18+$0x10];
	_ =	sdelay $0x3  }
0x123: {  	v61 =	vld [tilespmem:s18+$0x210]  }
0x124: {  	v62 =	vshll.u32 v60, $0x4  }
0x125: {  	(v2sf) =	vpush v62, $0x0  }
0x126: {  	(v2sf) =	vpush v62, $0x1  }
0x127: {  	(v2sf) =	vpush v62, $0x2  }
0x128: {  	v63 =	vshll.u32 v61, $0x4  }
0x129: {  	(v2sf) =	vpush v63, $0x0;
	_ =	sdelay $0x9  }
0x12a: {  	s25 =	sor.u32 $0x10, s18  }
0x12b: {  	s0 =	sshll.u32 s25, $0x7;
	s26 =	spop (v2sf)  }
0x12c: {  	s0 =	sand.u32 $0x3FFFF800, s0;
	s2 =	sand.u32 $0x1FFFFFF0, s26;
	s28 =	spop (v2sf)  }
0x12d: {  	s29 =	sor.u32 $0x400, s0;
	s30 =	sadd.s32 s11, s2;
	s9 =	spop (v2sf)  }
0x12e: {  	[tilespmem:s29], [sflag:$0x1] =	stream.strided.gather [hbm4b:s30+s15], $0x0, s14, s15, $0x38;
	[tilespmem:$0x10400] =	vst v63  }
0x12f: {  	(v2sf) =	vpush v63, $0x1;
	s10 =	spop (v2sf)  }
0x130: {  	s31 =	sand.u32 $0x1FFFFFF0, s10  }
0x131: {  	[tilespmem:s29], [sflag:$0x1] =	stream.linear.gather [hbm4b:s30+s4], $0x20, $0x38;
	[tilespmem:$0x10400] =	vst v63  }
0x132: {  	s5 =	sor.u32 $0x420, s0;
	s10 =	sadd.s32 s12, s31  }
0x133: {  	[tilespmem:s5], [sflag:$0x1] =	stream.strided.gather [hbm4b:s10+s15], $0x0, s14, s15, $0x38;
	[tilespmem:$0x10400] =	vst v63  }
0x134: {  	_ = 	snop  }
0x135: {  	[tilespmem:s5], [sflag:$0x1] =	stream.linear.gather [hbm4b:s10+s4], $0x20, $0x38;
	[tilespmem:$0x10400] =	vst v63  }
0x136: {  	s2 =	sadd.s32 s16, s2;
	s10 =	sor.u32 $0x440, s0  }
0x137: {  	[tilespmem:s10], [sflag:$0x1] =	stream.strided.gather [hbm4b:s2+s15], $0x0, s14, s15, $0x38;
	[tilespmem:$0x10400] =	vst v63  }
0x138: {  	_ = 	snop  }
0x139: {  	[tilespmem:s10], [sflag:$0x1] =	stream.linear.gather [hbm4b:s2+s4], $0x20, $0x38;
	[tilespmem:$0x10400] =	vst v63  }
0x13a: {  	s18 =	sadd.s32 s1, s31;
	s0 =	sor.u32 $0x460, s0  }
0x13b: {  	[tilespmem:s0], [sflag:$0x1] =	stream.strided.gather [hbm4b:s18+s15], $0x0, s14, s15, $0x38;
	[tilespmem:$0x10400] =	vst v63  }
0x13c: {  	s3 =	sand.u32 $0x1FFFFFF0, s28  }
0x13d: {  	[tilespmem:s0], [sflag:$0x1] =	stream.linear.gather [hbm4b:s18+s4], $0x20, $0x38;
	[tilespmem:$0x10400] =	vst v63  }
0x13e: {  	s20 =	sor.u32 $0xC80, s17;
	s21 =	sadd.s32 s11, s3;
	s19 =	spop (v2sf)  }
0x13f: {  	(v2sf) =	vpush v63, $0x2;
	[tilespmem:s20], [sflag:$0x1] =	stream.strided.gather [hbm4b:s21+s15], $0x0, s14, s15, $0x38;
	[tilespmem:$0x10400] =	vst v63  }
0x140: {  	s0 =	sand.u32 $0x1FFFFFF0, s19  }
0x141: {  	[tilespmem:s20], [sflag:$0x1] =	stream.linear.gather [hbm4b:s21+s4], $0x20, $0x38;
	[tilespmem:$0x10400] =	vst v63  }
0x142: {  	s22 =	sor.u32 $0xCA0, s17;
	s23 =	sadd.s32 s12, s0  }
0x143: {  	[tilespmem:s22], [sflag:$0x1] =	stream.strided.gather [hbm4b:s23+s15], $0x0, s14, s15, $0x38;
	[tilespmem:$0x10400] =	vst v63  }
0x144: {  	_ = 	snop  }
0x145: {  	[tilespmem:s22], [sflag:$0x1] =	stream.linear.gather [hbm4b:s23+s4], $0x20, $0x38;
	[tilespmem:$0x10400] =	vst v63  }
0x146: {  	s24 =	sor.u32 $0xCC0, s17;
	s3 =	sadd.s32 s16, s3  }
0x147: {  	[tilespmem:s24], [sflag:$0x1] =	stream.strided.gather [hbm4b:s3+s15], $0x0, s14, s15, $0x38;
	[tilespmem:$0x10400] =	vst v63  }
0x148: {  	_ = 	snop  }
0x149: {  	[tilespmem:s24], [sflag:$0x1] =	stream.linear.gather [hbm4b:s3+s4], $0x20, $0x38;
	[tilespmem:$0x10400] =	vst v63  }
0x14a: {  	s25 =	sor.u32 $0xCE0, s17;
	s0 =	sadd.s32 s1, s0  }
0x14b: {  	(v2sf) =	vpush v62, $0x3;
	[tilespmem:s25], [sflag:$0x1] =	stream.strided.gather [hbm4b:s0+s15], $0x0, s14, s15, $0x38;
	[tilespmem:$0x10400] =	vst v63  }
0x14c: {  	s26 =	sand.u32 $0x1FFFFFF0, s9  }
0x14d: {  	[tilespmem:s25], [sflag:$0x1] =	stream.linear.gather [hbm4b:s0+s4], $0x20, $0x38;
	[tilespmem:$0x10400] =	vst v63  }
0x14e: {  	s29 =	sor.u32 $0xD00, s17;
	s30 =	sadd.s32 s11, s26;
	s28 =	spop (v2sf)  }
0x14f: {  	(v2sf) =	vpush v63, $0x3;
	[tilespmem:s29], [sflag:$0x1] =	stream.strided.gather [hbm4b:s30+s15], $0x0, s14, s15, $0x38;
	[tilespmem:$0x10400] =	vst v63  }
0x150: {  	s0 =	sand.u32 $0x1FFFFFF0, s28  }
0x151: {  	[tilespmem:s29], [sflag:$0x1] =	stream.linear.gather [hbm4b:s30+s4], $0x20, $0x38;
	[tilespmem:$0x10400] =	vst v63  }
0x152: {  	s31 =	sor.u32 $0xD20, s17;
	s5 =	sadd.s32 s12, s0  }
0x153: {  	[tilespmem:s31], [sflag:$0x1] =	stream.strided.gather [hbm4b:s5+s15], $0x0, s14, s15, $0x38;
	[tilespmem:$0x10400] =	vst v63  }
0x154: {  	_ = 	snop  }
0x155: {  	[tilespmem:s31], [sflag:$0x1] =	stream.linear.gather [hbm4b:s5+s4], $0x20, $0x38;
	[tilespmem:$0x10400] =	vst v63  }
0x156: {  	s7 =	sor.u32 $0xD40, s17;
	s3 =	sadd.s32 s16, s26  }
0x157: {  	[tilespmem:s7], [sflag:$0x1] =	stream.strided.gather [hbm4b:s3+s15], $0x0, s14, s15, $0x38;
	[tilespmem:$0x10400] =	vst v63  }
0x158: {  	_ = 	snop  }
0x159: {  	[tilespmem:s7], [sflag:$0x1] =	stream.linear.gather [hbm4b:s3+s4], $0x20, $0x38;
	[tilespmem:$0x10400] =	vst v63  }
0x15a: {  	s9 =	sor.u32 $0xD60, s17;
	s8 =	spop (v2sf);
	s0 =	sadd.s32 s1, s0  }
0x15b: {  	(v2sf) =	vpush v62, $0x4;
	[tilespmem:s9], [sflag:$0x1] =	stream.strided.gather [hbm4b:s0+s15], $0x0, s14, s15, $0x38;
	[tilespmem:$0x10400] =	vst v63  }
0x15c: {  	s2 =	sand.u32 $0x1FFFFFF0, s8  }
0x15d: {  	[tilespmem:s9], [sflag:$0x1] =	stream.linear.gather [hbm4b:s0+s4], $0x20, $0x38;
	[tilespmem:$0x10400] =	vst v63  }
0x15e: {  	s18 =	sor.u32 $0xD80, s17;
	s10 =	spop (v2sf);
	s19 =	sadd.s32 s11, s2  }
0x15f: {  	(v2sf) =	vpush v63, $0x4;
	[tilespmem:s18], [sflag:$0x1] =	stream.strided.gather [hbm4b:s19+s15], $0x0, s14, s15, $0x38;
	[tilespmem:$0x10400] =	vst v63  }
0x160: {  	s0 =	sand.u32 $0x1FFFFFF0, s10  }
0x161: {  	[tilespmem:s18], [sflag:$0x1] =	stream.linear.gather [hbm4b:s19+s4], $0x20, $0x38;
	[tilespmem:$0x10400] =	vst v63  }
0x162: {  	s20 =	sor.u32 $0xDA0, s17;
	s21 =	sadd.s32 s12, s0  }
0x163: {  	[tilespmem:s20], [sflag:$0x1] =	stream.strided.gather [hbm4b:s21+s15], $0x0, s14, s15, $0x38;
	[tilespmem:$0x10400] =	vst v63  }
0x164: {  	_ = 	snop  }
0x165: {  	[tilespmem:s20], [sflag:$0x1] =	stream.linear.gather [hbm4b:s21+s4], $0x20, $0x38;
	[tilespmem:$0x10400] =	vst v63  }
0x166: {  	s22 =	sor.u32 $0xDC0, s17;
	s2 =	sadd.s32 s16, s2  }
0x167: {  	[tilespmem:s22], [sflag:$0x1] =	stream.strided.gather [hbm4b:s2+s15], $0x0, s14, s15, $0x38;
	[tilespmem:$0x10400] =	vst v63  }
0x168: {  	_ = 	snop  }
0x169: {  	[tilespmem:s22], [sflag:$0x1] =	stream.linear.gather [hbm4b:s2+s4], $0x20, $0x38;
	[tilespmem:$0x10400] =	vst v63  }
0x16a: {  	s24 =	sor.u32 $0xDE0, s17;
	s23 =	spop (v2sf);
	s0 =	sadd.s32 s1, s0  }
0x16b: {  	(v2sf) =	vpush v62, $0x5;
	[tilespmem:s24], [sflag:$0x1] =	stream.strided.gather [hbm4b:s0+s15], $0x0, s14, s15, $0x38;
	[tilespmem:$0x10400] =	vst v63  }
0x16c: {  	s2 =	sand.u32 $0x1FFFFFF0, s23  }
0x16d: {  	[tilespmem:s24], [sflag:$0x1] =	stream.linear.gather [hbm4b:s0+s4], $0x20, $0x38;
	[tilespmem:$0x10400] =	vst v63  }
0x16e: {  	s26 =	sor.u32 $0xE00, s17;
	s25 =	spop (v2sf);
	s28 =	sadd.s32 s11, s2  }
0x16f: {  	(v2sf) =	vpush v63, $0x5;
	[tilespmem:s26], [sflag:$0x1] =	stream.strided.gather [hbm4b:s28+s15], $0x0, s14, s15, $0x38;
	[tilespmem:$0x10400] =	vst v63  }
0x170: {  	s0 =	sand.u32 $0x1FFFFFF0, s25  }
0x171: {  	[tilespmem:s26], [sflag:$0x1] =	stream.linear.gather [hbm4b:s28+s4], $0x20, $0x38;
	[tilespmem:$0x10400] =	vst v63  }
0x172: {  	s29 =	sor.u32 $0xE20, s17;
	s30 =	sadd.s32 s12, s0  }
0x173: {  	[tilespmem:s29], [sflag:$0x1] =	stream.strided.gather [hbm4b:s30+s15], $0x0, s14, s15, $0x38;
	[tilespmem:$0x10400] =	vst v63  }
0x174: {  	_ = 	snop  }
0x175: {  	[tilespmem:s29], [sflag:$0x1] =	stream.linear.gather [hbm4b:s30+s4], $0x20, $0x38;
	[tilespmem:$0x10400] =	vst v63  }
0x176: {  	s31 =	sor.u32 $0xE40, s17;
	s2 =	sadd.s32 s16, s2  }
0x177: {  	[tilespmem:s31], [sflag:$0x1] =	stream.strided.gather [hbm4b:s2+s15], $0x0, s14, s15, $0x38;
	[tilespmem:$0x10400] =	vst v63  }
0x178: {  	_ = 	snop  }
0x179: {  	[tilespmem:s31], [sflag:$0x1] =	stream.linear.gather [hbm4b:s2+s4], $0x20, $0x38;
	[tilespmem:$0x10400] =	vst v63  }
0x17a: {  	s7 =	sor.u32 $0xE60, s17;
	s5 =	spop (v2sf);
	s0 =	sadd.s32 s1, s0  }
0x17b: {  	(v2sf) =	vpush v62, $0x6;
	[tilespmem:s7], [sflag:$0x1] =	stream.strided.gather [hbm4b:s0+s15], $0x0, s14, s15, $0x38;
	[tilespmem:$0x10400] =	vst v63  }
0x17c: {  	s2 =	sand.u32 $0x1FFFFFF0, s5  }
0x17d: {  	[tilespmem:s7], [sflag:$0x1] =	stream.linear.gather [hbm4b:s0+s4], $0x20, $0x38;
	[tilespmem:$0x10400] =	vst v63  }
0x17e: {  	s9 =	sor.u32 $0xE80, s17;
	s8 =	spop (v2sf);
	s10 =	sadd.s32 s11, s2  }
0x17f: {  	(v2sf) =	vpush v63, $0x6;
	[tilespmem:s9], [sflag:$0x1] =	stream.strided.gather [hbm4b:s10+s15], $0x0, s14, s15, $0x38;
	[tilespmem:$0x10400] =	vst v63  }
0x180: {  	s0 =	sand.u32 $0x1FFFFFF0, s8  }
0x181: {  	[tilespmem:s9], [sflag:$0x1] =	stream.linear.gather [hbm4b:s10+s4], $0x20, $0x38;
	[tilespmem:$0x10400] =	vst v63  }
0x182: {  	s18 =	sor.u32 $0xEA0, s17;
	s19 =	sadd.s32 s12, s0  }
0x183: {  	[tilespmem:s18], [sflag:$0x1] =	stream.strided.gather [hbm4b:s19+s15], $0x0, s14, s15, $0x38;
	[tilespmem:$0x10400] =	vst v63  }
0x184: {  	_ = 	snop  }
0x185: {  	[tilespmem:s18], [sflag:$0x1] =	stream.linear.gather [hbm4b:s19+s4], $0x20, $0x38;
	[tilespmem:$0x10400] =	vst v63  }
0x186: {  	s20 =	sor.u32 $0xEC0, s17;
	s2 =	sadd.s32 s16, s2  }
0x187: {  	[tilespmem:s20], [sflag:$0x1] =	stream.strided.gather [hbm4b:s2+s15], $0x0, s14, s15, $0x38;
	[tilespmem:$0x10400] =	vst v63  }
0x188: {  	_ = 	snop  }
0x189: {  	[tilespmem:s20], [sflag:$0x1] =	stream.linear.gather [hbm4b:s2+s4], $0x20, $0x38;
	[tilespmem:$0x10400] =	vst v63  }
0x18a: {  	s22 =	sor.u32 $0xEE0, s17;
	s21 =	spop (v2sf);
	s0 =	sadd.s32 s1, s0  }
0x18b: {  	(v2sf) =	vpush v62, $0x7;
	[tilespmem:s22], [sflag:$0x1] =	stream.strided.gather [hbm4b:s0+s15], $0x0, s14, s15, $0x38;
	[tilespmem:$0x10400] =	vst v63  }
0x18c: {  	s2 =	sand.u32 $0x1FFFFFF0, s21  }
0x18d: {  	[tilespmem:s22], [sflag:$0x1] =	stream.linear.gather [hbm4b:s0+s4], $0x20, $0x38;
	[tilespmem:$0x10400] =	vst v63  }
0x18e: {  	s24 =	sor.u32 $0xF00, s17;
	s23 =	spop (v2sf);
	s25 =	sadd.s32 s11, s2  }
0x18f: {  	(v2sf) =	vpush v63, $0x7;
	[tilespmem:s24], [sflag:$0x1] =	stream.strided.gather [hbm4b:s25+s15], $0x0, s14, s15, $0x38;
	[tilespmem:$0x10400] =	vst v63  }
0x190: {  	s0 =	sand.u32 $0x1FFFFFF0, s23  }
0x191: {  	[tilespmem:s24], [sflag:$0x1] =	stream.linear.gather [hbm4b:s25+s4], $0x20, $0x38;
	[tilespmem:$0x10400] =	vst v63  }
0x192: {  	s26 =	sor.u32 $0xF20, s17;
	s28 =	sadd.s32 s12, s0  }
0x193: {  	[tilespmem:s26], [sflag:$0x1] =	stream.strided.gather [hbm4b:s28+s15], $0x0, s14, s15, $0x38;
	[tilespmem:$0x10400] =	vst v63  }
0x194: {  	_ = 	snop  }
0x195: {  	[tilespmem:s26], [sflag:$0x1] =	stream.linear.gather [hbm4b:s28+s4], $0x20, $0x38;
	[tilespmem:$0x10400] =	vst v63  }
0x196: {  	s29 =	sor.u32 $0xF40, s17;
	s2 =	sadd.s32 s16, s2  }
0x197: {  	[tilespmem:s29], [sflag:$0x1] =	stream.strided.gather [hbm4b:s2+s15], $0x0, s14, s15, $0x38;
	[tilespmem:$0x10400] =	vst v63  }
0x198: {  	_ = 	snop  }
0x199: {  	[tilespmem:s29], [sflag:$0x1] =	stream.linear.gather [hbm4b:s2+s4], $0x20, $0x38;
	[tilespmem:$0x10400] =	vst v63  }
0x19a: {  	s31 =	sor.u32 $0xF60, s17;
	s30 =	spop (v2sf);
	s0 =	sadd.s32 s1, s0  }
0x19b: {  	(v2sf) =	vpush v62, $0x8;
	[tilespmem:s31], [sflag:$0x1] =	stream.strided.gather [hbm4b:s0+s15], $0x0, s14, s15, $0x38;
	[tilespmem:$0x10400] =	vst v63  }
0x19c: {  	s2 =	sand.u32 $0x1FFFFFF0, s30  }
0x19d: {  	[tilespmem:s31], [sflag:$0x1] =	stream.linear.gather [hbm4b:s0+s4], $0x20, $0x38;
	[tilespmem:$0x10400] =	vst v63  }
0x19e: {  	s7 =	sor.u32 $0xF80, s17;
	s5 =	spop (v2sf);
	s8 =	sadd.s32 s11, s2  }
0x19f: {  	(v2sf) =	vpush v63, $0x8;
	[tilespmem:s7], [sflag:$0x1] =	stream.strided.gather [hbm4b:s8+s15], $0x0, s14, s15, $0x38;
	[tilespmem:$0x10400] =	vst v63  }
0x1a0: {  	s0 =	sand.u32 $0x1FFFFFF0, s5  }
0x1a1: {  	[tilespmem:s7], [sflag:$0x1] =	stream.linear.gather [hbm4b:s8+s4], $0x20, $0x38;
	[tilespmem:$0x10400] =	vst v63  }
0x1a2: {  	s9 =	sor.u32 $0xFA0, s17;
	s10 =	sadd.s32 s12, s0  }
0x1a3: {  	[tilespmem:s9], [sflag:$0x1] =	stream.strided.gather [hbm4b:s10+s15], $0x0, s14, s15, $0x38;
	[tilespmem:$0x10400] =	vst v63  }
0x1a4: {  	_ = 	snop  }
0x1a5: {  	[tilespmem:s9], [sflag:$0x1] =	stream.linear.gather [hbm4b:s10+s4], $0x20, $0x38;
	[tilespmem:$0x10400] =	vst v63  }
0x1a6: {  	s18 =	sor.u32 $0xFC0, s17;
	s2 =	sadd.s32 s16, s2  }
0x1a7: {  	[tilespmem:s18], [sflag:$0x1] =	stream.strided.gather [hbm4b:s2+s15], $0x0, s14, s15, $0x38;
	[tilespmem:$0x10400] =	vst v63  }
0x1a8: {  	_ = 	snop  }
0x1a9: {  	[tilespmem:s18], [sflag:$0x1] =	stream.linear.gather [hbm4b:s2+s4], $0x20, $0x38;
	[tilespmem:$0x10400] =	vst v63  }
0x1aa: {  	s20 =	sor.u32 $0xFE0, s17;
	s19 =	spop (v2sf);
	s0 =	sadd.s32 s1, s0  }
0x1ab: {  	(v2sf) =	vpush v62, $0x9;
	[tilespmem:s20], [sflag:$0x1] =	stream.strided.gather [hbm4b:s0+s15], $0x0, s14, s15, $0x38;
	[tilespmem:$0x10400] =	vst v63  }
0x1ac: {  	s2 =	sand.u32 $0x1FFFFFF0, s19  }
0x1ad: {  	[tilespmem:s20], [sflag:$0x1] =	stream.linear.gather [hbm4b:s0+s4], $0x20, $0x38;
	[tilespmem:$0x10400] =	vst v63  }
0x1ae: {  	s22 =	sadd.s32 $0x1000, s17;
	s21 =	spop (v2sf);
	s23 =	sadd.s32 s11, s2  }
0x1af: {  	(v2sf) =	vpush v63, $0x9;
	[tilespmem:s22], [sflag:$0x1] =	stream.strided.gather [hbm4b:s23+s15], $0x0, s14, s15, $0x38;
	[tilespmem:$0x10400] =	vst v63  }
0x1b0: {  	s0 =	sand.u32 $0x1FFFFFF0, s21  }
0x1b1: {  	[tilespmem:s22], [sflag:$0x1] =	stream.linear.gather [hbm4b:s23+s4], $0x20, $0x38;
	[tilespmem:$0x10400] =	vst v63  }
0x1b2: {  	s24 =	sadd.s32 $0x1020, s17;
	s25 =	sadd.s32 s12, s0  }
0x1b3: {  	[tilespmem:s24], [sflag:$0x1] =	stream.strided.gather [hbm4b:s25+s15], $0x0, s14, s15, $0x38;
	[tilespmem:$0x10400] =	vst v63  }
0x1b4: {  	_ = 	snop  }
0x1b5: {  	[tilespmem:s24], [sflag:$0x1] =	stream.linear.gather [hbm4b:s25+s4], $0x20, $0x38;
	[tilespmem:$0x10400] =	vst v63  }
0x1b6: {  	s26 =	sadd.s32 $0x1040, s17;
	s2 =	sadd.s32 s16, s2  }
0x1b7: {  	[tilespmem:s26], [sflag:$0x1] =	stream.strided.gather [hbm4b:s2+s15], $0x0, s14, s15, $0x38;
	[tilespmem:$0x10400] =	vst v63  }
0x1b8: {  	_ = 	snop  }
0x1b9: {  	[tilespmem:s26], [sflag:$0x1] =	stream.linear.gather [hbm4b:s2+s4], $0x20, $0x38;
	[tilespmem:$0x10400] =	vst v63  }
0x1ba: {  	s29 =	sadd.s32 $0x1060, s17;
	s28 =	spop (v2sf);
	s0 =	sadd.s32 s1, s0  }
0x1bb: {  	(v2sf) =	vpush v62, $0xA;
	[tilespmem:s29], [sflag:$0x1] =	stream.strided.gather [hbm4b:s0+s15], $0x0, s14, s15, $0x38;
	[tilespmem:$0x10400] =	vst v63  }
0x1bc: {  	s2 =	sand.u32 $0x1FFFFFF0, s28  }
0x1bd: {  	[tilespmem:s29], [sflag:$0x1] =	stream.linear.gather [hbm4b:s0+s4], $0x20, $0x38;
	[tilespmem:$0x10400] =	vst v63  }
0x1be: {  	s31 =	sadd.s32 $0x1080, s17;
	s30 =	spop (v2sf);
	s5 =	sadd.s32 s11, s2  }
0x1bf: {  	(v2sf) =	vpush v63, $0xA;
	[tilespmem:s31], [sflag:$0x1] =	stream.strided.gather [hbm4b:s5+s15], $0x0, s14, s15, $0x38;
	[tilespmem:$0x10400] =	vst v63  }
0x1c0: {  	s0 =	sand.u32 $0x1FFFFFF0, s30  }
0x1c1: {  	[tilespmem:s31], [sflag:$0x1] =	stream.linear.gather [hbm4b:s5+s4], $0x20, $0x38;
	[tilespmem:$0x10400] =	vst v63  }
0x1c2: {  	s7 =	sadd.s32 $0x10A0, s17;
	s8 =	sadd.s32 s12, s0  }
0x1c3: {  	[tilespmem:s7], [sflag:$0x1] =	stream.strided.gather [hbm4b:s8+s15], $0x0, s14, s15, $0x38;
	[tilespmem:$0x10400] =	vst v63  }
0x1c4: {  	_ = 	snop  }
0x1c5: {  	[tilespmem:s7], [sflag:$0x1] =	stream.linear.gather [hbm4b:s8+s4], $0x20, $0x38;
	[tilespmem:$0x10400] =	vst v63  }
0x1c6: {  	s9 =	sadd.s32 $0x10C0, s17;
	s2 =	sadd.s32 s16, s2  }
0x1c7: {  	[tilespmem:s9], [sflag:$0x1] =	stream.strided.gather [hbm4b:s2+s15], $0x0, s14, s15, $0x38;
	[tilespmem:$0x10400] =	vst v63  }
0x1c8: {  	_ = 	snop  }
0x1c9: {  	[tilespmem:s9], [sflag:$0x1] =	stream.linear.gather [hbm4b:s2+s4], $0x20, $0x38;
	[tilespmem:$0x10400] =	vst v63  }
0x1ca: {  	s18 =	sadd.s32 $0x10E0, s17;
	s10 =	spop (v2sf);
	s0 =	sadd.s32 s1, s0  }
0x1cb: {  	(v2sf) =	vpush v62, $0xB;
	[tilespmem:s18], [sflag:$0x1] =	stream.strided.gather [hbm4b:s0+s15], $0x0, s14, s15, $0x38;
	[tilespmem:$0x10400] =	vst v63  }
0x1cc: {  	s2 =	sand.u32 $0x1FFFFFF0, s10  }
0x1cd: {  	[tilespmem:s18], [sflag:$0x1] =	stream.linear.gather [hbm4b:s0+s4], $0x20, $0x38;
	[tilespmem:$0x10400] =	vst v63  }
0x1ce: {  	s20 =	sadd.s32 $0x1100, s17;
	s19 =	spop (v2sf);
	s21 =	sadd.s32 s11, s2  }
0x1cf: {  	(v2sf) =	vpush v63, $0xB;
	[tilespmem:s20], [sflag:$0x1] =	stream.strided.gather [hbm4b:s21+s15], $0x0, s14, s15, $0x38;
	[tilespmem:$0x10400] =	vst v63  }
0x1d0: {  	s0 =	sand.u32 $0x1FFFFFF0, s19  }
0x1d1: {  	[tilespmem:s20], [sflag:$0x1] =	stream.linear.gather [hbm4b:s21+s4], $0x20, $0x38;
	[tilespmem:$0x10400] =	vst v63  }
0x1d2: {  	s22 =	sadd.s32 $0x1120, s17;
	s23 =	sadd.s32 s12, s0  }
0x1d3: {  	[tilespmem:s22], [sflag:$0x1] =	stream.strided.gather [hbm4b:s23+s15], $0x0, s14, s15, $0x38;
	[tilespmem:$0x10400] =	vst v63  }
0x1d4: {  	_ = 	snop  }
0x1d5: {  	[tilespmem:s22], [sflag:$0x1] =	stream.linear.gather [hbm4b:s23+s4], $0x20, $0x38;
	[tilespmem:$0x10400] =	vst v63  }
0x1d6: {  	s24 =	sadd.s32 $0x1140, s17;
	s2 =	sadd.s32 s16, s2  }
0x1d7: {  	[tilespmem:s24], [sflag:$0x1] =	stream.strided.gather [hbm4b:s2+s15], $0x0, s14, s15, $0x38;
	[tilespmem:$0x10400] =	vst v63  }
0x1d8: {  	_ = 	snop  }
0x1d9: {  	[tilespmem:s24], [sflag:$0x1] =	stream.linear.gather [hbm4b:s2+s4], $0x20, $0x38;
	[tilespmem:$0x10400] =	vst v63  }
0x1da: {  	s26 =	sadd.s32 $0x1160, s17;
	s25 =	spop (v2sf);
	s0 =	sadd.s32 s1, s0  }
0x1db: {  	(v2sf) =	vpush v62, $0xC;
	[tilespmem:s26], [sflag:$0x1] =	stream.strided.gather [hbm4b:s0+s15], $0x0, s14, s15, $0x38;
	[tilespmem:$0x10400] =	vst v63  }
0x1dc: {  	s2 =	sand.u32 $0x1FFFFFF0, s25  }
0x1dd: {  	[tilespmem:s26], [sflag:$0x1] =	stream.linear.gather [hbm4b:s0+s4], $0x20, $0x38;
	[tilespmem:$0x10400] =	vst v63  }
0x1de: {  	s29 =	sadd.s32 $0x1180, s17;
	s28 =	spop (v2sf);
	s30 =	sadd.s32 s11, s2  }
0x1df: {  	(v2sf) =	vpush v63, $0xC;
	[tilespmem:s29], [sflag:$0x1] =	stream.strided.gather [hbm4b:s30+s15], $0x0, s14, s15, $0x38;
	[tilespmem:$0x10400] =	vst v63  }
0x1e0: {  	s0 =	sand.u32 $0x1FFFFFF0, s28  }
0x1e1: {  	[tilespmem:s29], [sflag:$0x1] =	stream.linear.gather [hbm4b:s30+s4], $0x20, $0x38;
	[tilespmem:$0x10400] =	vst v63  }
0x1e2: {  	s31 =	sadd.s32 $0x11A0, s17;
	s5 =	sadd.s32 s12, s0  }
0x1e3: {  	[tilespmem:s31], [sflag:$0x1] =	stream.strided.gather [hbm4b:s5+s15], $0x0, s14, s15, $0x38;
	[tilespmem:$0x10400] =	vst v63  }
0x1e4: {  	_ = 	snop  }
0x1e5: {  	[tilespmem:s31], [sflag:$0x1] =	stream.linear.gather [hbm4b:s5+s4], $0x20, $0x38;
	[tilespmem:$0x10400] =	vst v63  }
0x1e6: {  	s7 =	sadd.s32 $0x11C0, s17;
	s2 =	sadd.s32 s16, s2  }
0x1e7: {  	[tilespmem:s7], [sflag:$0x1] =	stream.strided.gather [hbm4b:s2+s15], $0x0, s14, s15, $0x38;
	[tilespmem:$0x10400] =	vst v63  }
0x1e8: {  	_ = 	snop  }
0x1e9: {  	[tilespmem:s7], [sflag:$0x1] =	stream.linear.gather [hbm4b:s2+s4], $0x20, $0x38;
	[tilespmem:$0x10400] =	vst v63  }
0x1ea: {  	s9 =	sadd.s32 $0x11E0, s17;
	s8 =	spop (v2sf);
	s0 =	sadd.s32 s1, s0  }
0x1eb: {  	(v2sf) =	vpush v62, $0xD;
	[tilespmem:s9], [sflag:$0x1] =	stream.strided.gather [hbm4b:s0+s15], $0x0, s14, s15, $0x38;
	[tilespmem:$0x10400] =	vst v63  }
0x1ec: {  	s2 =	sand.u32 $0x1FFFFFF0, s8  }
0x1ed: {  	[tilespmem:s9], [sflag:$0x1] =	stream.linear.gather [hbm4b:s0+s4], $0x20, $0x38;
	[tilespmem:$0x10400] =	vst v63  }
0x1ee: {  	s18 =	sadd.s32 $0x1200, s17;
	s10 =	spop (v2sf);
	s19 =	sadd.s32 s11, s2  }
0x1ef: {  	(v2sf) =	vpush v63, $0xD;
	[tilespmem:s18], [sflag:$0x1] =	stream.strided.gather [hbm4b:s19+s15], $0x0, s14, s15, $0x38;
	[tilespmem:$0x10400] =	vst v63  }
0x1f0: {  	s0 =	sand.u32 $0x1FFFFFF0, s10  }
0x1f1: {  	[tilespmem:s18], [sflag:$0x1] =	stream.linear.gather [hbm4b:s19+s4], $0x20, $0x38;
	[tilespmem:$0x10400] =	vst v63  }
0x1f2: {  	s20 =	sadd.s32 $0x1220, s17;
	s21 =	sadd.s32 s12, s0  }
0x1f3: {  	[tilespmem:s20], [sflag:$0x1] =	stream.strided.gather [hbm4b:s21+s15], $0x0, s14, s15, $0x38;
	[tilespmem:$0x10400] =	vst v63  }
0x1f4: {  	_ = 	snop  }
0x1f5: {  	[tilespmem:s20], [sflag:$0x1] =	stream.linear.gather [hbm4b:s21+s4], $0x20, $0x38;
	[tilespmem:$0x10400] =	vst v63  }
0x1f6: {  	s22 =	sadd.s32 $0x1240, s17;
	s2 =	sadd.s32 s16, s2  }
0x1f7: {  	[tilespmem:s22], [sflag:$0x1] =	stream.strided.gather [hbm4b:s2+s15], $0x0, s14, s15, $0x38;
	[tilespmem:$0x10400] =	vst v63  }
0x1f8: {  	_ = 	snop  }
0x1f9: {  	[tilespmem:s22], [sflag:$0x1] =	stream.linear.gather [hbm4b:s2+s4], $0x20, $0x38;
	[tilespmem:$0x10400] =	vst v63  }
0x1fa: {  	s24 =	sadd.s32 $0x1260, s17;
	s23 =	spop (v2sf);
	s0 =	sadd.s32 s1, s0  }
0x1fb: {  	(v2sf) =	vpush v62, $0xE;
	[tilespmem:s24], [sflag:$0x1] =	stream.strided.gather [hbm4b:s0+s15], $0x0, s14, s15, $0x38;
	[tilespmem:$0x10400] =	vst v63  }
0x1fc: {  	s2 =	sand.u32 $0x1FFFFFF0, s23  }
0x1fd: {  	[tilespmem:s24], [sflag:$0x1] =	stream.linear.gather [hbm4b:s0+s4], $0x20, $0x38;
	[tilespmem:$0x10400] =	vst v63  }
0x1fe: {  	s26 =	sadd.s32 $0x1280, s17;
	s25 =	spop (v2sf);
	s28 =	sadd.s32 s11, s2  }
0x1ff: {  	(v2sf) =	vpush v63, $0xE;
	[tilespmem:s26], [sflag:$0x1] =	stream.strided.gather [hbm4b:s28+s15], $0x0, s14, s15, $0x38;
	[tilespmem:$0x10400] =	vst v63  }
0x200: {  	s0 =	sand.u32 $0x1FFFFFF0, s25  }
0x201: {  	[tilespmem:s26], [sflag:$0x1] =	stream.linear.gather [hbm4b:s28+s4], $0x20, $0x38;
	[tilespmem:$0x10400] =	vst v63  }
0x202: {  	s29 =	sadd.s32 $0x12A0, s17;
	s30 =	sadd.s32 s12, s0  }
0x203: {  	[tilespmem:s29], [sflag:$0x1] =	stream.strided.gather [hbm4b:s30+s15], $0x0, s14, s15, $0x38;
	[tilespmem:$0x10400] =	vst v63  }
0x204: {  	_ = 	snop  }
0x205: {  	[tilespmem:s29], [sflag:$0x1] =	stream.linear.gather [hbm4b:s30+s4], $0x20, $0x38;
	[tilespmem:$0x10400] =	vst v63  }
0x206: {  	s31 =	sadd.s32 $0x12C0, s17;
	s2 =	sadd.s32 s16, s2  }
0x207: {  	[tilespmem:s31], [sflag:$0x1] =	stream.strided.gather [hbm4b:s2+s15], $0x0, s14, s15, $0x38;
	[tilespmem:$0x10400] =	vst v63  }
0x208: {  	_ = 	snop  }
0x209: {  	[tilespmem:s31], [sflag:$0x1] =	stream.linear.gather [hbm4b:s2+s4], $0x20, $0x38;
	[tilespmem:$0x10400] =	vst v63  }
0x20a: {  	s7 =	sadd.s32 $0x12E0, s17;
	s5 =	spop (v2sf);
	s0 =	sadd.s32 s1, s0  }
0x20b: {  	(v2sf) =	vpush v62, $0xF;
	[tilespmem:s7], [sflag:$0x1] =	stream.strided.gather [hbm4b:s0+s15], $0x0, s14, s15, $0x38;
	[tilespmem:$0x10400] =	vst v63  }
0x20c: {  	s2 =	sand.u32 $0x1FFFFFF0, s5  }
0x20d: {  	[tilespmem:s7], [sflag:$0x1] =	stream.linear.gather [hbm4b:s0+s4], $0x20, $0x38;
	[tilespmem:$0x10400] =	vst v63  }
0x20e: {  	s9 =	sadd.s32 $0x1300, s17;
	s8 =	spop (v2sf);
	s10 =	sadd.s32 s11, s2  }
0x20f: {  	(v2sf) =	vpush v63, $0xF;
	[tilespmem:s9], [sflag:$0x1] =	stream.strided.gather [hbm4b:s10+s15], $0x0, s14, s15, $0x38;
	[tilespmem:$0x10400] =	vst v63  }
0x210: {  	s0 =	sand.u32 $0x1FFFFFF0, s8  }
0x211: {  	[tilespmem:s9], [sflag:$0x1] =	stream.linear.gather [hbm4b:s10+s4], $0x20, $0x38;
	[tilespmem:$0x10400] =	vst v63  }
0x212: {  	s18 =	sadd.s32 $0x1320, s17;
	s19 =	sadd.s32 s12, s0  }
0x213: {  	[tilespmem:s18], [sflag:$0x1] =	stream.strided.gather [hbm4b:s19+s15], $0x0, s14, s15, $0x38;
	[tilespmem:$0x10400] =	vst v63  }
0x214: {  	_ = 	snop  }
0x215: {  	[tilespmem:s18], [sflag:$0x1] =	stream.linear.gather [hbm4b:s19+s4], $0x20, $0x38;
	[tilespmem:$0x10400] =	vst v63  }
0x216: {  	s20 =	sadd.s32 $0x1340, s17;
	s2 =	sadd.s32 s16, s2  }
0x217: {  	[tilespmem:s20], [sflag:$0x1] =	stream.strided.gather [hbm4b:s2+s15], $0x0, s14, s15, $0x38;
	[tilespmem:$0x10400] =	vst v63  }
0x218: {  	_ = 	snop  }
0x219: {  	[tilespmem:s20], [sflag:$0x1] =	stream.linear.gather [hbm4b:s2+s4], $0x20, $0x38;
	[tilespmem:$0x10400] =	vst v63  }
0x21a: {  	s22 =	sadd.s32 $0x1360, s17;
	s21 =	spop (v2sf);
	s0 =	sadd.s32 s1, s0  }
0x21b: {  	[tilespmem:s22], [sflag:$0x1] =	stream.strided.gather [hbm4b:s0+s15], $0x0, s14, s15, $0x38;
	[tilespmem:$0x10400] =	vst v63  }
0x21c: {  	s2 =	sand.u32 $0x1FFFFFF0, s21  }
0x21d: {  	[tilespmem:s22], [sflag:$0x1] =	stream.linear.gather [hbm4b:s0+s4], $0x20, $0x38;
	[tilespmem:$0x10400] =	vst v63  }
0x21e: {  	s24 =	sadd.s32 $0x1380, s17;
	s23 =	spop (v2sf);
	s25 =	sadd.s32 s11, s2  }
0x21f: {  	[tilespmem:s24], [sflag:$0x1] =	stream.strided.gather [hbm4b:s25+s15], $0x0, s14, s15, $0x38;
	[tilespmem:$0x10400] =	vst v63  }
0x220: {  	s0 =	sand.u32 $0x1FFFFFF0, s23  }
0x221: {  	[tilespmem:s24], [sflag:$0x1] =	stream.linear.gather [hbm4b:s25+s4], $0x20, $0x38;
	[tilespmem:$0x10400] =	vst v63  }
0x222: {  	s26 =	sadd.s32 $0x13A0, s17;
	s28 =	sadd.s32 s12, s0  }
0x223: {  	[tilespmem:s26], [sflag:$0x1] =	stream.strided.gather [hbm4b:s28+s15], $0x0, s14, s15, $0x38;
	[tilespmem:$0x10400] =	vst v63  }
0x224: {  	_ = 	snop  }
0x225: {  	[tilespmem:s26], [sflag:$0x1] =	stream.linear.gather [hbm4b:s28+s4], $0x20, $0x38;
	[tilespmem:$0x10400] =	vst v63  }
0x226: {  	s29 =	sadd.s32 $0x13C0, s17;
	s2 =	sadd.s32 s16, s2  }
0x227: {  	[tilespmem:s29], [sflag:$0x1] =	stream.strided.gather [hbm4b:s2+s15], $0x0, s14, s15, $0x38;
	[tilespmem:$0x10400] =	vst v63  }
0x228: {  	_ = 	snop  }
0x229: {  	[tilespmem:s29], [sflag:$0x1] =	stream.linear.gather [hbm4b:s2+s4], $0x20, $0x38;
	[tilespmem:$0x10400] =	vst v63  }
0x22a: {  	s30 =	sadd.s32 $0x13E0, s17;
	s0 =	sadd.s32 s1, s0  }
0x22b: {  	[tilespmem:s30], [sflag:$0x1] =	stream.strided.gather [hbm4b:s0+s15], $0x0, s14, s15, $0x38;
	[tilespmem:$0x10400] =	vst v63  }
0x22c: {  	s31 =	simm.s32 $0x1  }
0x22d: {  	[tilespmem:s30], [sflag:$0x1] =	stream.linear.gather [hbm4b:s0+s4], $0x20, $0x38;
	[tilespmem:$0x10400] =	vst v63  }
0x22e: {  	_ =	swait.ge [sflag:s31], $0x80  }
0x22f: {  	[sflag:s31] =	ssyncset.done $0x0  }
0x230: {  	[sflag:s31] =	ssyncadd.s32 $0xFFFFFF80  }
0x231: {  	_ =	swait.ge [sflag:s31], $0x80  }
0x232: {  	[sflag:s31] =	ssyncset.done $0x0  }
0x233: {  	[sflag:s31] =	ssyncadd.s32 $0xFFFFFF80  }
0x234: {  	_ =	swait.ge [sflag:s31], $0x80  }
0x235: {  	[sflag:s31] =	ssyncset.done $0x0  }
0x236: {  	[sflag:s31] =	ssyncadd.s32 $0xFFFFFF80  }
0x237: {  	_ =	swait.ge [sflag:s31], $0x80  }
0x238: {  	[sflag:s31] =	ssyncset.done $0x0  }
0x239: {  	[sflag:s31] =	ssyncadd.s32 $0xFFFFFF80  }
0x23a: {  	_ =	swait.ge [sflag:s31], $0x80  }
0x23b: {  	[sflag:s31] =	ssyncset.done $0x0  }
0x23c: {  	[sflag:s31] =	ssyncadd.s32 $0xFFFFFF80  }
0x23d: {  	_ =	swait.ge [sflag:s31], $0x80  }
0x23e: {  	[sflag:s31] =	ssyncset.done $0x0  }
0x23f: {  	[sflag:s31] =	ssyncadd.s32 $0xFFFFFF80  }
0x240: {  	_ =	swait.ge [sflag:s31], $0x80  }
0x241: {  	[sflag:s31] =	ssyncset.done $0x0  }
0x242: {  	[sflag:s31] =	ssyncadd.s32 $0xFFFFFF80  }
0x243: {  	_ =	swait.ge [sflag:s31], $0x80  }
0x244: {  	[sflag:s31] =	ssyncset.done $0x0  }
0x245: {  	[sflag:s31] =	ssyncadd.s32 $0xFFFFFF80  }
0x246: {  	_ =	swait.ge [sflag:s31], $0x80  }
0x247: {  	[sflag:s31] =	ssyncset.done $0x0  }
0x248: {  	[sflag:s31] =	ssyncadd.s32 $0xFFFFFF80  }
0x249: {  	_ =	swait.ge [sflag:s31], $0x80  }
0x24a: {  	[sflag:s31] =	ssyncset.done $0x0  }
0x24b: {  	[sflag:s31] =	ssyncadd.s32 $0xFFFFFF80  }
0x24c: {  	_ =	swait.ge [sflag:s31], $0x80  }
0x24d: {  	[sflag:s31] =	ssyncset.done $0x0  }
0x24e: {  	[sflag:s31] =	ssyncadd.s32 $0xFFFFFF80  }
0x24f: {  	_ =	swait.ge [sflag:s31], $0x80  }
0x250: {  	[sflag:s31] =	ssyncset.done $0x0  }
0x251: {  	[sflag:s31] =	ssyncadd.s32 $0xFFFFFF80  }
0x252: {  	_ =	swait.ge [sflag:s31], $0x80  }
0x253: {  	[sflag:s31] =	ssyncset.done $0x0  }
0x254: {  	[sflag:s31] =	ssyncadd.s32 $0xFFFFFF80  }
0x255: {  	_ =	swait.ge [sflag:s31], $0x80  }
0x256: {  	[sflag:s31] =	ssyncset.done $0x0  }
0x257: {  	[sflag:s31] =	ssyncadd.s32 $0xFFFFFF80  }
0x258: {  	_ =	swait.ge [sflag:s31], $0x80  }
0x259: {  	[sflag:s31] =	ssyncset.done $0x0  }
0x25a: {  	[sflag:s31] =	ssyncadd.s32 $0xFFFFFF80  }
0x25b: {  	_ =	swait.ge [sflag:s31], $0x80  }
0x25c: {  	[sflag:s31] =	ssyncset.done $0x0  }
0x25d: {  	[sflag:s31] =	ssyncadd.s32 $0xFFFFFF80  }
0x25e: {  	_ =	swait.ge [sflag:s31], $0x80  }
0x25f: {  	[sflag:s31] =	ssyncset.done $0x0  }
0x260: {  	[sflag:s31] =	ssyncadd.s32 $0xFFFFFF80  }
0x261: {  	_ =	swait.ge [sflag:s31], $0x80  }
0x262: {  	[sflag:s31] =	ssyncset.done $0x0  }
0x263: {  	[sflag:s31] =	ssyncadd.s32 $0xFFFFFF80  }
0x264: {  	_ =	swait.ge [sflag:s31], $0x80  }
0x265: {  	[sflag:s31] =	ssyncset.done $0x0  }
0x266: {  	[sflag:s31] =	ssyncadd.s32 $0xFFFFFF80  }
0x267: {  	_ =	swait.ge [sflag:s31], $0x80  }
0x268: {  	[sflag:s31] =	ssyncset.done $0x0  }
0x269: {  	[sflag:s31] =	ssyncadd.s32 $0xFFFFFF80  }
0x26a: {  	_ =	swait.ge [sflag:s31], $0x80  }
0x26b: {  	[sflag:s31] =	ssyncset.done $0x0  }
0x26c: {  	[sflag:s31] =	ssyncadd.s32 $0xFFFFFF80  }
0x26d: {  	_ =	swait.ge [sflag:s31], $0x80  }
0x26e: {  	[sflag:s31] =	ssyncset.done $0x0  }
0x26f: {  	[sflag:s31] =	ssyncadd.s32 $0xFFFFFF80  }
0x270: {  	_ =	swait.ge [sflag:s31], $0x80  }
0x271: {  	[sflag:s31] =	ssyncset.done $0x0  }
0x272: {  	[sflag:s31] =	ssyncadd.s32 $0xFFFFFF80  }
0x273: {  	_ =	swait.ge [sflag:s31], $0x80  }
0x274: {  	[sflag:s31] =	ssyncset.done $0x0  }
0x275: {  	[sflag:s31] =	ssyncadd.s32 $0xFFFFFF80  }
0x276: {  	_ =	swait.ge [sflag:s31], $0x80  }
0x277: {  	[sflag:s31] =	ssyncset.done $0x0  }
0x278: {  	[sflag:s31] =	ssyncadd.s32 $0xFFFFFF80  }
0x279: {  	_ =	swait.ge [sflag:s31], $0x80  }
0x27a: {  	[sflag:s31] =	ssyncset.done $0x0  }
0x27b: {  	[sflag:s31] =	ssyncadd.s32 $0xFFFFFF80  }
0x27c: {  	_ =	swait.ge [sflag:s31], $0x80  }
0x27d: {  	[sflag:s31] =	ssyncset.done $0x0  }
0x27e: {  	[sflag:s31] =	ssyncadd.s32 $0xFFFFFF80  }
0x27f: {  	_ =	swait.ge [sflag:s31], $0x80  }
0x280: {  	[sflag:s31] =	ssyncset.done $0x0  }
0x281: {  	[sflag:s31] =	ssyncadd.s32 $0xFFFFFF80  }
0x282: {  	_ =	swait.ge [sflag:s31], $0x80  }
0x283: {  	[sflag:s31] =	ssyncset.done $0x0  }
0x284: {  	[sflag:s31] =	ssyncadd.s32 $0xFFFFFF80  }
0x285: {  	_ =	swait.ge [sflag:s31], $0x80  }
0x286: {  	[sflag:s31] =	ssyncset.done $0x0  }
0x287: {  	[sflag:s31] =	ssyncadd.s32 $0xFFFFFF80  }
0x288: {  	_ =	swait.ge [sflag:s31], $0x80  }
0x289: {  	s2 =	simm.s32 $0x1;
	[sflag:s31] =	ssyncset.done $0x0  }
.LBB2_2:
0x28a: {  	s26 =	sadd.s32 $0x1, s2  }
0x28b: {  	[sflag:s6] =	ssyncadd.s32 $0xFFFFFF80;
	[dreg:$0x7] =	wrdreg s26  }
0x28c: {  	_ =	swait.ge [sflag:s6], $0x80  }
0x28d: {  	s0 =	smov.u32 s2;
	[sflag:s6] =	ssyncset.done $0x0  }
0x28e: {  	s20 =	sshll.u32 s0, $0x5;
	[sflag:s6] =	ssyncadd.s32 $0xFFFFFF80  }
0x28f: {  	v0 =	vld [tilespmem:s20+$0x0];
	_ =	sdelay $0x1  }
0x290: {  	v2 =	vld [tilespmem:s20+$0x200];
	_ =	sdelay $0x2  }
0x291: {  	v1 =	vshll.u32 v0, $0x4  }
0x292: {  	(v2sf) =	vpush v1, $0x0  }
0x293: {  	v61 =	vshll.u32 v2, $0x4;
	(v2sf) =	vpush v1, $0x1  }
0x294: {  	(v2sf) =	vpush v61, $0x0;
	_ =	sdelay $0x1  }
0x295: {  	(v2sf) =	vpush v61, $0x1;
	_ =	sdelay $0x5  }
0x296: {  	(v2sf) =	vpush v1, $0x2;
	_ =	sdelay $0x3  }
0x297: {  	p0 =	sne.s32 s2, $0xF;
	s0 =	sshll.u32 s0, $0xC;
	s28 =	sor.u32 $0x10, s20;
	(v2sf) =	vpush v61, $0x2  }
0x298: {  	s18 =	sand.u32 $0x3FFFF000, s0;
	s2 =	sshll.u32 s28, $0x7;
	s29 =	spop (v2sf)  }
0x299: {  	s3 =	sand.u32 $0x3FFFF800, s2;
	s2 =	sand.u32 $0x1FFFFFF0, s29;
	s7 =	spop (v2sf)  }
0x29a: {  	s0 =	sor.u32 $0x400, s18;
	s8 =	sadd.s32 s11, s2;
	s9 =	spop (v2sf)  }
0x29b: {  	(v2sf) =	vpush v1, $0x3;
	[tilespmem:s0], [sflag:$0x1] =	stream.strided.gather [hbm4b:s8+s15], $0x0, s14, s15, $0x38;
	[tilespmem:$0x10400] =	vst v63  }
0x29c: {  	s10 =	sand.u32 $0x1FFFFFF0, s9;
	s30 =	spop (v2sf)  }
0x29d: {  	(v2sf) =	vpush v61, $0x3;
	[tilespmem:s0], [sflag:$0x1] =	stream.linear.gather [hbm4b:s8+s13], $0x20, $0x38;
	[tilespmem:$0x10400] =	vst v63  }
0x29e: {  	s31 =	sor.u32 $0x420, s18;
	s4 =	sadd.s32 s12, s10  }
0x29f: {  	[tilespmem:s31], [sflag:$0x1] =	stream.strided.gather [hbm4b:s4+s15], $0x0, s14, s15, $0x38;
	[tilespmem:$0x10400] =	vst v63  }
0x2a0: {  	_ = 	snop  }
0x2a1: {  	(v2sf) =	vpush v1, $0x4;
	[tilespmem:s31], [sflag:$0x1] =	stream.linear.gather [hbm4b:s4+s13], $0x20, $0x38;
	[tilespmem:$0x10400] =	vst v63  }
0x2a2: {  	s11 =	sor.u32 $0x440, s18;
	s2 =	sadd.s32 s16, s2;
	s5 =	spop (v2sf)  }
0x2a3: {  	(v2sf) =	vpush v61, $0x4;
	[tilespmem:s11], [sflag:$0x1] =	stream.strided.gather [hbm4b:s2+s15], $0x0, s14, s15, $0x38;
	[tilespmem:$0x10400] =	vst v63  }
0x2a4: {  	_ = 	snop  }
0x2a5: {  	[tilespmem:s11], [sflag:$0x1] =	stream.linear.gather [hbm4b:s2+s13], $0x20, $0x38;
	[tilespmem:$0x10400] =	vst v63  }
0x2a6: {  	s19 =	sor.u32 $0x460, s18;
	s21 =	sadd.s32 s1, s10;
	s17 =	spop (v2sf)  }
0x2a7: {  	(v2sf) =	vpush v1, $0x5;
	[tilespmem:s19], [sflag:$0x1] =	stream.strided.gather [hbm4b:s21+s15], $0x0, s14, s15, $0x38;
	[tilespmem:$0x10400] =	vst v63  }
0x2a8: {  	s25 =	rddreg [dreg:$0x4];
	s22 =	sand.u32 $0x1FFFFFF0, s7  }
0x2a9: {  	[tilespmem:s19], [sflag:$0x1] =	stream.linear.gather [hbm4b:s21+s13], $0x20, $0x38;
	[tilespmem:$0x10400] =	vst v63  }
0x2aa: {  	s24 =	sor.u32 $0x480, s18;
	s26 =	sadd.s32 s25, s22;
	s23 =	spop (v2sf)  }
0x2ab: {  	[tilespmem:s24], [sflag:$0x1] =	stream.strided.gather [hbm4b:s26+s15], $0x0, s14, s15, $0x38;
	[tilespmem:$0x10400] =	vst v63  }
0x2ac: {  	s1 =	smov.u32 s12;
	s0 =	sand.u32 $0x1FFFFFF0, s30;
	(v2sf) =	vpush v61, $0x5;
	s12 =	spop (v2sf)  }
0x2ad: {  	[tilespmem:s24], [sflag:$0x1] =	stream.linear.gather [hbm4b:s26+s13], $0x20, $0x38;
	[tilespmem:$0x10400] =	vst v63  }
0x2ae: {  	s28 =	sor.u32 $0x4A0, s18;
	s29 =	sadd.s32 s1, s0  }
0x2af: {  	(v2sf) =	vpush v1, $0x6;
	[tilespmem:s28], [sflag:$0x1] =	stream.strided.gather [hbm4b:s29+s15], $0x0, s14, s15, $0x38;
	[tilespmem:$0x10400] =	vst v63  }
0x2b0: {  	s10 =	sand.u32 $0x1FFFFFF0, s17;
	s30 =	spop (v2sf);
	s4 =	rddreg [dreg:$0x6]  }
0x2b1: {  	[tilespmem:s28], [sflag:$0x1] =	stream.linear.gather [hbm4b:s29+s13], $0x20, $0x38;
	[tilespmem:$0x10400] =	vst v63  }
0x2b2: {  	s31 =	sor.u32 $0x4C0, s18;
	s17 =	spop (v2sf);
	s11 =	sadd.s32 s4, s22  }
0x2b3: {  	(v2sf) =	vpush v61, $0x6;
	[tilespmem:s31], [sflag:$0x1] =	stream.strided.gather [hbm4b:s11+s15], $0x0, s14, s15, $0x38;
	[tilespmem:$0x10400] =	vst v63  }
0x2b4: {  	s16 =	sor.u32 $0x4E0, s18;
	s4 =	rddreg [dreg:$0x5]  }
0x2b5: {  	[tilespmem:s31], [sflag:$0x1] =	stream.linear.gather [hbm4b:s11+s13], $0x20, $0x38;
	[tilespmem:$0x10400] =	vst v63  }
0x2b6: {  	s9 =	sand.u32 $0x1FFFFFF0, s5;
	s5 =	spop (v2sf);
	s19 =	sadd.s32 s4, s0  }
0x2b7: {  	(v2sf) =	vpush v1, $0x7;
	[tilespmem:s16], [sflag:$0x1] =	stream.strided.gather [hbm4b:s19+s15], $0x0, s14, s15, $0x38;
	[tilespmem:$0x10400] =	vst v63  }
0x2b8: {  	s8 =	sand.u32 $0x1FFFFFF0, s23;
	s23 =	rddreg [dreg:$0x4]  }
0x2b9: {  	[tilespmem:s16], [sflag:$0x1] =	stream.linear.gather [hbm4b:s19+s13], $0x20, $0x38;
	[tilespmem:$0x10400] =	vst v63  }
0x2ba: {  	s22 =	sor.u32 $0x500, s18;
	s24 =	sadd.s32 s23, s9  }
0x2bb: {  	[tilespmem:s22], [sflag:$0x1] =	stream.strided.gather [hbm4b:s24+s15], $0x0, s14, s15, $0x38;
	[tilespmem:$0x10400] =	vst v63  }
0x2bc: {  	s21 =	spop (v2sf)  }
0x2bd: {  	(v2sf) =	vpush v61, $0x7;
	[tilespmem:s22], [sflag:$0x1] =	stream.linear.gather [hbm4b:s24+s13], $0x20, $0x38;
	[tilespmem:$0x10400] =	vst v63  }
0x2be: {  	s26 =	sor.u32 $0x520, s18;
	s25 =	spop (v2sf);
	s22 =	sadd.s32 s1, s10  }
0x2bf: {  	(v2sf) =	vpush v1, $0x8;
	[tilespmem:s26], [sflag:$0x1] =	stream.strided.gather [hbm4b:s22+s15], $0x0, s14, s15, $0x38;
	[tilespmem:$0x10400] =	vst v63  }
0x2c0: {  	s7 =	sand.u32 $0x1FFFFFF0, s30;
	s30 =	rddreg [dreg:$0x6]  }
0x2c1: {  	[tilespmem:s26], [sflag:$0x1] =	stream.linear.gather [hbm4b:s22+s13], $0x20, $0x38;
	[tilespmem:$0x10400] =	vst v63  }
0x2c2: {  	s9 =	sadd.s32 s30, s9;
	s29 =	sor.u32 $0x540, s18;
	s28 =	spop (v2sf)  }
0x2c3: {  	(v2sf) =	vpush v61, $0x8;
	[tilespmem:s29], [sflag:$0x1] =	stream.strided.gather [hbm4b:s9+s15], $0x0, s14, s15, $0x38;
	[tilespmem:$0x10400] =	vst v63  }
0x2c4: {  	s0 =	sand.u32 $0x1FFFFFF0, s5;
	s11 =	rddreg [dreg:$0x5]  }
0x2c5: {  	[tilespmem:s29], [sflag:$0x1] =	stream.linear.gather [hbm4b:s9+s13], $0x20, $0x38;
	[tilespmem:$0x10400] =	vst v63  }
0x2c6: {  	s5 =	sor.u32 $0x560, s18;
	s10 =	sadd.s32 s11, s10;
	s31 =	spop (v2sf)  }
0x2c7: {  	(v2sf) =	vpush v1, $0x9;
	[tilespmem:s5], [sflag:$0x1] =	stream.strided.gather [hbm4b:s10+s15], $0x0, s14, s15, $0x38;
	[tilespmem:$0x10400] =	vst v63  }
0x2c8: {  	s12 =	sand.u32 $0x1FFFFFF0, s12;
	s24 =	rddreg [dreg:$0x4]  }
0x2c9: {  	[tilespmem:s5], [sflag:$0x1] =	stream.linear.gather [hbm4b:s10+s13], $0x20, $0x38;
	[tilespmem:$0x10400] =	vst v63  }
0x2ca: {  	s23 =	sor.u32 $0x580, s18;
	s16 =	sand.u32 $0x1FFFFFF0, s25;
	s25 =	sadd.s32 s24, s8  }
0x2cb: {  	[tilespmem:s23], [sflag:$0x1] =	stream.strided.gather [hbm4b:s25+s15], $0x0, s14, s15, $0x38;
	[tilespmem:$0x10400] =	vst v63  }
0x2cc: {  	s2 =	sand.u32 $0x1FFFFFF0, s17;
	s17 =	sand.u32 $0x1FFFFFF0, s28;
	s19 =	spop (v2sf)  }
0x2cd: {  	(v2sf) =	vpush v61, $0x9;
	[tilespmem:s23], [sflag:$0x1] =	stream.linear.gather [hbm4b:s25+s13], $0x20, $0x38;
	[tilespmem:$0x10400] =	vst v63  }
0x2ce: {  	s28 =	sor.u32 $0x5A0, s18;
	s29 =	sadd.s32 s1, s12;
	s26 =	spop (v2sf)  }
0x2cf: {  	(v2sf) =	vpush v1, $0xA;
	[tilespmem:s28], [sflag:$0x1] =	stream.strided.gather [hbm4b:s29+s15], $0x0, s14, s15, $0x38;
	[tilespmem:$0x10400] =	vst v63  }
0x2d0: {  	s11 =	sand.u32 $0x1FFFFFF0, s31;
	s10 =	rddreg [dreg:$0x6]  }
0x2d1: {  	[tilespmem:s28], [sflag:$0x1] =	stream.linear.gather [hbm4b:s29+s13], $0x20, $0x38;
	[tilespmem:$0x10400] =	vst v63  }
0x2d2: {  	s5 =	sor.u32 $0x5C0, s18;
	s8 =	sadd.s32 s10, s8;
	s31 =	spop (v2sf)  }
0x2d3: {  	(v2sf) =	vpush v61, $0xA;
	[tilespmem:s5], [sflag:$0x1] =	stream.strided.gather [hbm4b:s8+s15], $0x0, s14, s15, $0x38;
	[tilespmem:$0x10400] =	vst v63  }
0x2d4: {  	s25 =	rddreg [dreg:$0x5]  }
0x2d5: {  	[tilespmem:s5], [sflag:$0x1] =	stream.linear.gather [hbm4b:s8+s13], $0x20, $0x38;
	[tilespmem:$0x10400] =	vst v63  }
0x2d6: {  	s24 =	sor.u32 $0x5E0, s18;
	s23 =	spop (v2sf);
	s12 =	sadd.s32 s25, s12  }
0x2d7: {  	(v2sf) =	vpush v1, $0xB;
	[tilespmem:s24], [sflag:$0x1] =	stream.strided.gather [hbm4b:s12+s15], $0x0, s14, s15, $0x38;
	[tilespmem:$0x10400] =	vst v63  }
0x2d8: {  	s4 =	sor.u32 $0x620, s18;
	s29 =	rddreg [dreg:$0x4]  }
0x2d9: {  	[tilespmem:s24], [sflag:$0x1] =	stream.linear.gather [hbm4b:s12+s13], $0x20, $0x38;
	[tilespmem:$0x10400] =	vst v63  }
0x2da: {  	s28 =	sor.u32 $0x600, s18;
	s8 =	sand.u32 $0x1FFFFFF0, s23;
	s23 =	sadd.s32 s29, s7  }
0x2db: {  	[tilespmem:s28], [sflag:$0x1] =	stream.strided.gather [hbm4b:s23+s15], $0x0, s14, s15, $0x38;
	[tilespmem:$0x10400] =	vst v63  }
0x2dc: {  	s30 =	sand.u32 $0x1FFFFFF0, s19;
	s19 =	sand.u32 $0x1FFFFFF0, s26;
	s26 =	spop (v2sf)  }
0x2dd: {  	(v2sf) =	vpush v61, $0xB;
	[tilespmem:s28], [sflag:$0x1] =	stream.linear.gather [hbm4b:s23+s13], $0x20, $0x38;
	[tilespmem:$0x10400] =	vst v63  }
0x2de: {  	s10 =	sand.u32 $0x1FFFFFF0, s31;
	s5 =	sadd.s32 s1, s2;
	s31 =	spop (v2sf)  }
0x2df: {  	(v2sf) =	vpush v1, $0xC;
	[tilespmem:s4], [sflag:$0x1] =	stream.strided.gather [hbm4b:s5+s15], $0x0, s14, s15, $0x38;
	[tilespmem:$0x10400] =	vst v63  }
0x2e0: {  	s9 =	sand.u32 $0x1FFFFFF0, s26;
	s26 =	rddreg [dreg:$0x6]  }
0x2e1: {  	[tilespmem:s4], [sflag:$0x1] =	stream.linear.gather [hbm4b:s5+s13], $0x20, $0x38;
	[tilespmem:$0x10400] =	vst v63  }
0x2e2: {  	s25 =	sor.u32 $0x640, s18;
	s24 =	spop (v2sf);
	s28 =	sadd.s32 s26, s7  }
0x2e3: {  	(v2sf) =	vpush v61, $0xC;
	[tilespmem:s25], [sflag:$0x1] =	stream.strided.gather [hbm4b:s28+s15], $0x0, s14, s15, $0x38;
	[tilespmem:$0x10400] =	vst v63  }
0x2e4: {  	s29 =	sand.u32 $0x1FFFFFF0, s31;
	s7 =	sand.u32 $0x1FFFFFF0, s24;
	s24 =	rddreg [dreg:$0x5]  }
0x2e5: {  	[tilespmem:s25], [sflag:$0x1] =	stream.linear.gather [hbm4b:s28+s13], $0x20, $0x38;
	[tilespmem:$0x10400] =	vst v63  }
0x2e6: {  	s31 =	spop (v2sf);
	s2 =	sadd.s32 s24, s2;
	s5 =	sor.u32 $0x660, s18  }
0x2e7: {  	[tilespmem:s5], [sflag:$0x1] =	stream.strided.gather [hbm4b:s2+s15], $0x0, s14, s15, $0x38;
	[tilespmem:$0x10400] =	vst v63  }
0x2e8: {  	s12 =	sand.u32 $0x1FFFFFF0, s31;
	s31 =	rddreg [dreg:$0x4]  }
0x2e9: {  	(v2sf) =	vpush v1, $0xD;
	[tilespmem:s5], [sflag:$0x1] =	stream.linear.gather [hbm4b:s2+s13], $0x20, $0x38;
	[tilespmem:$0x10400] =	vst v63  }
0x2ea: {  	s26 =	sor.u32 $0x680, s18;
	s4 =	sadd.s32 s31, s0  }
0x2eb: {  	[tilespmem:s26], [sflag:$0x1] =	stream.strided.gather [hbm4b:s4+s15], $0x0, s14, s15, $0x38;
	[tilespmem:$0x10400] =	vst v63  }
0x2ec: {  	s21 =	sand.u32 $0x1FFFFFF0, s21;
	s25 =	spop (v2sf)  }
0x2ed: {  	(v2sf) =	vpush v61, $0xD;
	[tilespmem:s26], [sflag:$0x1] =	stream.linear.gather [hbm4b:s4+s13], $0x20, $0x38;
	[tilespmem:$0x10400] =	vst v63  }
0x2ee: {  	s23 =	sor.u32 $0x6A0, s18;
	s24 =	sadd.s32 s1, s21;
	s5 =	spop (v2sf)  }
0x2ef: {  	(v2sf) =	vpush v1, $0xE;
	[tilespmem:s23], [sflag:$0x1] =	stream.strided.gather [hbm4b:s24+s15], $0x0, s14, s15, $0x38;
	[tilespmem:$0x10400] =	vst v63  }
0x2f0: {  	s31 =	sor.u32 $0x6C0, s18;
	s4 =	rddreg [dreg:$0x6]  }
0x2f1: {  	[tilespmem:s23], [sflag:$0x1] =	stream.linear.gather [hbm4b:s24+s13], $0x20, $0x38;
	[tilespmem:$0x10400] =	vst v63  }
0x2f2: {  	s28 =	sand.u32 $0x1FFFFFF0, s25;
	s25 =	spop (v2sf);
	s0 =	sadd.s32 s4, s0  }
0x2f3: {  	[tilespmem:s31], [sflag:$0x1] =	stream.strided.gather [hbm4b:s0+s15], $0x0, s14, s15, $0x38;
	[tilespmem:$0x10400] =	vst v63  }
0x2f4: {  	s2 =	sand.u32 $0x1FFFFFF0, s25;
	s25 =	rddreg [dreg:$0x5]  }
0x2f5: {  	[tilespmem:s31], [sflag:$0x1] =	stream.linear.gather [hbm4b:s0+s13], $0x20, $0x38;
	[tilespmem:$0x10400] =	vst v63  }
0x2f6: {  	s21 =	sadd.s32 s25, s21;
	s24 =	sor.u32 $0x6E0, s18  }
0x2f7: {  	[tilespmem:s24], [sflag:$0x1] =	stream.strided.gather [hbm4b:s21+s15], $0x0, s14, s15, $0x38;
	[tilespmem:$0x10400] =	vst v63  }
0x2f8: {  	s26 =	sand.u32 $0x1FFFFFF0, s5;
	s5 =	spop (v2sf);
	s23 =	rddreg [dreg:$0x4]  }
0x2f9: {  	[tilespmem:s24], [sflag:$0x1] =	stream.linear.gather [hbm4b:s21+s13], $0x20, $0x38;
	[tilespmem:$0x10400] =	vst v63  }
0x2fa: {  	s0 =	sand.u32 $0x1FFFFFF0, s5;
	s5 =	sor.u32 $0x700, s18;
	s24 =	sadd.s32 s23, s16  }
0x2fb: {  	[tilespmem:s5], [sflag:$0x1] =	stream.strided.gather [hbm4b:s24+s15], $0x0, s14, s15, $0x38;
	[tilespmem:$0x10400] =	vst v63  }
0x2fc: {  	s4 =	sor.u32 $0x720, s18;
	s31 =	spop (v2sf)  }
0x2fd: {  	[tilespmem:s5], [sflag:$0x1] =	stream.linear.gather [hbm4b:s24+s13], $0x20, $0x38;
	[tilespmem:$0x10400] =	vst v63  }
0x2fe: {  	s25 =	sand.u32 $0x1FFFFFF0, s31;
	s31 =	spop (v2sf);
	s24 =	sadd.s32 s1, s17  }
0x2ff: {  	[tilespmem:s4], [sflag:$0x1] =	stream.strided.gather [hbm4b:s24+s15], $0x0, s14, s15, $0x38;
	[tilespmem:$0x10400] =	vst v63  }
0x300: {  	s23 =	sand.u32 $0x1FFFFFF0, s31;
	s31 =	rddreg [dreg:$0x6]  }
0x301: {  	[tilespmem:s4], [sflag:$0x1] =	stream.linear.gather [hbm4b:s24+s13], $0x20, $0x38;
	[tilespmem:$0x10400] =	vst v63  }
0x302: {  	s16 =	sadd.s32 s31, s16;
	s5 =	sor.u32 $0x740, s18  }
0x303: {  	[tilespmem:s5], [sflag:$0x1] =	stream.strided.gather [hbm4b:s16+s15], $0x0, s14, s15, $0x38;
	[tilespmem:$0x10400] =	vst v63  }
0x304: {  	s31 =	rddreg [dreg:$0x5]  }
0x305: {  	[tilespmem:s5], [sflag:$0x1] =	stream.linear.gather [hbm4b:s16+s13], $0x20, $0x38;
	[tilespmem:$0x10400] =	vst v63  }
0x306: {  	s17 =	sadd.s32 s31, s17;
	s5 =	sor.u32 $0x760, s18  }
0x307: {  	[tilespmem:s5], [sflag:$0x1] =	stream.strided.gather [hbm4b:s17+s15], $0x0, s14, s15, $0x38;
	[tilespmem:$0x10400] =	vst v63  }
0x308: {  	_ = 	snop  }
0x309: {  	[tilespmem:s5], [sflag:$0x1] =	stream.linear.gather [hbm4b:s17+s13], $0x20, $0x38;
	[tilespmem:$0x10400] =	vst v63  }
0x30a: {  	s17 =	rddreg [dreg:$0x4]  }
0x30b: {  	s5 =	sor.u32 $0x780, s18;
	s31 =	sadd.s32 s17, s11  }
0x30c: {  	[tilespmem:s5], [sflag:$0x1] =	stream.strided.gather [hbm4b:s31+s15], $0x0, s14, s15, $0x38;
	[tilespmem:$0x10400] =	vst v63  }
0x30d: {  	_ = 	snop  }
0x30e: {  	[tilespmem:s5], [sflag:$0x1] =	stream.linear.gather [hbm4b:s31+s13], $0x20, $0x38;
	[tilespmem:$0x10400] =	vst v63  }
0x30f: {  	s4 =	sor.u32 $0x7A0, s18;
	s5 =	sadd.s32 s1, s30  }
0x310: {  	[tilespmem:s4], [sflag:$0x1] =	stream.strided.gather [hbm4b:s5+s15], $0x0, s14, s15, $0x38;
	[tilespmem:$0x10400] =	vst v63  }
0x311: {  	s31 =	rddreg [dreg:$0x6]  }
0x312: {  	[tilespmem:s4], [sflag:$0x1] =	stream.linear.gather [hbm4b:s5+s13], $0x20, $0x38;
	[tilespmem:$0x10400] =	vst v63  }
0x313: {  	s17 =	sor.u32 $0x7C0, s18;
	s11 =	sadd.s32 s31, s11  }
0x314: {  	[tilespmem:s17], [sflag:$0x1] =	stream.strided.gather [hbm4b:s11+s15], $0x0, s14, s15, $0x38;
	[tilespmem:$0x10400] =	vst v63  }
0x315: {  	s16 =	rddreg [dreg:$0x5]  }
0x316: {  	[tilespmem:s17], [sflag:$0x1] =	stream.linear.gather [hbm4b:s11+s13], $0x20, $0x38;
	[tilespmem:$0x10400] =	vst v63  }
0x317: {  	s5 =	sor.u32 $0x7E0, s18;
	s17 =	sadd.s32 s16, s30  }
0x318: {  	[tilespmem:s5], [sflag:$0x1] =	stream.strided.gather [hbm4b:s17+s15], $0x0, s14, s15, $0x38;
	[tilespmem:$0x10400] =	vst v63  }
0x319: {  	s31 =	rddreg [dreg:$0x4]  }
0x31a: {  	[tilespmem:s5], [sflag:$0x1] =	stream.linear.gather [hbm4b:s17+s13], $0x20, $0x38;
	[tilespmem:$0x10400] =	vst v63  }
0x31b: {  	s30 =	sor.u32 $0x800, s18;
	s5 =	sadd.s32 s31, s19  }
0x31c: {  	[tilespmem:s30], [sflag:$0x1] =	stream.strided.gather [hbm4b:s5+s15], $0x0, s14, s15, $0x38;
	[tilespmem:$0x10400] =	vst v63  }
0x31d: {  	_ = 	snop  }
0x31e: {  	[tilespmem:s30], [sflag:$0x1] =	stream.linear.gather [hbm4b:s5+s13], $0x20, $0x38;
	[tilespmem:$0x10400] =	vst v63  }
0x31f: {  	s16 =	sor.u32 $0x820, s18;
	s17 =	sadd.s32 s1, s10  }
0x320: {  	[tilespmem:s16], [sflag:$0x1] =	stream.strided.gather [hbm4b:s17+s15], $0x0, s14, s15, $0x38;
	[tilespmem:$0x10400] =	vst v63  }
0x321: {  	s31 =	rddreg [dreg:$0x6]  }
0x322: {  	[tilespmem:s16], [sflag:$0x1] =	stream.linear.gather [hbm4b:s17+s13], $0x20, $0x38;
	[tilespmem:$0x10400] =	vst v63  }
0x323: {  	s30 =	sor.u32 $0x840, s18;
	s5 =	sadd.s32 s31, s19  }
0x324: {  	[tilespmem:s30], [sflag:$0x1] =	stream.strided.gather [hbm4b:s5+s15], $0x0, s14, s15, $0x38;
	[tilespmem:$0x10400] =	vst v63  }
0x325: {  	s19 =	rddreg [dreg:$0x5]  }
0x326: {  	[tilespmem:s30], [sflag:$0x1] =	stream.linear.gather [hbm4b:s5+s13], $0x20, $0x38;
	[tilespmem:$0x10400] =	vst v63  }
0x327: {  	s10 =	sadd.s32 s19, s10;
	s17 =	sor.u32 $0x860, s18  }
0x328: {  	[tilespmem:s17], [sflag:$0x1] =	stream.strided.gather [hbm4b:s10+s15], $0x0, s14, s15, $0x38;
	[tilespmem:$0x10400] =	vst v63  }
0x329: {  	s31 =	rddreg [dreg:$0x4]  }
0x32a: {  	[tilespmem:s17], [sflag:$0x1] =	stream.linear.gather [hbm4b:s10+s13], $0x20, $0x38;
	[tilespmem:$0x10400] =	vst v63  }
0x32b: {  	s30 =	sor.u32 $0x880, s18;
	s5 =	sadd.s32 s31, s8  }
0x32c: {  	[tilespmem:s30], [sflag:$0x1] =	stream.strided.gather [hbm4b:s5+s15], $0x0, s14, s15, $0x38;
	[tilespmem:$0x10400] =	vst v63  }
0x32d: {  	_ = 	snop  }
0x32e: {  	[tilespmem:s30], [sflag:$0x1] =	stream.linear.gather [hbm4b:s5+s13], $0x20, $0x38;
	[tilespmem:$0x10400] =	vst v63  }
0x32f: {  	s11 =	sor.u32 $0x8A0, s18;
	s16 =	sadd.s32 s1, s9  }
0x330: {  	[tilespmem:s11], [sflag:$0x1] =	stream.strided.gather [hbm4b:s16+s15], $0x0, s14, s15, $0x38;
	[tilespmem:$0x10400] =	vst v63  }
0x331: {  	s19 =	rddreg [dreg:$0x6]  }
0x332: {  	[tilespmem:s11], [sflag:$0x1] =	stream.linear.gather [hbm4b:s16+s13], $0x20, $0x38;
	[tilespmem:$0x10400] =	vst v63  }
0x333: {  	s8 =	sadd.s32 s19, s8;
	s17 =	sor.u32 $0x8C0, s18  }
0x334: {  	[tilespmem:s17], [sflag:$0x1] =	stream.strided.gather [hbm4b:s8+s15], $0x0, s14, s15, $0x38;
	[tilespmem:$0x10400] =	vst v63  }
0x335: {  	s31 =	rddreg [dreg:$0x5]  }
0x336: {  	[tilespmem:s17], [sflag:$0x1] =	stream.linear.gather [hbm4b:s8+s13], $0x20, $0x38;
	[tilespmem:$0x10400] =	vst v63  }
0x337: {  	s9 =	sadd.s32 s31, s9;
	s30 =	sor.u32 $0x8E0, s18  }
0x338: {  	[tilespmem:s30], [sflag:$0x1] =	stream.strided.gather [hbm4b:s9+s15], $0x0, s14, s15, $0x38;
	[tilespmem:$0x10400] =	vst v63  }
0x339: {  	_ = 	snop  }
0x33a: {  	[tilespmem:s30], [sflag:$0x1] =	stream.linear.gather [hbm4b:s9+s13], $0x20, $0x38;
	[tilespmem:$0x10400] =	vst v63  }
0x33b: {  	s9 =	rddreg [dreg:$0x4]  }
0x33c: {  	s5 =	sor.u32 $0x900, s18;
	s10 =	sadd.s32 s9, s29  }
0x33d: {  	[tilespmem:s5], [sflag:$0x1] =	stream.strided.gather [hbm4b:s10+s15], $0x0, s14, s15, $0x38;
	[tilespmem:$0x10400] =	vst v63  }
0x33e: {  	_ = 	snop  }
0x33f: {  	[tilespmem:s5], [sflag:$0x1] =	stream.linear.gather [hbm4b:s10+s13], $0x20, $0x38;
	[tilespmem:$0x10400] =	vst v63  }
0x340: {  	s11 =	sor.u32 $0x920, s18;
	s16 =	sadd.s32 s1, s7  }
0x341: {  	[tilespmem:s11], [sflag:$0x1] =	stream.strided.gather [hbm4b:s16+s15], $0x0, s14, s15, $0x38;
	[tilespmem:$0x10400] =	vst v63  }
0x342: {  	s19 =	rddreg [dreg:$0x6]  }
0x343: {  	[tilespmem:s11], [sflag:$0x1] =	stream.linear.gather [hbm4b:s16+s13], $0x20, $0x38;
	[tilespmem:$0x10400] =	vst v63  }
0x344: {  	s17 =	sor.u32 $0x940, s18;
	s30 =	sadd.s32 s19, s29  }
0x345: {  	[tilespmem:s17], [sflag:$0x1] =	stream.strided.gather [hbm4b:s30+s15], $0x0, s14, s15, $0x38;
	[tilespmem:$0x10400] =	vst v63  }
0x346: {  	s5 =	rddreg [dreg:$0x5]  }
0x347: {  	[tilespmem:s17], [sflag:$0x1] =	stream.linear.gather [hbm4b:s30+s13], $0x20, $0x38;
	[tilespmem:$0x10400] =	vst v63  }
0x348: {  	s31 =	sor.u32 $0x960, s18;
	s7 =	sadd.s32 s5, s7  }
0x349: {  	[tilespmem:s31], [sflag:$0x1] =	stream.strided.gather [hbm4b:s7+s15], $0x0, s14, s15, $0x38;
	[tilespmem:$0x10400] =	vst v63  }
0x34a: {  	s9 =	rddreg [dreg:$0x4]  }
0x34b: {  	[tilespmem:s31], [sflag:$0x1] =	stream.linear.gather [hbm4b:s7+s13], $0x20, $0x38;
	[tilespmem:$0x10400] =	vst v63  }
0x34c: {  	s8 =	sor.u32 $0x980, s18;
	s10 =	sadd.s32 s9, s12  }
0x34d: {  	[tilespmem:s8], [sflag:$0x1] =	stream.strided.gather [hbm4b:s10+s15], $0x0, s14, s15, $0x38;
	[tilespmem:$0x10400] =	vst v63  }
0x34e: {  	_ = 	snop  }
0x34f: {  	[tilespmem:s8], [sflag:$0x1] =	stream.linear.gather [hbm4b:s10+s13], $0x20, $0x38;
	[tilespmem:$0x10400] =	vst v63  }
0x350: {  	s11 =	sor.u32 $0x9A0, s18;
	s16 =	sadd.s32 s1, s28  }
0x351: {  	[tilespmem:s11], [sflag:$0x1] =	stream.strided.gather [hbm4b:s16+s15], $0x0, s14, s15, $0x38;
	[tilespmem:$0x10400] =	vst v63  }
0x352: {  	s19 =	rddreg [dreg:$0x6]  }
0x353: {  	[tilespmem:s11], [sflag:$0x1] =	stream.linear.gather [hbm4b:s16+s13], $0x20, $0x38;
	[tilespmem:$0x10400] =	vst v63  }
0x354: {  	s29 =	sadd.s32 s19, s12;
	s17 =	sor.u32 $0x9C0, s18  }
0x355: {  	[tilespmem:s17], [sflag:$0x1] =	stream.strided.gather [hbm4b:s29+s15], $0x0, s14, s15, $0x38;
	[tilespmem:$0x10400] =	vst v63  }
0x356: {  	s31 =	rddreg [dreg:$0x5]  }
0x357: {  	[tilespmem:s17], [sflag:$0x1] =	stream.linear.gather [hbm4b:s29+s13], $0x20, $0x38;
	[tilespmem:$0x10400] =	vst v63  }
0x358: {  	s30 =	sor.u32 $0x9E0, s18;
	s4 =	sadd.s32 s31, s28  }
0x359: {  	[tilespmem:s30], [sflag:$0x1] =	stream.strided.gather [hbm4b:s4+s15], $0x0, s14, s15, $0x38;
	[tilespmem:$0x10400] =	vst v63  }
0x35a: {  	s8 =	rddreg [dreg:$0x4]  }
0x35b: {  	[tilespmem:s30], [sflag:$0x1] =	stream.linear.gather [hbm4b:s4+s13], $0x20, $0x38;
	[tilespmem:$0x10400] =	vst v63  }
0x35c: {  	s5 =	sor.u32 $0xA00, s18;
	s9 =	sadd.s32 s8, s26  }
0x35d: {  	[tilespmem:s5], [sflag:$0x1] =	stream.strided.gather [hbm4b:s9+s15], $0x0, s14, s15, $0x38;
	[tilespmem:$0x10400] =	vst v63  }
0x35e: {  	_ = 	snop  }
0x35f: {  	[tilespmem:s5], [sflag:$0x1] =	stream.linear.gather [hbm4b:s9+s13], $0x20, $0x38;
	[tilespmem:$0x10400] =	vst v63  }
0x360: {  	s10 =	sor.u32 $0xA20, s18;
	s11 =	sadd.s32 s1, s2  }
0x361: {  	[tilespmem:s10], [sflag:$0x1] =	stream.strided.gather [hbm4b:s11+s15], $0x0, s14, s15, $0x38;
	[tilespmem:$0x10400] =	vst v63  }
0x362: {  	s16 =	rddreg [dreg:$0x6]  }
0x363: {  	[tilespmem:s10], [sflag:$0x1] =	stream.linear.gather [hbm4b:s11+s13], $0x20, $0x38;
	[tilespmem:$0x10400] =	vst v63  }
0x364: {  	s12 =	sor.u32 $0xA40, s18;
	s17 =	sadd.s32 s16, s26  }
0x365: {  	[tilespmem:s12], [sflag:$0x1] =	stream.strided.gather [hbm4b:s17+s15], $0x0, s14, s15, $0x38;
	[tilespmem:$0x10400] =	vst v63  }
0x366: {  	s26 =	rddreg [dreg:$0x5]  }
0x367: {  	[tilespmem:s12], [sflag:$0x1] =	stream.linear.gather [hbm4b:s17+s13], $0x20, $0x38;
	[tilespmem:$0x10400] =	vst v63  }
0x368: {  	s19 =	sor.u32 $0xA60, s18;
	s2 =	sadd.s32 s26, s2  }
0x369: {  	[tilespmem:s19], [sflag:$0x1] =	stream.strided.gather [hbm4b:s2+s15], $0x0, s14, s15, $0x38;
	[tilespmem:$0x10400] =	vst v63  }
0x36a: {  	s29 =	rddreg [dreg:$0x4]  }
0x36b: {  	[tilespmem:s19], [sflag:$0x1] =	stream.linear.gather [hbm4b:s2+s13], $0x20, $0x38;
	[tilespmem:$0x10400] =	vst v63  }
0x36c: {  	s28 =	sor.u32 $0xA80, s18;
	s30 =	sadd.s32 s29, s0  }
0x36d: {  	(v2sf) =	vpush v61, $0xE;
	[tilespmem:s28], [sflag:$0x1] =	stream.strided.gather [hbm4b:s30+s15], $0x0, s14, s15, $0x38;
	[tilespmem:$0x10400] =	vst v63  }
0x36e: {  	_ = 	snop  }
0x36f: {  	[tilespmem:s28], [sflag:$0x1] =	stream.linear.gather [hbm4b:s30+s13], $0x20, $0x38;
	[tilespmem:$0x10400] =	vst v63  }
0x370: {  	s31 =	sor.u32 $0xAA0, s18;
	s4 =	sadd.s32 s1, s25  }
0x371: {  	[tilespmem:s31], [sflag:$0x1] =	stream.strided.gather [hbm4b:s4+s15], $0x0, s14, s15, $0x38;
	[tilespmem:$0x10400] =	vst v63  }
0x372: {  	s7 =	rddreg [dreg:$0x6]  }
0x373: {  	[tilespmem:s31], [sflag:$0x1] =	stream.linear.gather [hbm4b:s4+s13], $0x20, $0x38;
	[tilespmem:$0x10400] =	vst v63  }
0x374: {  	s0 =	sadd.s32 s7, s0;
	s5 =	sor.u32 $0xAC0, s18  }
0x375: {  	[tilespmem:s5], [sflag:$0x1] =	stream.strided.gather [hbm4b:s0+s15], $0x0, s14, s15, $0x38;
	[tilespmem:$0x10400] =	vst v63  }
0x376: {  	s9 =	rddreg [dreg:$0x5]  }
0x377: {  	[tilespmem:s5], [sflag:$0x1] =	stream.linear.gather [hbm4b:s0+s13], $0x20, $0x38;
	[tilespmem:$0x10400] =	vst v63  }
0x378: {  	s8 =	sor.u32 $0xAE0, s18;
	s2 =	sadd.s32 s9, s25  }
0x379: {  	(v2sf) =	vpush v1, $0xF;
	[tilespmem:s8], [sflag:$0x1] =	stream.strided.gather [hbm4b:s2+s15], $0x0, s14, s15, $0x38;
	[tilespmem:$0x10400] =	vst v63  }
0x37a: {  	s11 =	rddreg [dreg:$0x4]  }
0x37b: {  	[tilespmem:s8], [sflag:$0x1] =	stream.linear.gather [hbm4b:s2+s13], $0x20, $0x38;
	[tilespmem:$0x10400] =	vst v63  }
0x37c: {  	s22 =	spop (v2sf);
	s10 =	sor.u32 $0xB00, s18;
	s2 =	sadd.s32 s11, s23  }
0x37d: {  	(v2sf) =	vpush v61, $0xF;
	[tilespmem:s10], [sflag:$0x1] =	stream.strided.gather [hbm4b:s2+s15], $0x0, s14, s15, $0x38;
	[tilespmem:$0x10400] =	vst v63  }
0x37e: {  	s24 =	sand.u32 $0x1FFFFFF0, s22  }
0x37f: {  	[tilespmem:s10], [sflag:$0x1] =	stream.linear.gather [hbm4b:s2+s13], $0x20, $0x38;
	[tilespmem:$0x10400] =	vst v63  }
0x380: {  	s16 =	sadd.s32 s1, s24;
	s12 =	sor.u32 $0xB20, s18  }
0x381: {  	[tilespmem:s12], [sflag:$0x1] =	stream.strided.gather [hbm4b:s16+s15], $0x0, s14, s15, $0x38;
	[tilespmem:$0x10400] =	vst v63  }
0x382: {  	s19 =	rddreg [dreg:$0x6]  }
0x383: {  	[tilespmem:s12], [sflag:$0x1] =	stream.linear.gather [hbm4b:s16+s13], $0x20, $0x38;
	[tilespmem:$0x10400] =	vst v63  }
0x384: {  	s17 =	sor.u32 $0xB40, s18;
	s2 =	sadd.s32 s19, s23  }
0x385: {  	[tilespmem:s17], [sflag:$0x1] =	stream.strided.gather [hbm4b:s2+s15], $0x0, s14, s15, $0x38;
	[tilespmem:$0x10400] =	vst v63  }
0x386: {  	s26 =	rddreg [dreg:$0x5]  }
0x387: {  	[tilespmem:s17], [sflag:$0x1] =	stream.linear.gather [hbm4b:s2+s13], $0x20, $0x38;
	[tilespmem:$0x10400] =	vst v63  }
0x388: {  	s22 =	spop (v2sf);
	s25 =	sor.u32 $0xB60, s18;
	s2 =	sadd.s32 s26, s24  }
0x389: {  	[tilespmem:s25], [sflag:$0x1] =	stream.strided.gather [hbm4b:s2+s15], $0x0, s14, s15, $0x38;
	[tilespmem:$0x10400] =	vst v63  }
0x38a: {  	s21 =	sand.u32 $0x1FFFFFF0, s22;
	s29 =	rddreg [dreg:$0x4]  }
0x38b: {  	[tilespmem:s25], [sflag:$0x1] =	stream.linear.gather [hbm4b:s2+s13], $0x20, $0x38;
	[tilespmem:$0x10400] =	vst v63  }
0x38c: {  	s22 =	spop (v2sf);
	s28 =	sor.u32 $0xB80, s18;
	s2 =	sadd.s32 s29, s21  }
0x38d: {  	[tilespmem:s28], [sflag:$0x1] =	stream.strided.gather [hbm4b:s2+s15], $0x0, s14, s15, $0x38;
	[tilespmem:$0x10400] =	vst v63  }
0x38e: {  	s22 =	sand.u32 $0x1FFFFFF0, s22  }
0x38f: {  	[tilespmem:s28], [sflag:$0x1] =	stream.linear.gather [hbm4b:s2+s13], $0x20, $0x38;
	[tilespmem:$0x10400] =	vst v63  }
0x390: {  	s30 =	sor.u32 $0xBA0, s18;
	s31 =	sadd.s32 s1, s22  }
0x391: {  	[tilespmem:s30], [sflag:$0x1] =	stream.strided.gather [hbm4b:s31+s15], $0x0, s14, s15, $0x38;
	[tilespmem:$0x10400] =	vst v63  }
0x392: {  	s5 =	rddreg [dreg:$0x6]  }
0x393: {  	[tilespmem:s30], [sflag:$0x1] =	stream.linear.gather [hbm4b:s31+s13], $0x20, $0x38;
	[tilespmem:$0x10400] =	vst v63  }
0x394: {  	s4 =	sor.u32 $0xBC0, s18;
	s2 =	sadd.s32 s5, s21  }
0x395: {  	[tilespmem:s4], [sflag:$0x1] =	stream.strided.gather [hbm4b:s2+s15], $0x0, s14, s15, $0x38;
	[tilespmem:$0x10400] =	vst v63  }
0x396: {  	s8 =	rddreg [dreg:$0x5]  }
0x397: {  	[tilespmem:s4], [sflag:$0x1] =	stream.linear.gather [hbm4b:s2+s13], $0x20, $0x38;
	[tilespmem:$0x10400] =	vst v63  }
0x398: {  	s7 =	sor.u32 $0xBE0, s18;
	s2 =	sadd.s32 s8, s22  }
0x399: {  	[tilespmem:s7], [sflag:$0x1] =	stream.strided.gather [hbm4b:s2+s15], $0x0, s14, s15, $0x38;
	[tilespmem:$0x10400] =	vst v63  }
0x39a: {  	_ = 	snop  }
0x39b: {  	[tilespmem:s7], [sflag:$0x1] =	stream.linear.gather [hbm4b:s2+s13], $0x20, $0x38;
	[tilespmem:$0x10400] =	vst v63  }
0x39c: {  	v62 =	vld [tilespmem:s20+$0x10];
	_ =	sdelay $0x3  }
0x39d: {  	v63 =	vld [tilespmem:s20+$0x210]  }
0x39e: {  	v0 =	vshll.u32 v62, $0x4  }
0x39f: {  	(v2sf) =	vpush v0, $0x0  }
0x3a0: {  	(v2sf) =	vpush v0, $0x1  }
0x3a1: {  	(v2sf) =	vpush v0, $0x2  }
0x3a2: {  	v1 =	vshll.u32 v63, $0x4  }
0x3a3: {  	(v2sf) =	vpush v1, $0x0  }
0x3a4: {  	(v2sf) =	vpush v1, $0x1;
	_ =	sdelay $0x1  }
0x3a5: {  	(v2sf) =	vpush v1, $0x2;
	_ =	sdelay $0x1  }
0x3a6: {  	(v2sf) =	vpush v0, $0x3;
	_ =	sdelay $0x1  }
0x3a7: {  	(v2sf) =	vpush v1, $0x3;
	_ =	sdelay $0x1  }
0x3a8: {  	(v2sf) =	vpush v0, $0x4;
	_ =	sdelay $0x1  }
0x3a9: {  	s10 =	sor.u32 $0x400, s3;
	s19 =	sor.u32 $0x440, s3;
	s9 =	spop (v2sf);
	(v2sf) =	vpush v1, $0x4  }
0x3aa: {  	s12 =	rddreg [dreg:$0x4];
	s0 =	sand.u32 $0x1FFFFFF0, s9;
	s11 =	spop (v2sf)  }
0x3ab: {  	s26 =	rddreg [dreg:$0x6];
	s16 =	sadd.s32 s12, s0;
	s17 =	spop (v2sf);
	(v2sf) =	vpush v0, $0x5  }
0x3ac: {  	[tilespmem:s10], [sflag:$0x1] =	stream.strided.gather [hbm4b:s16+s15], $0x0, s14, s15, $0x38;
	[tilespmem:$0x10400] =	vst v63  }
0x3ad: {  	s29 =	sor.u32 $0x460, s3;
	s21 =	sor.u32 $0x420, s3;
	s20 =	spop (v2sf);
	(v2sf) =	vpush v1, $0x5  }
0x3ae: {  	s31 =	rddreg [dreg:$0x5];
	s9 =	sand.u32 $0x1FFFFFF0, s20;
	s23 =	spop (v2sf)  }
0x3af: {  	(v2sf) =	vpush v0, $0x6;
	[tilespmem:s10], [sflag:$0x1] =	stream.linear.gather [hbm4b:s16+s13], $0x20, $0x38;
	[tilespmem:$0x10400] =	vst v63  }
0x3b0: {  	s2 =	sand.u32 $0x1FFFFFF0, s11;
	s24 =	sadd.s32 s1, s9;
	s25 =	spop (v2sf)  }
0x3b1: {  	(v2sf) =	vpush v1, $0x6;
	[tilespmem:s21], [sflag:$0x1] =	stream.strided.gather [hbm4b:s24+s15], $0x0, s14, s15, $0x38;
	[tilespmem:$0x10400] =	vst v63  }
0x3b2: {  	s0 =	sadd.s32 s26, s0;
	s11 =	sor.u32 $0xC80, s18;
	s28 =	spop (v2sf)  }
0x3b3: {  	(v2sf) =	vpush v0, $0x7;
	[tilespmem:s21], [sflag:$0x1] =	stream.linear.gather [hbm4b:s24+s13], $0x20, $0x38;
	[tilespmem:$0x10400] =	vst v63  }
0x3b4: {  	s26 =	sor.u32 $0xCA0, s18;
	s12 =	rddreg [dreg:$0x5];
	s30 =	spop (v2sf)  }
0x3b5: {  	(v2sf) =	vpush v1, $0x7;
	[tilespmem:s19], [sflag:$0x1] =	stream.strided.gather [hbm4b:s0+s15], $0x0, s14, s15, $0x38;
	[tilespmem:$0x10400] =	vst v63  }
0x3b6: {  	s22 =	sand.u32 $0x1FFFFFF0, s17;
	s7 =	sand.u32 $0x1FFFFFF0, s23;
	s5 =	spop (v2sf)  }
0x3b7: {  	(v2sf) =	vpush v0, $0x8;
	[tilespmem:s19], [sflag:$0x1] =	stream.linear.gather [hbm4b:s0+s13], $0x20, $0x38;
	[tilespmem:$0x10400] =	vst v63  }
0x3b8: {  	s9 =	sadd.s32 s31, s9;
	s31 =	sor.u32 $0xCC0, s18;
	s17 =	spop (v2sf)  }
0x3b9: {  	[tilespmem:s29], [sflag:$0x1] =	stream.strided.gather [hbm4b:s9+s15], $0x0, s14, s15, $0x38;
	(v2sf) =	vpush v1, $0x8;
	[tilespmem:$0x10400] =	vst v63  }
0x3ba: {  	s23 =	sand.u32 $0x1FFFFFF0, s25;
	s19 =	rddreg [dreg:$0x4];
	s25 =	spop (v2sf)  }
0x3bb: {  	[tilespmem:s29], [sflag:$0x1] =	stream.linear.gather [hbm4b:s9+s13], $0x20, $0x38;
	(v2sf) =	vpush v0, $0x9;
	[tilespmem:$0x10400] =	vst v63  }
0x3bc: {  	s21 =	sand.u32 $0x1FFFFFF0, s28;
	s20 =	sadd.s32 s19, s2;
	s28 =	spop (v2sf)  }
0x3bd: {  	(v2sf) =	vpush v1, $0x9;
	[tilespmem:s11], [sflag:$0x1] =	stream.strided.gather [hbm4b:s20+s15], $0x0, s14, s15, $0x38;
	[tilespmem:$0x10400] =	vst v63  }
0x3be: {  	s24 =	sand.u32 $0x1FFFFFF0, s30;
	s3 =	sand.u32 $0x1FFFFFF0, s5;
	s30 =	spop (v2sf);
	(v2sf) =	vpush v0, $0xA  }
0x3bf: {  	[tilespmem:s11], [sflag:$0x1] =	stream.linear.gather [hbm4b:s20+s13], $0x20, $0x38;
	[tilespmem:$0x10400] =	vst v63  }
0x3c0: {  	s19 =	rddreg [dreg:$0x6];
	s29 =	sadd.s32 s1, s7;
	s10 =	spop (v2sf);
	(v2sf) =	vpush v1, $0xA  }
0x3c1: {  	[tilespmem:s26], [sflag:$0x1] =	stream.strided.gather [hbm4b:s29+s15], $0x0, s14, s15, $0x38;
	[tilespmem:$0x10400] =	vst v63  }
0x3c2: {  	s0 =	sand.u32 $0x1FFFFFF0, s17;
	s17 =	sand.u32 $0x1FFFFFF0, s25;
	s25 =	spop (v2sf);
	(v2sf) =	vpush v0, $0xB  }
0x3c3: {  	[tilespmem:s26], [sflag:$0x1] =	stream.linear.gather [hbm4b:s29+s13], $0x20, $0x38;
	[tilespmem:$0x10400] =	vst v63  }
0x3c4: {  	s2 =	sadd.s32 s19, s2;
	s19 =	sadd.s32 s12, s7;
	s5 =	spop (v2sf);
	(v2sf) =	vpush v1, $0xB  }
0x3c5: {  	[tilespmem:s31], [sflag:$0x1] =	stream.strided.gather [hbm4b:s2+s15], $0x0, s14, s15, $0x38;
	[tilespmem:$0x10400] =	vst v63  }
0x3c6: {  	s16 =	sand.u32 $0x1FFFFFF0, s28;
	s28 =	sor.u32 $0xD00, s18;
	s7 =	spop (v2sf);
	(v2sf) =	vpush v0, $0xC  }
0x3c7: {  	[tilespmem:s31], [sflag:$0x1] =	stream.linear.gather [hbm4b:s2+s13], $0x20, $0x38;
	[tilespmem:$0x10400] =	vst v63  }
0x3c8: {  	s11 =	sand.u32 $0x1FFFFFF0, s30;
	s26 =	sor.u32 $0xCE0, s18;
	s30 =	spop (v2sf)  }
0x3c9: {  	[tilespmem:s26], [sflag:$0x1] =	stream.strided.gather [hbm4b:s19+s15], $0x0, s14, s15, $0x38;
	[tilespmem:$0x10400] =	vst v63  }
0x3ca: {  	s9 =	sand.u32 $0x1FFFFFF0, s25;
	s25 =	sor.u32 $0xD20, s18;
	(v2sf) =	vpush v1, $0xC;
	s20 =	spop (v2sf)  }
0x3cb: {  	[tilespmem:s26], [sflag:$0x1] =	stream.linear.gather [hbm4b:s19+s13], $0x20, $0x38;
	[tilespmem:$0x10400] =	vst v63  }
0x3cc: {  	s8 =	sand.u32 $0x1FFFFFF0, s5;
	s31 =	rddreg [dreg:$0x4];
	(v2sf) =	vpush v0, $0xD;
	s19 =	spop (v2sf)  }
0x3cd: {  	s5 =	sadd.s32 s31, s22;
	s12 =	sand.u32 $0x1FFFFFF0, s30;
	s30 =	spop (v2sf)  }
0x3ce: {  	(v2sf) =	vpush v1, $0xD;
	[tilespmem:s28], [sflag:$0x1] =	stream.strided.gather [hbm4b:s5+s15], $0x0, s14, s15, $0x38;
	[tilespmem:$0x10400] =	vst v63  }
0x3cf: {  	s26 =	sadd.s32 s1, s23;
	s2 =	sand.u32 $0x1FFFFFF0, s19;
	s31 =	spop (v2sf)  }
0x3d0: {  	(v2sf) =	vpush v0, $0xE;
	[tilespmem:s28], [sflag:$0x1] =	stream.linear.gather [hbm4b:s5+s13], $0x20, $0x38;
	[tilespmem:$0x10400] =	vst v63  }
0x3d1: {  	s19 =	sor.u32 $0xD40, s18;
	s29 =	spop (v2sf);
	s5 =	rddreg [dreg:$0x6]  }
0x3d2: {  	(v2sf) =	vpush v1, $0xE;
	[tilespmem:s25], [sflag:$0x1] =	stream.strided.gather [hbm4b:s26+s15], $0x0, s14, s15, $0x38;
	[tilespmem:$0x10400] =	vst v63  }
0x3d3: {  	[dreg:$0xb] =	wrdreg s30;
	s28 =	spop (v2sf);
	s30 =	sadd.s32 s5, s22  }
0x3d4: {  	(v2sf) =	vpush v0, $0xF;
	[tilespmem:s25], [sflag:$0x1] =	stream.linear.gather [hbm4b:s26+s13], $0x20, $0x38;
	[tilespmem:$0x10400] =	vst v63  }
0x3d5: {  	s22 =	sand.u32 $0x1FFFFFF0, s31;
	s31 =	rddreg [dreg:$0x5];
	s5 =	spop (v2sf)  }
0x3d6: {  	[tilespmem:s19], [sflag:$0x1] =	stream.strided.gather [hbm4b:s30+s15], $0x0, s14, s15, $0x38;
	[tilespmem:$0x10400] =	vst v63  }
0x3d7: {  	s4 =	sadd.s32 s1, s24;
	s23 =	sadd.s32 s31, s23;
	[dreg:$0xa] =	wrdreg s5  }
0x3d8: {  	[tilespmem:s19], [sflag:$0x1] =	stream.linear.gather [hbm4b:s30+s13], $0x20, $0x38;
	[tilespmem:$0x10400] =	vst v63  }
0x3d9: {  	s5 =	rddreg [dreg:$0x4];
	s25 =	sor.u32 $0xD60, s18;
	s26 =	spop (v2sf)  }
0x3da: {  	[tilespmem:s25], [sflag:$0x1] =	stream.strided.gather [hbm4b:s23+s15], $0x0, s14, s15, $0x38;
	[tilespmem:$0x10400] =	vst v63  }
0x3db: {  	s31 =	sadd.s32 s5, s21;
	s30 =	sand.u32 $0x1FFFFFF0, s26;
	s26 =	spop (v2sf)  }
0x3dc: {  	[tilespmem:s25], [sflag:$0x1] =	stream.linear.gather [hbm4b:s23+s13], $0x20, $0x38;
	[tilespmem:$0x10400] =	vst v63  }
0x3dd: {  	s19 =	sor.u32 $0xD80, s18;
	[dreg:$0x9] =	wrdreg s26;
	s5 =	spop (v2sf)  }
0x3de: {  	[tilespmem:s19], [sflag:$0x1] =	stream.strided.gather [hbm4b:s31+s15], $0x0, s14, s15, $0x38;
	[tilespmem:$0x10400] =	vst v63  }
0x3df: {  	s26 =	rddreg [dreg:$0x6];
	s23 =	sand.u32 $0x1FFFFFF0, s5;
	s5 =	spop (v2sf)  }
0x3e0: {  	[tilespmem:s19], [sflag:$0x1] =	stream.linear.gather [hbm4b:s31+s13], $0x20, $0x38;
	[tilespmem:$0x10400] =	vst v63  }
0x3e1: {  	s25 =	sor.u32 $0xDA0, s18;
	s19 =	sand.u32 $0x1FFFFFF0, s5;
	s5 =	spop (v2sf)  }
0x3e2: {  	[tilespmem:s25], [sflag:$0x1] =	stream.strided.gather [hbm4b:s4+s15], $0x0, s14, s15, $0x38;
	[tilespmem:$0x10400] =	vst v63  }
0x3e3: {  	s21 =	sadd.s32 s26, s21;
	s26 =	spop (v2sf)  }
0x3e4: {  	[tilespmem:s25], [sflag:$0x1] =	stream.linear.gather [hbm4b:s4+s13], $0x20, $0x38;
	[tilespmem:$0x10400] =	vst v63  }
0x3e5: {  	s31 =	sor.u32 $0xDC0, s18;
	[dreg:$0x8] =	wrdreg s26  }
0x3e6: {  	[tilespmem:s31], [sflag:$0x1] =	stream.strided.gather [hbm4b:s21+s15], $0x0, s14, s15, $0x38;
	[tilespmem:$0x10400] =	vst v63  }
0x3e7: {  	s26 =	rddreg [dreg:$0x5]  }
0x3e8: {  	[tilespmem:s31], [sflag:$0x1] =	stream.linear.gather [hbm4b:s21+s13], $0x20, $0x38;
	[tilespmem:$0x10400] =	vst v63  }
0x3e9: {  	s24 =	sadd.s32 s26, s24;
	s25 =	sor.u32 $0xDE0, s18  }
0x3ea: {  	[tilespmem:s25], [sflag:$0x1] =	stream.strided.gather [hbm4b:s24+s15], $0x0, s14, s15, $0x38;
	[tilespmem:$0x10400] =	vst v63  }
0x3eb: {  	s26 =	rddreg [dreg:$0x4]  }
0x3ec: {  	[tilespmem:s25], [sflag:$0x1] =	stream.linear.gather [hbm4b:s24+s13], $0x20, $0x38;
	[tilespmem:$0x10400] =	vst v63  }
0x3ed: {  	s21 =	sor.u32 $0xE00, s18;
	s31 =	sadd.s32 s26, s3  }
0x3ee: {  	[tilespmem:s21], [sflag:$0x1] =	stream.strided.gather [hbm4b:s31+s15], $0x0, s14, s15, $0x38;
	[tilespmem:$0x10400] =	vst v63  }
0x3ef: {  	_ = 	snop  }
0x3f0: {  	[tilespmem:s21], [sflag:$0x1] =	stream.linear.gather [hbm4b:s31+s13], $0x20, $0x38;
	[tilespmem:$0x10400] =	vst v63  }
0x3f1: {  	s24 =	sor.u32 $0xE20, s18;
	s25 =	sadd.s32 s1, s0  }
0x3f2: {  	[tilespmem:s24], [sflag:$0x1] =	stream.strided.gather [hbm4b:s25+s15], $0x0, s14, s15, $0x38;
	[tilespmem:$0x10400] =	vst v63  }
0x3f3: {  	s31 =	rddreg [dreg:$0x6]  }
0x3f4: {  	[tilespmem:s24], [sflag:$0x1] =	stream.linear.gather [hbm4b:s25+s13], $0x20, $0x38;
	[tilespmem:$0x10400] =	vst v63  }
0x3f5: {  	s21 =	sor.u32 $0xE40, s18;
	s3 =	sadd.s32 s31, s3  }
0x3f6: {  	[tilespmem:s21], [sflag:$0x1] =	stream.strided.gather [hbm4b:s3+s15], $0x0, s14, s15, $0x38;
	[tilespmem:$0x10400] =	vst v63  }
0x3f7: {  	s31 =	rddreg [dreg:$0x5]  }
0x3f8: {  	[tilespmem:s21], [sflag:$0x1] =	stream.linear.gather [hbm4b:s3+s13], $0x20, $0x38;
	[tilespmem:$0x10400] =	vst v63  }
0x3f9: {  	s26 =	sor.u32 $0xE60, s18;
	s0 =	sadd.s32 s31, s0  }
0x3fa: {  	[tilespmem:s26], [sflag:$0x1] =	stream.strided.gather [hbm4b:s0+s15], $0x0, s14, s15, $0x38;
	[tilespmem:$0x10400] =	vst v63  }
0x3fb: {  	s25 =	rddreg [dreg:$0x4]  }
0x3fc: {  	[tilespmem:s26], [sflag:$0x1] =	stream.linear.gather [hbm4b:s0+s13], $0x20, $0x38;
	[tilespmem:$0x10400] =	vst v63  }
0x3fd: {  	s3 =	sor.u32 $0xE80, s18;
	s21 =	sadd.s32 s25, s17  }
0x3fe: {  	[tilespmem:s3], [sflag:$0x1] =	stream.strided.gather [hbm4b:s21+s15], $0x0, s14, s15, $0x38;
	[tilespmem:$0x10400] =	vst v63  }
0x3ff: {  	_ = 	snop  }
0x400: {  	[tilespmem:s3], [sflag:$0x1] =	stream.linear.gather [hbm4b:s21+s13], $0x20, $0x38;
	[tilespmem:$0x10400] =	vst v63  }
0x401: {  	s31 =	sadd.s32 s1, s16;
	s26 =	sor.u32 $0xEA0, s18  }
0x402: {  	[tilespmem:s26], [sflag:$0x1] =	stream.strided.gather [hbm4b:s31+s15], $0x0, s14, s15, $0x38;
	[tilespmem:$0x10400] =	vst v63  }
0x403: {  	s25 =	rddreg [dreg:$0x6]  }
0x404: {  	[tilespmem:s26], [sflag:$0x1] =	stream.linear.gather [hbm4b:s31+s13], $0x20, $0x38;
	[tilespmem:$0x10400] =	vst v63  }
0x405: {  	s17 =	sadd.s32 s25, s17;
	s3 =	sor.u32 $0xEC0, s18  }
0x406: {  	[tilespmem:s3], [sflag:$0x1] =	stream.strided.gather [hbm4b:s17+s15], $0x0, s14, s15, $0x38;
	[tilespmem:$0x10400] =	vst v63  }
0x407: {  	s31 =	rddreg [dreg:$0x5]  }
0x408: {  	[tilespmem:s3], [sflag:$0x1] =	stream.linear.gather [hbm4b:s17+s13], $0x20, $0x38;
	[tilespmem:$0x10400] =	vst v63  }
0x409: {  	s26 =	sor.u32 $0xEE0, s18;
	s16 =	sadd.s32 s31, s16  }
0x40a: {  	[tilespmem:s26], [sflag:$0x1] =	stream.strided.gather [hbm4b:s16+s15], $0x0, s14, s15, $0x38;
	[tilespmem:$0x10400] =	vst v63  }
0x40b: {  	s25 =	rddreg [dreg:$0x4]  }
0x40c: {  	[tilespmem:s26], [sflag:$0x1] =	stream.linear.gather [hbm4b:s16+s13], $0x20, $0x38;
	[tilespmem:$0x10400] =	vst v63  }
0x40d: {  	s24 =	sor.u32 $0xF00, s18;
	s17 =	sadd.s32 s25, s11  }
0x40e: {  	[tilespmem:s24], [sflag:$0x1] =	stream.strided.gather [hbm4b:s17+s15], $0x0, s14, s15, $0x38;
	[tilespmem:$0x10400] =	vst v63  }
0x40f: {  	s10 =	sand.u32 $0x1FFFFFF0, s10  }
0x410: {  	[tilespmem:s24], [sflag:$0x1] =	stream.linear.gather [hbm4b:s17+s13], $0x20, $0x38;
	[tilespmem:$0x10400] =	vst v63  }
0x411: {  	s31 =	sadd.s32 s1, s10;
	s26 =	sor.u32 $0xF20, s18  }
0x412: {  	[tilespmem:s26], [sflag:$0x1] =	stream.strided.gather [hbm4b:s31+s15], $0x0, s14, s15, $0x38;
	[tilespmem:$0x10400] =	vst v63  }
0x413: {  	s24 =	rddreg [dreg:$0x6]  }
0x414: {  	[tilespmem:s26], [sflag:$0x1] =	stream.linear.gather [hbm4b:s31+s13], $0x20, $0x38;
	[tilespmem:$0x10400] =	vst v63  }
0x415: {  	s21 =	sor.u32 $0xF40, s18;
	s11 =	sadd.s32 s24, s11  }
0x416: {  	[tilespmem:s21], [sflag:$0x1] =	stream.strided.gather [hbm4b:s11+s15], $0x0, s14, s15, $0x38;
	[tilespmem:$0x10400] =	vst v63  }
0x417: {  	s26 =	rddreg [dreg:$0x5]  }
0x418: {  	[tilespmem:s21], [sflag:$0x1] =	stream.linear.gather [hbm4b:s11+s13], $0x20, $0x38;
	[tilespmem:$0x10400] =	vst v63  }
0x419: {  	s25 =	sor.u32 $0xF60, s18;
	s10 =	sadd.s32 s26, s10  }
0x41a: {  	[tilespmem:s25], [sflag:$0x1] =	stream.strided.gather [hbm4b:s10+s15], $0x0, s14, s15, $0x38;
	[tilespmem:$0x10400] =	vst v63  }
0x41b: {  	s16 =	rddreg [dreg:$0x4]  }
0x41c: {  	[tilespmem:s25], [sflag:$0x1] =	stream.linear.gather [hbm4b:s10+s13], $0x20, $0x38;
	[tilespmem:$0x10400] =	vst v63  }
0x41d: {  	s31 =	sor.u32 $0xF80, s18;
	s11 =	sadd.s32 s16, s9  }
0x41e: {  	[tilespmem:s31], [sflag:$0x1] =	stream.strided.gather [hbm4b:s11+s15], $0x0, s14, s15, $0x38;
	[tilespmem:$0x10400] =	vst v63  }
0x41f: {  	_ = 	snop  }
0x420: {  	[tilespmem:s31], [sflag:$0x1] =	stream.linear.gather [hbm4b:s11+s13], $0x20, $0x38;
	[tilespmem:$0x10400] =	vst v63  }
0x421: {  	s17 =	sor.u32 $0xFA0, s18;
	s21 =	sadd.s32 s1, s8  }
0x422: {  	[tilespmem:s17], [sflag:$0x1] =	stream.strided.gather [hbm4b:s21+s15], $0x0, s14, s15, $0x38;
	[tilespmem:$0x10400] =	vst v63  }
0x423: {  	s25 =	rddreg [dreg:$0x6]  }
0x424: {  	[tilespmem:s17], [sflag:$0x1] =	stream.linear.gather [hbm4b:s21+s13], $0x20, $0x38;
	[tilespmem:$0x10400] =	vst v63  }
0x425: {  	s24 =	sor.u32 $0xFC0, s18;
	s9 =	sadd.s32 s25, s9  }
0x426: {  	[tilespmem:s24], [sflag:$0x1] =	stream.strided.gather [hbm4b:s9+s15], $0x0, s14, s15, $0x38;
	[tilespmem:$0x10400] =	vst v63  }
0x427: {  	s31 =	rddreg [dreg:$0x5]  }
0x428: {  	[tilespmem:s24], [sflag:$0x1] =	stream.linear.gather [hbm4b:s9+s13], $0x20, $0x38;
	[tilespmem:$0x10400] =	vst v63  }
0x429: {  	s26 =	sor.u32 $0xFE0, s18;
	s8 =	sadd.s32 s31, s8  }
0x42a: {  	[tilespmem:s26], [sflag:$0x1] =	stream.strided.gather [hbm4b:s8+s15], $0x0, s14, s15, $0x38;
	[tilespmem:$0x10400] =	vst v63  }
0x42b: {  	s16 =	sand.u32 $0x1FFFFFF0, s7;
	s11 =	rddreg [dreg:$0x4]  }
0x42c: {  	[tilespmem:s26], [sflag:$0x1] =	stream.linear.gather [hbm4b:s8+s13], $0x20, $0x38;
	[tilespmem:$0x10400] =	vst v63  }
0x42d: {  	s17 =	sadd.s32 $0x1000, s18;
	s21 =	sadd.s32 s11, s16  }
0x42e: {  	[tilespmem:s17], [sflag:$0x1] =	stream.strided.gather [hbm4b:s21+s15], $0x0, s14, s15, $0x38;
	[tilespmem:$0x10400] =	vst v63  }
0x42f: {  	_ = 	snop  }
0x430: {  	[tilespmem:s17], [sflag:$0x1] =	stream.linear.gather [hbm4b:s21+s13], $0x20, $0x38;
	[tilespmem:$0x10400] =	vst v63  }
0x431: {  	s25 =	sadd.s32 s1, s12;
	s24 =	sadd.s32 $0x1020, s18  }
0x432: {  	[tilespmem:s24], [sflag:$0x1] =	stream.strided.gather [hbm4b:s25+s15], $0x0, s14, s15, $0x38;
	[tilespmem:$0x10400] =	vst v63  }
0x433: {  	s31 =	rddreg [dreg:$0x6]  }
0x434: {  	[tilespmem:s24], [sflag:$0x1] =	stream.linear.gather [hbm4b:s25+s13], $0x20, $0x38;
	[tilespmem:$0x10400] =	vst v63  }
0x435: {  	s3 =	sadd.s32 s31, s16;
	s26 =	sadd.s32 $0x1040, s18  }
0x436: {  	[tilespmem:s26], [sflag:$0x1] =	stream.strided.gather [hbm4b:s3+s15], $0x0, s14, s15, $0x38;
	[tilespmem:$0x10400] =	vst v63  }
0x437: {  	s17 =	rddreg [dreg:$0x5]  }
0x438: {  	[tilespmem:s26], [sflag:$0x1] =	stream.linear.gather [hbm4b:s3+s13], $0x20, $0x38;
	[tilespmem:$0x10400] =	vst v63  }
0x439: {  	s10 =	sadd.s32 $0x1060, s18;
	s8 =	sadd.s32 s17, s12  }
0x43a: {  	[tilespmem:s10], [sflag:$0x1] =	stream.strided.gather [hbm4b:s8+s15], $0x0, s14, s15, $0x38;
	[tilespmem:$0x10400] =	vst v63  }
0x43b: {  	s21 =	sand.u32 $0x1FFFFFF0, s20  }
0x43c: {  	[tilespmem:s10], [sflag:$0x1] =	stream.linear.gather [hbm4b:s8+s13], $0x20, $0x38;
	[tilespmem:$0x10400] =	vst v63  }
0x43d: {  	s24 =	sadd.s32 $0x1080, s18;
	s25 =	sadd.s32 s11, s21  }
0x43e: {  	[tilespmem:s24], [sflag:$0x1] =	stream.strided.gather [hbm4b:s25+s15], $0x0, s14, s15, $0x38;
	[tilespmem:$0x10400] =	vst v63  }
0x43f: {  	s12 =	smov.u32 s1  }
0x440: {  	[tilespmem:s24], [sflag:$0x1] =	stream.linear.gather [hbm4b:s25+s13], $0x20, $0x38;
	[tilespmem:$0x10400] =	vst v63  }
0x441: {  	s31 =	sadd.s32 s12, s2;
	s26 =	sadd.s32 $0x10A0, s18  }
0x442: {  	[tilespmem:s26], [sflag:$0x1] =	stream.strided.gather [hbm4b:s31+s15], $0x0, s14, s15, $0x38;
	[tilespmem:$0x10400] =	vst v63  }
0x443: {  	s16 =	rddreg [dreg:$0x6]  }
0x444: {  	[tilespmem:s26], [sflag:$0x1] =	stream.linear.gather [hbm4b:s31+s13], $0x20, $0x38;
	[tilespmem:$0x10400] =	vst v63  }
0x445: {  	s3 =	sadd.s32 s16, s21;
	s10 =	sadd.s32 $0x10C0, s18  }
0x446: {  	[tilespmem:s10], [sflag:$0x1] =	stream.strided.gather [hbm4b:s3+s15], $0x0, s14, s15, $0x38;
	[tilespmem:$0x10400] =	vst v63  }
0x447: {  	s1 =	rddreg [dreg:$0x5]  }
0x448: {  	[tilespmem:s10], [sflag:$0x1] =	stream.linear.gather [hbm4b:s3+s13], $0x20, $0x38;
	[tilespmem:$0x10400] =	vst v63  }
0x449: {  	s20 =	rddreg [dreg:$0xb];
	s17 =	sadd.s32 $0x10E0, s18;
	s2 =	sadd.s32 s1, s2  }
0x44a: {  	[tilespmem:s17], [sflag:$0x1] =	stream.strided.gather [hbm4b:s2+s15], $0x0, s14, s15, $0x38;
	[tilespmem:$0x10400] =	vst v63  }
0x44b: {  	s3 =	sand.u32 $0x1FFFFFF0, s20  }
0x44c: {  	[tilespmem:s17], [sflag:$0x1] =	stream.linear.gather [hbm4b:s2+s13], $0x20, $0x38;
	[tilespmem:$0x10400] =	vst v63  }
0x44d: {  	s21 =	sadd.s32 $0x1100, s18;
	s24 =	sadd.s32 s11, s3  }
0x44e: {  	[tilespmem:s21], [sflag:$0x1] =	stream.strided.gather [hbm4b:s24+s15], $0x0, s14, s15, $0x38;
	[tilespmem:$0x10400] =	vst v63  }
0x44f: {  	_ = 	snop  }
0x450: {  	[tilespmem:s21], [sflag:$0x1] =	stream.linear.gather [hbm4b:s24+s13], $0x20, $0x38;
	[tilespmem:$0x10400] =	vst v63  }
0x451: {  	s25 =	sadd.s32 $0x1120, s18;
	s26 =	sadd.s32 s12, s22  }
0x452: {  	[tilespmem:s25], [sflag:$0x1] =	stream.strided.gather [hbm4b:s26+s15], $0x0, s14, s15, $0x38;
	[tilespmem:$0x10400] =	vst v63  }
0x453: {  	_ = 	snop  }
0x454: {  	[tilespmem:s25], [sflag:$0x1] =	stream.linear.gather [hbm4b:s26+s13], $0x20, $0x38;
	[tilespmem:$0x10400] =	vst v63  }
0x455: {  	s31 =	sadd.s32 $0x1140, s18;
	s3 =	sadd.s32 s16, s3  }
0x456: {  	[tilespmem:s31], [sflag:$0x1] =	stream.strided.gather [hbm4b:s3+s15], $0x0, s14, s15, $0x38;
	[tilespmem:$0x10400] =	vst v63  }
0x457: {  	_ = 	snop  }
0x458: {  	[tilespmem:s31], [sflag:$0x1] =	stream.linear.gather [hbm4b:s3+s13], $0x20, $0x38;
	[tilespmem:$0x10400] =	vst v63  }
0x459: {  	s9 =	sadd.s32 s1, s22;
	s8 =	sadd.s32 $0x1160, s18  }
0x45a: {  	[tilespmem:s8], [sflag:$0x1] =	stream.strided.gather [hbm4b:s9+s15], $0x0, s14, s15, $0x38;
	[tilespmem:$0x10400] =	vst v63  }
0x45b: {  	s10 =	sand.u32 $0x1FFFFFF0, s29  }
0x45c: {  	[tilespmem:s8], [sflag:$0x1] =	stream.linear.gather [hbm4b:s9+s13], $0x20, $0x38;
	[tilespmem:$0x10400] =	vst v63  }
0x45d: {  	s20 =	sadd.s32 s11, s10;
	s17 =	sadd.s32 $0x1180, s18  }
0x45e: {  	[tilespmem:s17], [sflag:$0x1] =	stream.strided.gather [hbm4b:s20+s15], $0x0, s14, s15, $0x38;
	[tilespmem:$0x10400] =	vst v63  }
0x45f: {  	s28 =	sand.u32 $0x1FFFFFF0, s28  }
0x460: {  	[tilespmem:s17], [sflag:$0x1] =	stream.linear.gather [hbm4b:s20+s13], $0x20, $0x38;
	[tilespmem:$0x10400] =	vst v63  }
0x461: {  	s22 =	sadd.s32 s12, s28;
	s21 =	sadd.s32 $0x11A0, s18  }
0x462: {  	[tilespmem:s21], [sflag:$0x1] =	stream.strided.gather [hbm4b:s22+s15], $0x0, s14, s15, $0x38;
	[tilespmem:$0x10400] =	vst v63  }
0x463: {  	_ = 	snop  }
0x464: {  	[tilespmem:s21], [sflag:$0x1] =	stream.linear.gather [hbm4b:s22+s13], $0x20, $0x38;
	[tilespmem:$0x10400] =	vst v63  }
0x465: {  	s24 =	sadd.s32 $0x11C0, s18;
	s3 =	sadd.s32 s16, s10  }
0x466: {  	[tilespmem:s24], [sflag:$0x1] =	stream.strided.gather [hbm4b:s3+s15], $0x0, s14, s15, $0x38;
	[tilespmem:$0x10400] =	vst v63  }
0x467: {  	_ = 	snop  }
0x468: {  	[tilespmem:s24], [sflag:$0x1] =	stream.linear.gather [hbm4b:s3+s13], $0x20, $0x38;
	[tilespmem:$0x10400] =	vst v63  }
0x469: {  	s25 =	sadd.s32 $0x11E0, s18;
	s26 =	sadd.s32 s1, s28;
	s28 =	rddreg [dreg:$0xa]  }
0x46a: {  	[tilespmem:s25], [sflag:$0x1] =	stream.strided.gather [hbm4b:s26+s15], $0x0, s14, s15, $0x38;
	[tilespmem:$0x10400] =	vst v63  }
0x46b: {  	s3 =	sand.u32 $0x1FFFFFF0, s28  }
0x46c: {  	[tilespmem:s25], [sflag:$0x1] =	stream.linear.gather [hbm4b:s26+s13], $0x20, $0x38;
	[tilespmem:$0x10400] =	vst v63  }
0x46d: {  	s29 =	sadd.s32 $0x1200, s18;
	s31 =	sadd.s32 s11, s3  }
0x46e: {  	[tilespmem:s29], [sflag:$0x1] =	stream.strided.gather [hbm4b:s31+s15], $0x0, s14, s15, $0x38;
	[tilespmem:$0x10400] =	vst v63  }
0x46f: {  	_ = 	snop  }
0x470: {  	[tilespmem:s29], [sflag:$0x1] =	stream.linear.gather [hbm4b:s31+s13], $0x20, $0x38;
	[tilespmem:$0x10400] =	vst v63  }
0x471: {  	s10 =	sadd.s32 s12, s30;
	s9 =	sadd.s32 $0x1220, s18  }
0x472: {  	[tilespmem:s9], [sflag:$0x1] =	stream.strided.gather [hbm4b:s10+s15], $0x0, s14, s15, $0x38;
	[tilespmem:$0x10400] =	vst v63  }
0x473: {  	_ = 	snop  }
0x474: {  	[tilespmem:s9], [sflag:$0x1] =	stream.linear.gather [hbm4b:s10+s13], $0x20, $0x38;
	[tilespmem:$0x10400] =	vst v63  }
0x475: {  	s17 =	sadd.s32 $0x1240, s18;
	s3 =	sadd.s32 s16, s3  }
0x476: {  	[tilespmem:s17], [sflag:$0x1] =	stream.strided.gather [hbm4b:s3+s15], $0x0, s14, s15, $0x38;
	[tilespmem:$0x10400] =	vst v63  }
0x477: {  	_ = 	snop  }
0x478: {  	[tilespmem:s17], [sflag:$0x1] =	stream.linear.gather [hbm4b:s3+s13], $0x20, $0x38;
	[tilespmem:$0x10400] =	vst v63  }
0x479: {  	s20 =	sadd.s32 $0x1260, s18;
	s21 =	sadd.s32 s1, s30;
	s22 =	rddreg [dreg:$0x9]  }
0x47a: {  	[tilespmem:s20], [sflag:$0x1] =	stream.strided.gather [hbm4b:s21+s15], $0x0, s14, s15, $0x38;
	[tilespmem:$0x10400] =	vst v63  }
0x47b: {  	s3 =	sand.u32 $0x1FFFFFF0, s22  }
0x47c: {  	[tilespmem:s20], [sflag:$0x1] =	stream.linear.gather [hbm4b:s21+s13], $0x20, $0x38;
	[tilespmem:$0x10400] =	vst v63  }
0x47d: {  	s24 =	sadd.s32 $0x1280, s18;
	s25 =	sadd.s32 s11, s3  }
0x47e: {  	[tilespmem:s24], [sflag:$0x1] =	stream.strided.gather [hbm4b:s25+s15], $0x0, s14, s15, $0x38;
	[tilespmem:$0x10400] =	vst v63  }
0x47f: {  	_ = 	snop  }
0x480: {  	[tilespmem:s24], [sflag:$0x1] =	stream.linear.gather [hbm4b:s25+s13], $0x20, $0x38;
	[tilespmem:$0x10400] =	vst v63  }
0x481: {  	s28 =	sadd.s32 s12, s23;
	s26 =	sadd.s32 $0x12A0, s18  }
0x482: {  	[tilespmem:s26], [sflag:$0x1] =	stream.strided.gather [hbm4b:s28+s15], $0x0, s14, s15, $0x38;
	[tilespmem:$0x10400] =	vst v63  }
0x483: {  	_ = 	snop  }
0x484: {  	[tilespmem:s26], [sflag:$0x1] =	stream.linear.gather [hbm4b:s28+s13], $0x20, $0x38;
	[tilespmem:$0x10400] =	vst v63  }
0x485: {  	s29 =	sadd.s32 $0x12C0, s18;
	s3 =	sadd.s32 s16, s3  }
0x486: {  	[tilespmem:s29], [sflag:$0x1] =	stream.strided.gather [hbm4b:s3+s15], $0x0, s14, s15, $0x38;
	[tilespmem:$0x10400] =	vst v63  }
0x487: {  	_ = 	snop  }
0x488: {  	[tilespmem:s29], [sflag:$0x1] =	stream.linear.gather [hbm4b:s3+s13], $0x20, $0x38;
	[tilespmem:$0x10400] =	vst v63  }
0x489: {  	s30 =	sadd.s32 $0x12E0, s18;
	s31 =	sadd.s32 s1, s23  }
0x48a: {  	[tilespmem:s30], [sflag:$0x1] =	stream.strided.gather [hbm4b:s31+s15], $0x0, s14, s15, $0x38;
	[tilespmem:$0x10400] =	vst v63  }
0x48b: {  	_ = 	snop  }
0x48c: {  	[tilespmem:s30], [sflag:$0x1] =	stream.linear.gather [hbm4b:s31+s13], $0x20, $0x38;
	[tilespmem:$0x10400] =	vst v63  }
0x48d: {  	s7 =	sadd.s32 $0x1300, s18;
	s8 =	sadd.s32 s11, s19  }
0x48e: {  	(v2sf) =	vpush v1, $0xF;
	[tilespmem:s7], [sflag:$0x1] =	stream.strided.gather [hbm4b:s8+s15], $0x0, s14, s15, $0x38;
	[tilespmem:$0x10400] =	vst v63  }
0x48f: {  	s5 =	sand.u32 $0x1FFFFFF0, s5  }
0x490: {  	[tilespmem:s7], [sflag:$0x1] =	stream.linear.gather [hbm4b:s8+s13], $0x20, $0x38;
	[tilespmem:$0x10400] =	vst v63  }
0x491: {  	s9 =	sadd.s32 $0x1320, s18;
	s10 =	sadd.s32 s12, s5  }
0x492: {  	[tilespmem:s9], [sflag:$0x1] =	stream.strided.gather [hbm4b:s10+s15], $0x0, s14, s15, $0x38;
	[tilespmem:$0x10400] =	vst v63  }
0x493: {  	_ = 	snop  }
0x494: {  	[tilespmem:s9], [sflag:$0x1] =	stream.linear.gather [hbm4b:s10+s13], $0x20, $0x38;
	[tilespmem:$0x10400] =	vst v63  }
0x495: {  	s17 =	sadd.s32 $0x1340, s18;
	s20 =	sadd.s32 s16, s19  }
0x496: {  	[tilespmem:s17], [sflag:$0x1] =	stream.strided.gather [hbm4b:s20+s15], $0x0, s14, s15, $0x38;
	[tilespmem:$0x10400] =	vst v63  }
0x497: {  	_ = 	snop  }
0x498: {  	[tilespmem:s17], [sflag:$0x1] =	stream.linear.gather [hbm4b:s20+s13], $0x20, $0x38;
	[tilespmem:$0x10400] =	vst v63  }
0x499: {  	s23 =	rddreg [dreg:$0x8];
	s22 =	sadd.s32 s1, s5;
	s21 =	sadd.s32 $0x1360, s18  }
0x49a: {  	[tilespmem:s21], [sflag:$0x1] =	stream.strided.gather [hbm4b:s22+s15], $0x0, s14, s15, $0x38;
	[tilespmem:$0x10400] =	vst v63  }
0x49b: {  	s3 =	sand.u32 $0x1FFFFFF0, s23  }
0x49c: {  	[tilespmem:s21], [sflag:$0x1] =	stream.linear.gather [hbm4b:s22+s13], $0x20, $0x38;
	[tilespmem:$0x10400] =	vst v63  }
0x49d: {  	s4 =	spop (v2sf);
	s24 =	sadd.s32 $0x1380, s18;
	s25 =	sadd.s32 s11, s3  }
0x49e: {  	[tilespmem:s24], [sflag:$0x1] =	stream.strided.gather [hbm4b:s25+s15], $0x0, s14, s15, $0x38;
	[tilespmem:$0x10400] =	vst v63  }
0x49f: {  	s4 =	sand.u32 $0x1FFFFFF0, s4  }
0x4a0: {  	[tilespmem:s24], [sflag:$0x1] =	stream.linear.gather [hbm4b:s25+s13], $0x20, $0x38;
	[tilespmem:$0x10400] =	vst v63  }
0x4a1: {  	s26 =	sadd.s32 $0x13A0, s18;
	s28 =	sadd.s32 s12, s4  }
0x4a2: {  	[tilespmem:s26], [sflag:$0x1] =	stream.strided.gather [hbm4b:s28+s15], $0x0, s14, s15, $0x38;
	[tilespmem:$0x10400] =	vst v63  }
0x4a3: {  	_ = 	snop  }
0x4a4: {  	[tilespmem:s26], [sflag:$0x1] =	stream.linear.gather [hbm4b:s28+s13], $0x20, $0x38;
	[tilespmem:$0x10400] =	vst v63  }
0x4a5: {  	s29 =	sadd.s32 $0x13C0, s18;
	s3 =	sadd.s32 s16, s3  }
0x4a6: {  	[tilespmem:s29], [sflag:$0x1] =	stream.strided.gather [hbm4b:s3+s15], $0x0, s14, s15, $0x38;
	[tilespmem:$0x10400] =	vst v63  }
0x4a7: {  	_ = 	snop  }
0x4a8: {  	[tilespmem:s29], [sflag:$0x1] =	stream.linear.gather [hbm4b:s3+s13], $0x20, $0x38;
	[tilespmem:$0x10400] =	vst v63  }
0x4a9: {  	s30 =	sadd.s32 $0x13E0, s18;
	s31 =	sadd.s32 s1, s4  }
0x4aa: {  	[tilespmem:s30], [sflag:$0x1] =	stream.strided.gather [hbm4b:s31+s15], $0x0, s14, s15, $0x38;
	[tilespmem:$0x10400] =	vst v63  }
0x4ab: {  	_ = 	snop  }
0x4ac: {  	[tilespmem:s30], [sflag:$0x1] =	stream.linear.gather [hbm4b:s31+s13], $0x20, $0x38;
	[tilespmem:$0x10400] =	vst v63  }
0x4ad: {  	s2 =	rddreg [dreg:$0x7];
	_ =	swait.ge [sflag:s6], $0x80  }
0x4ae: {  	[sflag:s6] =	ssyncset.done $0x0  }
0x4af: {  	[sflag:s6] =	ssyncadd.s32 $0xFFFFFF80  }
0x4b0: {  	_ =	swait.ge [sflag:s6], $0x80  }
0x4b1: {  	[sflag:s6] =	ssyncset.done $0x0  }
0x4b2: {  	[sflag:s6] =	ssyncadd.s32 $0xFFFFFF80  }
0x4b3: {  	_ =	swait.ge [sflag:s6], $0x80  }
0x4b4: {  	[sflag:s6] =	ssyncset.done $0x0  }
0x4b5: {  	[sflag:s6] =	ssyncadd.s32 $0xFFFFFF80  }
0x4b6: {  	_ =	swait.ge [sflag:s6], $0x80  }
0x4b7: {  	[sflag:s6] =	ssyncset.done $0x0  }
0x4b8: {  	[sflag:s6] =	ssyncadd.s32 $0xFFFFFF80  }
0x4b9: {  	_ =	swait.ge [sflag:s6], $0x80  }
0x4ba: {  	[sflag:s6] =	ssyncset.done $0x0  }
0x4bb: {  	[sflag:s6] =	ssyncadd.s32 $0xFFFFFF80  }
0x4bc: {  	_ =	swait.ge [sflag:s6], $0x80  }
0x4bd: {  	[sflag:s6] =	ssyncset.done $0x0  }
0x4be: {  	[sflag:s6] =	ssyncadd.s32 $0xFFFFFF80  }
0x4bf: {  	_ =	swait.ge [sflag:s6], $0x80  }
0x4c0: {  	[sflag:s6] =	ssyncset.done $0x0  }
0x4c1: {  	[sflag:s6] =	ssyncadd.s32 $0xFFFFFF80  }
0x4c2: {  	_ =	swait.ge [sflag:s6], $0x80  }
0x4c3: {  	[sflag:s6] =	ssyncset.done $0x0  }
0x4c4: {  	[sflag:s6] =	ssyncadd.s32 $0xFFFFFF80  }
0x4c5: {  	_ =	swait.ge [sflag:s6], $0x80  }
0x4c6: {  	[sflag:s6] =	ssyncset.done $0x0  }
0x4c7: {  	[sflag:s6] =	ssyncadd.s32 $0xFFFFFF80  }
0x4c8: {  	_ =	swait.ge [sflag:s6], $0x80  }
0x4c9: {  	[sflag:s6] =	ssyncset.done $0x0  }
0x4ca: {  	[sflag:s6] =	ssyncadd.s32 $0xFFFFFF80  }
0x4cb: {  	_ =	swait.ge [sflag:s6], $0x80  }
0x4cc: {  	[sflag:s6] =	ssyncset.done $0x0  }
0x4cd: {  	[sflag:s6] =	ssyncadd.s32 $0xFFFFFF80  }
0x4ce: {  	_ =	swait.ge [sflag:s6], $0x80  }
0x4cf: {  	[sflag:s6] =	ssyncset.done $0x0  }
0x4d0: {  	[sflag:s6] =	ssyncadd.s32 $0xFFFFFF80  }
0x4d1: {  	_ =	swait.ge [sflag:s6], $0x80  }
0x4d2: {  	[sflag:s6] =	ssyncset.done $0x0  }
0x4d3: {  	[sflag:s6] =	ssyncadd.s32 $0xFFFFFF80  }
0x4d4: {  	_ =	swait.ge [sflag:s6], $0x80  }
0x4d5: {  	[sflag:s6] =	ssyncset.done $0x0  }
0x4d6: {  	[sflag:s6] =	ssyncadd.s32 $0xFFFFFF80  }
0x4d7: {  	_ =	swait.ge [sflag:s6], $0x80  }
0x4d8: {  	[sflag:s6] =	ssyncset.done $0x0  }
0x4d9: {  	[sflag:s6] =	ssyncadd.s32 $0xFFFFFF80  }
0x4da: {  	_ =	swait.ge [sflag:s6], $0x80  }
0x4db: {  	[sflag:s6] =	ssyncset.done $0x0  }
0x4dc: {  	[sflag:s6] =	ssyncadd.s32 $0xFFFFFF80  }
0x4dd: {  	_ =	swait.ge [sflag:s6], $0x80  }
0x4de: {  	[sflag:s6] =	ssyncset.done $0x0  }
0x4df: {  	[sflag:s6] =	ssyncadd.s32 $0xFFFFFF80  }
0x4e0: {  	_ =	swait.ge [sflag:s6], $0x80  }
0x4e1: {  	[sflag:s6] =	ssyncset.done $0x0  }
0x4e2: {  	[sflag:s6] =	ssyncadd.s32 $0xFFFFFF80  }
0x4e3: {  	_ =	swait.ge [sflag:s6], $0x80  }
0x4e4: {  	[sflag:s6] =	ssyncset.done $0x0  }
0x4e5: {  	[sflag:s6] =	ssyncadd.s32 $0xFFFFFF80  }
0x4e6: {  	_ =	swait.ge [sflag:s6], $0x80  }
0x4e7: {  	[sflag:s6] =	ssyncset.done $0x0  }
0x4e8: {  	[sflag:s6] =	ssyncadd.s32 $0xFFFFFF80  }
0x4e9: {  	_ =	swait.ge [sflag:s6], $0x80  }
0x4ea: {  	[sflag:s6] =	ssyncset.done $0x0  }
0x4eb: {  	[sflag:s6] =	ssyncadd.s32 $0xFFFFFF80  }
0x4ec: {  	_ =	swait.ge [sflag:s6], $0x80  }
0x4ed: {  	[sflag:s6] =	ssyncset.done $0x0  }
0x4ee: {  	[sflag:s6] =	ssyncadd.s32 $0xFFFFFF80  }
0x4ef: {  	_ =	swait.ge [sflag:s6], $0x80  }
0x4f0: {  	[sflag:s6] =	ssyncset.done $0x0  }
0x4f1: {  	[sflag:s6] =	ssyncadd.s32 $0xFFFFFF80  }
0x4f2: {  	_ =	swait.ge [sflag:s6], $0x80  }
0x4f3: {  	[sflag:s6] =	ssyncset.done $0x0  }
0x4f4: {  	[sflag:s6] =	ssyncadd.s32 $0xFFFFFF80  }
0x4f5: {  	_ =	swait.ge [sflag:s6], $0x80  }
0x4f6: {  	[sflag:s6] =	ssyncset.done $0x0  }
0x4f7: {  	[sflag:s6] =	ssyncadd.s32 $0xFFFFFF80  }
0x4f8: {  	_ =	swait.ge [sflag:s6], $0x80  }
0x4f9: {  	[sflag:s6] =	ssyncset.done $0x0  }
0x4fa: {  	[sflag:s6] =	ssyncadd.s32 $0xFFFFFF80  }
0x4fb: {  	_ =	swait.ge [sflag:s6], $0x80  }
0x4fc: {  	[sflag:s6] =	ssyncset.done $0x0  }
0x4fd: {  	[sflag:s6] =	ssyncadd.s32 $0xFFFFFF80  }
0x4fe: {  	_ =	swait.ge [sflag:s6], $0x80  }
0x4ff: {  	[sflag:s6] =	ssyncset.done $0x0  }
0x500: {  	[sflag:s6] =	ssyncadd.s32 $0xFFFFFF80  }
0x501: {  	_ =	swait.ge [sflag:s6], $0x80  }
0x502: {  	[sflag:s6] =	ssyncset.done $0x0  }
0x503: {  	[sflag:s6] =	ssyncadd.s32 $0xFFFFFF80  }
.Ltmp0:
0x504: {  	_ =	swait.ge [sflag:s6], $0x80;
	(pc) =	sbr.rel @p0 .LBB2_2-.Ltmp0, $4  }
0x505: {  	[sflag:s6] =	ssyncset.done $0x0  }
0x506: {  	[sflag:s6] =	ssyncadd.s32 $0xFFFFFF80  }
0x507: {  	_ =	swait.ge [sflag:s6], $0x80  }
0x508: {  	s3 =	simm.s32 $0x0;
	[sflag:s6] =	ssyncset.done $0x0  }
0x509: {  	s0 =	simm.s32 $0x1  }
0x50a: {  	[sflag:s0] =	ssyncadd.s32 $0xFFFFFF80  }
0x50b: {  	_ =	swait.ge [sflag:s0], $0x80  }
0x50c: {  	[sflag:s0] =	ssyncset.done $0x0  }
0x50d: {  	s2 =	simm.s32 $0x2;
	s29 =	rddreg [dreg:$0xe];
	[sflag:s0] =	ssyncadd.s32 $0xFFFFFF80  }
0x50e: {  	[hbm4b:s29+s3] =	stream.linear.scatter [tilespmem:s14], [sflag:$0x2], $0x10000, $0x38;
	[tilespmem:$0x10400] =	vst v63  }
0x50f: {  	_ =	swait.ge [sflag:s2], $0x10000  }
0x510: {  	s30 =	rddreg [dreg:$0x10]  }
0x511: {  	s31 =	rddreg [dreg:$0xf];
	s3 =	sadd.s32 $0x1, s30  }
0x512: {  	p0 =	sne.s32 s3, s31  }
.Ltmp1:
0x513: {  	_ = 	snop;
	(pc) =	sbr.rel @p0 .LBB2_1-.Ltmp1, $3  }
0x514: {  	_ =	sdelay $0x1  }
0x515: {  	[sflag:s2] =	ssyncset.done $0x0  }
0x516: {  	[sflag:s2] =	ssyncadd.s32 $0xFFFF0000  }
0x517: {  	_ =	sfence.sel $0x180000  }
0x518: {  	[bflag:$0x0] =	sbarrier.arrive $0xFFFF  }
0x519: {  	_ =	strace $0x90000047  }
0x51a: {  	s0 =	stileid.u32;
	[bflag:$0x2] =	sbarrier.arrive $0xFFFF  }
0x51b: {  	p0 =	sne.s32 s0, $0x0;
	s0 =	rddreg [dreg:$0x3]  }
0x51c: {  	s0 =	sadd.s32 @!p0 $0x100000, s0  }
0x51d: {  	[sflag:s0] =	ssyncadd.tile.s32 @!p0 $0x1;
	_ =	shalt  }
.Lfunc_end2:
_tile_overlayer_lowered:
.L_overlay_start_2:
0x51e: {  	(tag) =	ssettag $0x2  }
0x51f: {  	s0 =	rddreg [dreg:$0x0];
	s2 =	stileid.u32  }
0x520: {  	s1 =	rddreg [dreg:$0x1];
	p0 =	sne.s32 s2, $0x0  }
0x521: {  	s3 =	rddreg [dreg:$0x2];
	[bflag:$0x3] =	sbarrier.arrive $0xFFFF;
	s2 =	simm.s32 @!p0 $0x1C02  }
0x522: {  	[timem:s3], [sflag:s2] =	dma.local @!p0 [hbm:s0], s1  }
0x523: {  	s0 =	simm.s32 @!p0 $0x2  }
0x524: {  	_ =	swait.ge @!p0 [sflag:s0], s1  }
0x525: {  	s1 =	ssub.s32 @!p0 $0x0, s1;
	[sflag:s0] =	ssyncset.done @!p0 $0x0  }
0x526: {  	[sflag:s0] =	ssyncadd.s32 @!p0 s1  }
0x527: {  	[bflag:$0x3] =	sbarrier.arrive $0xFFFF  }
0x528: {  	_ =	shalt  }

</sc_bundles>
